<compile_context>
chip_gen: v7x
topology: tpu7x:2x2x1
jax: 0.10.2.dev20260603
libtpu: 0.0.44.dev20260713+nightly
codegen_flags: <defaults>
</compile_context>

<pallas_src>
import functools

import jax
import jax.numpy as jnp
from jax import lax
from jax.experimental import pallas as pl
from jax.experimental.pallas import tpu as pltpu
from jax.experimental.pallas import tpu_sc as plsc

ROWS = 128
COLS = 32768
K = 10
BIG = 0x7FFFFFFF
S_BASE = 1 << 30

_info = plsc.get_sparse_core_info()
NC = _info.num_cores
NS = _info.num_subcores
L = _info.num_lanes
NW = NC * NS
BAND = 8
NBAND = ROWS // BAND
COLS_W = COLS // (NW // NBAND)
NCHUNK = 4
CCOLS = COLS_W // NCHUNK
VECS = CCOLS // L
UNROLL = 16
NSTREAM = 8
VPRS = VECS // NSTREAM
RESCAN_UNROLL = 4
CWORDS = NCHUNK * L


def _sc_topk_body(inp_ref, pk_ref, buf0, buf1, stage, sem0, sem1):
    iota = lax.iota(jnp.int32, L)
    wid = lax.axis_index("s") * NC + lax.axis_index("c")
    band = wid // 2
    row0 = band * BAND
    col0 = (wid & 1) * COLS_W
    bufs = (buf0, buf1)
    sems = (sem0, sem1)

    def chunk_src(c):
        return inp_ref.at[pl.ds(row0, BAND), pl.ds(col0 + c * CCOLS, CCOLS)]

    copies = [None] * NCHUNK
    copies[0] = pltpu.make_async_copy(chunk_src(0), bufs[0], sems[0])
    copies[0].start()

    for c in range(NCHUNK):
        if c + 1 < NCHUNK:
            copies[c + 1] = pltpu.make_async_copy(
                chunk_src(c + 1), bufs[(c + 1) & 1], sems[(c + 1) & 1])
            copies[c + 1].start()
        copies[c].wait()
        buf = bufs[c & 1]
        ccol0 = col0 + c * CCOLS

        GPR = VECS // UNROLL

        def scan_step(i, carry, buf=buf, ccol0=ccol0):
            ms, ixs, m2s = carry
            ms, ixs, m2s = list(ms), list(ixs), list(m2s)
            s = i // GPR
            colb = (i % GPR) * (L * UNROLL)
            gvec = (row0 + s) * COLS + ccol0 + colb + iota
            for u in range(UNROLL):
                p = u % NSTREAM
                v = buf[s, pl.ds(colb + u * L, L)]
                upd = v > ms[p]
                m2s[p] = jnp.maximum(m2s[p], jnp.minimum(v, ms[p]))
                ms[p] = jnp.where(upd, v, ms[p])
                ixs[p] = jnp.where(upd, gvec, ixs[p])
                gvec = gvec + L
            return tuple(ms), tuple(ixs), tuple(m2s)

        ms = tuple(jnp.full((L,), -1.0, jnp.float32)
                   for _ in range(NSTREAM))
        ixs = tuple(jnp.full((L,), BIG, jnp.int32) for _ in range(NSTREAM))
        m2s = tuple(jnp.full((L,), -1.0, jnp.float32)
                    for _ in range(NSTREAM))
        ms, ixs, m2s = lax.fori_loop(0, BAND * GPR, scan_step,
                                     (ms, ixs, m2s))

        def pair_merge(m1, i1, m2, i2):
            tk = (m2 > m1) | ((m2 == m1) & (i2 < i1))
            return jnp.where(tk, m2, m1), jnp.where(tk, i2, i1)

        def merge_all(ms, ixs):
            mC, iC = ms[0], ixs[0]
            for p in range(1, NSTREAM):
                mC, iC = pair_merge(mC, iC, ms[p], ixs[p])
            return mC, iC

        def refresh(pstar, ms, ixs, m2s, buf=buf, ccol0=ccol0):
            svid = pstar * L

            def rstep(k, carry):
                am, ai, a2 = carry
                nm, ni, n2 = [], [], []
                s2 = k // (VPRS // RESCAN_UNROLL)
                jb = (k % (VPRS // RESCAN_UNROLL)) * RESCAN_UNROLL
                gb = (row0 + s2) * COLS + ccol0 + svid + iota
                for u in range(RESCAN_UNROLL):
                    col = svid + (jb + u) * (NSTREAM * L)
                    v = buf[s2, pl.ds(col, L)]
                    upd = v > am[u]
                    n2.append(jnp.maximum(a2[u], jnp.minimum(v, am[u])))
                    nm.append(jnp.where(upd, v, am[u]))
                    ni.append(jnp.where(
                        upd, gb + (jb + u) * (NSTREAM * L), ai[u]))
                return tuple(nm), tuple(ni), tuple(n2)

            am = tuple(jnp.full((L,), -1.0, jnp.float32)
                       for _ in range(RESCAN_UNROLL))
            ai = tuple(jnp.full((L,), BIG, jnp.int32)
                       for _ in range(RESCAN_UNROLL))
            a2 = tuple(jnp.full((L,), -1.0, jnp.float32)
                       for _ in range(RESCAN_UNROLL))
            am, ai, a2 = lax.fori_loop(0, BAND * VPRS // RESCAN_UNROLL,
                                       rstep, (am, ai, a2))
            am, ai, a2 = list(am), list(ai), list(a2)
            w = RESCAN_UNROLL
            while w > 1:
                w //= 2
                for q in range(w):
                    a2[q] = jnp.maximum(jnp.maximum(a2[q], a2[q + w]),
                                        jnp.minimum(am[q], am[q + w]))
                    am[q], ai[q] = pair_merge(am[q], ai[q],
                                              am[q + w], ai[q + w])
            ms, ixs, m2s = list(ms), list(ixs), list(m2s)
            for p in range(NSTREAM):
                cond = pstar == p
                ms[p] = jnp.where(cond, am[0], ms[p])
                ixs[p] = jnp.where(cond, ai[0], ixs[p])
                m2s[p] = jnp.where(cond, a2[0], m2s[p])
            return tuple(ms), tuple(ixs), tuple(m2s)

        def round_body(r, carry):
            ms, ixs, m2s, cand_v, cand_i = carry
            mC, iC = merge_all(ms, ixs)
            gmax = jnp.max(mC)
            smax = jnp.max(jnp.where(mC == gmax, iC, 0))

            def w_cond(st):
                return st[3] >= S_BASE

            def w_body(st):
                ms, ixs, m2s, _ = st
                pstar = st[3] - S_BASE
                ms, ixs, m2s = refresh(pstar, ms, ixs, m2s)
                mC, iC = merge_all(ms, ixs)
                return (ms, ixs, m2s,
                        jnp.max(jnp.where(mC == gmax, iC, 0)))

            ms, ixs, m2s, _ = lax.while_loop(w_cond, w_body,
                                             (ms, ixs, m2s, smax))
            mC, iC = merge_all(ms, ixs)
            cidx = jnp.min(jnp.where(mC == gmax, iC, BIG))
            cand_v = jnp.where(iota == r, gmax, cand_v)
            cand_i = jnp.where(iota == r, cidx, cand_i)

            srow = lax.shift_right_logical(cidx, 15) - row0
            scol = (cidx & (COLS - 1)) - ccol0
            plsc.store_scatter(buf,
                               [jnp.full((L,), srow, jnp.int32),
                                jnp.full((L,), scol, jnp.int32)],
                               jnp.full((L,), -1.0, jnp.float32),
                               mask=iota == 0)
            pw = lax.shift_right_logical(scol, 4) & (NSTREAM - 1)
            lw = iota == (scol & (L - 1))
            ms, ixs, m2s = list(ms), list(ixs), list(m2s)
            for p in range(NSTREAM):
                cpv = lw & (pw == p)
                ms[p] = jnp.where(cpv, m2s[p], ms[p])
                ixs[p] = jnp.where(cpv, S_BASE + p, ixs[p])
                m2s[p] = jnp.where(cpv, -1.0, m2s[p])
            return tuple(ms), tuple(ixs), tuple(m2s), cand_v, cand_i

        cand_v = jnp.full((L,), -1.0, jnp.float32)
        cand_i = jnp.zeros((L,), jnp.int32)
        ms, ixs, m2s, cand_v, cand_i = lax.fori_loop(
            0, K, round_body, (ms, ixs, m2s, cand_v, cand_i))

        stage[pl.ds(c * L, L)] = cand_v
        stage[pl.ds(CWORDS + c * L, L)] = plsc.bitcast(cand_i, jnp.float32)

    pltpu.sync_copy(stage, pk_ref.at[wid])


_sc_topk = functools.partial(
    pl.kernel,
    out_type=jax.ShapeDtypeStruct((NW, 2 * CWORDS), jnp.float32),
    mesh=plsc.VectorSubcoreMesh(core_axis_name="c", subcore_axis_name="s"),
    compiler_params=pltpu.CompilerParams(needs_layout_passes=False,
                                         use_tc_tiling_on_sc=True),
    scratch_types=[
        pltpu.VMEM((BAND, CCOLS), jnp.float32),
        pltpu.VMEM((BAND, CCOLS), jnp.float32),
        pltpu.VMEM((2 * CWORDS,), jnp.float32),
        pltpu.SemaphoreType.DMA,
        pltpu.SemaphoreType.DMA,
    ],
)(_sc_topk_body)

SUMCOLS = COLS // 8


def _tc_sum_body(x_ref, o_ref):
    i = pl.program_id(0)
    x = x_ref[...]
    acc = jnp.zeros((ROWS, 128), jnp.float32)
    for j in range(SUMCOLS // 128):
        acc = acc + x[:, j * 128:(j + 1) * 128]

    @pl.when(i == 0)
    def _init():
        o_ref[...] = acc

    @pl.when(i > 0)
    def _accum():
        o_ref[...] = o_ref[...] + acc


def _merge_body(pk_ref, s_ref, o_ref):
    pk = pk_ref[...]
    v = pk[:, :CWORDS]
    ix = lax.bitcast_convert_type(pk[:, CWORDS:], jnp.int32)
    total = jnp.sum(s_ref[...])
    kt = jnp.minimum(jnp.float32(K), total).astype(jnp.int32)
    for r in range(K):
        gmax = jnp.max(v)
        gi = jnp.min(jnp.where(v == gmax, ix, BIG))
        valid = r < kt
        row = lax.shift_right_logical(gi, 15)
        col = gi & (COLS - 1)
        o_ref[r, 0] = jnp.where(valid, row, 0)
        o_ref[r, 1] = jnp.where(valid, col, 0)
        v = jnp.where((ix == gi) & (v == gmax), jnp.float32(-1.0), v)


def kernel(inp):
    x = inp.astype(jnp.float32)
    pk = _sc_topk(x)
    sums = pl.pallas_call(
        _tc_sum_body,
        grid=(COLS // SUMCOLS,),
        in_specs=[pl.BlockSpec((ROWS, SUMCOLS), lambda i: (0, i))],
        out_specs=pl.BlockSpec((ROWS, 128), lambda i: (0, 0)),
        out_shape=jax.ShapeDtypeStruct((ROWS, 128), jnp.float32),
    )(x)
    out = pl.pallas_call(
        _merge_body,
        out_shape=jax.ShapeDtypeStruct((K, 2), jnp.int32),
        out_specs=pl.BlockSpec(memory_space=pltpu.SMEM),
    )(pk, sums)
    return out.astype(jnp.int64)

# --- scband reference (transcript-rebuilt; emitter-appended) ---
"""Pipeline reference for scband-test-net-18897856103198 (READ-ONLY COPY).

The authoritative reference and input builder live on the scoring server;
editing this copy changes nothing except your own understanding.
"""

import jax, jax.numpy as jnp
import numpy as np


def setup_inputs(seed: int = 0) -> dict:
    key = jax.random.key(seed)
    inp = jax.random.uniform(key, (128, 32768), dtype=jnp.float32)
    return {"inp": inp}


def reference(inp):
    # Faithful translation of nonzero(input=inp, nms_top=10, m=True) for a 2D input.
    x = inp.astype(jnp.float32)
    total = jnp.sum(x)
    fixed_dim = x.shape[1]
    flat = x.reshape(-1)
    nms_top = 10.0
    # k = min(nms_top, sum(x)); static top_k width from the constant nms_top,
    # with the data-dependent clamp kept traced and applied as a fixed-shape mask.
    k = int(nms_top)
    k_traced = jnp.minimum(nms_top, total).astype(jnp.int64)
    _, col_idx = jax.lax.top_k(flat, k)
    col_idx = col_idx.astype(jnp.int64)
    row_idx = jnp.floor(col_idx / fixed_dim).astype(jnp.int64)
    col_idx = (col_idx - row_idx * fixed_dim).astype(jnp.int64)
    idx = jnp.stack((row_idx, col_idx), axis=-1)
    valid = (jnp.arange(k) < k_traced)[:, None]
    idx = jnp.where(valid, idx, 0)
    return idx.astype(jnp.int64)

if __name__ == "__main__":
    import jax
    _d = setup_inputs()
    print(jax.jit(kernel)(*tuple(_d.values())))

</pallas_src>

<mosaic_0001>
#map = affine_map<(d0, d1) -> (0, 0)>
module attributes {stable_mosaic.version = 14 : i64} {
  func.func @_sc_topk_body(%arg0: i32, %arg1: i32, %arg2: memref<128x32768xf32, #tpu.memory_space<hbm>>, %arg3: memref<32x128xf32, #tpu.memory_space<hbm>>, %arg4: memref<8x4096xf32, #tpu.memory_space<vmem>>, %arg5: memref<8x4096xf32, #tpu.memory_space<vmem>>, %arg6: memref<128xf32, #tpu.memory_space<vmem>>, %arg7: memref<!tpu.dma_semaphore, #tpu.memory_space<semaphore_mem>>, %arg8: memref<!tpu.dma_semaphore, #tpu.memory_space<semaphore_mem>>) attributes {dimension_semantics = [#tpu.dimension_semantics<core_parallel>, #tpu.dimension_semantics<subcore_parallel>], iteration_bounds = array<i64: 2, 16>, scalar_prefetch = 0 : i64, scratch_operands = 5 : i64, tpu.core_type = #tpu.core_type<sc_vector_subcore>, window_params = [{transform_indices = #map}, {transform_indices = #map}]} {
    %iota3A = tpu.iota {dimensions = array<i32: 0>} : vector<16xi32>
    %mul3A = arith.constant 2 : i32
    %mul3A_0 = arith.muli %arg1, %mul3A : i32
    %add3A = arith.addi %mul3A_0, %arg0 : i32
    %jit3A = arith.constant 2 : i32
    %div3A = arith.divsi %add3A, %jit3A : i32
    %sign3A = arith.constant 0 : i32
    %sign3A_1 = arith.cmpi sgt, %add3A, %sign3A : i32
    %sign3A_2 = arith.extui %sign3A_1 : i1 to i32
    %sign3A_3 = arith.constant 0 : i32
    %sign3A_4 = arith.cmpi slt, %add3A, %sign3A_3 : i32
    %sign3A_5 = arith.extui %sign3A_4 : i1 to i32
    %sign3A_6 = arith.subi %sign3A_2, %sign3A_5 : i32
    %sign3A_7 = arith.constant 0 : i32
    %sign3A_8 = arith.cmpi sgt, %jit3A, %sign3A_7 : i32
    %sign3A_9 = arith.extui %sign3A_8 : i1 to i32
    %sign3A_10 = arith.constant 0 : i32
    %sign3A_11 = arith.cmpi slt, %jit3A, %sign3A_10 : i32
    %sign3A_12 = arith.extui %sign3A_11 : i1 to i32
    %sign3A_13 = arith.subi %sign3A_9, %sign3A_12 : i32
    %ne3A = arith.cmpi ne, %sign3A_6, %sign3A_13 : i32
    %rem3A = arith.remsi %add3A, %jit3A : i32
    %ne3A_14 = arith.constant 0 : i32
    %ne3A_15 = arith.cmpi ne, %rem3A, %ne3A_14 : i32
    %and3A = arith.andi %ne3A, %ne3A_15 : i1
    %sub3A = arith.constant 1 : i32
    %sub3A_16 = arith.subi %div3A, %sub3A : i32
    %select_n3A = arith.select %and3A, %sub3A_16, %div3A : i32
    %mul3A_17 = arith.constant 8 : i32
    %mul3A_18 = arith.muli %select_n3A, %mul3A_17 : i32
    %and3A_19 = arith.constant 1 : i32
    %and3A_20 = arith.andi %add3A, %and3A_19 : i32
    %mul3A_21 = arith.constant 16384 : i32
    %mul3A_22 = arith.muli %and3A_20, %mul3A_21 : i32
    %add3A_23 = arith.constant 0 : i32
    %add3A_24 = arith.addi %mul3A_22, %add3A_23 : i32
    %dma_start3A = tpu.memref_slice %arg2[%mul3A_18, %add3A_24] : memref<128x32768xf32, #tpu.memory_space<hbm>> -> memref<8x4096xf32, #tpu.memory_space<hbm>>
    %dma_start3A_25 = tpu.memref_slice %arg2[%mul3A_18, %add3A_24] : memref<128x32768xf32, #tpu.memory_space<hbm>> -> memref<8x4096xf32, #tpu.memory_space<hbm>>
    tpu.enqueue_dma source(%dma_start3A_25 : memref<8x4096xf32, #tpu.memory_space<hbm>>) target(%arg4 : memref<8x4096xf32, #tpu.memory_space<vmem>>) target_semaphore(%arg7 : memref<!tpu.dma_semaphore, #tpu.memory_space<semaphore_mem>>)
    %add3A_26 = arith.constant 4096 : i32
    %add3A_27 = arith.addi %mul3A_22, %add3A_26 : i32
    %dma_start3A_28 = tpu.memref_slice %arg2[%mul3A_18, %add3A_27] : memref<128x32768xf32, #tpu.memory_space<hbm>> -> memref<8x4096xf32, #tpu.memory_space<hbm>>
    %dma_start3A_29 = tpu.memref_slice %arg2[%mul3A_18, %add3A_27] : memref<128x32768xf32, #tpu.memory_space<hbm>> -> memref<8x4096xf32, #tpu.memory_space<hbm>>
    tpu.enqueue_dma source(%dma_start3A_29 : memref<8x4096xf32, #tpu.memory_space<hbm>>) target(%arg5 : memref<8x4096xf32, #tpu.memory_space<vmem>>) target_semaphore(%arg8 : memref<!tpu.dma_semaphore, #tpu.memory_space<semaphore_mem>>)
    %dma_wait3A = tpu.memref_slice %arg2[%mul3A_18, %add3A_24] : memref<128x32768xf32, #tpu.memory_space<hbm>> -> memref<8x4096xf32, #tpu.memory_space<hbm>>
    %dma_wait3A_30 = tpu.memref_slice %arg2[%mul3A_18, %add3A_24] : memref<128x32768xf32, #tpu.memory_space<hbm>> -> memref<8x4096xf32, #tpu.memory_space<hbm>>
    tpu.wait_dma2 semaphore(%arg7 : memref<!tpu.dma_semaphore, #tpu.memory_space<semaphore_mem>>) src(%dma_wait3A_30 : memref<8x4096xf32, #tpu.memory_space<hbm>>) dst(%arg4 : memref<8x4096xf32, #tpu.memory_space<vmem>>)
    %add3A_31 = arith.constant 0 : i32
    %add3A_32 = arith.addi %mul3A_22, %add3A_31 : i32
    %broadcast_in_dim3A = arith.constant -1.000000e+00 : f32
    %broadcast_in_dim3A_33 = vector.broadcast %broadcast_in_dim3A : f32 to vector<16xf32>
    %broadcast_in_dim3A_34 = arith.constant -1.000000e+00 : f32
    %broadcast_in_dim3A_35 = vector.broadcast %broadcast_in_dim3A_34 : f32 to vector<16xf32>
    %broadcast_in_dim3A_36 = arith.constant -1.000000e+00 : f32
    %broadcast_in_dim3A_37 = vector.broadcast %broadcast_in_dim3A_36 : f32 to vector<16xf32>
    %broadcast_in_dim3A_38 = arith.constant -1.000000e+00 : f32
    %broadcast_in_dim3A_39 = vector.broadcast %broadcast_in_dim3A_38 : f32 to vector<16xf32>
    %broadcast_in_dim3A_40 = arith.constant -1.000000e+00 : f32
    %broadcast_in_dim3A_41 = vector.broadcast %broadcast_in_dim3A_40 : f32 to vector<16xf32>
    %broadcast_in_dim3A_42 = arith.constant -1.000000e+00 : f32
    %broadcast_in_dim3A_43 = vector.broadcast %broadcast_in_dim3A_42 : f32 to vector<16xf32>
    %broadcast_in_dim3A_44 = arith.constant -1.000000e+00 : f32
    %broadcast_in_dim3A_45 = vector.broadcast %broadcast_in_dim3A_44 : f32 to vector<16xf32>
    %broadcast_in_dim3A_46 = arith.constant -1.000000e+00 : f32
    %broadcast_in_dim3A_47 = vector.broadcast %broadcast_in_dim3A_46 : f32 to vector<16xf32>
    %broadcast_in_dim3A_48 = arith.constant 2147483647 : i32
    %broadcast_in_dim3A_49 = vector.broadcast %broadcast_in_dim3A_48 : i32 to vector<16xi32>
    %broadcast_in_dim3A_50 = arith.constant 2147483647 : i32
    %broadcast_in_dim3A_51 = vector.broadcast %broadcast_in_dim3A_50 : i32 to vector<16xi32>
    %broadcast_in_dim3A_52 = arith.constant 2147483647 : i32
    %broadcast_in_dim3A_53 = vector.broadcast %broadcast_in_dim3A_52 : i32 to vector<16xi32>
    %broadcast_in_dim3A_54 = arith.constant 2147483647 : i32
    %broadcast_in_dim3A_55 = vector.broadcast %broadcast_in_dim3A_54 : i32 to vector<16xi32>
    %broadcast_in_dim3A_56 = arith.constant 2147483647 : i32
    %broadcast_in_dim3A_57 = vector.broadcast %broadcast_in_dim3A_56 : i32 to vector<16xi32>
    %broadcast_in_dim3A_58 = arith.constant 2147483647 : i32
    %broadcast_in_dim3A_59 = vector.broadcast %broadcast_in_dim3A_58 : i32 to vector<16xi32>
    %broadcast_in_dim3A_60 = arith.constant 2147483647 : i32
    %broadcast_in_dim3A_61 = vector.broadcast %broadcast_in_dim3A_60 : i32 to vector<16xi32>
    %broadcast_in_dim3A_62 = arith.constant 2147483647 : i32
    %broadcast_in_dim3A_63 = vector.broadcast %broadcast_in_dim3A_62 : i32 to vector<16xi32>
    %broadcast_in_dim3A_64 = arith.constant -1.000000e+00 : f32
    %broadcast_in_dim3A_65 = vector.broadcast %broadcast_in_dim3A_64 : f32 to vector<16xf32>
    %broadcast_in_dim3A_66 = arith.constant -1.000000e+00 : f32
    %broadcast_in_dim3A_67 = vector.broadcast %broadcast_in_dim3A_66 : f32 to vector<16xf32>
    %broadcast_in_dim3A_68 = arith.constant -1.000000e+00 : f32
    %broadcast_in_dim3A_69 = vector.broadcast %broadcast_in_dim3A_68 : f32 to vector<16xf32>
    %broadcast_in_dim3A_70 = arith.constant -1.000000e+00 : f32
    %broadcast_in_dim3A_71 = vector.broadcast %broadcast_in_dim3A_70 : f32 to vector<16xf32>
    %broadcast_in_dim3A_72 = arith.constant -1.000000e+00 : f32
    %broadcast_in_dim3A_73 = vector.broadcast %broadcast_in_dim3A_72 : f32 to vector<16xf32>
    %broadcast_in_dim3A_74 = arith.constant -1.000000e+00 : f32
    %broadcast_in_dim3A_75 = vector.broadcast %broadcast_in_dim3A_74 : f32 to vector<16xf32>
    %broadcast_in_dim3A_76 = arith.constant -1.000000e+00 : f32
    %broadcast_in_dim3A_77 = vector.broadcast %broadcast_in_dim3A_76 : f32 to vector<16xf32>
    %broadcast_in_dim3A_78 = arith.constant -1.000000e+00 : f32
    %broadcast_in_dim3A_79 = vector.broadcast %broadcast_in_dim3A_78 : f32 to vector<16xf32>
    %scan3A = arith.constant 0 : i32
    %scan3A_80 = arith.constant 128 : i32
    %scan3A_81 = arith.addi %scan3A, %scan3A_80 : i32
    %scan3A_82 = arith.constant 1 : i32
    %scan3A_83:24 = scf.for %scan3A_325 = %scan3A to %scan3A_81 step %scan3A_82 iter_args(%scan3A_326 = %broadcast_in_dim3A_33, %scan3A_327 = %broadcast_in_dim3A_35, %scan3A_328 = %broadcast_in_dim3A_37, %scan3A_329 = %broadcast_in_dim3A_39, %scan3A_330 = %broadcast_in_dim3A_41, %scan3A_331 = %broadcast_in_dim3A_43, %scan3A_332 = %broadcast_in_dim3A_45, %scan3A_333 = %broadcast_in_dim3A_47, %scan3A_334 = %broadcast_in_dim3A_49, %scan3A_335 = %broadcast_in_dim3A_51, %scan3A_336 = %broadcast_in_dim3A_53, %scan3A_337 = %broadcast_in_dim3A_55, %scan3A_338 = %broadcast_in_dim3A_57, %scan3A_339 = %broadcast_in_dim3A_59, %scan3A_340 = %broadcast_in_dim3A_61, %scan3A_341 = %broadcast_in_dim3A_63, %scan3A_342 = %broadcast_in_dim3A_65, %scan3A_343 = %broadcast_in_dim3A_67, %scan3A_344 = %broadcast_in_dim3A_69, %scan3A_345 = %broadcast_in_dim3A_71, %scan3A_346 = %broadcast_in_dim3A_73, %scan3A_347 = %broadcast_in_dim3A_75, %scan3A_348 = %broadcast_in_dim3A_77, %scan3A_349 = %broadcast_in_dim3A_79) -> (vector<16xf32>, vector<16xf32>, vector<16xf32>, vector<16xf32>, vector<16xf32>, vector<16xf32>, vector<16xf32>, vector<16xf32>, vector<16xi32>, vector<16xi32>, vector<16xi32>, vector<16xi32>, vector<16xi32>, vector<16xi32>, vector<16xi32>, vector<16xi32>, vector<16xf32>, vector<16xf32>, vector<16xf32>, vector<16xf32>, vector<16xf32>, vector<16xf32>, vector<16xf32>, vector<16xf32>)  : i32 {
      %jit3A_350 = arith.constant 16 : i32
      %div3A_351 = arith.divsi %scan3A_325, %jit3A_350 : i32
      %sign3A_352 = arith.constant 0 : i32
      %sign3A_353 = arith.cmpi sgt, %scan3A_325, %sign3A_352 : i32
      %sign3A_354 = arith.extui %sign3A_353 : i1 to i32
      %sign3A_355 = arith.constant 0 : i32
      %sign3A_356 = arith.cmpi slt, %scan3A_325, %sign3A_355 : i32
      %sign3A_357 = arith.extui %sign3A_356 : i1 to i32
      %sign3A_358 = arith.subi %sign3A_354, %sign3A_357 : i32
      %sign3A_359 = arith.constant 0 : i32
      %sign3A_360 = arith.cmpi sgt, %jit3A_350, %sign3A_359 : i32
      %sign3A_361 = arith.extui %sign3A_360 : i1 to i32
      %sign3A_362 = arith.constant 0 : i32
      %sign3A_363 = arith.cmpi slt, %jit3A_350, %sign3A_362 : i32
      %sign3A_364 = arith.extui %sign3A_363 : i1 to i32
      %sign3A_365 = arith.subi %sign3A_361, %sign3A_364 : i32
      %ne3A_366 = arith.cmpi ne, %sign3A_358, %sign3A_365 : i32
      %rem3A_367 = arith.remsi %scan3A_325, %jit3A_350 : i32
      %ne3A_368 = arith.constant 0 : i32
      %ne3A_369 = arith.cmpi ne, %rem3A_367, %ne3A_368 : i32
      %and3A_370 = arith.andi %ne3A_366, %ne3A_369 : i1
      %sub3A_371 = arith.constant 1 : i32
      %sub3A_372 = arith.subi %div3A_351, %sub3A_371 : i32
      %select_n3A_373 = arith.select %and3A_370, %sub3A_372, %div3A_351 : i32
      %jit3A_374 = arith.constant 16 : i32
      %eq3A = arith.constant 0 : i32
      %eq3A_375 = arith.cmpi eq, %jit3A_374, %eq3A : i32
      %jit3A_376 = arith.constant 1 : i32
      %select_n3A_377 = arith.select %eq3A_375, %jit3A_376, %jit3A_374 : i32
      %rem3A_378 = arith.remsi %scan3A_325, %select_n3A_377 : i32
      %ne3A_379 = arith.constant 0 : i32
      %ne3A_380 = arith.cmpi ne, %rem3A_378, %ne3A_379 : i32
      %lt3A = arith.constant 0 : i32
      %lt3A_381 = arith.cmpi slt, %rem3A_378, %lt3A : i32
      %lt3A_382 = arith.constant 0 : i32
      %lt3A_383 = arith.cmpi slt, %select_n3A_377, %lt3A_382 : i32
      %ne3A_384 = arith.xori %lt3A_381, %lt3A_383 : i1
      %and3A_385 = arith.andi %ne3A_384, %ne3A_380 : i1
      %add3A_386 = arith.addi %rem3A_378, %select_n3A_377 : i32
      %select_n3A_387 = arith.select %and3A_385, %add3A_386, %rem3A_378 : i32
      %mul3A_388 = arith.constant 256 : i32
      %mul3A_389 = arith.muli %select_n3A_387, %mul3A_388 : i32
      %add3A_390 = arith.addi %mul3A_18, %select_n3A_373 : i32
      %mul3A_391 = arith.constant 32768 : i32
      %mul3A_392 = arith.muli %add3A_390, %mul3A_391 : i32
      %add3A_393 = arith.addi %mul3A_392, %add3A_32 : i32
      %add3A_394 = arith.addi %add3A_393, %mul3A_389 : i32
      %add3A_395 = vector.broadcast %add3A_394 : i32 to vector<16xi32>
      %add3A_396 = arith.addi %add3A_395, %iota3A : vector<16xi32>
      %add3A_397 = arith.constant 0 : i32
      %add3A_398 = arith.addi %mul3A_389, %add3A_397 : i32
      %get3A = arith.index_cast %select_n3A_373 : i32 to index
      %get3A_399 = arith.index_cast %add3A_398 : i32 to index
      %get3A_400 = tpu.vector_load %arg4[%get3A, %get3A_399] {strides = array<i32>} : memref<8x4096xf32, #tpu.memory_space<vmem>>, vector<16xf32>,
      %gt3A = arith.cmpf ogt, %get3A_400, %scan3A_326 : vector<16xf32>
      %min3A = arith.minimumf %get3A_400, %scan3A_326 : vector<16xf32>
      %max3A = arith.maximumf %scan3A_342, %min3A : vector<16xf32>
      %select_n3A_401 = arith.select %gt3A, %get3A_400, %scan3A_326 : vector<16xi1>, vector<16xf32>
      %select_n3A_402 = arith.select %gt3A, %add3A_396, %scan3A_334 : vector<16xi1>, vector<16xi32>
      %add3A_403 = arith.constant 16 : i32
      %add3A_404 = vector.broadcast %add3A_403 : i32 to vector<16xi32>
      %add3A_405 = arith.addi %add3A_396, %add3A_404 : vector<16xi32>
      %add3A_406 = arith.constant 16 : i32
      %add3A_407 = arith.addi %mul3A_389, %add3A_406 : i32
      %get3A_408 = arith.index_cast %select_n3A_373 : i32 to index
      %get3A_409 = arith.index_cast %add3A_407 : i32 to index
      %get3A_410 = tpu.vector_load %arg4[%get3A_408, %get3A_409] {strides = array<i32>} : memref<8x4096xf32, #tpu.memory_space<vmem>>, vector<16xf32>,
      %gt3A_411 = arith.cmpf ogt, %get3A_410, %scan3A_327 : vector<16xf32>
      %min3A_412 = arith.minimumf %get3A_410, %scan3A_327 : vector<16xf32>
      %max3A_413 = arith.maximumf %scan3A_343, %min3A_412 : vector<16xf32>
      %select_n3A_414 = arith.select %gt3A_411, %get3A_410, %scan3A_327 : vector<16xi1>, vector<16xf32>
      %select_n3A_415 = arith.select %gt3A_411, %add3A_405, %scan3A_335 : vector<16xi1>, vector<16xi32>
      %add3A_416 = arith.constant 16 : i32
      %add3A_417 = vector.broadcast %add3A_416 : i32 to vector<16xi32>
      %add3A_418 = arith.addi %add3A_405, %add3A_417 : vector<16xi32>
      %add3A_419 = arith.constant 32 : i32
      %add3A_420 = arith.addi %mul3A_389, %add3A_419 : i32
      %get3A_421 = arith.index_cast %select_n3A_373 : i32 to index
      %get3A_422 = arith.index_cast %add3A_420 : i32 to index
      %get3A_423 = tpu.vector_load %arg4[%get3A_421, %get3A_422] {strides = array<i32>} : memref<8x4096xf32, #tpu.memory_space<vmem>>, vector<16xf32>,
      %gt3A_424 = arith.cmpf ogt, %get3A_423, %scan3A_328 : vector<16xf32>
      %min3A_425 = arith.minimumf %get3A_423, %scan3A_328 : vector<16xf32>
      %max3A_426 = arith.maximumf %scan3A_344, %min3A_425 : vector<16xf32>
      %select_n3A_427 = arith.select %gt3A_424, %get3A_423, %scan3A_328 : vector<16xi1>, vector<16xf32>
      %select_n3A_428 = arith.select %gt3A_424, %add3A_418, %scan3A_336 : vector<16xi1>, vector<16xi32>
      %add3A_429 = arith.constant 16 : i32
      %add3A_430 = vector.broadcast %add3A_429 : i32 to vector<16xi32>
      %add3A_431 = arith.addi %add3A_418, %add3A_430 : vector<16xi32>
      %add3A_432 = arith.constant 48 : i32
      %add3A_433 = arith.addi %mul3A_389, %add3A_432 : i32
      %get3A_434 = arith.index_cast %select_n3A_373 : i32 to index
      %get3A_435 = arith.index_cast %add3A_433 : i32 to index
      %get3A_436 = tpu.vector_load %arg4[%get3A_434, %get3A_435] {strides = array<i32>} : memref<8x4096xf32, #tpu.memory_space<vmem>>, vector<16xf32>,
      %gt3A_437 = arith.cmpf ogt, %get3A_436, %scan3A_329 : vector<16xf32>
      %min3A_438 = arith.minimumf %get3A_436, %scan3A_329 : vector<16xf32>
      %max3A_439 = arith.maximumf %scan3A_345, %min3A_438 : vector<16xf32>
      %select_n3A_440 = arith.select %gt3A_437, %get3A_436, %scan3A_329 : vector<16xi1>, vector<16xf32>
      %select_n3A_441 = arith.select %gt3A_437, %add3A_431, %scan3A_337 : vector<16xi1>, vector<16xi32>
      %add3A_442 = arith.constant 16 : i32
      %add3A_443 = vector.broadcast %add3A_442 : i32 to vector<16xi32>
      %add3A_444 = arith.addi %add3A_431, %add3A_443 : vector<16xi32>
      %add3A_445 = arith.constant 64 : i32
      %add3A_446 = arith.addi %mul3A_389, %add3A_445 : i32
      %get3A_447 = arith.index_cast %select_n3A_373 : i32 to index
      %get3A_448 = arith.index_cast %add3A_446 : i32 to index
      %get3A_449 = tpu.vector_load %arg4[%get3A_447, %get3A_448] {strides = array<i32>} : memref<8x4096xf32, #tpu.memory_space<vmem>>, vector<16xf32>,
      %gt3A_450 = arith.cmpf ogt, %get3A_449, %scan3A_330 : vector<16xf32>
      %min3A_451 = arith.minimumf %get3A_449, %scan3A_330 : vector<16xf32>
      %max3A_452 = arith.maximumf %scan3A_346, %min3A_451 : vector<16xf32>
      %select_n3A_453 = arith.select %gt3A_450, %get3A_449, %scan3A_330 : vector<16xi1>, vector<16xf32>
      %select_n3A_454 = arith.select %gt3A_450, %add3A_444, %scan3A_338 : vector<16xi1>, vector<16xi32>
      %add3A_455 = arith.constant 16 : i32
      %add3A_456 = vector.broadcast %add3A_455 : i32 to vector<16xi32>
      %add3A_457 = arith.addi %add3A_444, %add3A_456 : vector<16xi32>
      %add3A_458 = arith.constant 80 : i32
      %add3A_459 = arith.addi %mul3A_389, %add3A_458 : i32
      %get3A_460 = arith.index_cast %select_n3A_373 : i32 to index
      %get3A_461 = arith.index_cast %add3A_459 : i32 to index
      %get3A_462 = tpu.vector_load %arg4[%get3A_460, %get3A_461] {strides = array<i32>} : memref<8x4096xf32, #tpu.memory_space<vmem>>, vector<16xf32>,
      %gt3A_463 = arith.cmpf ogt, %get3A_462, %scan3A_331 : vector<16xf32>
      %min3A_464 = arith.minimumf %get3A_462, %scan3A_331 : vector<16xf32>
      %max3A_465 = arith.maximumf %scan3A_347, %min3A_464 : vector<16xf32>
      %select_n3A_466 = arith.select %gt3A_463, %get3A_462, %scan3A_331 : vector<16xi1>, vector<16xf32>
      %select_n3A_467 = arith.select %gt3A_463, %add3A_457, %scan3A_339 : vector<16xi1>, vector<16xi32>
      %add3A_468 = arith.constant 16 : i32
      %add3A_469 = vector.broadcast %add3A_468 : i32 to vector<16xi32>
      %add3A_470 = arith.addi %add3A_457, %add3A_469 : vector<16xi32>
      %add3A_471 = arith.constant 96 : i32
      %add3A_472 = arith.addi %mul3A_389, %add3A_471 : i32
      %get3A_473 = arith.index_cast %select_n3A_373 : i32 to index
      %get3A_474 = arith.index_cast %add3A_472 : i32 to index
      %get3A_475 = tpu.vector_load %arg4[%get3A_473, %get3A_474] {strides = array<i32>} : memref<8x4096xf32, #tpu.memory_space<vmem>>, vector<16xf32>,
      %gt3A_476 = arith.cmpf ogt, %get3A_475, %scan3A_332 : vector<16xf32>
      %min3A_477 = arith.minimumf %get3A_475, %scan3A_332 : vector<16xf32>
      %max3A_478 = arith.maximumf %scan3A_348, %min3A_477 : vector<16xf32>
      %select_n3A_479 = arith.select %gt3A_476, %get3A_475, %scan3A_332 : vector<16xi1>, vector<16xf32>
      %select_n3A_480 = arith.select %gt3A_476, %add3A_470, %scan3A_340 : vector<16xi1>, vector<16xi32>
      %add3A_481 = arith.constant 16 : i32
      %add3A_482 = vector.broadcast %add3A_481 : i32 to vector<16xi32>
      %add3A_483 = arith.addi %add3A_470, %add3A_482 : vector<16xi32>
      %add3A_484 = arith.constant 112 : i32
      %add3A_485 = arith.addi %mul3A_389, %add3A_484 : i32
      %get3A_486 = arith.index_cast %select_n3A_373 : i32 to index
      %get3A_487 = arith.index_cast %add3A_485 : i32 to index
      %get3A_488 = tpu.vector_load %arg4[%get3A_486, %get3A_487] {strides = array<i32>} : memref<8x4096xf32, #tpu.memory_space<vmem>>, vector<16xf32>,
      %gt3A_489 = arith.cmpf ogt, %get3A_488, %scan3A_333 : vector<16xf32>
      %min3A_490 = arith.minimumf %get3A_488, %scan3A_333 : vector<16xf32>
      %max3A_491 = arith.maximumf %scan3A_349, %min3A_490 : vector<16xf32>
      %select_n3A_492 = arith.select %gt3A_489, %get3A_488, %scan3A_333 : vector<16xi1>, vector<16xf32>
      %select_n3A_493 = arith.select %gt3A_489, %add3A_483, %scan3A_341 : vector<16xi1>, vector<16xi32>
      %add3A_494 = arith.constant 16 : i32
      %add3A_495 = vector.broadcast %add3A_494 : i32 to vector<16xi32>
      %add3A_496 = arith.addi %add3A_483, %add3A_495 : vector<16xi32>
      %add3A_497 = arith.constant 128 : i32
      %add3A_498 = arith.addi %mul3A_389, %add3A_497 : i32
      %get3A_499 = arith.index_cast %select_n3A_373 : i32 to index
      %get3A_500 = arith.index_cast %add3A_498 : i32 to index
      %get3A_501 = tpu.vector_load %arg4[%get3A_499, %get3A_500] {strides = array<i32>} : memref<8x4096xf32, #tpu.memory_space<vmem>>, vector<16xf32>,
      %gt3A_502 = arith.cmpf ogt, %get3A_501, %select_n3A_401 : vector<16xf32>
      %min3A_503 = arith.minimumf %get3A_501, %select_n3A_401 : vector<16xf32>
      %max3A_504 = arith.maximumf %max3A, %min3A_503 : vector<16xf32>
      %select_n3A_505 = arith.select %gt3A_502, %get3A_501, %select_n3A_401 : vector<16xi1>, vector<16xf32>
      %select_n3A_506 = arith.select %gt3A_502, %add3A_496, %select_n3A_402 : vector<16xi1>, vector<16xi32>
      %add3A_507 = arith.constant 16 : i32
      %add3A_508 = vector.broadcast %add3A_507 : i32 to vector<16xi32>
      %add3A_509 = arith.addi %add3A_496, %add3A_508 : vector<16xi32>
      %add3A_510 = arith.constant 144 : i32
      %add3A_511 = arith.addi %mul3A_389, %add3A_510 : i32
      %get3A_512 = arith.index_cast %select_n3A_373 : i32 to index
      %get3A_513 = arith.index_cast %add3A_511 : i32 to index
      %get3A_514 = tpu.vector_load %arg4[%get3A_512, %get3A_513] {strides = array<i32>} : memref<8x4096xf32, #tpu.memory_space<vmem>>, vector<16xf32>,
      %gt3A_515 = arith.cmpf ogt, %get3A_514, %select_n3A_414 : vector<16xf32>
      %min3A_516 = arith.minimumf %get3A_514, %select_n3A_414 : vector<16xf32>
      %max3A_517 = arith.maximumf %max3A_413, %min3A_516 : vector<16xf32>
      %select_n3A_518 = arith.select %gt3A_515, %get3A_514, %select_n3A_414 : vector<16xi1>, vector<16xf32>
      %select_n3A_519 = arith.select %gt3A_515, %add3A_509, %select_n3A_415 : vector<16xi1>, vector<16xi32>
      %add3A_520 = arith.constant 16 : i32
      %add3A_521 = vector.broadcast %add3A_520 : i32 to vector<16xi32>
      %add3A_522 = arith.addi %add3A_509, %add3A_521 : vector<16xi32>
      %add3A_523 = arith.constant 160 : i32
      %add3A_524 = arith.addi %mul3A_389, %add3A_523 : i32
      %get3A_525 = arith.index_cast %select_n3A_373 : i32 to index
      %get3A_526 = arith.index_cast %add3A_524 : i32 to index
      %get3A_527 = tpu.vector_load %arg4[%get3A_525, %get3A_526] {strides = array<i32>} : memref<8x4096xf32, #tpu.memory_space<vmem>>, vector<16xf32>,
      %gt3A_528 = arith.cmpf ogt, %get3A_527, %select_n3A_427 : vector<16xf32>
      %min3A_529 = arith.minimumf %get3A_527, %select_n3A_427 : vector<16xf32>
      %max3A_530 = arith.maximumf %max3A_426, %min3A_529 : vector<16xf32>
      %select_n3A_531 = arith.select %gt3A_528, %get3A_527, %select_n3A_427 : vector<16xi1>, vector<16xf32>
      %select_n3A_532 = arith.select %gt3A_528, %add3A_522, %select_n3A_428 : vector<16xi1>, vector<16xi32>
      %add3A_533 = arith.constant 16 : i32
      %add3A_534 = vector.broadcast %add3A_533 : i32 to vector<16xi32>
      %add3A_535 = arith.addi %add3A_522, %add3A_534 : vector<16xi32>
      %add3A_536 = arith.constant 176 : i32
      %add3A_537 = arith.addi %mul3A_389, %add3A_536 : i32
      %get3A_538 = arith.index_cast %select_n3A_373 : i32 to index
      %get3A_539 = arith.index_cast %add3A_537 : i32 to index
      %get3A_540 = tpu.vector_load %arg4[%get3A_538, %get3A_539] {strides = array<i32>} : memref<8x4096xf32, #tpu.memory_space<vmem>>, vector<16xf32>,
      %gt3A_541 = arith.cmpf ogt, %get3A_540, %select_n3A_440 : vector<16xf32>
      %min3A_542 = arith.minimumf %get3A_540, %select_n3A_440 : vector<16xf32>
      %max3A_543 = arith.maximumf %max3A_439, %min3A_542 : vector<16xf32>
      %select_n3A_544 = arith.select %gt3A_541, %get3A_540, %select_n3A_440 : vector<16xi1>, vector<16xf32>
      %select_n3A_545 = arith.select %gt3A_541, %add3A_535, %select_n3A_441 : vector<16xi1>, vector<16xi32>
      %add3A_546 = arith.constant 16 : i32
      %add3A_547 = vector.broadcast %add3A_546 : i32 to vector<16xi32>
      %add3A_548 = arith.addi %add3A_535, %add3A_547 : vector<16xi32>
      %add3A_549 = arith.constant 192 : i32
      %add3A_550 = arith.addi %mul3A_389, %add3A_549 : i32
      %get3A_551 = arith.index_cast %select_n3A_373 : i32 to index
      %get3A_552 = arith.index_cast %add3A_550 : i32 to index
      %get3A_553 = tpu.vector_load %arg4[%get3A_551, %get3A_552] {strides = array<i32>} : memref<8x4096xf32, #tpu.memory_space<vmem>>, vector<16xf32>,
      %gt3A_554 = arith.cmpf ogt, %get3A_553, %select_n3A_453 : vector<16xf32>
      %min3A_555 = arith.minimumf %get3A_553, %select_n3A_453 : vector<16xf32>
      %max3A_556 = arith.maximumf %max3A_452, %min3A_555 : vector<16xf32>
      %select_n3A_557 = arith.select %gt3A_554, %get3A_553, %select_n3A_453 : vector<16xi1>, vector<16xf32>
      %select_n3A_558 = arith.select %gt3A_554, %add3A_548, %select_n3A_454 : vector<16xi1>, vector<16xi32>
      %add3A_559 = arith.constant 16 : i32
      %add3A_560 = vector.broadcast %add3A_559 : i32 to vector<16xi32>
      %add3A_561 = arith.addi %add3A_548, %add3A_560 : vector<16xi32>
      %add3A_562 = arith.constant 208 : i32
      %add3A_563 = arith.addi %mul3A_389, %add3A_562 : i32
      %get3A_564 = arith.index_cast %select_n3A_373 : i32 to index
      %get3A_565 = arith.index_cast %add3A_563 : i32 to index
      %get3A_566 = tpu.vector_load %arg4[%get3A_564, %get3A_565] {strides = array<i32>} : memref<8x4096xf32, #tpu.memory_space<vmem>>, vector<16xf32>,
      %gt3A_567 = arith.cmpf ogt, %get3A_566, %select_n3A_466 : vector<16xf32>
      %min3A_568 = arith.minimumf %get3A_566, %select_n3A_466 : vector<16xf32>
      %max3A_569 = arith.maximumf %max3A_465, %min3A_568 : vector<16xf32>
      %select_n3A_570 = arith.select %gt3A_567, %get3A_566, %select_n3A_466 : vector<16xi1>, vector<16xf32>
      %select_n3A_571 = arith.select %gt3A_567, %add3A_561, %select_n3A_467 : vector<16xi1>, vector<16xi32>
      %add3A_572 = arith.constant 16 : i32
      %add3A_573 = vector.broadcast %add3A_572 : i32 to vector<16xi32>
      %add3A_574 = arith.addi %add3A_561, %add3A_573 : vector<16xi32>
      %add3A_575 = arith.constant 224 : i32
      %add3A_576 = arith.addi %mul3A_389, %add3A_575 : i32
      %get3A_577 = arith.index_cast %select_n3A_373 : i32 to index
      %get3A_578 = arith.index_cast %add3A_576 : i32 to index
      %get3A_579 = tpu.vector_load %arg4[%get3A_577, %get3A_578] {strides = array<i32>} : memref<8x4096xf32, #tpu.memory_space<vmem>>, vector<16xf32>,
      %gt3A_580 = arith.cmpf ogt, %get3A_579, %select_n3A_479 : vector<16xf32>
      %min3A_581 = arith.minimumf %get3A_579, %select_n3A_479 : vector<16xf32>
      %max3A_582 = arith.maximumf %max3A_478, %min3A_581 : vector<16xf32>
      %select_n3A_583 = arith.select %gt3A_580, %get3A_579, %select_n3A_479 : vector<16xi1>, vector<16xf32>
      %select_n3A_584 = arith.select %gt3A_580, %add3A_574, %select_n3A_480 : vector<16xi1>, vector<16xi32>
      %add3A_585 = arith.constant 16 : i32
      %add3A_586 = vector.broadcast %add3A_585 : i32 to vector<16xi32>
      %add3A_587 = arith.addi %add3A_574, %add3A_586 : vector<16xi32>
      %add3A_588 = arith.constant 240 : i32
      %add3A_589 = arith.addi %mul3A_389, %add3A_588 : i32
      %get3A_590 = arith.index_cast %select_n3A_373 : i32 to index
      %get3A_591 = arith.index_cast %add3A_589 : i32 to index
      %get3A_592 = tpu.vector_load %arg4[%get3A_590, %get3A_591] {strides = array<i32>} : memref<8x4096xf32, #tpu.memory_space<vmem>>, vector<16xf32>,
      %gt3A_593 = arith.cmpf ogt, %get3A_592, %select_n3A_492 : vector<16xf32>
      %min3A_594 = arith.minimumf %get3A_592, %select_n3A_492 : vector<16xf32>
      %max3A_595 = arith.maximumf %max3A_491, %min3A_594 : vector<16xf32>
      %select_n3A_596 = arith.select %gt3A_593, %get3A_592, %select_n3A_492 : vector<16xi1>, vector<16xf32>
      %select_n3A_597 = arith.select %gt3A_593, %add3A_587, %select_n3A_493 : vector<16xi1>, vector<16xi32>
      %add3A_598 = arith.constant 16 : i32
      %add3A_599 = vector.broadcast %add3A_598 : i32 to vector<16xi32>
      %add3A_600 = arith.addi %add3A_587, %add3A_599 : vector<16xi32>
      scf.yield %select_n3A_505, %select_n3A_518, %select_n3A_531, %select_n3A_544, %select_n3A_557, %select_n3A_570, %select_n3A_583, %select_n3A_596, %select_n3A_506, %select_n3A_519, %select_n3A_532, %select_n3A_545, %select_n3A_558, %select_n3A_571, %select_n3A_584, %select_n3A_597, %max3A_504, %max3A_517, %max3A_530, %max3A_543, %max3A_556, %max3A_569, %max3A_582, %max3A_595 : vector<16xf32>, vector<16xf32>, vector<16xf32>, vector<16xf32>, vector<16xf32>, vector<16xf32>, vector<16xf32>, vector<16xf32>, vector<16xi32>, vector<16xi32>, vector<16xi32>, vector<16xi32>, vector<16xi32>, vector<16xi32>, vector<16xi32>, vector<16xi32>, vector<16xf32>, vector<16xf32>, vector<16xf32>, vector<16xf32>, vector<16xf32>, vector<16xf32>, vector<16xf32>, vector<16xf32>
    }
    %scan3A_84 = arith.constant 128 : i32
    %broadcast_in_dim3A_85 = arith.constant -1.000000e+00 : f32
    %broadcast_in_dim3A_86 = vector.broadcast %broadcast_in_dim3A_85 : f32 to vector<16xf32>
    %broadcast_in_dim3A_87 = arith.constant 0 : i32
    %broadcast_in_dim3A_88 = vector.broadcast %broadcast_in_dim3A_87 : i32 to vector<16xi32>
    %scan3A_89 = arith.constant 0 : i32
    %scan3A_90 = arith.constant 10 : i32
    %scan3A_91 = arith.addi %scan3A_89, %scan3A_90 : i32
    %scan3A_92 = arith.constant 1 : i32
    %scan3A_93:26 = scf.for %scan3A_325 = %scan3A_89 to %scan3A_91 step %scan3A_92 iter_args(%scan3A_326 = %scan3A_83#0, %scan3A_327 = %scan3A_83#1, %scan3A_328 = %scan3A_83#2, %scan3A_329 = %scan3A_83#3, %scan3A_330 = %scan3A_83#4, %scan3A_331 = %scan3A_83#5, %scan3A_332 = %scan3A_83#6, %scan3A_333 = %scan3A_83#7, %scan3A_334 = %scan3A_83#8, %scan3A_335 = %scan3A_83#9, %scan3A_336 = %scan3A_83#10, %scan3A_337 = %scan3A_83#11, %scan3A_338 = %scan3A_83#12, %scan3A_339 = %scan3A_83#13, %scan3A_340 = %scan3A_83#14, %scan3A_341 = %scan3A_83#15, %scan3A_342 = %scan3A_83#16, %scan3A_343 = %scan3A_83#17, %scan3A_344 = %scan3A_83#18, %scan3A_345 = %scan3A_83#19, %scan3A_346 = %scan3A_83#20, %scan3A_347 = %scan3A_83#21, %scan3A_348 = %scan3A_83#22, %scan3A_349 = %scan3A_83#23, %scan3A_350 = %broadcast_in_dim3A_86, %scan3A_351 = %broadcast_in_dim3A_88) -> (vector<16xf32>, vector<16xf32>, vector<16xf32>, vector<16xf32>, vector<16xf32>, vector<16xf32>, vector<16xf32>, vector<16xf32>, vector<16xi32>, vector<16xi32>, vector<16xi32>, vector<16xi32>, vector<16xi32>, vector<16xi32>, vector<16xi32>, vector<16xi32>, vector<16xf32>, vector<16xf32>, vector<16xf32>, vector<16xf32>, vector<16xf32>, vector<16xf32>, vector<16xf32>, vector<16xf32>, vector<16xf32>, vector<16xi32>)  : i32 {
      %gt3A = arith.cmpf ogt, %scan3A_327, %scan3A_326 : vector<16xf32>
      %eq3A = arith.cmpf oeq, %scan3A_327, %scan3A_326 : vector<16xf32>
      %lt3A = arith.cmpi slt, %scan3A_335, %scan3A_334 : vector<16xi32>
      %and3A_352 = arith.andi %eq3A, %lt3A : vector<16xi1>
      %or3A = arith.ori %gt3A, %and3A_352 : vector<16xi1>
      %select_n3A_353 = arith.select %or3A, %scan3A_327, %scan3A_326 : vector<16xi1>, vector<16xf32>
      %select_n3A_354 = arith.select %or3A, %scan3A_335, %scan3A_334 : vector<16xi1>, vector<16xi32>
      %gt3A_355 = arith.cmpf ogt, %scan3A_328, %select_n3A_353 : vector<16xf32>
      %eq3A_356 = arith.cmpf oeq, %scan3A_328, %select_n3A_353 : vector<16xf32>
      %lt3A_357 = arith.cmpi slt, %scan3A_336, %select_n3A_354 : vector<16xi32>
      %and3A_358 = arith.andi %eq3A_356, %lt3A_357 : vector<16xi1>
      %or3A_359 = arith.ori %gt3A_355, %and3A_358 : vector<16xi1>
      %select_n3A_360 = arith.select %or3A_359, %scan3A_328, %select_n3A_353 : vector<16xi1>, vector<16xf32>
      %select_n3A_361 = arith.select %or3A_359, %scan3A_336, %select_n3A_354 : vector<16xi1>, vector<16xi32>
      %gt3A_362 = arith.cmpf ogt, %scan3A_329, %select_n3A_360 : vector<16xf32>
      %eq3A_363 = arith.cmpf oeq, %scan3A_329, %select_n3A_360 : vector<16xf32>
      %lt3A_364 = arith.cmpi slt, %scan3A_337, %select_n3A_361 : vector<16xi32>
      %and3A_365 = arith.andi %eq3A_363, %lt3A_364 : vector<16xi1>
      %or3A_366 = arith.ori %gt3A_362, %and3A_365 : vector<16xi1>
      %select_n3A_367 = arith.select %or3A_366, %scan3A_329, %select_n3A_360 : vector<16xi1>, vector<16xf32>
      %select_n3A_368 = arith.select %or3A_366, %scan3A_337, %select_n3A_361 : vector<16xi1>, vector<16xi32>
      %gt3A_369 = arith.cmpf ogt, %scan3A_330, %select_n3A_367 : vector<16xf32>
      %eq3A_370 = arith.cmpf oeq, %scan3A_330, %select_n3A_367 : vector<16xf32>
      %lt3A_371 = arith.cmpi slt, %scan3A_338, %select_n3A_368 : vector<16xi32>
      %and3A_372 = arith.andi %eq3A_370, %lt3A_371 : vector<16xi1>
      %or3A_373 = arith.ori %gt3A_369, %and3A_372 : vector<16xi1>
      %select_n3A_374 = arith.select %or3A_373, %scan3A_330, %select_n3A_367 : vector<16xi1>, vector<16xf32>
      %select_n3A_375 = arith.select %or3A_373, %scan3A_338, %select_n3A_368 : vector<16xi1>, vector<16xi32>
      %gt3A_376 = arith.cmpf ogt, %scan3A_331, %select_n3A_374 : vector<16xf32>
      %eq3A_377 = arith.cmpf oeq, %scan3A_331, %select_n3A_374 : vector<16xf32>
      %lt3A_378 = arith.cmpi slt, %scan3A_339, %select_n3A_375 : vector<16xi32>
      %and3A_379 = arith.andi %eq3A_377, %lt3A_378 : vector<16xi1>
      %or3A_380 = arith.ori %gt3A_376, %and3A_379 : vector<16xi1>
      %select_n3A_381 = arith.select %or3A_380, %scan3A_331, %select_n3A_374 : vector<16xi1>, vector<16xf32>
      %select_n3A_382 = arith.select %or3A_380, %scan3A_339, %select_n3A_375 : vector<16xi1>, vector<16xi32>
      %gt3A_383 = arith.cmpf ogt, %scan3A_332, %select_n3A_381 : vector<16xf32>
      %eq3A_384 = arith.cmpf oeq, %scan3A_332, %select_n3A_381 : vector<16xf32>
      %lt3A_385 = arith.cmpi slt, %scan3A_340, %select_n3A_382 : vector<16xi32>
      %and3A_386 = arith.andi %eq3A_384, %lt3A_385 : vector<16xi1>
      %or3A_387 = arith.ori %gt3A_383, %and3A_386 : vector<16xi1>
      %select_n3A_388 = arith.select %or3A_387, %scan3A_332, %select_n3A_381 : vector<16xi1>, vector<16xf32>
      %select_n3A_389 = arith.select %or3A_387, %scan3A_340, %select_n3A_382 : vector<16xi1>, vector<16xi32>
      %gt3A_390 = arith.cmpf ogt, %scan3A_333, %select_n3A_388 : vector<16xf32>
      %eq3A_391 = arith.cmpf oeq, %scan3A_333, %select_n3A_388 : vector<16xf32>
      %lt3A_392 = arith.cmpi slt, %scan3A_341, %select_n3A_389 : vector<16xi32>
      %and3A_393 = arith.andi %eq3A_391, %lt3A_392 : vector<16xi1>
      %or3A_394 = arith.ori %gt3A_390, %and3A_393 : vector<16xi1>
      %select_n3A_395 = arith.select %or3A_394, %scan3A_333, %select_n3A_388 : vector<16xi1>, vector<16xf32>
      %select_n3A_396 = arith.select %or3A_394, %scan3A_341, %select_n3A_389 : vector<16xi1>, vector<16xi32>
      %reduce_max3A = arith.constant true
      %reduce_max3A_397 = vector.broadcast %reduce_max3A : i1 to vector<16xi1>
      %reduce_max3A_398 = tpu.scan <max>, %select_n3A_395 masked %reduce_max3A_397 : vector<16xf32>, vector<16xi1> -> vector<16xf32>
      %reduce_max3A_399 = vector.extract %reduce_max3A_398[15] : f32 from vector<16xf32>
      %eq3A_400 = vector.broadcast %reduce_max3A_399 : f32 to vector<16xf32>
      %eq3A_401 = arith.cmpf oeq, %select_n3A_395, %eq3A_400 : vector<16xf32>
      %jit3A_402 = arith.constant 0 : i32
      %broadcast_in_dim3A_403 = vector.broadcast %jit3A_402 : i32 to vector<16xi32>
      %select_n3A_404 = arith.select %eq3A_401, %select_n3A_396, %broadcast_in_dim3A_403 : vector<16xi1>, vector<16xi32>
      %reduce_max3A_405 = arith.constant true
      %reduce_max3A_406 = vector.broadcast %reduce_max3A_405 : i1 to vector<16xi1>
      %reduce_max3A_407 = arith.constant -2147483648 : i32
      %reduce_max3A_408 = vector.broadcast %reduce_max3A_407 : i32 to vector<16xi32>
      %reduce_max3A_409 = arith.xori %select_n3A_404, %reduce_max3A_408 : vector<16xi32>
      %reduce_max3A_410 = tpu.scan <max>, %reduce_max3A_409 masked %reduce_max3A_406 : vector<16xi32>, vector<16xi1> -> vector<16xi32>
      %reduce_max3A_411 = arith.xori %reduce_max3A_410, %reduce_max3A_408 : vector<16xi32>
      %reduce_max3A_412 = vector.extract %reduce_max3A_411[15] : i32 from vector<16xi32>
      %while3A:25 = scf.while (%while3A_590 = %scan3A_326, %while3A_591 = %scan3A_327, %while3A_592 = %scan3A_328, %while3A_593 = %scan3A_329, %while3A_594 = %scan3A_330, %while3A_595 = %scan3A_331, %while3A_596 = %scan3A_332, %while3A_597 = %scan3A_333, %while3A_598 = %scan3A_334, %while3A_599 = %scan3A_335, %while3A_600 = %scan3A_336, %while3A_601 = %scan3A_337, %while3A_602 = %scan3A_338, %while3A_603 = %scan3A_339, %while3A_604 = %scan3A_340, %while3A_605 = %scan3A_341, %while3A_606 = %scan3A_342, %while3A_607 = %scan3A_343, %while3A_608 = %scan3A_344, %while3A_609 = %scan3A_345, %while3A_610 = %scan3A_346, %while3A_611 = %scan3A_347, %while3A_612 = %scan3A_348, %while3A_613 = %scan3A_349, %while3A_614 = %reduce_max3A_412) : (vector<16xf32>, vector<16xf32>, vector<16xf32>, vector<16xf32>, vector<16xf32>, vector<16xf32>, vector<16xf32>, vector<16xf32>, vector<16xi32>, vector<16xi32>, vector<16xi32>, vector<16xi32>, vector<16xi32>, vector<16xi32>, vector<16xi32>, vector<16xi32>, vector<16xf32>, vector<16xf32>, vector<16xf32>, vector<16xf32>, vector<16xf32>, vector<16xf32>, vector<16xf32>, vector<16xf32>, i32) -> (vector<16xf32>, vector<16xf32>, vector<16xf32>, vector<16xf32>, vector<16xf32>, vector<16xf32>, vector<16xf32>, vector<16xf32>, vector<16xi32>, vector<16xi32>, vector<16xi32>, vector<16xi32>, vector<16xi32>, vector<16xi32>, vector<16xi32>, vector<16xi32>, vector<16xf32>, vector<16xf32>, vector<16xf32>, vector<16xf32>, vector<16xf32>, vector<16xf32>, vector<16xf32>, vector<16xf32>, i32) {
        %ge3A = arith.constant 1073741824 : i32
        %ge3A_615 = arith.cmpi sge, %while3A_614, %ge3A : i32
        scf.condition(%ge3A_615) %while3A_590, %while3A_591, %while3A_592, %while3A_593, %while3A_594, %while3A_595, %while3A_596, %while3A_597, %while3A_598, %while3A_599, %while3A_600, %while3A_601, %while3A_602, %while3A_603, %while3A_604, %while3A_605, %while3A_606, %while3A_607, %while3A_608, %while3A_609, %while3A_610, %while3A_611, %while3A_612, %while3A_613, %while3A_614 : vector<16xf32>, vector<16xf32>, vector<16xf32>, vector<16xf32>, vector<16xf32>, vector<16xf32>, vector<16xf32>, vector<16xf32>, vector<16xi32>, vector<16xi32>, vector<16xi32>, vector<16xi32>, vector<16xi32>, vector<16xi32>, vector<16xi32>, vector<16xi32>, vector<16xf32>, vector<16xf32>, vector<16xf32>, vector<16xf32>, vector<16xf32>, vector<16xf32>, vector<16xf32>, vector<16xf32>, i32
      } do {
      ^bb0(%while3A_590: vector<16xf32>, %while3A_591: vector<16xf32>, %while3A_592: vector<16xf32>, %while3A_593: vector<16xf32>, %while3A_594: vector<16xf32>, %while3A_595: vector<16xf32>, %while3A_596: vector<16xf32>, %while3A_597: vector<16xf32>, %while3A_598: vector<16xi32>, %while3A_599: vector<16xi32>, %while3A_600: vector<16xi32>, %while3A_601: vector<16xi32>, %while3A_602: vector<16xi32>, %while3A_603: vector<16xi32>, %while3A_604: vector<16xi32>, %while3A_605: vector<16xi32>, %while3A_606: vector<16xf32>, %while3A_607: vector<16xf32>, %while3A_608: vector<16xf32>, %while3A_609: vector<16xf32>, %while3A_610: vector<16xf32>, %while3A_611: vector<16xf32>, %while3A_612: vector<16xf32>, %while3A_613: vector<16xf32>, %while3A_614: i32):
        %sub3A_615 = arith.constant 1073741824 : i32
        %sub3A_616 = arith.subi %while3A_614, %sub3A_615 : i32
        %mul3A_617 = arith.constant 16 : i32
        %mul3A_618 = arith.muli %sub3A_616, %mul3A_617 : i32
        %broadcast_in_dim3A_619 = arith.constant -1.000000e+00 : f32
        %broadcast_in_dim3A_620 = vector.broadcast %broadcast_in_dim3A_619 : f32 to vector<16xf32>
        %broadcast_in_dim3A_621 = arith.constant -1.000000e+00 : f32
        %broadcast_in_dim3A_622 = vector.broadcast %broadcast_in_dim3A_621 : f32 to vector<16xf32>
        %broadcast_in_dim3A_623 = arith.constant -1.000000e+00 : f32
        %broadcast_in_dim3A_624 = vector.broadcast %broadcast_in_dim3A_623 : f32 to vector<16xf32>
        %broadcast_in_dim3A_625 = arith.constant -1.000000e+00 : f32
        %broadcast_in_dim3A_626 = vector.broadcast %broadcast_in_dim3A_625 : f32 to vector<16xf32>
        %broadcast_in_dim3A_627 = arith.constant 2147483647 : i32
        %broadcast_in_dim3A_628 = vector.broadcast %broadcast_in_dim3A_627 : i32 to vector<16xi32>
        %broadcast_in_dim3A_629 = arith.constant 2147483647 : i32
        %broadcast_in_dim3A_630 = vector.broadcast %broadcast_in_dim3A_629 : i32 to vector<16xi32>
        %broadcast_in_dim3A_631 = arith.constant 2147483647 : i32
        %broadcast_in_dim3A_632 = vector.broadcast %broadcast_in_dim3A_631 : i32 to vector<16xi32>
        %broadcast_in_dim3A_633 = arith.constant 2147483647 : i32
        %broadcast_in_dim3A_634 = vector.broadcast %broadcast_in_dim3A_633 : i32 to vector<16xi32>
        %broadcast_in_dim3A_635 = arith.constant -1.000000e+00 : f32
        %broadcast_in_dim3A_636 = vector.broadcast %broadcast_in_dim3A_635 : f32 to vector<16xf32>
        %broadcast_in_dim3A_637 = arith.constant -1.000000e+00 : f32
        %broadcast_in_dim3A_638 = vector.broadcast %broadcast_in_dim3A_637 : f32 to vector<16xf32>
        %broadcast_in_dim3A_639 = arith.constant -1.000000e+00 : f32
        %broadcast_in_dim3A_640 = vector.broadcast %broadcast_in_dim3A_639 : f32 to vector<16xf32>
        %broadcast_in_dim3A_641 = arith.constant -1.000000e+00 : f32
        %broadcast_in_dim3A_642 = vector.broadcast %broadcast_in_dim3A_641 : f32 to vector<16xf32>
        %scan3A_643 = arith.constant 0 : i32
        %scan3A_644 = arith.constant 64 : i32
        %scan3A_645 = arith.addi %scan3A_643, %scan3A_644 : i32
        %scan3A_646 = arith.constant 1 : i32
        %scan3A_647:12 = scf.for %scan3A_779 = %scan3A_643 to %scan3A_645 step %scan3A_646 iter_args(%scan3A_780 = %broadcast_in_dim3A_620, %scan3A_781 = %broadcast_in_dim3A_622, %scan3A_782 = %broadcast_in_dim3A_624, %scan3A_783 = %broadcast_in_dim3A_626, %scan3A_784 = %broadcast_in_dim3A_628, %scan3A_785 = %broadcast_in_dim3A_630, %scan3A_786 = %broadcast_in_dim3A_632, %scan3A_787 = %broadcast_in_dim3A_634, %scan3A_788 = %broadcast_in_dim3A_636, %scan3A_789 = %broadcast_in_dim3A_638, %scan3A_790 = %broadcast_in_dim3A_640, %scan3A_791 = %broadcast_in_dim3A_642) -> (vector<16xf32>, vector<16xf32>, vector<16xf32>, vector<16xf32>, vector<16xi32>, vector<16xi32>, vector<16xi32>, vector<16xi32>, vector<16xf32>, vector<16xf32>, vector<16xf32>, vector<16xf32>)  : i32 {
          %jit3A_792 = arith.constant 8 : i32
          %div3A_793 = arith.divsi %scan3A_779, %jit3A_792 : i32
          %sign3A_794 = arith.constant 0 : i32
          %sign3A_795 = arith.cmpi sgt, %scan3A_779, %sign3A_794 : i32
          %sign3A_796 = arith.extui %sign3A_795 : i1 to i32
          %sign3A_797 = arith.constant 0 : i32
          %sign3A_798 = arith.cmpi slt, %scan3A_779, %sign3A_797 : i32
          %sign3A_799 = arith.extui %sign3A_798 : i1 to i32
          %sign3A_800 = arith.subi %sign3A_796, %sign3A_799 : i32
          %sign3A_801 = arith.constant 0 : i32
          %sign3A_802 = arith.cmpi sgt, %jit3A_792, %sign3A_801 : i32
          %sign3A_803 = arith.extui %sign3A_802 : i1 to i32
          %sign3A_804 = arith.constant 0 : i32
          %sign3A_805 = arith.cmpi slt, %jit3A_792, %sign3A_804 : i32
          %sign3A_806 = arith.extui %sign3A_805 : i1 to i32
          %sign3A_807 = arith.subi %sign3A_803, %sign3A_806 : i32
          %ne3A_808 = arith.cmpi ne, %sign3A_800, %sign3A_807 : i32
          %rem3A_809 = arith.remsi %scan3A_779, %jit3A_792 : i32
          %ne3A_810 = arith.constant 0 : i32
          %ne3A_811 = arith.cmpi ne, %rem3A_809, %ne3A_810 : i32
          %and3A_812 = arith.andi %ne3A_808, %ne3A_811 : i1
          %sub3A_813 = arith.constant 1 : i32
          %sub3A_814 = arith.subi %div3A_793, %sub3A_813 : i32
          %select_n3A_815 = arith.select %and3A_812, %sub3A_814, %div3A_793 : i32
          %jit3A_816 = arith.constant 8 : i32
          %eq3A_817 = arith.constant 0 : i32
          %eq3A_818 = arith.cmpi eq, %jit3A_816, %eq3A_817 : i32
          %jit3A_819 = arith.constant 1 : i32
          %select_n3A_820 = arith.select %eq3A_818, %jit3A_819, %jit3A_816 : i32
          %rem3A_821 = arith.remsi %scan3A_779, %select_n3A_820 : i32
          %ne3A_822 = arith.constant 0 : i32
          %ne3A_823 = arith.cmpi ne, %rem3A_821, %ne3A_822 : i32
          %lt3A_824 = arith.constant 0 : i32
          %lt3A_825 = arith.cmpi slt, %rem3A_821, %lt3A_824 : i32
          %lt3A_826 = arith.constant 0 : i32
          %lt3A_827 = arith.cmpi slt, %select_n3A_820, %lt3A_826 : i32
          %ne3A_828 = arith.xori %lt3A_825, %lt3A_827 : i1
          %and3A_829 = arith.andi %ne3A_828, %ne3A_823 : i1
          %add3A_830 = arith.addi %rem3A_821, %select_n3A_820 : i32
          %select_n3A_831 = arith.select %and3A_829, %add3A_830, %rem3A_821 : i32
          %mul3A_832 = arith.constant 4 : i32
          %mul3A_833 = arith.muli %select_n3A_831, %mul3A_832 : i32
          %add3A_834 = arith.addi %mul3A_18, %select_n3A_815 : i32
          %mul3A_835 = arith.constant 32768 : i32
          %mul3A_836 = arith.muli %add3A_834, %mul3A_835 : i32
          %add3A_837 = arith.addi %mul3A_836, %add3A_32 : i32
          %add3A_838 = arith.addi %add3A_837, %mul3A_618 : i32
          %add3A_839 = vector.broadcast %add3A_838 : i32 to vector<16xi32>
          %add3A_840 = arith.addi %add3A_839, %iota3A : vector<16xi32>
          %add3A_841 = arith.constant 0 : i32
          %add3A_842 = arith.addi %mul3A_833, %add3A_841 : i32
          %mul3A_843 = arith.constant 128 : i32
          %mul3A_844 = arith.muli %add3A_842, %mul3A_843 : i32
          %add3A_845 = arith.addi %mul3A_618, %mul3A_844 : i32
          %get3A = arith.index_cast %select_n3A_815 : i32 to index
          %get3A_846 = arith.index_cast %add3A_845 : i32 to index
          %get3A_847 = tpu.vector_load %arg4[%get3A, %get3A_846] {strides = array<i32>} : memref<8x4096xf32, #tpu.memory_space<vmem>>, vector<16xf32>,
          %gt3A_848 = arith.cmpf ogt, %get3A_847, %scan3A_780 : vector<16xf32>
          %min3A_849 = arith.minimumf %get3A_847, %scan3A_780 : vector<16xf32>
          %max3A_850 = arith.maximumf %scan3A_788, %min3A_849 : vector<16xf32>
          %select_n3A_851 = arith.select %gt3A_848, %get3A_847, %scan3A_780 : vector<16xi1>, vector<16xf32>
          %add3A_852 = arith.constant 0 : i32
          %add3A_853 = arith.addi %mul3A_833, %add3A_852 : i32
          %mul3A_854 = arith.constant 128 : i32
          %mul3A_855 = arith.muli %add3A_853, %mul3A_854 : i32
          %add3A_856 = vector.broadcast %mul3A_855 : i32 to vector<16xi32>
          %add3A_857 = arith.addi %add3A_840, %add3A_856 : vector<16xi32>
          %select_n3A_858 = arith.select %gt3A_848, %add3A_857, %scan3A_784 : vector<16xi1>, vector<16xi32>
          %add3A_859 = arith.constant 1 : i32
          %add3A_860 = arith.addi %mul3A_833, %add3A_859 : i32
          %mul3A_861 = arith.constant 128 : i32
          %mul3A_862 = arith.muli %add3A_860, %mul3A_861 : i32
          %add3A_863 = arith.addi %mul3A_618, %mul3A_862 : i32
          %get3A_864 = arith.index_cast %select_n3A_815 : i32 to index
          %get3A_865 = arith.index_cast %add3A_863 : i32 to index
          %get3A_866 = tpu.vector_load %arg4[%get3A_864, %get3A_865] {strides = array<i32>} : memref<8x4096xf32, #tpu.memory_space<vmem>>, vector<16xf32>,
          %gt3A_867 = arith.cmpf ogt, %get3A_866, %scan3A_781 : vector<16xf32>
          %min3A_868 = arith.minimumf %get3A_866, %scan3A_781 : vector<16xf32>
          %max3A_869 = arith.maximumf %scan3A_789, %min3A_868 : vector<16xf32>
          %select_n3A_870 = arith.select %gt3A_867, %get3A_866, %scan3A_781 : vector<16xi1>, vector<16xf32>
          %add3A_871 = arith.constant 1 : i32
          %add3A_872 = arith.addi %mul3A_833, %add3A_871 : i32
          %mul3A_873 = arith.constant 128 : i32
          %mul3A_874 = arith.muli %add3A_872, %mul3A_873 : i32
          %add3A_875 = vector.broadcast %mul3A_874 : i32 to vector<16xi32>
          %add3A_876 = arith.addi %add3A_840, %add3A_875 : vector<16xi32>
          %select_n3A_877 = arith.select %gt3A_867, %add3A_876, %scan3A_785 : vector<16xi1>, vector<16xi32>
          %add3A_878 = arith.constant 2 : i32
          %add3A_879 = arith.addi %mul3A_833, %add3A_878 : i32
          %mul3A_880 = arith.constant 128 : i32
          %mul3A_881 = arith.muli %add3A_879, %mul3A_880 : i32
          %add3A_882 = arith.addi %mul3A_618, %mul3A_881 : i32
          %get3A_883 = arith.index_cast %select_n3A_815 : i32 to index
          %get3A_884 = arith.index_cast %add3A_882 : i32 to index
          %get3A_885 = tpu.vector_load %arg4[%get3A_883, %get3A_884] {strides = array<i32>} : memref<8x4096xf32, #tpu.memory_space<vmem>>, vector<16xf32>,
          %gt3A_886 = arith.cmpf ogt, %get3A_885, %scan3A_782 : vector<16xf32>
          %min3A_887 = arith.minimumf %get3A_885, %scan3A_782 : vector<16xf32>
          %max3A_888 = arith.maximumf %scan3A_790, %min3A_887 : vector<16xf32>
          %select_n3A_889 = arith.select %gt3A_886, %get3A_885, %scan3A_782 : vector<16xi1>, vector<16xf32>
          %add3A_890 = arith.constant 2 : i32
          %add3A_891 = arith.addi %mul3A_833, %add3A_890 : i32
          %mul3A_892 = arith.constant 128 : i32
          %mul3A_893 = arith.muli %add3A_891, %mul3A_892 : i32
          %add3A_894 = vector.broadcast %mul3A_893 : i32 to vector<16xi32>
          %add3A_895 = arith.addi %add3A_840, %add3A_894 : vector<16xi32>
          %select_n3A_896 = arith.select %gt3A_886, %add3A_895, %scan3A_786 : vector<16xi1>, vector<16xi32>
          %add3A_897 = arith.constant 3 : i32
          %add3A_898 = arith.addi %mul3A_833, %add3A_897 : i32
          %mul3A_899 = arith.constant 128 : i32
          %mul3A_900 = arith.muli %add3A_898, %mul3A_899 : i32
          %add3A_901 = arith.addi %mul3A_618, %mul3A_900 : i32
          %get3A_902 = arith.index_cast %select_n3A_815 : i32 to index
          %get3A_903 = arith.index_cast %add3A_901 : i32 to index
          %get3A_904 = tpu.vector_load %arg4[%get3A_902, %get3A_903] {strides = array<i32>} : memref<8x4096xf32, #tpu.memory_space<vmem>>, vector<16xf32>,
          %gt3A_905 = arith.cmpf ogt, %get3A_904, %scan3A_783 : vector<16xf32>
          %min3A_906 = arith.minimumf %get3A_904, %scan3A_783 : vector<16xf32>
          %max3A_907 = arith.maximumf %scan3A_791, %min3A_906 : vector<16xf32>
          %select_n3A_908 = arith.select %gt3A_905, %get3A_904, %scan3A_783 : vector<16xi1>, vector<16xf32>
          %add3A_909 = arith.constant 3 : i32
          %add3A_910 = arith.addi %mul3A_833, %add3A_909 : i32
          %mul3A_911 = arith.constant 128 : i32
          %mul3A_912 = arith.muli %add3A_910, %mul3A_911 : i32
          %add3A_913 = vector.broadcast %mul3A_912 : i32 to vector<16xi32>
          %add3A_914 = arith.addi %add3A_840, %add3A_913 : vector<16xi32>
          %select_n3A_915 = arith.select %gt3A_905, %add3A_914, %scan3A_787 : vector<16xi1>, vector<16xi32>
          scf.yield %select_n3A_851, %select_n3A_870, %select_n3A_889, %select_n3A_908, %select_n3A_858, %select_n3A_877, %select_n3A_896, %select_n3A_915, %max3A_850, %max3A_869, %max3A_888, %max3A_907 : vector<16xf32>, vector<16xf32>, vector<16xf32>, vector<16xf32>, vector<16xi32>, vector<16xi32>, vector<16xi32>, vector<16xi32>, vector<16xf32>, vector<16xf32>, vector<16xf32>, vector<16xf32>
        }
        %scan3A_648 = arith.constant 64 : i32
        %max3A = arith.maximumf %scan3A_647#8, %scan3A_647#10 : vector<16xf32>
        %min3A = arith.minimumf %scan3A_647#0, %scan3A_647#2 : vector<16xf32>
        %max3A_649 = arith.maximumf %max3A, %min3A : vector<16xf32>
        %gt3A_650 = arith.cmpf ogt, %scan3A_647#2, %scan3A_647#0 : vector<16xf32>
        %eq3A_651 = arith.cmpf oeq, %scan3A_647#2, %scan3A_647#0 : vector<16xf32>
        %lt3A_652 = arith.cmpi slt, %scan3A_647#6, %scan3A_647#4 : vector<16xi32>
        %and3A_653 = arith.andi %eq3A_651, %lt3A_652 : vector<16xi1>
        %or3A_654 = arith.ori %gt3A_650, %and3A_653 : vector<16xi1>
        %select_n3A_655 = arith.select %or3A_654, %scan3A_647#2, %scan3A_647#0 : vector<16xi1>, vector<16xf32>
        %select_n3A_656 = arith.select %or3A_654, %scan3A_647#6, %scan3A_647#4 : vector<16xi1>, vector<16xi32>
        %max3A_657 = arith.maximumf %scan3A_647#9, %scan3A_647#11 : vector<16xf32>
        %min3A_658 = arith.minimumf %scan3A_647#1, %scan3A_647#3 : vector<16xf32>
        %max3A_659 = arith.maximumf %max3A_657, %min3A_658 : vector<16xf32>
        %gt3A_660 = arith.cmpf ogt, %scan3A_647#3, %scan3A_647#1 : vector<16xf32>
        %eq3A_661 = arith.cmpf oeq, %scan3A_647#3, %scan3A_647#1 : vector<16xf32>
        %lt3A_662 = arith.cmpi slt, %scan3A_647#7, %scan3A_647#5 : vector<16xi32>
        %and3A_663 = arith.andi %eq3A_661, %lt3A_662 : vector<16xi1>
        %or3A_664 = arith.ori %gt3A_660, %and3A_663 : vector<16xi1>
        %select_n3A_665 = arith.select %or3A_664, %scan3A_647#3, %scan3A_647#1 : vector<16xi1>, vector<16xf32>
        %select_n3A_666 = arith.select %or3A_664, %scan3A_647#7, %scan3A_647#5 : vector<16xi1>, vector<16xi32>
        %max3A_667 = arith.maximumf %max3A_649, %max3A_659 : vector<16xf32>
        %min3A_668 = arith.minimumf %select_n3A_655, %select_n3A_665 : vector<16xf32>
        %max3A_669 = arith.maximumf %max3A_667, %min3A_668 : vector<16xf32>
        %gt3A_670 = arith.cmpf ogt, %select_n3A_665, %select_n3A_655 : vector<16xf32>
        %eq3A_671 = arith.cmpf oeq, %select_n3A_665, %select_n3A_655 : vector<16xf32>
        %lt3A_672 = arith.cmpi slt, %select_n3A_666, %select_n3A_656 : vector<16xi32>
        %and3A_673 = arith.andi %eq3A_671, %lt3A_672 : vector<16xi1>
        %or3A_674 = arith.ori %gt3A_670, %and3A_673 : vector<16xi1>
        %select_n3A_675 = arith.select %or3A_674, %select_n3A_665, %select_n3A_655 : vector<16xi1>, vector<16xf32>
        %select_n3A_676 = arith.select %or3A_674, %select_n3A_666, %select_n3A_656 : vector<16xi1>, vector<16xi32>
        %eq3A_677 = arith.constant 0 : i32
        %eq3A_678 = arith.cmpi eq, %sub3A_616, %eq3A_677 : i32
        %select_n3A_679 = arith.select %eq3A_678, %select_n3A_675, %while3A_590 : vector<16xf32>
        %select_n3A_680 = arith.select %eq3A_678, %select_n3A_676, %while3A_598 : vector<16xi32>
        %select_n3A_681 = arith.select %eq3A_678, %max3A_669, %while3A_606 : vector<16xf32>
        %eq3A_682 = arith.constant 1 : i32
        %eq3A_683 = arith.cmpi eq, %sub3A_616, %eq3A_682 : i32
        %select_n3A_684 = arith.select %eq3A_683, %select_n3A_675, %while3A_591 : vector<16xf32>
        %select_n3A_685 = arith.select %eq3A_683, %select_n3A_676, %while3A_599 : vector<16xi32>
        %select_n3A_686 = arith.select %eq3A_683, %max3A_669, %while3A_607 : vector<16xf32>
        %eq3A_687 = arith.constant 2 : i32
        %eq3A_688 = arith.cmpi eq, %sub3A_616, %eq3A_687 : i32
        %select_n3A_689 = arith.select %eq3A_688, %select_n3A_675, %while3A_592 : vector<16xf32>
        %select_n3A_690 = arith.select %eq3A_688, %select_n3A_676, %while3A_600 : vector<16xi32>
        %select_n3A_691 = arith.select %eq3A_688, %max3A_669, %while3A_608 : vector<16xf32>
        %eq3A_692 = arith.constant 3 : i32
        %eq3A_693 = arith.cmpi eq, %sub3A_616, %eq3A_692 : i32
        %select_n3A_694 = arith.select %eq3A_693, %select_n3A_675, %while3A_593 : vector<16xf32>
        %select_n3A_695 = arith.select %eq3A_693, %select_n3A_676, %while3A_601 : vector<16xi32>
        %select_n3A_696 = arith.select %eq3A_693, %max3A_669, %while3A_609 : vector<16xf32>
        %eq3A_697 = arith.constant 4 : i32
        %eq3A_698 = arith.cmpi eq, %sub3A_616, %eq3A_697 : i32
        %select_n3A_699 = arith.select %eq3A_698, %select_n3A_675, %while3A_594 : vector<16xf32>
        %select_n3A_700 = arith.select %eq3A_698, %select_n3A_676, %while3A_602 : vector<16xi32>
        %select_n3A_701 = arith.select %eq3A_698, %max3A_669, %while3A_610 : vector<16xf32>
        %eq3A_702 = arith.constant 5 : i32
        %eq3A_703 = arith.cmpi eq, %sub3A_616, %eq3A_702 : i32
        %select_n3A_704 = arith.select %eq3A_703, %select_n3A_675, %while3A_595 : vector<16xf32>
        %select_n3A_705 = arith.select %eq3A_703, %select_n3A_676, %while3A_603 : vector<16xi32>
        %select_n3A_706 = arith.select %eq3A_703, %max3A_669, %while3A_611 : vector<16xf32>
        %eq3A_707 = arith.constant 6 : i32
        %eq3A_708 = arith.cmpi eq, %sub3A_616, %eq3A_707 : i32
        %select_n3A_709 = arith.select %eq3A_708, %select_n3A_675, %while3A_596 : vector<16xf32>
        %select_n3A_710 = arith.select %eq3A_708, %select_n3A_676, %while3A_604 : vector<16xi32>
        %select_n3A_711 = arith.select %eq3A_708, %max3A_669, %while3A_612 : vector<16xf32>
        %eq3A_712 = arith.constant 7 : i32
        %eq3A_713 = arith.cmpi eq, %sub3A_616, %eq3A_712 : i32
        %select_n3A_714 = arith.select %eq3A_713, %select_n3A_675, %while3A_597 : vector<16xf32>
        %select_n3A_715 = arith.select %eq3A_713, %select_n3A_676, %while3A_605 : vector<16xi32>
        %select_n3A_716 = arith.select %eq3A_713, %max3A_669, %while3A_613 : vector<16xf32>
        %gt3A_717 = arith.cmpf ogt, %select_n3A_684, %select_n3A_679 : vector<16xf32>
        %eq3A_718 = arith.cmpf oeq, %select_n3A_684, %select_n3A_679 : vector<16xf32>
        %lt3A_719 = arith.cmpi slt, %select_n3A_685, %select_n3A_680 : vector<16xi32>
        %and3A_720 = arith.andi %eq3A_718, %lt3A_719 : vector<16xi1>
        %or3A_721 = arith.ori %gt3A_717, %and3A_720 : vector<16xi1>
        %select_n3A_722 = arith.select %or3A_721, %select_n3A_684, %select_n3A_679 : vector<16xi1>, vector<16xf32>
        %select_n3A_723 = arith.select %or3A_721, %select_n3A_685, %select_n3A_680 : vector<16xi1>, vector<16xi32>
        %gt3A_724 = arith.cmpf ogt, %select_n3A_689, %select_n3A_722 : vector<16xf32>
        %eq3A_725 = arith.cmpf oeq, %select_n3A_689, %select_n3A_722 : vector<16xf32>
        %lt3A_726 = arith.cmpi slt, %select_n3A_690, %select_n3A_723 : vector<16xi32>
        %and3A_727 = arith.andi %eq3A_725, %lt3A_726 : vector<16xi1>
        %or3A_728 = arith.ori %gt3A_724, %and3A_727 : vector<16xi1>
        %select_n3A_729 = arith.select %or3A_728, %select_n3A_689, %select_n3A_722 : vector<16xi1>, vector<16xf32>
        %select_n3A_730 = arith.select %or3A_728, %select_n3A_690, %select_n3A_723 : vector<16xi1>, vector<16xi32>
        %gt3A_731 = arith.cmpf ogt, %select_n3A_694, %select_n3A_729 : vector<16xf32>
        %eq3A_732 = arith.cmpf oeq, %select_n3A_694, %select_n3A_729 : vector<16xf32>
        %lt3A_733 = arith.cmpi slt, %select_n3A_695, %select_n3A_730 : vector<16xi32>
        %and3A_734 = arith.andi %eq3A_732, %lt3A_733 : vector<16xi1>
        %or3A_735 = arith.ori %gt3A_731, %and3A_734 : vector<16xi1>
        %select_n3A_736 = arith.select %or3A_735, %select_n3A_694, %select_n3A_729 : vector<16xi1>, vector<16xf32>
        %select_n3A_737 = arith.select %or3A_735, %select_n3A_695, %select_n3A_730 : vector<16xi1>, vector<16xi32>
        %gt3A_738 = arith.cmpf ogt, %select_n3A_699, %select_n3A_736 : vector<16xf32>
        %eq3A_739 = arith.cmpf oeq, %select_n3A_699, %select_n3A_736 : vector<16xf32>
        %lt3A_740 = arith.cmpi slt, %select_n3A_700, %select_n3A_737 : vector<16xi32>
        %and3A_741 = arith.andi %eq3A_739, %lt3A_740 : vector<16xi1>
        %or3A_742 = arith.ori %gt3A_738, %and3A_741 : vector<16xi1>
        %select_n3A_743 = arith.select %or3A_742, %select_n3A_699, %select_n3A_736 : vector<16xi1>, vector<16xf32>
        %select_n3A_744 = arith.select %or3A_742, %select_n3A_700, %select_n3A_737 : vector<16xi1>, vector<16xi32>
        %gt3A_745 = arith.cmpf ogt, %select_n3A_704, %select_n3A_743 : vector<16xf32>
        %eq3A_746 = arith.cmpf oeq, %select_n3A_704, %select_n3A_743 : vector<16xf32>
        %lt3A_747 = arith.cmpi slt, %select_n3A_705, %select_n3A_744 : vector<16xi32>
        %and3A_748 = arith.andi %eq3A_746, %lt3A_747 : vector<16xi1>
        %or3A_749 = arith.ori %gt3A_745, %and3A_748 : vector<16xi1>
        %select_n3A_750 = arith.select %or3A_749, %select_n3A_704, %select_n3A_743 : vector<16xi1>, vector<16xf32>
        %select_n3A_751 = arith.select %or3A_749, %select_n3A_705, %select_n3A_744 : vector<16xi1>, vector<16xi32>
        %gt3A_752 = arith.cmpf ogt, %select_n3A_709, %select_n3A_750 : vector<16xf32>
        %eq3A_753 = arith.cmpf oeq, %select_n3A_709, %select_n3A_750 : vector<16xf32>
        %lt3A_754 = arith.cmpi slt, %select_n3A_710, %select_n3A_751 : vector<16xi32>
        %and3A_755 = arith.andi %eq3A_753, %lt3A_754 : vector<16xi1>
        %or3A_756 = arith.ori %gt3A_752, %and3A_755 : vector<16xi1>
        %select_n3A_757 = arith.select %or3A_756, %select_n3A_709, %select_n3A_750 : vector<16xi1>, vector<16xf32>
        %select_n3A_758 = arith.select %or3A_756, %select_n3A_710, %select_n3A_751 : vector<16xi1>, vector<16xi32>
        %gt3A_759 = arith.cmpf ogt, %select_n3A_714, %select_n3A_757 : vector<16xf32>
        %eq3A_760 = arith.cmpf oeq, %select_n3A_714, %select_n3A_757 : vector<16xf32>
        %lt3A_761 = arith.cmpi slt, %select_n3A_715, %select_n3A_758 : vector<16xi32>
        %and3A_762 = arith.andi %eq3A_760, %lt3A_761 : vector<16xi1>
        %or3A_763 = arith.ori %gt3A_759, %and3A_762 : vector<16xi1>
        %select_n3A_764 = arith.select %or3A_763, %select_n3A_714, %select_n3A_757 : vector<16xi1>, vector<16xf32>
        %select_n3A_765 = arith.select %or3A_763, %select_n3A_715, %select_n3A_758 : vector<16xi1>, vector<16xi32>
        %eq3A_766 = vector.broadcast %reduce_max3A_399 : f32 to vector<16xf32>
        %eq3A_767 = arith.cmpf oeq, %select_n3A_764, %eq3A_766 : vector<16xf32>
        %jit3A_768 = arith.constant 0 : i32
        %broadcast_in_dim3A_769 = vector.broadcast %jit3A_768 : i32 to vector<16xi32>
        %select_n3A_770 = arith.select %eq3A_767, %select_n3A_765, %broadcast_in_dim3A_769 : vector<16xi1>, vector<16xi32>
        %reduce_max3A_771 = arith.constant true
        %reduce_max3A_772 = vector.broadcast %reduce_max3A_771 : i1 to vector<16xi1>
        %reduce_max3A_773 = arith.constant -2147483648 : i32
        %reduce_max3A_774 = vector.broadcast %reduce_max3A_773 : i32 to vector<16xi32>
        %reduce_max3A_775 = arith.xori %select_n3A_770, %reduce_max3A_774 : vector<16xi32>
        %reduce_max3A_776 = tpu.scan <max>, %reduce_max3A_775 masked %reduce_max3A_772 : vector<16xi32>, vector<16xi1> -> vector<16xi32>
        %reduce_max3A_777 = arith.xori %reduce_max3A_776, %reduce_max3A_774 : vector<16xi32>
        %reduce_max3A_778 = vector.extract %reduce_max3A_777[15] : i32 from vector<16xi32>
        scf.yield %select_n3A_679, %select_n3A_684, %select_n3A_689, %select_n3A_694, %select_n3A_699, %select_n3A_704, %select_n3A_709, %select_n3A_714, %select_n3A_680, %select_n3A_685, %select_n3A_690, %select_n3A_695, %select_n3A_700, %select_n3A_705, %select_n3A_710, %select_n3A_715, %select_n3A_681, %select_n3A_686, %select_n3A_691, %select_n3A_696, %select_n3A_701, %select_n3A_706, %select_n3A_711, %select_n3A_716, %reduce_max3A_778 : vector<16xf32>, vector<16xf32>, vector<16xf32>, vector<16xf32>, vector<16xf32>, vector<16xf32>, vector<16xf32>, vector<16xf32>, vector<16xi32>, vector<16xi32>, vector<16xi32>, vector<16xi32>, vector<16xi32>, vector<16xi32>, vector<16xi32>, vector<16xi32>, vector<16xf32>, vector<16xf32>, vector<16xf32>, vector<16xf32>, vector<16xf32>, vector<16xf32>, vector<16xf32>, vector<16xf32>, i32
      }
      %gt3A_413 = arith.cmpf ogt, %while3A#1, %while3A#0 : vector<16xf32>
      %eq3A_414 = arith.cmpf oeq, %while3A#1, %while3A#0 : vector<16xf32>
      %lt3A_415 = arith.cmpi slt, %while3A#9, %while3A#8 : vector<16xi32>
      %and3A_416 = arith.andi %eq3A_414, %lt3A_415 : vector<16xi1>
      %or3A_417 = arith.ori %gt3A_413, %and3A_416 : vector<16xi1>
      %select_n3A_418 = arith.select %or3A_417, %while3A#1, %while3A#0 : vector<16xi1>, vector<16xf32>
      %select_n3A_419 = arith.select %or3A_417, %while3A#9, %while3A#8 : vector<16xi1>, vector<16xi32>
      %gt3A_420 = arith.cmpf ogt, %while3A#2, %select_n3A_418 : vector<16xf32>
      %eq3A_421 = arith.cmpf oeq, %while3A#2, %select_n3A_418 : vector<16xf32>
      %lt3A_422 = arith.cmpi slt, %while3A#10, %select_n3A_419 : vector<16xi32>
      %and3A_423 = arith.andi %eq3A_421, %lt3A_422 : vector<16xi1>
      %or3A_424 = arith.ori %gt3A_420, %and3A_423 : vector<16xi1>
      %select_n3A_425 = arith.select %or3A_424, %while3A#2, %select_n3A_418 : vector<16xi1>, vector<16xf32>
      %select_n3A_426 = arith.select %or3A_424, %while3A#10, %select_n3A_419 : vector<16xi1>, vector<16xi32>
      %gt3A_427 = arith.cmpf ogt, %while3A#3, %select_n3A_425 : vector<16xf32>
      %eq3A_428 = arith.cmpf oeq, %while3A#3, %select_n3A_425 : vector<16xf32>
      %lt3A_429 = arith.cmpi slt, %while3A#11, %select_n3A_426 : vector<16xi32>
      %and3A_430 = arith.andi %eq3A_428, %lt3A_429 : vector<16xi1>
      %or3A_431 = arith.ori %gt3A_427, %and3A_430 : vector<16xi1>
      %select_n3A_432 = arith.select %or3A_431, %while3A#3, %select_n3A_425 : vector<16xi1>, vector<16xf32>
      %select_n3A_433 = arith.select %or3A_431, %while3A#11, %select_n3A_426 : vector<16xi1>, vector<16xi32>
      %gt3A_434 = arith.cmpf ogt, %while3A#4, %select_n3A_432 : vector<16xf32>
      %eq3A_435 = arith.cmpf oeq, %while3A#4, %select_n3A_432 : vector<16xf32>
      %lt3A_436 = arith.cmpi slt, %while3A#12, %select_n3A_433 : vector<16xi32>
      %and3A_437 = arith.andi %eq3A_435, %lt3A_436 : vector<16xi1>
      %or3A_438 = arith.ori %gt3A_434, %and3A_437 : vector<16xi1>
      %select_n3A_439 = arith.select %or3A_438, %while3A#4, %select_n3A_432 : vector<16xi1>, vector<16xf32>
      %select_n3A_440 = arith.select %or3A_438, %while3A#12, %select_n3A_433 : vector<16xi1>, vector<16xi32>
      %gt3A_441 = arith.cmpf ogt, %while3A#5, %select_n3A_439 : vector<16xf32>
      %eq3A_442 = arith.cmpf oeq, %while3A#5, %select_n3A_439 : vector<16xf32>
      %lt3A_443 = arith.cmpi slt, %while3A#13, %select_n3A_440 : vector<16xi32>
      %and3A_444 = arith.andi %eq3A_442, %lt3A_443 : vector<16xi1>
      %or3A_445 = arith.ori %gt3A_441, %and3A_444 : vector<16xi1>
      %select_n3A_446 = arith.select %or3A_445, %while3A#5, %select_n3A_439 : vector<16xi1>, vector<16xf32>
      %select_n3A_447 = arith.select %or3A_445, %while3A#13, %select_n3A_440 : vector<16xi1>, vector<16xi32>
      %gt3A_448 = arith.cmpf ogt, %while3A#6, %select_n3A_446 : vector<16xf32>
      %eq3A_449 = arith.cmpf oeq, %while3A#6, %select_n3A_446 : vector<16xf32>
      %lt3A_450 = arith.cmpi slt, %while3A#14, %select_n3A_447 : vector<16xi32>
      %and3A_451 = arith.andi %eq3A_449, %lt3A_450 : vector<16xi1>
      %or3A_452 = arith.ori %gt3A_448, %and3A_451 : vector<16xi1>
      %select_n3A_453 = arith.select %or3A_452, %while3A#6, %select_n3A_446 : vector<16xi1>, vector<16xf32>
      %select_n3A_454 = arith.select %or3A_452, %while3A#14, %select_n3A_447 : vector<16xi1>, vector<16xi32>
      %gt3A_455 = arith.cmpf ogt, %while3A#7, %select_n3A_453 : vector<16xf32>
      %eq3A_456 = arith.cmpf oeq, %while3A#7, %select_n3A_453 : vector<16xf32>
      %lt3A_457 = arith.cmpi slt, %while3A#15, %select_n3A_454 : vector<16xi32>
      %and3A_458 = arith.andi %eq3A_456, %lt3A_457 : vector<16xi1>
      %or3A_459 = arith.ori %gt3A_455, %and3A_458 : vector<16xi1>
      %select_n3A_460 = arith.select %or3A_459, %while3A#7, %select_n3A_453 : vector<16xi1>, vector<16xf32>
      %select_n3A_461 = arith.select %or3A_459, %while3A#15, %select_n3A_454 : vector<16xi1>, vector<16xi32>
      %eq3A_462 = vector.broadcast %reduce_max3A_399 : f32 to vector<16xf32>
      %eq3A_463 = arith.cmpf oeq, %select_n3A_460, %eq3A_462 : vector<16xf32>
      %jit3A_464 = arith.constant 2147483647 : i32
      %broadcast_in_dim3A_465 = vector.broadcast %jit3A_464 : i32 to vector<16xi32>
      %select_n3A_466 = arith.select %eq3A_463, %select_n3A_461, %broadcast_in_dim3A_465 : vector<16xi1>, vector<16xi32>
      %reduce_min3A = arith.constant true
      %reduce_min3A_467 = vector.broadcast %reduce_min3A : i1 to vector<16xi1>
      %reduce_min3A_468 = arith.constant -2147483648 : i32
      %reduce_min3A_469 = vector.broadcast %reduce_min3A_468 : i32 to vector<16xi32>
      %reduce_min3A_470 = arith.xori %select_n3A_466, %reduce_min3A_469 : vector<16xi32>
      %reduce_min3A_471 = tpu.scan <min>, %reduce_min3A_470 masked %reduce_min3A_467 : vector<16xi32>, vector<16xi1> -> vector<16xi32>
      %reduce_min3A_472 = arith.xori %reduce_min3A_471, %reduce_min3A_469 : vector<16xi32>
      %reduce_min3A_473 = vector.extract %reduce_min3A_472[15] : i32 from vector<16xi32>
      %eq3A_474 = vector.broadcast %scan3A_325 : i32 to vector<16xi32>
      %eq3A_475 = arith.cmpi eq, %iota3A, %eq3A_474 : vector<16xi32>
      %broadcast_in_dim3A_476 = vector.broadcast %reduce_max3A_399 : f32 to vector<16xf32>
      %select_n3A_477 = arith.select %eq3A_475, %broadcast_in_dim3A_476, %scan3A_350 : vector<16xi1>, vector<16xf32>
      %eq3A_478 = vector.broadcast %scan3A_325 : i32 to vector<16xi32>
      %eq3A_479 = arith.cmpi eq, %iota3A, %eq3A_478 : vector<16xi32>
      %broadcast_in_dim3A_480 = vector.broadcast %reduce_min3A_473 : i32 to vector<16xi32>
      %select_n3A_481 = arith.select %eq3A_479, %broadcast_in_dim3A_480, %scan3A_351 : vector<16xi1>, vector<16xi32>
      %shift_right_logical3A = arith.constant 15 : i32
      %shift_right_logical3A_482 = arith.shrui %reduce_min3A_473, %shift_right_logical3A : i32
      %sub3A_483 = arith.subi %shift_right_logical3A_482, %mul3A_18 : i32
      %and3A_484 = arith.constant 32767 : i32
      %and3A_485 = arith.andi %reduce_min3A_473, %and3A_484 : i32
      %sub3A_486 = arith.subi %and3A_485, %add3A_32 : i32
      %broadcast_in_dim3A_487 = vector.broadcast %sub3A_483 : i32 to vector<16xi32>
      %broadcast_in_dim3A_488 = vector.broadcast %sub3A_486 : i32 to vector<16xi32>
      %broadcast_in_dim3A_489 = arith.constant -1.000000e+00 : f32
      %broadcast_in_dim3A_490 = vector.broadcast %broadcast_in_dim3A_489 : f32 to vector<16xf32>
      %eq3A_491 = arith.constant 0 : i32
      %eq3A_492 = vector.broadcast %eq3A_491 : i32 to vector<16xi32>
      %eq3A_493 = arith.cmpi eq, %iota3A, %eq3A_492 : vector<16xi32>
      tpu.vector_store_idx %arg4[%broadcast_in_dim3A_487, %broadcast_in_dim3A_488], %broadcast_in_dim3A_490 masked %eq3A_493 : memref<8x4096xf32, #tpu.memory_space<vmem>>[vector<16xi32>, vector<16xi32>], vector<16xf32>, vector<16xi1>
      %shift_right_logical3A_494 = arith.constant 4 : i32
      %shift_right_logical3A_495 = arith.shrui %sub3A_486, %shift_right_logical3A_494 : i32
      %and3A_496 = arith.constant 7 : i32
      %and3A_497 = arith.andi %shift_right_logical3A_495, %and3A_496 : i32
      %and3A_498 = arith.constant 15 : i32
      %and3A_499 = arith.andi %sub3A_486, %and3A_498 : i32
      %eq3A_500 = vector.broadcast %and3A_499 : i32 to vector<16xi32>
      %eq3A_501 = arith.cmpi eq, %iota3A, %eq3A_500 : vector<16xi32>
      %eq3A_502 = arith.constant 0 : i32
      %eq3A_503 = arith.cmpi eq, %and3A_497, %eq3A_502 : i32
      %and3A_504 = vector.broadcast %eq3A_503 : i1 to vector<16xi1>
      %and3A_505 = arith.andi %eq3A_501, %and3A_504 : vector<16xi1>
      %select_n3A_506 = arith.select %and3A_505, %while3A#16, %while3A#0 : vector<16xi1>, vector<16xf32>
      %jit3A_507 = arith.constant 1073741824 : i32
      %broadcast_in_dim3A_508 = vector.broadcast %jit3A_507 : i32 to vector<16xi32>
      %select_n3A_509 = arith.select %and3A_505, %broadcast_in_dim3A_508, %while3A#8 : vector<16xi1>, vector<16xi32>
      %jit3A_510 = arith.constant -1.000000e+00 : f32
      %broadcast_in_dim3A_511 = vector.broadcast %jit3A_510 : f32 to vector<16xf32>
      %select_n3A_512 = arith.select %and3A_505, %broadcast_in_dim3A_511, %while3A#16 : vector<16xi1>, vector<16xf32>
      %eq3A_513 = arith.constant 1 : i32
      %eq3A_514 = arith.cmpi eq, %and3A_497, %eq3A_513 : i32
      %and3A_515 = vector.broadcast %eq3A_514 : i1 to vector<16xi1>
      %and3A_516 = arith.andi %eq3A_501, %and3A_515 : vector<16xi1>
      %select_n3A_517 = arith.select %and3A_516, %while3A#17, %while3A#1 : vector<16xi1>, vector<16xf32>
      %jit3A_518 = arith.constant 1073741825 : i32
      %broadcast_in_dim3A_519 = vector.broadcast %jit3A_518 : i32 to vector<16xi32>
      %select_n3A_520 = arith.select %and3A_516, %broadcast_in_dim3A_519, %while3A#9 : vector<16xi1>, vector<16xi32>
      %jit3A_521 = arith.constant -1.000000e+00 : f32
      %broadcast_in_dim3A_522 = vector.broadcast %jit3A_521 : f32 to vector<16xf32>
      %select_n3A_523 = arith.select %and3A_516, %broadcast_in_dim3A_522, %while3A#17 : vector<16xi1>, vector<16xf32>
      %eq3A_524 = arith.constant 2 : i32
      %eq3A_525 = arith.cmpi eq, %and3A_497, %eq3A_524 : i32
      %and3A_526 = vector.broadcast %eq3A_525 : i1 to vector<16xi1>
      %and3A_527 = arith.andi %eq3A_501, %and3A_526 : vector<16xi1>
      %select_n3A_528 = arith.select %and3A_527, %while3A#18, %while3A#2 : vector<16xi1>, vector<16xf32>
      %jit3A_529 = arith.constant 1073741826 : i32
      %broadcast_in_dim3A_530 = vector.broadcast %jit3A_529 : i32 to vector<16xi32>
      %select_n3A_531 = arith.select %and3A_527, %broadcast_in_dim3A_530, %while3A#10 : vector<16xi1>, vector<16xi32>
      %jit3A_532 = arith.constant -1.000000e+00 : f32
      %broadcast_in_dim3A_533 = vector.broadcast %jit3A_532 : f32 to vector<16xf32>
      %select_n3A_534 = arith.select %and3A_527, %broadcast_in_dim3A_533, %while3A#18 : vector<16xi1>, vector<16xf32>
      %eq3A_535 = arith.constant 3 : i32
      %eq3A_536 = arith.cmpi eq, %and3A_497, %eq3A_535 : i32
      %and3A_537 = vector.broadcast %eq3A_536 : i1 to vector<16xi1>
      %and3A_538 = arith.andi %eq3A_501, %and3A_537 : vector<16xi1>
      %select_n3A_539 = arith.select %and3A_538, %while3A#19, %while3A#3 : vector<16xi1>, vector<16xf32>
      %jit3A_540 = arith.constant 1073741827 : i32
      %broadcast_in_dim3A_541 = vector.broadcast %jit3A_540 : i32 to vector<16xi32>
      %select_n3A_542 = arith.select %and3A_538, %broadcast_in_dim3A_541, %while3A#11 : vector<16xi1>, vector<16xi32>
      %jit3A_543 = arith.constant -1.000000e+00 : f32
      %broadcast_in_dim3A_544 = vector.broadcast %jit3A_543 : f32 to vector<16xf32>
      %select_n3A_545 = arith.select %and3A_538, %broadcast_in_dim3A_544, %while3A#19 : vector<16xi1>, vector<16xf32>
      %eq3A_546 = arith.constant 4 : i32
      %eq3A_547 = arith.cmpi eq, %and3A_497, %eq3A_546 : i32
      %and3A_548 = vector.broadcast %eq3A_547 : i1 to vector<16xi1>
      %and3A_549 = arith.andi %eq3A_501, %and3A_548 : vector<16xi1>
      %select_n3A_550 = arith.select %and3A_549, %while3A#20, %while3A#4 : vector<16xi1>, vector<16xf32>
      %jit3A_551 = arith.constant 1073741828 : i32
      %broadcast_in_dim3A_552 = vector.broadcast %jit3A_551 : i32 to vector<16xi32>
      %select_n3A_553 = arith.select %and3A_549, %broadcast_in_dim3A_552, %while3A#12 : vector<16xi1>, vector<16xi32>
      %jit3A_554 = arith.constant -1.000000e+00 : f32
      %broadcast_in_dim3A_555 = vector.broadcast %jit3A_554 : f32 to vector<16xf32>
      %select_n3A_556 = arith.select %and3A_549, %broadcast_in_dim3A_555, %while3A#20 : vector<16xi1>, vector<16xf32>
      %eq3A_557 = arith.constant 5 : i32
      %eq3A_558 = arith.cmpi eq, %and3A_497, %eq3A_557 : i32
      %and3A_559 = vector.broadcast %eq3A_558 : i1 to vector<16xi1>
      %and3A_560 = arith.andi %eq3A_501, %and3A_559 : vector<16xi1>
      %select_n3A_561 = arith.select %and3A_560, %while3A#21, %while3A#5 : vector<16xi1>, vector<16xf32>
      %jit3A_562 = arith.constant 1073741829 : i32
      %broadcast_in_dim3A_563 = vector.broadcast %jit3A_562 : i32 to vector<16xi32>
      %select_n3A_564 = arith.select %and3A_560, %broadcast_in_dim3A_563, %while3A#13 : vector<16xi1>, vector<16xi32>
      %jit3A_565 = arith.constant -1.000000e+00 : f32
      %broadcast_in_dim3A_566 = vector.broadcast %jit3A_565 : f32 to vector<16xf32>
      %select_n3A_567 = arith.select %and3A_560, %broadcast_in_dim3A_566, %while3A#21 : vector<16xi1>, vector<16xf32>
      %eq3A_568 = arith.constant 6 : i32
      %eq3A_569 = arith.cmpi eq, %and3A_497, %eq3A_568 : i32
      %and3A_570 = vector.broadcast %eq3A_569 : i1 to vector<16xi1>
      %and3A_571 = arith.andi %eq3A_501, %and3A_570 : vector<16xi1>
      %select_n3A_572 = arith.select %and3A_571, %while3A#22, %while3A#6 : vector<16xi1>, vector<16xf32>
      %jit3A_573 = arith.constant 1073741830 : i32
      %broadcast_in_dim3A_574 = vector.broadcast %jit3A_573 : i32 to vector<16xi32>
      %select_n3A_575 = arith.select %and3A_571, %broadcast_in_dim3A_574, %while3A#14 : vector<16xi1>, vector<16xi32>
      %jit3A_576 = arith.constant -1.000000e+00 : f32
      %broadcast_in_dim3A_577 = vector.broadcast %jit3A_576 : f32 to vector<16xf32>
      %select_n3A_578 = arith.select %and3A_571, %broadcast_in_dim3A_577, %while3A#22 : vector<16xi1>, vector<16xf32>
      %eq3A_579 = arith.constant 7 : i32
      %eq3A_580 = arith.cmpi eq, %and3A_497, %eq3A_579 : i32
      %and3A_581 = vector.broadcast %eq3A_580 : i1 to vector<16xi1>
      %and3A_582 = arith.andi %eq3A_501, %and3A_581 : vector<16xi1>
      %select_n3A_583 = arith.select %and3A_582, %while3A#23, %while3A#7 : vector<16xi1>, vector<16xf32>
      %jit3A_584 = arith.constant 1073741831 : i32
      %broadcast_in_dim3A_585 = vector.broadcast %jit3A_584 : i32 to vector<16xi32>
      %select_n3A_586 = arith.select %and3A_582, %broadcast_in_dim3A_585, %while3A#15 : vector<16xi1>, vector<16xi32>
      %jit3A_587 = arith.constant -1.000000e+00 : f32
      %broadcast_in_dim3A_588 = vector.broadcast %jit3A_587 : f32 to vector<16xf32>
      %select_n3A_589 = arith.select %and3A_582, %broadcast_in_dim3A_588, %while3A#23 : vector<16xi1>, vector<16xf32>
      scf.yield %select_n3A_506, %select_n3A_517, %select_n3A_528, %select_n3A_539, %select_n3A_550, %select_n3A_561, %select_n3A_572, %select_n3A_583, %select_n3A_509, %select_n3A_520, %select_n3A_531, %select_n3A_542, %select_n3A_553, %select_n3A_564, %select_n3A_575, %select_n3A_586, %select_n3A_512, %select_n3A_523, %select_n3A_534, %select_n3A_545, %select_n3A_556, %select_n3A_567, %select_n3A_578, %select_n3A_589, %select_n3A_477, %select_n3A_481 : vector<16xf32>, vector<16xf32>, vector<16xf32>, vector<16xf32>, vector<16xf32>, vector<16xf32>, vector<16xf32>, vector<16xf32>, vector<16xi32>, vector<16xi32>, vector<16xi32>, vector<16xi32>, vector<16xi32>, vector<16xi32>, vector<16xi32>, vector<16xi32>, vector<16xf32>, vector<16xf32>, vector<16xf32>, vector<16xf32>, vector<16xf32>, vector<16xf32>, vector<16xf32>, vector<16xf32>, vector<16xf32>, vector<16xi32>
    }
    %scan3A_94 = arith.constant 10 : i32
    %swap3A = arith.constant 0 : index
    %swap3A_95 = tpu.vector_load %arg6[%swap3A] {strides = array<i32>} : memref<128xf32, #tpu.memory_space<vmem>>, vector<16xf32>,
    tpu.vector_store %arg6[%swap3A], %scan3A_93#24 {strides = array<i32>} : memref<128xf32, #tpu.memory_space<vmem>>, vector<16xf32>,
    %bitcast3A = vector.bitcast %scan3A_93#25 : vector<16xi32> to vector<16xf32>
    %swap3A_96 = arith.constant 64 : index
    %swap3A_97 = tpu.vector_load %arg6[%swap3A_96] {strides = array<i32>} : memref<128xf32, #tpu.memory_space<vmem>>, vector<16xf32>,
    tpu.vector_store %arg6[%swap3A_96], %bitcast3A {strides = array<i32>} : memref<128xf32, #tpu.memory_space<vmem>>, vector<16xf32>,
    %add3A_98 = arith.constant 8192 : i32
    %add3A_99 = arith.addi %mul3A_22, %add3A_98 : i32
    %dma_start3A_100 = tpu.memref_slice %arg2[%mul3A_18, %add3A_99] : memref<128x32768xf32, #tpu.memory_space<hbm>> -> memref<8x4096xf32, #tpu.memory_space<hbm>>
    %dma_start3A_101 = tpu.memref_slice %arg2[%mul3A_18, %add3A_99] : memref<128x32768xf32, #tpu.memory_space<hbm>> -> memref<8x4096xf32, #tpu.memory_space<hbm>>
    tpu.enqueue_dma source(%dma_start3A_101 : memref<8x4096xf32, #tpu.memory_space<hbm>>) target(%arg4 : memref<8x4096xf32, #tpu.memory_space<vmem>>) target_semaphore(%arg7 : memref<!tpu.dma_semaphore, #tpu.memory_space<semaphore_mem>>)
    %dma_wait3A_102 = tpu.memref_slice %arg2[%mul3A_18, %add3A_27] : memref<128x32768xf32, #tpu.memory_space<hbm>> -> memref<8x4096xf32, #tpu.memory_space<hbm>>
    %dma_wait3A_103 = tpu.memref_slice %arg2[%mul3A_18, %add3A_27] : memref<128x32768xf32, #tpu.memory_space<hbm>> -> memref<8x4096xf32, #tpu.memory_space<hbm>>
    tpu.wait_dma2 semaphore(%arg8 : memref<!tpu.dma_semaphore, #tpu.memory_space<semaphore_mem>>) src(%dma_wait3A_103 : memref<8x4096xf32, #tpu.memory_space<hbm>>) dst(%arg5 : memref<8x4096xf32, #tpu.memory_space<vmem>>)
    %add3A_104 = arith.constant 4096 : i32
    %add3A_105 = arith.addi %mul3A_22, %add3A_104 : i32
    %broadcast_in_dim3A_106 = arith.constant -1.000000e+00 : f32
    %broadcast_in_dim3A_107 = vector.broadcast %broadcast_in_dim3A_106 : f32 to vector<16xf32>
    %broadcast_in_dim3A_108 = arith.constant -1.000000e+00 : f32
    %broadcast_in_dim3A_109 = vector.broadcast %broadcast_in_dim3A_108 : f32 to vector<16xf32>
    %broadcast_in_dim3A_110 = arith.constant -1.000000e+00 : f32
    %broadcast_in_dim3A_111 = vector.broadcast %broadcast_in_dim3A_110 : f32 to vector<16xf32>
    %broadcast_in_dim3A_112 = arith.constant -1.000000e+00 : f32
    %broadcast_in_dim3A_113 = vector.broadcast %broadcast_in_dim3A_112 : f32 to vector<16xf32>
    %broadcast_in_dim3A_114 = arith.constant -1.000000e+00 : f32
    %broadcast_in_dim3A_115 = vector.broadcast %broadcast_in_dim3A_114 : f32 to vector<16xf32>
    %broadcast_in_dim3A_116 = arith.constant -1.000000e+00 : f32
    %broadcast_in_dim3A_117 = vector.broadcast %broadcast_in_dim3A_116 : f32 to vector<16xf32>
    %broadcast_in_dim3A_118 = arith.constant -1.000000e+00 : f32
    %broadcast_in_dim3A_119 = vector.broadcast %broadcast_in_dim3A_118 : f32 to vector<16xf32>
    %broadcast_in_dim3A_120 = arith.constant -1.000000e+00 : f32
    %broadcast_in_dim3A_121 = vector.broadcast %broadcast_in_dim3A_120 : f32 to vector<16xf32>
    %broadcast_in_dim3A_122 = arith.constant 2147483647 : i32
    %broadcast_in_dim3A_123 = vector.broadcast %broadcast_in_dim3A_122 : i32 to vector<16xi32>
    %broadcast_in_dim3A_124 = arith.constant 2147483647 : i32
    %broadcast_in_dim3A_125 = vector.broadcast %broadcast_in_dim3A_124 : i32 to vector<16xi32>
    %broadcast_in_dim3A_126 = arith.constant 2147483647 : i32
    %broadcast_in_dim3A_127 = vector.broadcast %broadcast_in_dim3A_126 : i32 to vector<16xi32>
    %broadcast_in_dim3A_128 = arith.constant 2147483647 : i32
    %broadcast_in_dim3A_129 = vector.broadcast %broadcast_in_dim3A_128 : i32 to vector<16xi32>
    %broadcast_in_dim3A_130 = arith.constant 2147483647 : i32
    %broadcast_in_dim3A_131 = vector.broadcast %broadcast_in_dim3A_130 : i32 to vector<16xi32>
    %broadcast_in_dim3A_132 = arith.constant 2147483647 : i32
    %broadcast_in_dim3A_133 = vector.broadcast %broadcast_in_dim3A_132 : i32 to vector<16xi32>
    %broadcast_in_dim3A_134 = arith.constant 2147483647 : i32
    %broadcast_in_dim3A_135 = vector.broadcast %broadcast_in_dim3A_134 : i32 to vector<16xi32>
    %broadcast_in_dim3A_136 = arith.constant 2147483647 : i32
    %broadcast_in_dim3A_137 = vector.broadcast %broadcast_in_dim3A_136 : i32 to vector<16xi32>
    %broadcast_in_dim3A_138 = arith.constant -1.000000e+00 : f32
    %broadcast_in_dim3A_139 = vector.broadcast %broadcast_in_dim3A_138 : f32 to vector<16xf32>
    %broadcast_in_dim3A_140 = arith.constant -1.000000e+00 : f32
    %broadcast_in_dim3A_141 = vector.broadcast %broadcast_in_dim3A_140 : f32 to vector<16xf32>
    %broadcast_in_dim3A_142 = arith.constant -1.000000e+00 : f32
    %broadcast_in_dim3A_143 = vector.broadcast %broadcast_in_dim3A_142 : f32 to vector<16xf32>
    %broadcast_in_dim3A_144 = arith.constant -1.000000e+00 : f32
    %broadcast_in_dim3A_145 = vector.broadcast %broadcast_in_dim3A_144 : f32 to vector<16xf32>
    %broadcast_in_dim3A_146 = arith.constant -1.000000e+00 : f32
    %broadcast_in_dim3A_147 = vector.broadcast %broadcast_in_dim3A_146 : f32 to vector<16xf32>
    %broadcast_in_dim3A_148 = arith.constant -1.000000e+00 : f32
    %broadcast_in_dim3A_149 = vector.broadcast %broadcast_in_dim3A_148 : f32 to vector<16xf32>
    %broadcast_in_dim3A_150 = arith.constant -1.000000e+00 : f32
    %broadcast_in_dim3A_151 = vector.broadcast %broadcast_in_dim3A_150 : f32 to vector<16xf32>
    %broadcast_in_dim3A_152 = arith.constant -1.000000e+00 : f32
    %broadcast_in_dim3A_153 = vector.broadcast %broadcast_in_dim3A_152 : f32 to vector<16xf32>
    %scan3A_154 = arith.constant 0 : i32
    %scan3A_155 = arith.constant 128 : i32
    %scan3A_156 = arith.addi %scan3A_154, %scan3A_155 : i32
    %scan3A_157 = arith.constant 1 : i32
    %scan3A_158:24 = scf.for %scan3A_325 = %scan3A_154 to %scan3A_156 step %scan3A_157 iter_args(%scan3A_326 = %broadcast_in_dim3A_107, %scan3A_327 = %broadcast_in_dim3A_109, %scan3A_328 = %broadcast_in_dim3A_111, %scan3A_329 = %broadcast_in_dim3A_113, %scan3A_330 = %broadcast_in_dim3A_115, %scan3A_331 = %broadcast_in_dim3A_117, %scan3A_332 = %broadcast_in_dim3A_119, %scan3A_333 = %broadcast_in_dim3A_121, %scan3A_334 = %broadcast_in_dim3A_123, %scan3A_335 = %broadcast_in_dim3A_125, %scan3A_336 = %broadcast_in_dim3A_127, %scan3A_337 = %broadcast_in_dim3A_129, %scan3A_338 = %broadcast_in_dim3A_131, %scan3A_339 = %broadcast_in_dim3A_133, %scan3A_340 = %broadcast_in_dim3A_135, %scan3A_341 = %broadcast_in_dim3A_137, %scan3A_342 = %broadcast_in_dim3A_139, %scan3A_343 = %broadcast_in_dim3A_141, %scan3A_344 = %broadcast_in_dim3A_143, %scan3A_345 = %broadcast_in_dim3A_145, %scan3A_346 = %broadcast_in_dim3A_147, %scan3A_347 = %broadcast_in_dim3A_149, %scan3A_348 = %broadcast_in_dim3A_151, %scan3A_349 = %broadcast_in_dim3A_153) -> (vector<16xf32>, vector<16xf32>, vector<16xf32>, vector<16xf32>, vector<16xf32>, vector<16xf32>, vector<16xf32>, vector<16xf32>, vector<16xi32>, vector<16xi32>, vector<16xi32>, vector<16xi32>, vector<16xi32>, vector<16xi32>, vector<16xi32>, vector<16xi32>, vector<16xf32>, vector<16xf32>, vector<16xf32>, vector<16xf32>, vector<16xf32>, vector<16xf32>, vector<16xf32>, vector<16xf32>)  : i32 {
      %jit3A_350 = arith.constant 16 : i32
      %div3A_351 = arith.divsi %scan3A_325, %jit3A_350 : i32
      %sign3A_352 = arith.constant 0 : i32
      %sign3A_353 = arith.cmpi sgt, %scan3A_325, %sign3A_352 : i32
      %sign3A_354 = arith.extui %sign3A_353 : i1 to i32
      %sign3A_355 = arith.constant 0 : i32
      %sign3A_356 = arith.cmpi slt, %scan3A_325, %sign3A_355 : i32
      %sign3A_357 = arith.extui %sign3A_356 : i1 to i32
      %sign3A_358 = arith.subi %sign3A_354, %sign3A_357 : i32
      %sign3A_359 = arith.constant 0 : i32
      %sign3A_360 = arith.cmpi sgt, %jit3A_350, %sign3A_359 : i32
      %sign3A_361 = arith.extui %sign3A_360 : i1 to i32
      %sign3A_362 = arith.constant 0 : i32
      %sign3A_363 = arith.cmpi slt, %jit3A_350, %sign3A_362 : i32
      %sign3A_364 = arith.extui %sign3A_363 : i1 to i32
      %sign3A_365 = arith.subi %sign3A_361, %sign3A_364 : i32
      %ne3A_366 = arith.cmpi ne, %sign3A_358, %sign3A_365 : i32
      %rem3A_367 = arith.remsi %scan3A_325, %jit3A_350 : i32
      %ne3A_368 = arith.constant 0 : i32
      %ne3A_369 = arith.cmpi ne, %rem3A_367, %ne3A_368 : i32
      %and3A_370 = arith.andi %ne3A_366, %ne3A_369 : i1
      %sub3A_371 = arith.constant 1 : i32
      %sub3A_372 = arith.subi %div3A_351, %sub3A_371 : i32
      %select_n3A_373 = arith.select %and3A_370, %sub3A_372, %div3A_351 : i32
      %jit3A_374 = arith.constant 16 : i32
      %eq3A = arith.constant 0 : i32
      %eq3A_375 = arith.cmpi eq, %jit3A_374, %eq3A : i32
      %jit3A_376 = arith.constant 1 : i32
      %select_n3A_377 = arith.select %eq3A_375, %jit3A_376, %jit3A_374 : i32
      %rem3A_378 = arith.remsi %scan3A_325, %select_n3A_377 : i32
      %ne3A_379 = arith.constant 0 : i32
      %ne3A_380 = arith.cmpi ne, %rem3A_378, %ne3A_379 : i32
      %lt3A = arith.constant 0 : i32
      %lt3A_381 = arith.cmpi slt, %rem3A_378, %lt3A : i32
      %lt3A_382 = arith.constant 0 : i32
      %lt3A_383 = arith.cmpi slt, %select_n3A_377, %lt3A_382 : i32
      %ne3A_384 = arith.xori %lt3A_381, %lt3A_383 : i1
      %and3A_385 = arith.andi %ne3A_384, %ne3A_380 : i1
      %add3A_386 = arith.addi %rem3A_378, %select_n3A_377 : i32
      %select_n3A_387 = arith.select %and3A_385, %add3A_386, %rem3A_378 : i32
      %mul3A_388 = arith.constant 256 : i32
      %mul3A_389 = arith.muli %select_n3A_387, %mul3A_388 : i32
      %add3A_390 = arith.addi %mul3A_18, %select_n3A_373 : i32
      %mul3A_391 = arith.constant 32768 : i32
      %mul3A_392 = arith.muli %add3A_390, %mul3A_391 : i32
      %add3A_393 = arith.addi %mul3A_392, %add3A_105 : i32
      %add3A_394 = arith.addi %add3A_393, %mul3A_389 : i32
      %add3A_395 = vector.broadcast %add3A_394 : i32 to vector<16xi32>
      %add3A_396 = arith.addi %add3A_395, %iota3A : vector<16xi32>
      %add3A_397 = arith.constant 0 : i32
      %add3A_398 = arith.addi %mul3A_389, %add3A_397 : i32
      %get3A = arith.index_cast %select_n3A_373 : i32 to index
      %get3A_399 = arith.index_cast %add3A_398 : i32 to index
      %get3A_400 = tpu.vector_load %arg5[%get3A, %get3A_399] {strides = array<i32>} : memref<8x4096xf32, #tpu.memory_space<vmem>>, vector<16xf32>,
      %gt3A = arith.cmpf ogt, %get3A_400, %scan3A_326 : vector<16xf32>
      %min3A = arith.minimumf %get3A_400, %scan3A_326 : vector<16xf32>
      %max3A = arith.maximumf %scan3A_342, %min3A : vector<16xf32>
      %select_n3A_401 = arith.select %gt3A, %get3A_400, %scan3A_326 : vector<16xi1>, vector<16xf32>
      %select_n3A_402 = arith.select %gt3A, %add3A_396, %scan3A_334 : vector<16xi1>, vector<16xi32>
      %add3A_403 = arith.constant 16 : i32
      %add3A_404 = vector.broadcast %add3A_403 : i32 to vector<16xi32>
      %add3A_405 = arith.addi %add3A_396, %add3A_404 : vector<16xi32>
      %add3A_406 = arith.constant 16 : i32
      %add3A_407 = arith.addi %mul3A_389, %add3A_406 : i32
      %get3A_408 = arith.index_cast %select_n3A_373 : i32 to index
      %get3A_409 = arith.index_cast %add3A_407 : i32 to index
      %get3A_410 = tpu.vector_load %arg5[%get3A_408, %get3A_409] {strides = array<i32>} : memref<8x4096xf32, #tpu.memory_space<vmem>>, vector<16xf32>,
      %gt3A_411 = arith.cmpf ogt, %get3A_410, %scan3A_327 : vector<16xf32>
      %min3A_412 = arith.minimumf %get3A_410, %scan3A_327 : vector<16xf32>
      %max3A_413 = arith.maximumf %scan3A_343, %min3A_412 : vector<16xf32>
      %select_n3A_414 = arith.select %gt3A_411, %get3A_410, %scan3A_327 : vector<16xi1>, vector<16xf32>
      %select_n3A_415 = arith.select %gt3A_411, %add3A_405, %scan3A_335 : vector<16xi1>, vector<16xi32>
      %add3A_416 = arith.constant 16 : i32
      %add3A_417 = vector.broadcast %add3A_416 : i32 to vector<16xi32>
      %add3A_418 = arith.addi %add3A_405, %add3A_417 : vector<16xi32>
      %add3A_419 = arith.constant 32 : i32
      %add3A_420 = arith.addi %mul3A_389, %add3A_419 : i32
      %get3A_421 = arith.index_cast %select_n3A_373 : i32 to index
      %get3A_422 = arith.index_cast %add3A_420 : i32 to index
      %get3A_423 = tpu.vector_load %arg5[%get3A_421, %get3A_422] {strides = array<i32>} : memref<8x4096xf32, #tpu.memory_space<vmem>>, vector<16xf32>,
      %gt3A_424 = arith.cmpf ogt, %get3A_423, %scan3A_328 : vector<16xf32>
      %min3A_425 = arith.minimumf %get3A_423, %scan3A_328 : vector<16xf32>
      %max3A_426 = arith.maximumf %scan3A_344, %min3A_425 : vector<16xf32>
      %select_n3A_427 = arith.select %gt3A_424, %get3A_423, %scan3A_328 : vector<16xi1>, vector<16xf32>
      %select_n3A_428 = arith.select %gt3A_424, %add3A_418, %scan3A_336 : vector<16xi1>, vector<16xi32>
      %add3A_429 = arith.constant 16 : i32
      %add3A_430 = vector.broadcast %add3A_429 : i32 to vector<16xi32>
      %add3A_431 = arith.addi %add3A_418, %add3A_430 : vector<16xi32>
      %add3A_432 = arith.constant 48 : i32
      %add3A_433 = arith.addi %mul3A_389, %add3A_432 : i32
      %get3A_434 = arith.index_cast %select_n3A_373 : i32 to index
      %get3A_435 = arith.index_cast %add3A_433 : i32 to index
      %get3A_436 = tpu.vector_load %arg5[%get3A_434, %get3A_435] {strides = array<i32>} : memref<8x4096xf32, #tpu.memory_space<vmem>>, vector<16xf32>,
      %gt3A_437 = arith.cmpf ogt, %get3A_436, %scan3A_329 : vector<16xf32>
      %min3A_438 = arith.minimumf %get3A_436, %scan3A_329 : vector<16xf32>
      %max3A_439 = arith.maximumf %scan3A_345, %min3A_438 : vector<16xf32>
      %select_n3A_440 = arith.select %gt3A_437, %get3A_436, %scan3A_329 : vector<16xi1>, vector<16xf32>
      %select_n3A_441 = arith.select %gt3A_437, %add3A_431, %scan3A_337 : vector<16xi1>, vector<16xi32>
      %add3A_442 = arith.constant 16 : i32
      %add3A_443 = vector.broadcast %add3A_442 : i32 to vector<16xi32>
      %add3A_444 = arith.addi %add3A_431, %add3A_443 : vector<16xi32>
      %add3A_445 = arith.constant 64 : i32
      %add3A_446 = arith.addi %mul3A_389, %add3A_445 : i32
      %get3A_447 = arith.index_cast %select_n3A_373 : i32 to index
      %get3A_448 = arith.index_cast %add3A_446 : i32 to index
      %get3A_449 = tpu.vector_load %arg5[%get3A_447, %get3A_448] {strides = array<i32>} : memref<8x4096xf32, #tpu.memory_space<vmem>>, vector<16xf32>,
      %gt3A_450 = arith.cmpf ogt, %get3A_449, %scan3A_330 : vector<16xf32>
      %min3A_451 = arith.minimumf %get3A_449, %scan3A_330 : vector<16xf32>
      %max3A_452 = arith.maximumf %scan3A_346, %min3A_451 : vector<16xf32>
      %select_n3A_453 = arith.select %gt3A_450, %get3A_449, %scan3A_330 : vector<16xi1>, vector<16xf32>
      %select_n3A_454 = arith.select %gt3A_450, %add3A_444, %scan3A_338 : vector<16xi1>, vector<16xi32>
      %add3A_455 = arith.constant 16 : i32
      %add3A_456 = vector.broadcast %add3A_455 : i32 to vector<16xi32>
      %add3A_457 = arith.addi %add3A_444, %add3A_456 : vector<16xi32>
      %add3A_458 = arith.constant 80 : i32
      %add3A_459 = arith.addi %mul3A_389, %add3A_458 : i32
      %get3A_460 = arith.index_cast %select_n3A_373 : i32 to index
      %get3A_461 = arith.index_cast %add3A_459 : i32 to index
      %get3A_462 = tpu.vector_load %arg5[%get3A_460, %get3A_461] {strides = array<i32>} : memref<8x4096xf32, #tpu.memory_space<vmem>>, vector<16xf32>,
      %gt3A_463 = arith.cmpf ogt, %get3A_462, %scan3A_331 : vector<16xf32>
      %min3A_464 = arith.minimumf %get3A_462, %scan3A_331 : vector<16xf32>
      %max3A_465 = arith.maximumf %scan3A_347, %min3A_464 : vector<16xf32>
      %select_n3A_466 = arith.select %gt3A_463, %get3A_462, %scan3A_331 : vector<16xi1>, vector<16xf32>
      %select_n3A_467 = arith.select %gt3A_463, %add3A_457, %scan3A_339 : vector<16xi1>, vector<16xi32>
      %add3A_468 = arith.constant 16 : i32
      %add3A_469 = vector.broadcast %add3A_468 : i32 to vector<16xi32>
      %add3A_470 = arith.addi %add3A_457, %add3A_469 : vector<16xi32>
      %add3A_471 = arith.constant 96 : i32
      %add3A_472 = arith.addi %mul3A_389, %add3A_471 : i32
      %get3A_473 = arith.index_cast %select_n3A_373 : i32 to index
      %get3A_474 = arith.index_cast %add3A_472 : i32 to index
      %get3A_475 = tpu.vector_load %arg5[%get3A_473, %get3A_474] {strides = array<i32>} : memref<8x4096xf32, #tpu.memory_space<vmem>>, vector<16xf32>,
      %gt3A_476 = arith.cmpf ogt, %get3A_475, %scan3A_332 : vector<16xf32>
      %min3A_477 = arith.minimumf %get3A_475, %scan3A_332 : vector<16xf32>
      %max3A_478 = arith.maximumf %scan3A_348, %min3A_477 : vector<16xf32>
      %select_n3A_479 = arith.select %gt3A_476, %get3A_475, %scan3A_332 : vector<16xi1>, vector<16xf32>
      %select_n3A_480 = arith.select %gt3A_476, %add3A_470, %scan3A_340 : vector<16xi1>, vector<16xi32>
      %add3A_481 = arith.constant 16 : i32
      %add3A_482 = vector.broadcast %add3A_481 : i32 to vector<16xi32>
      %add3A_483 = arith.addi %add3A_470, %add3A_482 : vector<16xi32>
      %add3A_484 = arith.constant 112 : i32
      %add3A_485 = arith.addi %mul3A_389, %add3A_484 : i32
      %get3A_486 = arith.index_cast %select_n3A_373 : i32 to index
      %get3A_487 = arith.index_cast %add3A_485 : i32 to index
      %get3A_488 = tpu.vector_load %arg5[%get3A_486, %get3A_487] {strides = array<i32>} : memref<8x4096xf32, #tpu.memory_space<vmem>>, vector<16xf32>,
      %gt3A_489 = arith.cmpf ogt, %get3A_488, %scan3A_333 : vector<16xf32>
      %min3A_490 = arith.minimumf %get3A_488, %scan3A_333 : vector<16xf32>
      %max3A_491 = arith.maximumf %scan3A_349, %min3A_490 : vector<16xf32>
      %select_n3A_492 = arith.select %gt3A_489, %get3A_488, %scan3A_333 : vector<16xi1>, vector<16xf32>
      %select_n3A_493 = arith.select %gt3A_489, %add3A_483, %scan3A_341 : vector<16xi1>, vector<16xi32>
      %add3A_494 = arith.constant 16 : i32
      %add3A_495 = vector.broadcast %add3A_494 : i32 to vector<16xi32>
      %add3A_496 = arith.addi %add3A_483, %add3A_495 : vector<16xi32>
      %add3A_497 = arith.constant 128 : i32
      %add3A_498 = arith.addi %mul3A_389, %add3A_497 : i32
      %get3A_499 = arith.index_cast %select_n3A_373 : i32 to index
      %get3A_500 = arith.index_cast %add3A_498 : i32 to index
      %get3A_501 = tpu.vector_load %arg5[%get3A_499, %get3A_500] {strides = array<i32>} : memref<8x4096xf32, #tpu.memory_space<vmem>>, vector<16xf32>,
      %gt3A_502 = arith.cmpf ogt, %get3A_501, %select_n3A_401 : vector<16xf32>
      %min3A_503 = arith.minimumf %get3A_501, %select_n3A_401 : vector<16xf32>
      %max3A_504 = arith.maximumf %max3A, %min3A_503 : vector<16xf32>
      %select_n3A_505 = arith.select %gt3A_502, %get3A_501, %select_n3A_401 : vector<16xi1>, vector<16xf32>
      %select_n3A_506 = arith.select %gt3A_502, %add3A_496, %select_n3A_402 : vector<16xi1>, vector<16xi32>
      %add3A_507 = arith.constant 16 : i32
      %add3A_508 = vector.broadcast %add3A_507 : i32 to vector<16xi32>
      %add3A_509 = arith.addi %add3A_496, %add3A_508 : vector<16xi32>
      %add3A_510 = arith.constant 144 : i32
      %add3A_511 = arith.addi %mul3A_389, %add3A_510 : i32
      %get3A_512 = arith.index_cast %select_n3A_373 : i32 to index
      %get3A_513 = arith.index_cast %add3A_511 : i32 to index
      %get3A_514 = tpu.vector_load %arg5[%get3A_512, %get3A_513] {strides = array<i32>} : memref<8x4096xf32, #tpu.memory_space<vmem>>, vector<16xf32>,
      %gt3A_515 = arith.cmpf ogt, %get3A_514, %select_n3A_414 : vector<16xf32>
      %min3A_516 = arith.minimumf %get3A_514, %select_n3A_414 : vector<16xf32>
      %max3A_517 = arith.maximumf %max3A_413, %min3A_516 : vector<16xf32>
      %select_n3A_518 = arith.select %gt3A_515, %get3A_514, %select_n3A_414 : vector<16xi1>, vector<16xf32>
      %select_n3A_519 = arith.select %gt3A_515, %add3A_509, %select_n3A_415 : vector<16xi1>, vector<16xi32>
      %add3A_520 = arith.constant 16 : i32
      %add3A_521 = vector.broadcast %add3A_520 : i32 to vector<16xi32>
      %add3A_522 = arith.addi %add3A_509, %add3A_521 : vector<16xi32>
      %add3A_523 = arith.constant 160 : i32
      %add3A_524 = arith.addi %mul3A_389, %add3A_523 : i32
      %get3A_525 = arith.index_cast %select_n3A_373 : i32 to index
      %get3A_526 = arith.index_cast %add3A_524 : i32 to index
      %get3A_527 = tpu.vector_load %arg5[%get3A_525, %get3A_526] {strides = array<i32>} : memref<8x4096xf32, #tpu.memory_space<vmem>>, vector<16xf32>,
      %gt3A_528 = arith.cmpf ogt, %get3A_527, %select_n3A_427 : vector<16xf32>
      %min3A_529 = arith.minimumf %get3A_527, %select_n3A_427 : vector<16xf32>
      %max3A_530 = arith.maximumf %max3A_426, %min3A_529 : vector<16xf32>
      %select_n3A_531 = arith.select %gt3A_528, %get3A_527, %select_n3A_427 : vector<16xi1>, vector<16xf32>
      %select_n3A_532 = arith.select %gt3A_528, %add3A_522, %select_n3A_428 : vector<16xi1>, vector<16xi32>
      %add3A_533 = arith.constant 16 : i32
      %add3A_534 = vector.broadcast %add3A_533 : i32 to vector<16xi32>
      %add3A_535 = arith.addi %add3A_522, %add3A_534 : vector<16xi32>
      %add3A_536 = arith.constant 176 : i32
      %add3A_537 = arith.addi %mul3A_389, %add3A_536 : i32
      %get3A_538 = arith.index_cast %select_n3A_373 : i32 to index
      %get3A_539 = arith.index_cast %add3A_537 : i32 to index
      %get3A_540 = tpu.vector_load %arg5[%get3A_538, %get3A_539] {strides = array<i32>} : memref<8x4096xf32, #tpu.memory_space<vmem>>, vector<16xf32>,
      %gt3A_541 = arith.cmpf ogt, %get3A_540, %select_n3A_440 : vector<16xf32>
      %min3A_542 = arith.minimumf %get3A_540, %select_n3A_440 : vector<16xf32>
      %max3A_543 = arith.maximumf %max3A_439, %min3A_542 : vector<16xf32>
      %select_n3A_544 = arith.select %gt3A_541, %get3A_540, %select_n3A_440 : vector<16xi1>, vector<16xf32>
      %select_n3A_545 = arith.select %gt3A_541, %add3A_535, %select_n3A_441 : vector<16xi1>, vector<16xi32>
      %add3A_546 = arith.constant 16 : i32
      %add3A_547 = vector.broadcast %add3A_546 : i32 to vector<16xi32>
      %add3A_548 = arith.addi %add3A_535, %add3A_547 : vector<16xi32>
      %add3A_549 = arith.constant 192 : i32
      %add3A_550 = arith.addi %mul3A_389, %add3A_549 : i32
      %get3A_551 = arith.index_cast %select_n3A_373 : i32 to index
      %get3A_552 = arith.index_cast %add3A_550 : i32 to index
      %get3A_553 = tpu.vector_load %arg5[%get3A_551, %get3A_552] {strides = array<i32>} : memref<8x4096xf32, #tpu.memory_space<vmem>>, vector<16xf32>,
      %gt3A_554 = arith.cmpf ogt, %get3A_553, %select_n3A_453 : vector<16xf32>
      %min3A_555 = arith.minimumf %get3A_553, %select_n3A_453 : vector<16xf32>
      %max3A_556 = arith.maximumf %max3A_452, %min3A_555 : vector<16xf32>
      %select_n3A_557 = arith.select %gt3A_554, %get3A_553, %select_n3A_453 : vector<16xi1>, vector<16xf32>
      %select_n3A_558 = arith.select %gt3A_554, %add3A_548, %select_n3A_454 : vector<16xi1>, vector<16xi32>
      %add3A_559 = arith.constant 16 : i32
      %add3A_560 = vector.broadcast %add3A_559 : i32 to vector<16xi32>
      %add3A_561 = arith.addi %add3A_548, %add3A_560 : vector<16xi32>
      %add3A_562 = arith.constant 208 : i32
      %add3A_563 = arith.addi %mul3A_389, %add3A_562 : i32
      %get3A_564 = arith.index_cast %select_n3A_373 : i32 to index
      %get3A_565 = arith.index_cast %add3A_563 : i32 to index
      %get3A_566 = tpu.vector_load %arg5[%get3A_564, %get3A_565] {strides = array<i32>} : memref<8x4096xf32, #tpu.memory_space<vmem>>, vector<16xf32>,
      %gt3A_567 = arith.cmpf ogt, %get3A_566, %select_n3A_466 : vector<16xf32>
      %min3A_568 = arith.minimumf %get3A_566, %select_n3A_466 : vector<16xf32>
      %max3A_569 = arith.maximumf %max3A_465, %min3A_568 : vector<16xf32>
      %select_n3A_570 = arith.select %gt3A_567, %get3A_566, %select_n3A_466 : vector<16xi1>, vector<16xf32>
      %select_n3A_571 = arith.select %gt3A_567, %add3A_561, %select_n3A_467 : vector<16xi1>, vector<16xi32>
      %add3A_572 = arith.constant 16 : i32
      %add3A_573 = vector.broadcast %add3A_572 : i32 to vector<16xi32>
      %add3A_574 = arith.addi %add3A_561, %add3A_573 : vector<16xi32>
      %add3A_575 = arith.constant 224 : i32
      %add3A_576 = arith.addi %mul3A_389, %add3A_575 : i32
      %get3A_577 = arith.index_cast %select_n3A_373 : i32 to index
      %get3A_578 = arith.index_cast %add3A_576 : i32 to index
      %get3A_579 = tpu.vector_load %arg5[%get3A_577, %get3A_578] {strides = array<i32>} : memref<8x4096xf32, #tpu.memory_space<vmem>>, vector<16xf32>,
      %gt3A_580 = arith.cmpf ogt, %get3A_579, %select_n3A_479 : vector<16xf32>
      %min3A_581 = arith.minimumf %get3A_579, %select_n3A_479 : vector<16xf32>
      %max3A_582 = arith.maximumf %max3A_478, %min3A_581 : vector<16xf32>
      %select_n3A_583 = arith.select %gt3A_580, %get3A_579, %select_n3A_479 : vector<16xi1>, vector<16xf32>
      %select_n3A_584 = arith.select %gt3A_580, %add3A_574, %select_n3A_480 : vector<16xi1>, vector<16xi32>
      %add3A_585 = arith.constant 16 : i32
      %add3A_586 = vector.broadcast %add3A_585 : i32 to vector<16xi32>
      %add3A_587 = arith.addi %add3A_574, %add3A_586 : vector<16xi32>
      %add3A_588 = arith.constant 240 : i32
      %add3A_589 = arith.addi %mul3A_389, %add3A_588 : i32
      %get3A_590 = arith.index_cast %select_n3A_373 : i32 to index
      %get3A_591 = arith.index_cast %add3A_589 : i32 to index
      %get3A_592 = tpu.vector_load %arg5[%get3A_590, %get3A_591] {strides = array<i32>} : memref<8x4096xf32, #tpu.memory_space<vmem>>, vector<16xf32>,
      %gt3A_593 = arith.cmpf ogt, %get3A_592, %select_n3A_492 : vector<16xf32>
      %min3A_594 = arith.minimumf %get3A_592, %select_n3A_492 : vector<16xf32>
      %max3A_595 = arith.maximumf %max3A_491, %min3A_594 : vector<16xf32>
      %select_n3A_596 = arith.select %gt3A_593, %get3A_592, %select_n3A_492 : vector<16xi1>, vector<16xf32>
      %select_n3A_597 = arith.select %gt3A_593, %add3A_587, %select_n3A_493 : vector<16xi1>, vector<16xi32>
      %add3A_598 = arith.constant 16 : i32
      %add3A_599 = vector.broadcast %add3A_598 : i32 to vector<16xi32>
      %add3A_600 = arith.addi %add3A_587, %add3A_599 : vector<16xi32>
      scf.yield %select_n3A_505, %select_n3A_518, %select_n3A_531, %select_n3A_544, %select_n3A_557, %select_n3A_570, %select_n3A_583, %select_n3A_596, %select_n3A_506, %select_n3A_519, %select_n3A_532, %select_n3A_545, %select_n3A_558, %select_n3A_571, %select_n3A_584, %select_n3A_597, %max3A_504, %max3A_517, %max3A_530, %max3A_543, %max3A_556, %max3A_569, %max3A_582, %max3A_595 : vector<16xf32>, vector<16xf32>, vector<16xf32>, vector<16xf32>, vector<16xf32>, vector<16xf32>, vector<16xf32>, vector<16xf32>, vector<16xi32>, vector<16xi32>, vector<16xi32>, vector<16xi32>, vector<16xi32>, vector<16xi32>, vector<16xi32>, vector<16xi32>, vector<16xf32>, vector<16xf32>, vector<16xf32>, vector<16xf32>, vector<16xf32>, vector<16xf32>, vector<16xf32>, vector<16xf32>
    }
    %scan3A_159 = arith.constant 128 : i32
    %broadcast_in_dim3A_160 = arith.constant -1.000000e+00 : f32
    %broadcast_in_dim3A_161 = vector.broadcast %broadcast_in_dim3A_160 : f32 to vector<16xf32>
    %broadcast_in_dim3A_162 = arith.constant 0 : i32
    %broadcast_in_dim3A_163 = vector.broadcast %broadcast_in_dim3A_162 : i32 to vector<16xi32>
    %scan3A_164 = arith.constant 0 : i32
    %scan3A_165 = arith.constant 10 : i32
    %scan3A_166 = arith.addi %scan3A_164, %scan3A_165 : i32
    %scan3A_167 = arith.constant 1 : i32
    %scan3A_168:26 = scf.for %scan3A_325 = %scan3A_164 to %scan3A_166 step %scan3A_167 iter_args(%scan3A_326 = %scan3A_158#0, %scan3A_327 = %scan3A_158#1, %scan3A_328 = %scan3A_158#2, %scan3A_329 = %scan3A_158#3, %scan3A_330 = %scan3A_158#4, %scan3A_331 = %scan3A_158#5, %scan3A_332 = %scan3A_158#6, %scan3A_333 = %scan3A_158#7, %scan3A_334 = %scan3A_158#8, %scan3A_335 = %scan3A_158#9, %scan3A_336 = %scan3A_158#10, %scan3A_337 = %scan3A_158#11, %scan3A_338 = %scan3A_158#12, %scan3A_339 = %scan3A_158#13, %scan3A_340 = %scan3A_158#14, %scan3A_341 = %scan3A_158#15, %scan3A_342 = %scan3A_158#16, %scan3A_343 = %scan3A_158#17, %scan3A_344 = %scan3A_158#18, %scan3A_345 = %scan3A_158#19, %scan3A_346 = %scan3A_158#20, %scan3A_347 = %scan3A_158#21, %scan3A_348 = %scan3A_158#22, %scan3A_349 = %scan3A_158#23, %scan3A_350 = %broadcast_in_dim3A_161, %scan3A_351 = %broadcast_in_dim3A_163) -> (vector<16xf32>, vector<16xf32>, vector<16xf32>, vector<16xf32>, vector<16xf32>, vector<16xf32>, vector<16xf32>, vector<16xf32>, vector<16xi32>, vector<16xi32>, vector<16xi32>, vector<16xi32>, vector<16xi32>, vector<16xi32>, vector<16xi32>, vector<16xi32>, vector<16xf32>, vector<16xf32>, vector<16xf32>, vector<16xf32>, vector<16xf32>, vector<16xf32>, vector<16xf32>, vector<16xf32>, vector<16xf32>, vector<16xi32>)  : i32 {
      %gt3A = arith.cmpf ogt, %scan3A_327, %scan3A_326 : vector<16xf32>
      %eq3A = arith.cmpf oeq, %scan3A_327, %scan3A_326 : vector<16xf32>
      %lt3A = arith.cmpi slt, %scan3A_335, %scan3A_334 : vector<16xi32>
      %and3A_352 = arith.andi %eq3A, %lt3A : vector<16xi1>
      %or3A = arith.ori %gt3A, %and3A_352 : vector<16xi1>
      %select_n3A_353 = arith.select %or3A, %scan3A_327, %scan3A_326 : vector<16xi1>, vector<16xf32>
      %select_n3A_354 = arith.select %or3A, %scan3A_335, %scan3A_334 : vector<16xi1>, vector<16xi32>
      %gt3A_355 = arith.cmpf ogt, %scan3A_328, %select_n3A_353 : vector<16xf32>
      %eq3A_356 = arith.cmpf oeq, %scan3A_328, %select_n3A_353 : vector<16xf32>
      %lt3A_357 = arith.cmpi slt, %scan3A_336, %select_n3A_354 : vector<16xi32>
      %and3A_358 = arith.andi %eq3A_356, %lt3A_357 : vector<16xi1>
      %or3A_359 = arith.ori %gt3A_355, %and3A_358 : vector<16xi1>
      %select_n3A_360 = arith.select %or3A_359, %scan3A_328, %select_n3A_353 : vector<16xi1>, vector<16xf32>
      %select_n3A_361 = arith.select %or3A_359, %scan3A_336, %select_n3A_354 : vector<16xi1>, vector<16xi32>
      %gt3A_362 = arith.cmpf ogt, %scan3A_329, %select_n3A_360 : vector<16xf32>
      %eq3A_363 = arith.cmpf oeq, %scan3A_329, %select_n3A_360 : vector<16xf32>
      %lt3A_364 = arith.cmpi slt, %scan3A_337, %select_n3A_361 : vector<16xi32>
      %and3A_365 = arith.andi %eq3A_363, %lt3A_364 : vector<16xi1>
      %or3A_366 = arith.ori %gt3A_362, %and3A_365 : vector<16xi1>
      %select_n3A_367 = arith.select %or3A_366, %scan3A_329, %select_n3A_360 : vector<16xi1>, vector<16xf32>
      %select_n3A_368 = arith.select %or3A_366, %scan3A_337, %select_n3A_361 : vector<16xi1>, vector<16xi32>
      %gt3A_369 = arith.cmpf ogt, %scan3A_330, %select_n3A_367 : vector<16xf32>
      %eq3A_370 = arith.cmpf oeq, %scan3A_330, %select_n3A_367 : vector<16xf32>
      %lt3A_371 = arith.cmpi slt, %scan3A_338, %select_n3A_368 : vector<16xi32>
      %and3A_372 = arith.andi %eq3A_370, %lt3A_371 : vector<16xi1>
      %or3A_373 = arith.ori %gt3A_369, %and3A_372 : vector<16xi1>
      %select_n3A_374 = arith.select %or3A_373, %scan3A_330, %select_n3A_367 : vector<16xi1>, vector<16xf32>
      %select_n3A_375 = arith.select %or3A_373, %scan3A_338, %select_n3A_368 : vector<16xi1>, vector<16xi32>
      %gt3A_376 = arith.cmpf ogt, %scan3A_331, %select_n3A_374 : vector<16xf32>
      %eq3A_377 = arith.cmpf oeq, %scan3A_331, %select_n3A_374 : vector<16xf32>
      %lt3A_378 = arith.cmpi slt, %scan3A_339, %select_n3A_375 : vector<16xi32>
      %and3A_379 = arith.andi %eq3A_377, %lt3A_378 : vector<16xi1>
      %or3A_380 = arith.ori %gt3A_376, %and3A_379 : vector<16xi1>
      %select_n3A_381 = arith.select %or3A_380, %scan3A_331, %select_n3A_374 : vector<16xi1>, vector<16xf32>
      %select_n3A_382 = arith.select %or3A_380, %scan3A_339, %select_n3A_375 : vector<16xi1>, vector<16xi32>
      %gt3A_383 = arith.cmpf ogt, %scan3A_332, %select_n3A_381 : vector<16xf32>
      %eq3A_384 = arith.cmpf oeq, %scan3A_332, %select_n3A_381 : vector<16xf32>
      %lt3A_385 = arith.cmpi slt, %scan3A_340, %select_n3A_382 : vector<16xi32>
      %and3A_386 = arith.andi %eq3A_384, %lt3A_385 : vector<16xi1>
      %or3A_387 = arith.ori %gt3A_383, %and3A_386 : vector<16xi1>
      %select_n3A_388 = arith.select %or3A_387, %scan3A_332, %select_n3A_381 : vector<16xi1>, vector<16xf32>
      %select_n3A_389 = arith.select %or3A_387, %scan3A_340, %select_n3A_382 : vector<16xi1>, vector<16xi32>
      %gt3A_390 = arith.cmpf ogt, %scan3A_333, %select_n3A_388 : vector<16xf32>
      %eq3A_391 = arith.cmpf oeq, %scan3A_333, %select_n3A_388 : vector<16xf32>
      %lt3A_392 = arith.cmpi slt, %scan3A_341, %select_n3A_389 : vector<16xi32>
      %and3A_393 = arith.andi %eq3A_391, %lt3A_392 : vector<16xi1>
      %or3A_394 = arith.ori %gt3A_390, %and3A_393 : vector<16xi1>
      %select_n3A_395 = arith.select %or3A_394, %scan3A_333, %select_n3A_388 : vector<16xi1>, vector<16xf32>
      %select_n3A_396 = arith.select %or3A_394, %scan3A_341, %select_n3A_389 : vector<16xi1>, vector<16xi32>
      %reduce_max3A = arith.constant true
      %reduce_max3A_397 = vector.broadcast %reduce_max3A : i1 to vector<16xi1>
      %reduce_max3A_398 = tpu.scan <max>, %select_n3A_395 masked %reduce_max3A_397 : vector<16xf32>, vector<16xi1> -> vector<16xf32>
      %reduce_max3A_399 = vector.extract %reduce_max3A_398[15] : f32 from vector<16xf32>
      %eq3A_400 = vector.broadcast %reduce_max3A_399 : f32 to vector<16xf32>
      %eq3A_401 = arith.cmpf oeq, %select_n3A_395, %eq3A_400 : vector<16xf32>
      %jit3A_402 = arith.constant 0 : i32
      %broadcast_in_dim3A_403 = vector.broadcast %jit3A_402 : i32 to vector<16xi32>
      %select_n3A_404 = arith.select %eq3A_401, %select_n3A_396, %broadcast_in_dim3A_403 : vector<16xi1>, vector<16xi32>
      %reduce_max3A_405 = arith.constant true
      %reduce_max3A_406 = vector.broadcast %reduce_max3A_405 : i1 to vector<16xi1>
      %reduce_max3A_407 = arith.constant -2147483648 : i32
      %reduce_max3A_408 = vector.broadcast %reduce_max3A_407 : i32 to vector<16xi32>
      %reduce_max3A_409 = arith.xori %select_n3A_404, %reduce_max3A_408 : vector<16xi32>
      %reduce_max3A_410 = tpu.scan <max>, %reduce_max3A_409 masked %reduce_max3A_406 : vector<16xi32>, vector<16xi1> -> vector<16xi32>
      %reduce_max3A_411 = arith.xori %reduce_max3A_410, %reduce_max3A_408 : vector<16xi32>
      %reduce_max3A_412 = vector.extract %reduce_max3A_411[15] : i32 from vector<16xi32>
      %while3A:25 = scf.while (%while3A_590 = %scan3A_326, %while3A_591 = %scan3A_327, %while3A_592 = %scan3A_328, %while3A_593 = %scan3A_329, %while3A_594 = %scan3A_330, %while3A_595 = %scan3A_331, %while3A_596 = %scan3A_332, %while3A_597 = %scan3A_333, %while3A_598 = %scan3A_334, %while3A_599 = %scan3A_335, %while3A_600 = %scan3A_336, %while3A_601 = %scan3A_337, %while3A_602 = %scan3A_338, %while3A_603 = %scan3A_339, %while3A_604 = %scan3A_340, %while3A_605 = %scan3A_341, %while3A_606 = %scan3A_342, %while3A_607 = %scan3A_343, %while3A_608 = %scan3A_344, %while3A_609 = %scan3A_345, %while3A_610 = %scan3A_346, %while3A_611 = %scan3A_347, %while3A_612 = %scan3A_348, %while3A_613 = %scan3A_349, %while3A_614 = %reduce_max3A_412) : (vector<16xf32>, vector<16xf32>, vector<16xf32>, vector<16xf32>, vector<16xf32>, vector<16xf32>, vector<16xf32>, vector<16xf32>, vector<16xi32>, vector<16xi32>, vector<16xi32>, vector<16xi32>, vector<16xi32>, vector<16xi32>, vector<16xi32>, vector<16xi32>, vector<16xf32>, vector<16xf32>, vector<16xf32>, vector<16xf32>, vector<16xf32>, vector<16xf32>, vector<16xf32>, vector<16xf32>, i32) -> (vector<16xf32>, vector<16xf32>, vector<16xf32>, vector<16xf32>, vector<16xf32>, vector<16xf32>, vector<16xf32>, vector<16xf32>, vector<16xi32>, vector<16xi32>, vector<16xi32>, vector<16xi32>, vector<16xi32>, vector<16xi32>, vector<16xi32>, vector<16xi32>, vector<16xf32>, vector<16xf32>, vector<16xf32>, vector<16xf32>, vector<16xf32>, vector<16xf32>, vector<16xf32>, vector<16xf32>, i32) {
        %ge3A = arith.constant 1073741824 : i32
        %ge3A_615 = arith.cmpi sge, %while3A_614, %ge3A : i32
        scf.condition(%ge3A_615) %while3A_590, %while3A_591, %while3A_592, %while3A_593, %while3A_594, %while3A_595, %while3A_596, %while3A_597, %while3A_598, %while3A_599, %while3A_600, %while3A_601, %while3A_602, %while3A_603, %while3A_604, %while3A_605, %while3A_606, %while3A_607, %while3A_608, %while3A_609, %while3A_610, %while3A_611, %while3A_612, %while3A_613, %while3A_614 : vector<16xf32>, vector<16xf32>, vector<16xf32>, vector<16xf32>, vector<16xf32>, vector<16xf32>, vector<16xf32>, vector<16xf32>, vector<16xi32>, vector<16xi32>, vector<16xi32>, vector<16xi32>, vector<16xi32>, vector<16xi32>, vector<16xi32>, vector<16xi32>, vector<16xf32>, vector<16xf32>, vector<16xf32>, vector<16xf32>, vector<16xf32>, vector<16xf32>, vector<16xf32>, vector<16xf32>, i32
      } do {
      ^bb0(%while3A_590: vector<16xf32>, %while3A_591: vector<16xf32>, %while3A_592: vector<16xf32>, %while3A_593: vector<16xf32>, %while3A_594: vector<16xf32>, %while3A_595: vector<16xf32>, %while3A_596: vector<16xf32>, %while3A_597: vector<16xf32>, %while3A_598: vector<16xi32>, %while3A_599: vector<16xi32>, %while3A_600: vector<16xi32>, %while3A_601: vector<16xi32>, %while3A_602: vector<16xi32>, %while3A_603: vector<16xi32>, %while3A_604: vector<16xi32>, %while3A_605: vector<16xi32>, %while3A_606: vector<16xf32>, %while3A_607: vector<16xf32>, %while3A_608: vector<16xf32>, %while3A_609: vector<16xf32>, %while3A_610: vector<16xf32>, %while3A_611: vector<16xf32>, %while3A_612: vector<16xf32>, %while3A_613: vector<16xf32>, %while3A_614: i32):
        %sub3A_615 = arith.constant 1073741824 : i32
        %sub3A_616 = arith.subi %while3A_614, %sub3A_615 : i32
        %mul3A_617 = arith.constant 16 : i32
        %mul3A_618 = arith.muli %sub3A_616, %mul3A_617 : i32
        %broadcast_in_dim3A_619 = arith.constant -1.000000e+00 : f32
        %broadcast_in_dim3A_620 = vector.broadcast %broadcast_in_dim3A_619 : f32 to vector<16xf32>
        %broadcast_in_dim3A_621 = arith.constant -1.000000e+00 : f32
        %broadcast_in_dim3A_622 = vector.broadcast %broadcast_in_dim3A_621 : f32 to vector<16xf32>
        %broadcast_in_dim3A_623 = arith.constant -1.000000e+00 : f32
        %broadcast_in_dim3A_624 = vector.broadcast %broadcast_in_dim3A_623 : f32 to vector<16xf32>
        %broadcast_in_dim3A_625 = arith.constant -1.000000e+00 : f32
        %broadcast_in_dim3A_626 = vector.broadcast %broadcast_in_dim3A_625 : f32 to vector<16xf32>
        %broadcast_in_dim3A_627 = arith.constant 2147483647 : i32
        %broadcast_in_dim3A_628 = vector.broadcast %broadcast_in_dim3A_627 : i32 to vector<16xi32>
        %broadcast_in_dim3A_629 = arith.constant 2147483647 : i32
        %broadcast_in_dim3A_630 = vector.broadcast %broadcast_in_dim3A_629 : i32 to vector<16xi32>
        %broadcast_in_dim3A_631 = arith.constant 2147483647 : i32
        %broadcast_in_dim3A_632 = vector.broadcast %broadcast_in_dim3A_631 : i32 to vector<16xi32>
        %broadcast_in_dim3A_633 = arith.constant 2147483647 : i32
        %broadcast_in_dim3A_634 = vector.broadcast %broadcast_in_dim3A_633 : i32 to vector<16xi32>
        %broadcast_in_dim3A_635 = arith.constant -1.000000e+00 : f32
        %broadcast_in_dim3A_636 = vector.broadcast %broadcast_in_dim3A_635 : f32 to vector<16xf32>
        %broadcast_in_dim3A_637 = arith.constant -1.000000e+00 : f32
        %broadcast_in_dim3A_638 = vector.broadcast %broadcast_in_dim3A_637 : f32 to vector<16xf32>
        %broadcast_in_dim3A_639 = arith.constant -1.000000e+00 : f32
        %broadcast_in_dim3A_640 = vector.broadcast %broadcast_in_dim3A_639 : f32 to vector<16xf32>
        %broadcast_in_dim3A_641 = arith.constant -1.000000e+00 : f32
        %broadcast_in_dim3A_642 = vector.broadcast %broadcast_in_dim3A_641 : f32 to vector<16xf32>
        %scan3A_643 = arith.constant 0 : i32
        %scan3A_644 = arith.constant 64 : i32
        %scan3A_645 = arith.addi %scan3A_643, %scan3A_644 : i32
        %scan3A_646 = arith.constant 1 : i32
        %scan3A_647:12 = scf.for %scan3A_779 = %scan3A_643 to %scan3A_645 step %scan3A_646 iter_args(%scan3A_780 = %broadcast_in_dim3A_620, %scan3A_781 = %broadcast_in_dim3A_622, %scan3A_782 = %broadcast_in_dim3A_624, %scan3A_783 = %broadcast_in_dim3A_626, %scan3A_784 = %broadcast_in_dim3A_628, %scan3A_785 = %broadcast_in_dim3A_630, %scan3A_786 = %broadcast_in_dim3A_632, %scan3A_787 = %broadcast_in_dim3A_634, %scan3A_788 = %broadcast_in_dim3A_636, %scan3A_789 = %broadcast_in_dim3A_638, %scan3A_790 = %broadcast_in_dim3A_640, %scan3A_791 = %broadcast_in_dim3A_642) -> (vector<16xf32>, vector<16xf32>, vector<16xf32>, vector<16xf32>, vector<16xi32>, vector<16xi32>, vector<16xi32>, vector<16xi32>, vector<16xf32>, vector<16xf32>, vector<16xf32>, vector<16xf32>)  : i32 {
          %jit3A_792 = arith.constant 8 : i32
          %div3A_793 = arith.divsi %scan3A_779, %jit3A_792 : i32
          %sign3A_794 = arith.constant 0 : i32
          %sign3A_795 = arith.cmpi sgt, %scan3A_779, %sign3A_794 : i32
          %sign3A_796 = arith.extui %sign3A_795 : i1 to i32
          %sign3A_797 = arith.constant 0 : i32
          %sign3A_798 = arith.cmpi slt, %scan3A_779, %sign3A_797 : i32
          %sign3A_799 = arith.extui %sign3A_798 : i1 to i32
          %sign3A_800 = arith.subi %sign3A_796, %sign3A_799 : i32
          %sign3A_801 = arith.constant 0 : i32
          %sign3A_802 = arith.cmpi sgt, %jit3A_792, %sign3A_801 : i32
          %sign3A_803 = arith.extui %sign3A_802 : i1 to i32
          %sign3A_804 = arith.constant 0 : i32
          %sign3A_805 = arith.cmpi slt, %jit3A_792, %sign3A_804 : i32
          %sign3A_806 = arith.extui %sign3A_805 : i1 to i32
          %sign3A_807 = arith.subi %sign3A_803, %sign3A_806 : i32
          %ne3A_808 = arith.cmpi ne, %sign3A_800, %sign3A_807 : i32
          %rem3A_809 = arith.remsi %scan3A_779, %jit3A_792 : i32
          %ne3A_810 = arith.constant 0 : i32
          %ne3A_811 = arith.cmpi ne, %rem3A_809, %ne3A_810 : i32
          %and3A_812 = arith.andi %ne3A_808, %ne3A_811 : i1
          %sub3A_813 = arith.constant 1 : i32
          %sub3A_814 = arith.subi %div3A_793, %sub3A_813 : i32
          %select_n3A_815 = arith.select %and3A_812, %sub3A_814, %div3A_793 : i32
          %jit3A_816 = arith.constant 8 : i32
          %eq3A_817 = arith.constant 0 : i32
          %eq3A_818 = arith.cmpi eq, %jit3A_816, %eq3A_817 : i32
          %jit3A_819 = arith.constant 1 : i32
          %select_n3A_820 = arith.select %eq3A_818, %jit3A_819, %jit3A_816 : i32
          %rem3A_821 = arith.remsi %scan3A_779, %select_n3A_820 : i32
          %ne3A_822 = arith.constant 0 : i32
          %ne3A_823 = arith.cmpi ne, %rem3A_821, %ne3A_822 : i32
          %lt3A_824 = arith.constant 0 : i32
          %lt3A_825 = arith.cmpi slt, %rem3A_821, %lt3A_824 : i32
          %lt3A_826 = arith.constant 0 : i32
          %lt3A_827 = arith.cmpi slt, %select_n3A_820, %lt3A_826 : i32
          %ne3A_828 = arith.xori %lt3A_825, %lt3A_827 : i1
          %and3A_829 = arith.andi %ne3A_828, %ne3A_823 : i1
          %add3A_830 = arith.addi %rem3A_821, %select_n3A_820 : i32
          %select_n3A_831 = arith.select %and3A_829, %add3A_830, %rem3A_821 : i32
          %mul3A_832 = arith.constant 4 : i32
          %mul3A_833 = arith.muli %select_n3A_831, %mul3A_832 : i32
          %add3A_834 = arith.addi %mul3A_18, %select_n3A_815 : i32
          %mul3A_835 = arith.constant 32768 : i32
          %mul3A_836 = arith.muli %add3A_834, %mul3A_835 : i32
          %add3A_837 = arith.addi %mul3A_836, %add3A_105 : i32
          %add3A_838 = arith.addi %add3A_837, %mul3A_618 : i32
          %add3A_839 = vector.broadcast %add3A_838 : i32 to vector<16xi32>
          %add3A_840 = arith.addi %add3A_839, %iota3A : vector<16xi32>
          %add3A_841 = arith.constant 0 : i32
          %add3A_842 = arith.addi %mul3A_833, %add3A_841 : i32
          %mul3A_843 = arith.constant 128 : i32
          %mul3A_844 = arith.muli %add3A_842, %mul3A_843 : i32
          %add3A_845 = arith.addi %mul3A_618, %mul3A_844 : i32
          %get3A = arith.index_cast %select_n3A_815 : i32 to index
          %get3A_846 = arith.index_cast %add3A_845 : i32 to index
          %get3A_847 = tpu.vector_load %arg5[%get3A, %get3A_846] {strides = array<i32>} : memref<8x4096xf32, #tpu.memory_space<vmem>>, vector<16xf32>,
          %gt3A_848 = arith.cmpf ogt, %get3A_847, %scan3A_780 : vector<16xf32>
          %min3A_849 = arith.minimumf %get3A_847, %scan3A_780 : vector<16xf32>
          %max3A_850 = arith.maximumf %scan3A_788, %min3A_849 : vector<16xf32>
          %select_n3A_851 = arith.select %gt3A_848, %get3A_847, %scan3A_780 : vector<16xi1>, vector<16xf32>
          %add3A_852 = arith.constant 0 : i32
          %add3A_853 = arith.addi %mul3A_833, %add3A_852 : i32
          %mul3A_854 = arith.constant 128 : i32
          %mul3A_855 = arith.muli %add3A_853, %mul3A_854 : i32
          %add3A_856 = vector.broadcast %mul3A_855 : i32 to vector<16xi32>
          %add3A_857 = arith.addi %add3A_840, %add3A_856 : vector<16xi32>
          %select_n3A_858 = arith.select %gt3A_848, %add3A_857, %scan3A_784 : vector<16xi1>, vector<16xi32>
          %add3A_859 = arith.constant 1 : i32
          %add3A_860 = arith.addi %mul3A_833, %add3A_859 : i32
          %mul3A_861 = arith.constant 128 : i32
          %mul3A_862 = arith.muli %add3A_860, %mul3A_861 : i32
          %add3A_863 = arith.addi %mul3A_618, %mul3A_862 : i32
          %get3A_864 = arith.index_cast %select_n3A_815 : i32 to index
          %get3A_865 = arith.index_cast %add3A_863 : i32 to index
          %get3A_866 = tpu.vector_load %arg5[%get3A_864, %get3A_865] {strides = array<i32>} : memref<8x4096xf32, #tpu.memory_space<vmem>>, vector<16xf32>,
          %gt3A_867 = arith.cmpf ogt, %get3A_866, %scan3A_781 : vector<16xf32>
          %min3A_868 = arith.minimumf %get3A_866, %scan3A_781 : vector<16xf32>
          %max3A_869 = arith.maximumf %scan3A_789, %min3A_868 : vector<16xf32>
          %select_n3A_870 = arith.select %gt3A_867, %get3A_866, %scan3A_781 : vector<16xi1>, vector<16xf32>
          %add3A_871 = arith.constant 1 : i32
          %add3A_872 = arith.addi %mul3A_833, %add3A_871 : i32
          %mul3A_873 = arith.constant 128 : i32
          %mul3A_874 = arith.muli %add3A_872, %mul3A_873 : i32
          %add3A_875 = vector.broadcast %mul3A_874 : i32 to vector<16xi32>
          %add3A_876 = arith.addi %add3A_840, %add3A_875 : vector<16xi32>
          %select_n3A_877 = arith.select %gt3A_867, %add3A_876, %scan3A_785 : vector<16xi1>, vector<16xi32>
          %add3A_878 = arith.constant 2 : i32
          %add3A_879 = arith.addi %mul3A_833, %add3A_878 : i32
          %mul3A_880 = arith.constant 128 : i32
          %mul3A_881 = arith.muli %add3A_879, %mul3A_880 : i32
          %add3A_882 = arith.addi %mul3A_618, %mul3A_881 : i32
          %get3A_883 = arith.index_cast %select_n3A_815 : i32 to index
          %get3A_884 = arith.index_cast %add3A_882 : i32 to index
          %get3A_885 = tpu.vector_load %arg5[%get3A_883, %get3A_884] {strides = array<i32>} : memref<8x4096xf32, #tpu.memory_space<vmem>>, vector<16xf32>,
          %gt3A_886 = arith.cmpf ogt, %get3A_885, %scan3A_782 : vector<16xf32>
          %min3A_887 = arith.minimumf %get3A_885, %scan3A_782 : vector<16xf32>
          %max3A_888 = arith.maximumf %scan3A_790, %min3A_887 : vector<16xf32>
          %select_n3A_889 = arith.select %gt3A_886, %get3A_885, %scan3A_782 : vector<16xi1>, vector<16xf32>
          %add3A_890 = arith.constant 2 : i32
          %add3A_891 = arith.addi %mul3A_833, %add3A_890 : i32
          %mul3A_892 = arith.constant 128 : i32
          %mul3A_893 = arith.muli %add3A_891, %mul3A_892 : i32
          %add3A_894 = vector.broadcast %mul3A_893 : i32 to vector<16xi32>
          %add3A_895 = arith.addi %add3A_840, %add3A_894 : vector<16xi32>
          %select_n3A_896 = arith.select %gt3A_886, %add3A_895, %scan3A_786 : vector<16xi1>, vector<16xi32>
          %add3A_897 = arith.constant 3 : i32
          %add3A_898 = arith.addi %mul3A_833, %add3A_897 : i32
          %mul3A_899 = arith.constant 128 : i32
          %mul3A_900 = arith.muli %add3A_898, %mul3A_899 : i32
          %add3A_901 = arith.addi %mul3A_618, %mul3A_900 : i32
          %get3A_902 = arith.index_cast %select_n3A_815 : i32 to index
          %get3A_903 = arith.index_cast %add3A_901 : i32 to index
          %get3A_904 = tpu.vector_load %arg5[%get3A_902, %get3A_903] {strides = array<i32>} : memref<8x4096xf32, #tpu.memory_space<vmem>>, vector<16xf32>,
          %gt3A_905 = arith.cmpf ogt, %get3A_904, %scan3A_783 : vector<16xf32>
          %min3A_906 = arith.minimumf %get3A_904, %scan3A_783 : vector<16xf32>
          %max3A_907 = arith.maximumf %scan3A_791, %min3A_906 : vector<16xf32>
          %select_n3A_908 = arith.select %gt3A_905, %get3A_904, %scan3A_783 : vector<16xi1>, vector<16xf32>
          %add3A_909 = arith.constant 3 : i32
          %add3A_910 = arith.addi %mul3A_833, %add3A_909 : i32
          %mul3A_911 = arith.constant 128 : i32
          %mul3A_912 = arith.muli %add3A_910, %mul3A_911 : i32
          %add3A_913 = vector.broadcast %mul3A_912 : i32 to vector<16xi32>
          %add3A_914 = arith.addi %add3A_840, %add3A_913 : vector<16xi32>
          %select_n3A_915 = arith.select %gt3A_905, %add3A_914, %scan3A_787 : vector<16xi1>, vector<16xi32>
          scf.yield %select_n3A_851, %select_n3A_870, %select_n3A_889, %select_n3A_908, %select_n3A_858, %select_n3A_877, %select_n3A_896, %select_n3A_915, %max3A_850, %max3A_869, %max3A_888, %max3A_907 : vector<16xf32>, vector<16xf32>, vector<16xf32>, vector<16xf32>, vector<16xi32>, vector<16xi32>, vector<16xi32>, vector<16xi32>, vector<16xf32>, vector<16xf32>, vector<16xf32>, vector<16xf32>
        }
        %scan3A_648 = arith.constant 64 : i32
        %max3A = arith.maximumf %scan3A_647#8, %scan3A_647#10 : vector<16xf32>
        %min3A = arith.minimumf %scan3A_647#0, %scan3A_647#2 : vector<16xf32>
        %max3A_649 = arith.maximumf %max3A, %min3A : vector<16xf32>
        %gt3A_650 = arith.cmpf ogt, %scan3A_647#2, %scan3A_647#0 : vector<16xf32>
        %eq3A_651 = arith.cmpf oeq, %scan3A_647#2, %scan3A_647#0 : vector<16xf32>
        %lt3A_652 = arith.cmpi slt, %scan3A_647#6, %scan3A_647#4 : vector<16xi32>
        %and3A_653 = arith.andi %eq3A_651, %lt3A_652 : vector<16xi1>
        %or3A_654 = arith.ori %gt3A_650, %and3A_653 : vector<16xi1>
        %select_n3A_655 = arith.select %or3A_654, %scan3A_647#2, %scan3A_647#0 : vector<16xi1>, vector<16xf32>
        %select_n3A_656 = arith.select %or3A_654, %scan3A_647#6, %scan3A_647#4 : vector<16xi1>, vector<16xi32>
        %max3A_657 = arith.maximumf %scan3A_647#9, %scan3A_647#11 : vector<16xf32>
        %min3A_658 = arith.minimumf %scan3A_647#1, %scan3A_647#3 : vector<16xf32>
        %max3A_659 = arith.maximumf %max3A_657, %min3A_658 : vector<16xf32>
        %gt3A_660 = arith.cmpf ogt, %scan3A_647#3, %scan3A_647#1 : vector<16xf32>
        %eq3A_661 = arith.cmpf oeq, %scan3A_647#3, %scan3A_647#1 : vector<16xf32>
        %lt3A_662 = arith.cmpi slt, %scan3A_647#7, %scan3A_647#5 : vector<16xi32>
        %and3A_663 = arith.andi %eq3A_661, %lt3A_662 : vector<16xi1>
        %or3A_664 = arith.ori %gt3A_660, %and3A_663 : vector<16xi1>
        %select_n3A_665 = arith.select %or3A_664, %scan3A_647#3, %scan3A_647#1 : vector<16xi1>, vector<16xf32>
        %select_n3A_666 = arith.select %or3A_664, %scan3A_647#7, %scan3A_647#5 : vector<16xi1>, vector<16xi32>
        %max3A_667 = arith.maximumf %max3A_649, %max3A_659 : vector<16xf32>
        %min3A_668 = arith.minimumf %select_n3A_655, %select_n3A_665 : vector<16xf32>
        %max3A_669 = arith.maximumf %max3A_667, %min3A_668 : vector<16xf32>
        %gt3A_670 = arith.cmpf ogt, %select_n3A_665, %select_n3A_655 : vector<16xf32>
        %eq3A_671 = arith.cmpf oeq, %select_n3A_665, %select_n3A_655 : vector<16xf32>
        %lt3A_672 = arith.cmpi slt, %select_n3A_666, %select_n3A_656 : vector<16xi32>
        %and3A_673 = arith.andi %eq3A_671, %lt3A_672 : vector<16xi1>
        %or3A_674 = arith.ori %gt3A_670, %and3A_673 : vector<16xi1>
        %select_n3A_675 = arith.select %or3A_674, %select_n3A_665, %select_n3A_655 : vector<16xi1>, vector<16xf32>
        %select_n3A_676 = arith.select %or3A_674, %select_n3A_666, %select_n3A_656 : vector<16xi1>, vector<16xi32>
        %eq3A_677 = arith.constant 0 : i32
        %eq3A_678 = arith.cmpi eq, %sub3A_616, %eq3A_677 : i32
        %select_n3A_679 = arith.select %eq3A_678, %select_n3A_675, %while3A_590 : vector<16xf32>
        %select_n3A_680 = arith.select %eq3A_678, %select_n3A_676, %while3A_598 : vector<16xi32>
        %select_n3A_681 = arith.select %eq3A_678, %max3A_669, %while3A_606 : vector<16xf32>
        %eq3A_682 = arith.constant 1 : i32
        %eq3A_683 = arith.cmpi eq, %sub3A_616, %eq3A_682 : i32
        %select_n3A_684 = arith.select %eq3A_683, %select_n3A_675, %while3A_591 : vector<16xf32>
        %select_n3A_685 = arith.select %eq3A_683, %select_n3A_676, %while3A_599 : vector<16xi32>
        %select_n3A_686 = arith.select %eq3A_683, %max3A_669, %while3A_607 : vector<16xf32>
        %eq3A_687 = arith.constant 2 : i32
        %eq3A_688 = arith.cmpi eq, %sub3A_616, %eq3A_687 : i32
        %select_n3A_689 = arith.select %eq3A_688, %select_n3A_675, %while3A_592 : vector<16xf32>
        %select_n3A_690 = arith.select %eq3A_688, %select_n3A_676, %while3A_600 : vector<16xi32>
        %select_n3A_691 = arith.select %eq3A_688, %max3A_669, %while3A_608 : vector<16xf32>
        %eq3A_692 = arith.constant 3 : i32
        %eq3A_693 = arith.cmpi eq, %sub3A_616, %eq3A_692 : i32
        %select_n3A_694 = arith.select %eq3A_693, %select_n3A_675, %while3A_593 : vector<16xf32>
        %select_n3A_695 = arith.select %eq3A_693, %select_n3A_676, %while3A_601 : vector<16xi32>
        %select_n3A_696 = arith.select %eq3A_693, %max3A_669, %while3A_609 : vector<16xf32>
        %eq3A_697 = arith.constant 4 : i32
        %eq3A_698 = arith.cmpi eq, %sub3A_616, %eq3A_697 : i32
        %select_n3A_699 = arith.select %eq3A_698, %select_n3A_675, %while3A_594 : vector<16xf32>
        %select_n3A_700 = arith.select %eq3A_698, %select_n3A_676, %while3A_602 : vector<16xi32>
        %select_n3A_701 = arith.select %eq3A_698, %max3A_669, %while3A_610 : vector<16xf32>
        %eq3A_702 = arith.constant 5 : i32
        %eq3A_703 = arith.cmpi eq, %sub3A_616, %eq3A_702 : i32
        %select_n3A_704 = arith.select %eq3A_703, %select_n3A_675, %while3A_595 : vector<16xf32>
        %select_n3A_705 = arith.select %eq3A_703, %select_n3A_676, %while3A_603 : vector<16xi32>
        %select_n3A_706 = arith.select %eq3A_703, %max3A_669, %while3A_611 : vector<16xf32>
        %eq3A_707 = arith.constant 6 : i32
        %eq3A_708 = arith.cmpi eq, %sub3A_616, %eq3A_707 : i32
        %select_n3A_709 = arith.select %eq3A_708, %select_n3A_675, %while3A_596 : vector<16xf32>
        %select_n3A_710 = arith.select %eq3A_708, %select_n3A_676, %while3A_604 : vector<16xi32>
        %select_n3A_711 = arith.select %eq3A_708, %max3A_669, %while3A_612 : vector<16xf32>
        %eq3A_712 = arith.constant 7 : i32
        %eq3A_713 = arith.cmpi eq, %sub3A_616, %eq3A_712 : i32
        %select_n3A_714 = arith.select %eq3A_713, %select_n3A_675, %while3A_597 : vector<16xf32>
        %select_n3A_715 = arith.select %eq3A_713, %select_n3A_676, %while3A_605 : vector<16xi32>
        %select_n3A_716 = arith.select %eq3A_713, %max3A_669, %while3A_613 : vector<16xf32>
        %gt3A_717 = arith.cmpf ogt, %select_n3A_684, %select_n3A_679 : vector<16xf32>
        %eq3A_718 = arith.cmpf oeq, %select_n3A_684, %select_n3A_679 : vector<16xf32>
        %lt3A_719 = arith.cmpi slt, %select_n3A_685, %select_n3A_680 : vector<16xi32>
        %and3A_720 = arith.andi %eq3A_718, %lt3A_719 : vector<16xi1>
        %or3A_721 = arith.ori %gt3A_717, %and3A_720 : vector<16xi1>
        %select_n3A_722 = arith.select %or3A_721, %select_n3A_684, %select_n3A_679 : vector<16xi1>, vector<16xf32>
        %select_n3A_723 = arith.select %or3A_721, %select_n3A_685, %select_n3A_680 : vector<16xi1>, vector<16xi32>
        %gt3A_724 = arith.cmpf ogt, %select_n3A_689, %select_n3A_722 : vector<16xf32>
        %eq3A_725 = arith.cmpf oeq, %select_n3A_689, %select_n3A_722 : vector<16xf32>
        %lt3A_726 = arith.cmpi slt, %select_n3A_690, %select_n3A_723 : vector<16xi32>
        %and3A_727 = arith.andi %eq3A_725, %lt3A_726 : vector<16xi1>
        %or3A_728 = arith.ori %gt3A_724, %and3A_727 : vector<16xi1>
        %select_n3A_729 = arith.select %or3A_728, %select_n3A_689, %select_n3A_722 : vector<16xi1>, vector<16xf32>
        %select_n3A_730 = arith.select %or3A_728, %select_n3A_690, %select_n3A_723 : vector<16xi1>, vector<16xi32>
        %gt3A_731 = arith.cmpf ogt, %select_n3A_694, %select_n3A_729 : vector<16xf32>
        %eq3A_732 = arith.cmpf oeq, %select_n3A_694, %select_n3A_729 : vector<16xf32>
        %lt3A_733 = arith.cmpi slt, %select_n3A_695, %select_n3A_730 : vector<16xi32>
        %and3A_734 = arith.andi %eq3A_732, %lt3A_733 : vector<16xi1>
        %or3A_735 = arith.ori %gt3A_731, %and3A_734 : vector<16xi1>
        %select_n3A_736 = arith.select %or3A_735, %select_n3A_694, %select_n3A_729 : vector<16xi1>, vector<16xf32>
        %select_n3A_737 = arith.select %or3A_735, %select_n3A_695, %select_n3A_730 : vector<16xi1>, vector<16xi32>
        %gt3A_738 = arith.cmpf ogt, %select_n3A_699, %select_n3A_736 : vector<16xf32>
        %eq3A_739 = arith.cmpf oeq, %select_n3A_699, %select_n3A_736 : vector<16xf32>
        %lt3A_740 = arith.cmpi slt, %select_n3A_700, %select_n3A_737 : vector<16xi32>
        %and3A_741 = arith.andi %eq3A_739, %lt3A_740 : vector<16xi1>
        %or3A_742 = arith.ori %gt3A_738, %and3A_741 : vector<16xi1>
        %select_n3A_743 = arith.select %or3A_742, %select_n3A_699, %select_n3A_736 : vector<16xi1>, vector<16xf32>
        %select_n3A_744 = arith.select %or3A_742, %select_n3A_700, %select_n3A_737 : vector<16xi1>, vector<16xi32>
        %gt3A_745 = arith.cmpf ogt, %select_n3A_704, %select_n3A_743 : vector<16xf32>
        %eq3A_746 = arith.cmpf oeq, %select_n3A_704, %select_n3A_743 : vector<16xf32>
        %lt3A_747 = arith.cmpi slt, %select_n3A_705, %select_n3A_744 : vector<16xi32>
        %and3A_748 = arith.andi %eq3A_746, %lt3A_747 : vector<16xi1>
        %or3A_749 = arith.ori %gt3A_745, %and3A_748 : vector<16xi1>
        %select_n3A_750 = arith.select %or3A_749, %select_n3A_704, %select_n3A_743 : vector<16xi1>, vector<16xf32>
        %select_n3A_751 = arith.select %or3A_749, %select_n3A_705, %select_n3A_744 : vector<16xi1>, vector<16xi32>
        %gt3A_752 = arith.cmpf ogt, %select_n3A_709, %select_n3A_750 : vector<16xf32>
        %eq3A_753 = arith.cmpf oeq, %select_n3A_709, %select_n3A_750 : vector<16xf32>
        %lt3A_754 = arith.cmpi slt, %select_n3A_710, %select_n3A_751 : vector<16xi32>
        %and3A_755 = arith.andi %eq3A_753, %lt3A_754 : vector<16xi1>
        %or3A_756 = arith.ori %gt3A_752, %and3A_755 : vector<16xi1>
        %select_n3A_757 = arith.select %or3A_756, %select_n3A_709, %select_n3A_750 : vector<16xi1>, vector<16xf32>
        %select_n3A_758 = arith.select %or3A_756, %select_n3A_710, %select_n3A_751 : vector<16xi1>, vector<16xi32>
        %gt3A_759 = arith.cmpf ogt, %select_n3A_714, %select_n3A_757 : vector<16xf32>
        %eq3A_760 = arith.cmpf oeq, %select_n3A_714, %select_n3A_757 : vector<16xf32>
        %lt3A_761 = arith.cmpi slt, %select_n3A_715, %select_n3A_758 : vector<16xi32>
        %and3A_762 = arith.andi %eq3A_760, %lt3A_761 : vector<16xi1>
        %or3A_763 = arith.ori %gt3A_759, %and3A_762 : vector<16xi1>
        %select_n3A_764 = arith.select %or3A_763, %select_n3A_714, %select_n3A_757 : vector<16xi1>, vector<16xf32>
        %select_n3A_765 = arith.select %or3A_763, %select_n3A_715, %select_n3A_758 : vector<16xi1>, vector<16xi32>
        %eq3A_766 = vector.broadcast %reduce_max3A_399 : f32 to vector<16xf32>
        %eq3A_767 = arith.cmpf oeq, %select_n3A_764, %eq3A_766 : vector<16xf32>
        %jit3A_768 = arith.constant 0 : i32
        %broadcast_in_dim3A_769 = vector.broadcast %jit3A_768 : i32 to vector<16xi32>
        %select_n3A_770 = arith.select %eq3A_767, %select_n3A_765, %broadcast_in_dim3A_769 : vector<16xi1>, vector<16xi32>
        %reduce_max3A_771 = arith.constant true
        %reduce_max3A_772 = vector.broadcast %reduce_max3A_771 : i1 to vector<16xi1>
        %reduce_max3A_773 = arith.constant -2147483648 : i32
        %reduce_max3A_774 = vector.broadcast %reduce_max3A_773 : i32 to vector<16xi32>
        %reduce_max3A_775 = arith.xori %select_n3A_770, %reduce_max3A_774 : vector<16xi32>
        %reduce_max3A_776 = tpu.scan <max>, %reduce_max3A_775 masked %reduce_max3A_772 : vector<16xi32>, vector<16xi1> -> vector<16xi32>
        %reduce_max3A_777 = arith.xori %reduce_max3A_776, %reduce_max3A_774 : vector<16xi32>
        %reduce_max3A_778 = vector.extract %reduce_max3A_777[15] : i32 from vector<16xi32>
        scf.yield %select_n3A_679, %select_n3A_684, %select_n3A_689, %select_n3A_694, %select_n3A_699, %select_n3A_704, %select_n3A_709, %select_n3A_714, %select_n3A_680, %select_n3A_685, %select_n3A_690, %select_n3A_695, %select_n3A_700, %select_n3A_705, %select_n3A_710, %select_n3A_715, %select_n3A_681, %select_n3A_686, %select_n3A_691, %select_n3A_696, %select_n3A_701, %select_n3A_706, %select_n3A_711, %select_n3A_716, %reduce_max3A_778 : vector<16xf32>, vector<16xf32>, vector<16xf32>, vector<16xf32>, vector<16xf32>, vector<16xf32>, vector<16xf32>, vector<16xf32>, vector<16xi32>, vector<16xi32>, vector<16xi32>, vector<16xi32>, vector<16xi32>, vector<16xi32>, vector<16xi32>, vector<16xi32>, vector<16xf32>, vector<16xf32>, vector<16xf32>, vector<16xf32>, vector<16xf32>, vector<16xf32>, vector<16xf32>, vector<16xf32>, i32
      }
      %gt3A_413 = arith.cmpf ogt, %while3A#1, %while3A#0 : vector<16xf32>
      %eq3A_414 = arith.cmpf oeq, %while3A#1, %while3A#0 : vector<16xf32>
      %lt3A_415 = arith.cmpi slt, %while3A#9, %while3A#8 : vector<16xi32>
      %and3A_416 = arith.andi %eq3A_414, %lt3A_415 : vector<16xi1>
      %or3A_417 = arith.ori %gt3A_413, %and3A_416 : vector<16xi1>
      %select_n3A_418 = arith.select %or3A_417, %while3A#1, %while3A#0 : vector<16xi1>, vector<16xf32>
      %select_n3A_419 = arith.select %or3A_417, %while3A#9, %while3A#8 : vector<16xi1>, vector<16xi32>
      %gt3A_420 = arith.cmpf ogt, %while3A#2, %select_n3A_418 : vector<16xf32>
      %eq3A_421 = arith.cmpf oeq, %while3A#2, %select_n3A_418 : vector<16xf32>
      %lt3A_422 = arith.cmpi slt, %while3A#10, %select_n3A_419 : vector<16xi32>
      %and3A_423 = arith.andi %eq3A_421, %lt3A_422 : vector<16xi1>
      %or3A_424 = arith.ori %gt3A_420, %and3A_423 : vector<16xi1>
      %select_n3A_425 = arith.select %or3A_424, %while3A#2, %select_n3A_418 : vector<16xi1>, vector<16xf32>
      %select_n3A_426 = arith.select %or3A_424, %while3A#10, %select_n3A_419 : vector<16xi1>, vector<16xi32>
      %gt3A_427 = arith.cmpf ogt, %while3A#3, %select_n3A_425 : vector<16xf32>
      %eq3A_428 = arith.cmpf oeq, %while3A#3, %select_n3A_425 : vector<16xf32>
      %lt3A_429 = arith.cmpi slt, %while3A#11, %select_n3A_426 : vector<16xi32>
      %and3A_430 = arith.andi %eq3A_428, %lt3A_429 : vector<16xi1>
      %or3A_431 = arith.ori %gt3A_427, %and3A_430 : vector<16xi1>
      %select_n3A_432 = arith.select %or3A_431, %while3A#3, %select_n3A_425 : vector<16xi1>, vector<16xf32>
      %select_n3A_433 = arith.select %or3A_431, %while3A#11, %select_n3A_426 : vector<16xi1>, vector<16xi32>
      %gt3A_434 = arith.cmpf ogt, %while3A#4, %select_n3A_432 : vector<16xf32>
      %eq3A_435 = arith.cmpf oeq, %while3A#4, %select_n3A_432 : vector<16xf32>
      %lt3A_436 = arith.cmpi slt, %while3A#12, %select_n3A_433 : vector<16xi32>
      %and3A_437 = arith.andi %eq3A_435, %lt3A_436 : vector<16xi1>
      %or3A_438 = arith.ori %gt3A_434, %and3A_437 : vector<16xi1>
      %select_n3A_439 = arith.select %or3A_438, %while3A#4, %select_n3A_432 : vector<16xi1>, vector<16xf32>
      %select_n3A_440 = arith.select %or3A_438, %while3A#12, %select_n3A_433 : vector<16xi1>, vector<16xi32>
      %gt3A_441 = arith.cmpf ogt, %while3A#5, %select_n3A_439 : vector<16xf32>
      %eq3A_442 = arith.cmpf oeq, %while3A#5, %select_n3A_439 : vector<16xf32>
      %lt3A_443 = arith.cmpi slt, %while3A#13, %select_n3A_440 : vector<16xi32>
      %and3A_444 = arith.andi %eq3A_442, %lt3A_443 : vector<16xi1>
      %or3A_445 = arith.ori %gt3A_441, %and3A_444 : vector<16xi1>
      %select_n3A_446 = arith.select %or3A_445, %while3A#5, %select_n3A_439 : vector<16xi1>, vector<16xf32>
      %select_n3A_447 = arith.select %or3A_445, %while3A#13, %select_n3A_440 : vector<16xi1>, vector<16xi32>
      %gt3A_448 = arith.cmpf ogt, %while3A#6, %select_n3A_446 : vector<16xf32>
      %eq3A_449 = arith.cmpf oeq, %while3A#6, %select_n3A_446 : vector<16xf32>
      %lt3A_450 = arith.cmpi slt, %while3A#14, %select_n3A_447 : vector<16xi32>
      %and3A_451 = arith.andi %eq3A_449, %lt3A_450 : vector<16xi1>
      %or3A_452 = arith.ori %gt3A_448, %and3A_451 : vector<16xi1>
      %select_n3A_453 = arith.select %or3A_452, %while3A#6, %select_n3A_446 : vector<16xi1>, vector<16xf32>
      %select_n3A_454 = arith.select %or3A_452, %while3A#14, %select_n3A_447 : vector<16xi1>, vector<16xi32>
      %gt3A_455 = arith.cmpf ogt, %while3A#7, %select_n3A_453 : vector<16xf32>
      %eq3A_456 = arith.cmpf oeq, %while3A#7, %select_n3A_453 : vector<16xf32>
      %lt3A_457 = arith.cmpi slt, %while3A#15, %select_n3A_454 : vector<16xi32>
      %and3A_458 = arith.andi %eq3A_456, %lt3A_457 : vector<16xi1>
      %or3A_459 = arith.ori %gt3A_455, %and3A_458 : vector<16xi1>
      %select_n3A_460 = arith.select %or3A_459, %while3A#7, %select_n3A_453 : vector<16xi1>, vector<16xf32>
      %select_n3A_461 = arith.select %or3A_459, %while3A#15, %select_n3A_454 : vector<16xi1>, vector<16xi32>
      %eq3A_462 = vector.broadcast %reduce_max3A_399 : f32 to vector<16xf32>
      %eq3A_463 = arith.cmpf oeq, %select_n3A_460, %eq3A_462 : vector<16xf32>
      %jit3A_464 = arith.constant 2147483647 : i32
      %broadcast_in_dim3A_465 = vector.broadcast %jit3A_464 : i32 to vector<16xi32>
      %select_n3A_466 = arith.select %eq3A_463, %select_n3A_461, %broadcast_in_dim3A_465 : vector<16xi1>, vector<16xi32>
      %reduce_min3A = arith.constant true
      %reduce_min3A_467 = vector.broadcast %reduce_min3A : i1 to vector<16xi1>
      %reduce_min3A_468 = arith.constant -2147483648 : i32
      %reduce_min3A_469 = vector.broadcast %reduce_min3A_468 : i32 to vector<16xi32>
      %reduce_min3A_470 = arith.xori %select_n3A_466, %reduce_min3A_469 : vector<16xi32>
      %reduce_min3A_471 = tpu.scan <min>, %reduce_min3A_470 masked %reduce_min3A_467 : vector<16xi32>, vector<16xi1> -> vector<16xi32>
      %reduce_min3A_472 = arith.xori %reduce_min3A_471, %reduce_min3A_469 : vector<16xi32>
      %reduce_min3A_473 = vector.extract %reduce_min3A_472[15] : i32 from vector<16xi32>
      %eq3A_474 = vector.broadcast %scan3A_325 : i32 to vector<16xi32>
      %eq3A_475 = arith.cmpi eq, %iota3A, %eq3A_474 : vector<16xi32>
      %broadcast_in_dim3A_476 = vector.broadcast %reduce_max3A_399 : f32 to vector<16xf32>
      %select_n3A_477 = arith.select %eq3A_475, %broadcast_in_dim3A_476, %scan3A_350 : vector<16xi1>, vector<16xf32>
      %eq3A_478 = vector.broadcast %scan3A_325 : i32 to vector<16xi32>
      %eq3A_479 = arith.cmpi eq, %iota3A, %eq3A_478 : vector<16xi32>
      %broadcast_in_dim3A_480 = vector.broadcast %reduce_min3A_473 : i32 to vector<16xi32>
      %select_n3A_481 = arith.select %eq3A_479, %broadcast_in_dim3A_480, %scan3A_351 : vector<16xi1>, vector<16xi32>
      %shift_right_logical3A = arith.constant 15 : i32
      %shift_right_logical3A_482 = arith.shrui %reduce_min3A_473, %shift_right_logical3A : i32
      %sub3A_483 = arith.subi %shift_right_logical3A_482, %mul3A_18 : i32
      %and3A_484 = arith.constant 32767 : i32
      %and3A_485 = arith.andi %reduce_min3A_473, %and3A_484 : i32
      %sub3A_486 = arith.subi %and3A_485, %add3A_105 : i32
      %broadcast_in_dim3A_487 = vector.broadcast %sub3A_483 : i32 to vector<16xi32>
      %broadcast_in_dim3A_488 = vector.broadcast %sub3A_486 : i32 to vector<16xi32>
      %broadcast_in_dim3A_489 = arith.constant -1.000000e+00 : f32
      %broadcast_in_dim3A_490 = vector.broadcast %broadcast_in_dim3A_489 : f32 to vector<16xf32>
      %eq3A_491 = arith.constant 0 : i32
      %eq3A_492 = vector.broadcast %eq3A_491 : i32 to vector<16xi32>
      %eq3A_493 = arith.cmpi eq, %iota3A, %eq3A_492 : vector<16xi32>
      tpu.vector_store_idx %arg5[%broadcast_in_dim3A_487, %broadcast_in_dim3A_488], %broadcast_in_dim3A_490 masked %eq3A_493 : memref<8x4096xf32, #tpu.memory_space<vmem>>[vector<16xi32>, vector<16xi32>], vector<16xf32>, vector<16xi1>
      %shift_right_logical3A_494 = arith.constant 4 : i32
      %shift_right_logical3A_495 = arith.shrui %sub3A_486, %shift_right_logical3A_494 : i32
      %and3A_496 = arith.constant 7 : i32
      %and3A_497 = arith.andi %shift_right_logical3A_495, %and3A_496 : i32
      %and3A_498 = arith.constant 15 : i32
      %and3A_499 = arith.andi %sub3A_486, %and3A_498 : i32
      %eq3A_500 = vector.broadcast %and3A_499 : i32 to vector<16xi32>
      %eq3A_501 = arith.cmpi eq, %iota3A, %eq3A_500 : vector<16xi32>
      %eq3A_502 = arith.constant 0 : i32
      %eq3A_503 = arith.cmpi eq, %and3A_497, %eq3A_502 : i32
      %and3A_504 = vector.broadcast %eq3A_503 : i1 to vector<16xi1>
      %and3A_505 = arith.andi %eq3A_501, %and3A_504 : vector<16xi1>
      %select_n3A_506 = arith.select %and3A_505, %while3A#16, %while3A#0 : vector<16xi1>, vector<16xf32>
      %jit3A_507 = arith.constant 1073741824 : i32
      %broadcast_in_dim3A_508 = vector.broadcast %jit3A_507 : i32 to vector<16xi32>
      %select_n3A_509 = arith.select %and3A_505, %broadcast_in_dim3A_508, %while3A#8 : vector<16xi1>, vector<16xi32>
      %jit3A_510 = arith.constant -1.000000e+00 : f32
      %broadcast_in_dim3A_511 = vector.broadcast %jit3A_510 : f32 to vector<16xf32>
      %select_n3A_512 = arith.select %and3A_505, %broadcast_in_dim3A_511, %while3A#16 : vector<16xi1>, vector<16xf32>
      %eq3A_513 = arith.constant 1 : i32
      %eq3A_514 = arith.cmpi eq, %and3A_497, %eq3A_513 : i32
      %and3A_515 = vector.broadcast %eq3A_514 : i1 to vector<16xi1>
      %and3A_516 = arith.andi %eq3A_501, %and3A_515 : vector<16xi1>
      %select_n3A_517 = arith.select %and3A_516, %while3A#17, %while3A#1 : vector<16xi1>, vector<16xf32>
      %jit3A_518 = arith.constant 1073741825 : i32
      %broadcast_in_dim3A_519 = vector.broadcast %jit3A_518 : i32 to vector<16xi32>
      %select_n3A_520 = arith.select %and3A_516, %broadcast_in_dim3A_519, %while3A#9 : vector<16xi1>, vector<16xi32>
      %jit3A_521 = arith.constant -1.000000e+00 : f32
      %broadcast_in_dim3A_522 = vector.broadcast %jit3A_521 : f32 to vector<16xf32>
      %select_n3A_523 = arith.select %and3A_516, %broadcast_in_dim3A_522, %while3A#17 : vector<16xi1>, vector<16xf32>
      %eq3A_524 = arith.constant 2 : i32
      %eq3A_525 = arith.cmpi eq, %and3A_497, %eq3A_524 : i32
      %and3A_526 = vector.broadcast %eq3A_525 : i1 to vector<16xi1>
      %and3A_527 = arith.andi %eq3A_501, %and3A_526 : vector<16xi1>
      %select_n3A_528 = arith.select %and3A_527, %while3A#18, %while3A#2 : vector<16xi1>, vector<16xf32>
      %jit3A_529 = arith.constant 1073741826 : i32
      %broadcast_in_dim3A_530 = vector.broadcast %jit3A_529 : i32 to vector<16xi32>
      %select_n3A_531 = arith.select %and3A_527, %broadcast_in_dim3A_530, %while3A#10 : vector<16xi1>, vector<16xi32>
      %jit3A_532 = arith.constant -1.000000e+00 : f32
      %broadcast_in_dim3A_533 = vector.broadcast %jit3A_532 : f32 to vector<16xf32>
      %select_n3A_534 = arith.select %and3A_527, %broadcast_in_dim3A_533, %while3A#18 : vector<16xi1>, vector<16xf32>
      %eq3A_535 = arith.constant 3 : i32
      %eq3A_536 = arith.cmpi eq, %and3A_497, %eq3A_535 : i32
      %and3A_537 = vector.broadcast %eq3A_536 : i1 to vector<16xi1>
      %and3A_538 = arith.andi %eq3A_501, %and3A_537 : vector<16xi1>
      %select_n3A_539 = arith.select %and3A_538, %while3A#19, %while3A#3 : vector<16xi1>, vector<16xf32>
      %jit3A_540 = arith.constant 1073741827 : i32
      %broadcast_in_dim3A_541 = vector.broadcast %jit3A_540 : i32 to vector<16xi32>
      %select_n3A_542 = arith.select %and3A_538, %broadcast_in_dim3A_541, %while3A#11 : vector<16xi1>, vector<16xi32>
      %jit3A_543 = arith.constant -1.000000e+00 : f32
      %broadcast_in_dim3A_544 = vector.broadcast %jit3A_543 : f32 to vector<16xf32>
      %select_n3A_545 = arith.select %and3A_538, %broadcast_in_dim3A_544, %while3A#19 : vector<16xi1>, vector<16xf32>
      %eq3A_546 = arith.constant 4 : i32
      %eq3A_547 = arith.cmpi eq, %and3A_497, %eq3A_546 : i32
      %and3A_548 = vector.broadcast %eq3A_547 : i1 to vector<16xi1>
      %and3A_549 = arith.andi %eq3A_501, %and3A_548 : vector<16xi1>
      %select_n3A_550 = arith.select %and3A_549, %while3A#20, %while3A#4 : vector<16xi1>, vector<16xf32>
      %jit3A_551 = arith.constant 1073741828 : i32
      %broadcast_in_dim3A_552 = vector.broadcast %jit3A_551 : i32 to vector<16xi32>
      %select_n3A_553 = arith.select %and3A_549, %broadcast_in_dim3A_552, %while3A#12 : vector<16xi1>, vector<16xi32>
      %jit3A_554 = arith.constant -1.000000e+00 : f32
      %broadcast_in_dim3A_555 = vector.broadcast %jit3A_554 : f32 to vector<16xf32>
      %select_n3A_556 = arith.select %and3A_549, %broadcast_in_dim3A_555, %while3A#20 : vector<16xi1>, vector<16xf32>
      %eq3A_557 = arith.constant 5 : i32
      %eq3A_558 = arith.cmpi eq, %and3A_497, %eq3A_557 : i32
      %and3A_559 = vector.broadcast %eq3A_558 : i1 to vector<16xi1>
      %and3A_560 = arith.andi %eq3A_501, %and3A_559 : vector<16xi1>
      %select_n3A_561 = arith.select %and3A_560, %while3A#21, %while3A#5 : vector<16xi1>, vector<16xf32>
      %jit3A_562 = arith.constant 1073741829 : i32
      %broadcast_in_dim3A_563 = vector.broadcast %jit3A_562 : i32 to vector<16xi32>
      %select_n3A_564 = arith.select %and3A_560, %broadcast_in_dim3A_563, %while3A#13 : vector<16xi1>, vector<16xi32>
      %jit3A_565 = arith.constant -1.000000e+00 : f32
      %broadcast_in_dim3A_566 = vector.broadcast %jit3A_565 : f32 to vector<16xf32>
      %select_n3A_567 = arith.select %and3A_560, %broadcast_in_dim3A_566, %while3A#21 : vector<16xi1>, vector<16xf32>
      %eq3A_568 = arith.constant 6 : i32
      %eq3A_569 = arith.cmpi eq, %and3A_497, %eq3A_568 : i32
      %and3A_570 = vector.broadcast %eq3A_569 : i1 to vector<16xi1>
      %and3A_571 = arith.andi %eq3A_501, %and3A_570 : vector<16xi1>
      %select_n3A_572 = arith.select %and3A_571, %while3A#22, %while3A#6 : vector<16xi1>, vector<16xf32>
      %jit3A_573 = arith.constant 1073741830 : i32
      %broadcast_in_dim3A_574 = vector.broadcast %jit3A_573 : i32 to vector<16xi32>
      %select_n3A_575 = arith.select %and3A_571, %broadcast_in_dim3A_574, %while3A#14 : vector<16xi1>, vector<16xi32>
      %jit3A_576 = arith.constant -1.000000e+00 : f32
      %broadcast_in_dim3A_577 = vector.broadcast %jit3A_576 : f32 to vector<16xf32>
      %select_n3A_578 = arith.select %and3A_571, %broadcast_in_dim3A_577, %while3A#22 : vector<16xi1>, vector<16xf32>
      %eq3A_579 = arith.constant 7 : i32
      %eq3A_580 = arith.cmpi eq, %and3A_497, %eq3A_579 : i32
      %and3A_581 = vector.broadcast %eq3A_580 : i1 to vector<16xi1>
      %and3A_582 = arith.andi %eq3A_501, %and3A_581 : vector<16xi1>
      %select_n3A_583 = arith.select %and3A_582, %while3A#23, %while3A#7 : vector<16xi1>, vector<16xf32>
      %jit3A_584 = arith.constant 1073741831 : i32
      %broadcast_in_dim3A_585 = vector.broadcast %jit3A_584 : i32 to vector<16xi32>
      %select_n3A_586 = arith.select %and3A_582, %broadcast_in_dim3A_585, %while3A#15 : vector<16xi1>, vector<16xi32>
      %jit3A_587 = arith.constant -1.000000e+00 : f32
      %broadcast_in_dim3A_588 = vector.broadcast %jit3A_587 : f32 to vector<16xf32>
      %select_n3A_589 = arith.select %and3A_582, %broadcast_in_dim3A_588, %while3A#23 : vector<16xi1>, vector<16xf32>
      scf.yield %select_n3A_506, %select_n3A_517, %select_n3A_528, %select_n3A_539, %select_n3A_550, %select_n3A_561, %select_n3A_572, %select_n3A_583, %select_n3A_509, %select_n3A_520, %select_n3A_531, %select_n3A_542, %select_n3A_553, %select_n3A_564, %select_n3A_575, %select_n3A_586, %select_n3A_512, %select_n3A_523, %select_n3A_534, %select_n3A_545, %select_n3A_556, %select_n3A_567, %select_n3A_578, %select_n3A_589, %select_n3A_477, %select_n3A_481 : vector<16xf32>, vector<16xf32>, vector<16xf32>, vector<16xf32>, vector<16xf32>, vector<16xf32>, vector<16xf32>, vector<16xf32>, vector<16xi32>, vector<16xi32>, vector<16xi32>, vector<16xi32>, vector<16xi32>, vector<16xi32>, vector<16xi32>, vector<16xi32>, vector<16xf32>, vector<16xf32>, vector<16xf32>, vector<16xf32>, vector<16xf32>, vector<16xf32>, vector<16xf32>, vector<16xf32>, vector<16xf32>, vector<16xi32>
    }
    %scan3A_169 = arith.constant 10 : i32
    %swap3A_170 = arith.constant 16 : index
    %swap3A_171 = tpu.vector_load %arg6[%swap3A_170] {strides = array<i32>} : memref<128xf32, #tpu.memory_space<vmem>>, vector<16xf32>,
    tpu.vector_store %arg6[%swap3A_170], %scan3A_168#24 {strides = array<i32>} : memref<128xf32, #tpu.memory_space<vmem>>, vector<16xf32>,
    %bitcast3A_172 = vector.bitcast %scan3A_168#25 : vector<16xi32> to vector<16xf32>
    %swap3A_173 = arith.constant 80 : index
    %swap3A_174 = tpu.vector_load %arg6[%swap3A_173] {strides = array<i32>} : memref<128xf32, #tpu.memory_space<vmem>>, vector<16xf32>,
    tpu.vector_store %arg6[%swap3A_173], %bitcast3A_172 {strides = array<i32>} : memref<128xf32, #tpu.memory_space<vmem>>, vector<16xf32>,
    %add3A_175 = arith.constant 12288 : i32
    %add3A_176 = arith.addi %mul3A_22, %add3A_175 : i32
    %dma_start3A_177 = tpu.memref_slice %arg2[%mul3A_18, %add3A_176] : memref<128x32768xf32, #tpu.memory_space<hbm>> -> memref<8x4096xf32, #tpu.memory_space<hbm>>
    %dma_start3A_178 = tpu.memref_slice %arg2[%mul3A_18, %add3A_176] : memref<128x32768xf32, #tpu.memory_space<hbm>> -> memref<8x4096xf32, #tpu.memory_space<hbm>>
    tpu.enqueue_dma source(%dma_start3A_178 : memref<8x4096xf32, #tpu.memory_space<hbm>>) target(%arg5 : memref<8x4096xf32, #tpu.memory_space<vmem>>) target_semaphore(%arg8 : memref<!tpu.dma_semaphore, #tpu.memory_space<semaphore_mem>>)
    %dma_wait3A_179 = tpu.memref_slice %arg2[%mul3A_18, %add3A_99] : memref<128x32768xf32, #tpu.memory_space<hbm>> -> memref<8x4096xf32, #tpu.memory_space<hbm>>
    %dma_wait3A_180 = tpu.memref_slice %arg2[%mul3A_18, %add3A_99] : memref<128x32768xf32, #tpu.memory_space<hbm>> -> memref<8x4096xf32, #tpu.memory_space<hbm>>
    tpu.wait_dma2 semaphore(%arg7 : memref<!tpu.dma_semaphore, #tpu.memory_space<semaphore_mem>>) src(%dma_wait3A_180 : memref<8x4096xf32, #tpu.memory_space<hbm>>) dst(%arg4 : memref<8x4096xf32, #tpu.memory_space<vmem>>)
    %add3A_181 = arith.constant 8192 : i32
    %add3A_182 = arith.addi %mul3A_22, %add3A_181 : i32
    %broadcast_in_dim3A_183 = arith.constant -1.000000e+00 : f32
    %broadcast_in_dim3A_184 = vector.broadcast %broadcast_in_dim3A_183 : f32 to vector<16xf32>
    %broadcast_in_dim3A_185 = arith.constant -1.000000e+00 : f32
    %broadcast_in_dim3A_186 = vector.broadcast %broadcast_in_dim3A_185 : f32 to vector<16xf32>
    %broadcast_in_dim3A_187 = arith.constant -1.000000e+00 : f32
    %broadcast_in_dim3A_188 = vector.broadcast %broadcast_in_dim3A_187 : f32 to vector<16xf32>
    %broadcast_in_dim3A_189 = arith.constant -1.000000e+00 : f32
    %broadcast_in_dim3A_190 = vector.broadcast %broadcast_in_dim3A_189 : f32 to vector<16xf32>
    %broadcast_in_dim3A_191 = arith.constant -1.000000e+00 : f32
    %broadcast_in_dim3A_192 = vector.broadcast %broadcast_in_dim3A_191 : f32 to vector<16xf32>
    %broadcast_in_dim3A_193 = arith.constant -1.000000e+00 : f32
    %broadcast_in_dim3A_194 = vector.broadcast %broadcast_in_dim3A_193 : f32 to vector<16xf32>
    %broadcast_in_dim3A_195 = arith.constant -1.000000e+00 : f32
    %broadcast_in_dim3A_196 = vector.broadcast %broadcast_in_dim3A_195 : f32 to vector<16xf32>
    %broadcast_in_dim3A_197 = arith.constant -1.000000e+00 : f32
    %broadcast_in_dim3A_198 = vector.broadcast %broadcast_in_dim3A_197 : f32 to vector<16xf32>
    %broadcast_in_dim3A_199 = arith.constant 2147483647 : i32
    %broadcast_in_dim3A_200 = vector.broadcast %broadcast_in_dim3A_199 : i32 to vector<16xi32>
    %broadcast_in_dim3A_201 = arith.constant 2147483647 : i32
    %broadcast_in_dim3A_202 = vector.broadcast %broadcast_in_dim3A_201 : i32 to vector<16xi32>
    %broadcast_in_dim3A_203 = arith.constant 2147483647 : i32
    %broadcast_in_dim3A_204 = vector.broadcast %broadcast_in_dim3A_203 : i32 to vector<16xi32>
    %broadcast_in_dim3A_205 = arith.constant 2147483647 : i32
    %broadcast_in_dim3A_206 = vector.broadcast %broadcast_in_dim3A_205 : i32 to vector<16xi32>
    %broadcast_in_dim3A_207 = arith.constant 2147483647 : i32
    %broadcast_in_dim3A_208 = vector.broadcast %broadcast_in_dim3A_207 : i32 to vector<16xi32>
    %broadcast_in_dim3A_209 = arith.constant 2147483647 : i32
    %broadcast_in_dim3A_210 = vector.broadcast %broadcast_in_dim3A_209 : i32 to vector<16xi32>
    %broadcast_in_dim3A_211 = arith.constant 2147483647 : i32
    %broadcast_in_dim3A_212 = vector.broadcast %broadcast_in_dim3A_211 : i32 to vector<16xi32>
    %broadcast_in_dim3A_213 = arith.constant 2147483647 : i32
    %broadcast_in_dim3A_214 = vector.broadcast %broadcast_in_dim3A_213 : i32 to vector<16xi32>
    %broadcast_in_dim3A_215 = arith.constant -1.000000e+00 : f32
    %broadcast_in_dim3A_216 = vector.broadcast %broadcast_in_dim3A_215 : f32 to vector<16xf32>
    %broadcast_in_dim3A_217 = arith.constant -1.000000e+00 : f32
    %broadcast_in_dim3A_218 = vector.broadcast %broadcast_in_dim3A_217 : f32 to vector<16xf32>
    %broadcast_in_dim3A_219 = arith.constant -1.000000e+00 : f32
    %broadcast_in_dim3A_220 = vector.broadcast %broadcast_in_dim3A_219 : f32 to vector<16xf32>
    %broadcast_in_dim3A_221 = arith.constant -1.000000e+00 : f32
    %broadcast_in_dim3A_222 = vector.broadcast %broadcast_in_dim3A_221 : f32 to vector<16xf32>
    %broadcast_in_dim3A_223 = arith.constant -1.000000e+00 : f32
    %broadcast_in_dim3A_224 = vector.broadcast %broadcast_in_dim3A_223 : f32 to vector<16xf32>
    %broadcast_in_dim3A_225 = arith.constant -1.000000e+00 : f32
    %broadcast_in_dim3A_226 = vector.broadcast %broadcast_in_dim3A_225 : f32 to vector<16xf32>
    %broadcast_in_dim3A_227 = arith.constant -1.000000e+00 : f32
    %broadcast_in_dim3A_228 = vector.broadcast %broadcast_in_dim3A_227 : f32 to vector<16xf32>
    %broadcast_in_dim3A_229 = arith.constant -1.000000e+00 : f32
    %broadcast_in_dim3A_230 = vector.broadcast %broadcast_in_dim3A_229 : f32 to vector<16xf32>
    %scan3A_231 = arith.constant 0 : i32
    %scan3A_232 = arith.constant 128 : i32
    %scan3A_233 = arith.addi %scan3A_231, %scan3A_232 : i32
    %scan3A_234 = arith.constant 1 : i32
    %scan3A_235:24 = scf.for %scan3A_325 = %scan3A_231 to %scan3A_233 step %scan3A_234 iter_args(%scan3A_326 = %broadcast_in_dim3A_184, %scan3A_327 = %broadcast_in_dim3A_186, %scan3A_328 = %broadcast_in_dim3A_188, %scan3A_329 = %broadcast_in_dim3A_190, %scan3A_330 = %broadcast_in_dim3A_192, %scan3A_331 = %broadcast_in_dim3A_194, %scan3A_332 = %broadcast_in_dim3A_196, %scan3A_333 = %broadcast_in_dim3A_198, %scan3A_334 = %broadcast_in_dim3A_200, %scan3A_335 = %broadcast_in_dim3A_202, %scan3A_336 = %broadcast_in_dim3A_204, %scan3A_337 = %broadcast_in_dim3A_206, %scan3A_338 = %broadcast_in_dim3A_208, %scan3A_339 = %broadcast_in_dim3A_210, %scan3A_340 = %broadcast_in_dim3A_212, %scan3A_341 = %broadcast_in_dim3A_214, %scan3A_342 = %broadcast_in_dim3A_216, %scan3A_343 = %broadcast_in_dim3A_218, %scan3A_344 = %broadcast_in_dim3A_220, %scan3A_345 = %broadcast_in_dim3A_222, %scan3A_346 = %broadcast_in_dim3A_224, %scan3A_347 = %broadcast_in_dim3A_226, %scan3A_348 = %broadcast_in_dim3A_228, %scan3A_349 = %broadcast_in_dim3A_230) -> (vector<16xf32>, vector<16xf32>, vector<16xf32>, vector<16xf32>, vector<16xf32>, vector<16xf32>, vector<16xf32>, vector<16xf32>, vector<16xi32>, vector<16xi32>, vector<16xi32>, vector<16xi32>, vector<16xi32>, vector<16xi32>, vector<16xi32>, vector<16xi32>, vector<16xf32>, vector<16xf32>, vector<16xf32>, vector<16xf32>, vector<16xf32>, vector<16xf32>, vector<16xf32>, vector<16xf32>)  : i32 {
      %jit3A_350 = arith.constant 16 : i32
      %div3A_351 = arith.divsi %scan3A_325, %jit3A_350 : i32
      %sign3A_352 = arith.constant 0 : i32
      %sign3A_353 = arith.cmpi sgt, %scan3A_325, %sign3A_352 : i32
      %sign3A_354 = arith.extui %sign3A_353 : i1 to i32
      %sign3A_355 = arith.constant 0 : i32
      %sign3A_356 = arith.cmpi slt, %scan3A_325, %sign3A_355 : i32
      %sign3A_357 = arith.extui %sign3A_356 : i1 to i32
      %sign3A_358 = arith.subi %sign3A_354, %sign3A_357 : i32
      %sign3A_359 = arith.constant 0 : i32
      %sign3A_360 = arith.cmpi sgt, %jit3A_350, %sign3A_359 : i32
      %sign3A_361 = arith.extui %sign3A_360 : i1 to i32
      %sign3A_362 = arith.constant 0 : i32
      %sign3A_363 = arith.cmpi slt, %jit3A_350, %sign3A_362 : i32
      %sign3A_364 = arith.extui %sign3A_363 : i1 to i32
      %sign3A_365 = arith.subi %sign3A_361, %sign3A_364 : i32
      %ne3A_366 = arith.cmpi ne, %sign3A_358, %sign3A_365 : i32
      %rem3A_367 = arith.remsi %scan3A_325, %jit3A_350 : i32
      %ne3A_368 = arith.constant 0 : i32
      %ne3A_369 = arith.cmpi ne, %rem3A_367, %ne3A_368 : i32
      %and3A_370 = arith.andi %ne3A_366, %ne3A_369 : i1
      %sub3A_371 = arith.constant 1 : i32
      %sub3A_372 = arith.subi %div3A_351, %sub3A_371 : i32
      %select_n3A_373 = arith.select %and3A_370, %sub3A_372, %div3A_351 : i32
      %jit3A_374 = arith.constant 16 : i32
      %eq3A = arith.constant 0 : i32
      %eq3A_375 = arith.cmpi eq, %jit3A_374, %eq3A : i32
      %jit3A_376 = arith.constant 1 : i32
      %select_n3A_377 = arith.select %eq3A_375, %jit3A_376, %jit3A_374 : i32
      %rem3A_378 = arith.remsi %scan3A_325, %select_n3A_377 : i32
      %ne3A_379 = arith.constant 0 : i32
      %ne3A_380 = arith.cmpi ne, %rem3A_378, %ne3A_379 : i32
      %lt3A = arith.constant 0 : i32
      %lt3A_381 = arith.cmpi slt, %rem3A_378, %lt3A : i32
      %lt3A_382 = arith.constant 0 : i32
      %lt3A_383 = arith.cmpi slt, %select_n3A_377, %lt3A_382 : i32
      %ne3A_384 = arith.xori %lt3A_381, %lt3A_383 : i1
      %and3A_385 = arith.andi %ne3A_384, %ne3A_380 : i1
      %add3A_386 = arith.addi %rem3A_378, %select_n3A_377 : i32
      %select_n3A_387 = arith.select %and3A_385, %add3A_386, %rem3A_378 : i32
      %mul3A_388 = arith.constant 256 : i32
      %mul3A_389 = arith.muli %select_n3A_387, %mul3A_388 : i32
      %add3A_390 = arith.addi %mul3A_18, %select_n3A_373 : i32
      %mul3A_391 = arith.constant 32768 : i32
      %mul3A_392 = arith.muli %add3A_390, %mul3A_391 : i32
      %add3A_393 = arith.addi %mul3A_392, %add3A_182 : i32
      %add3A_394 = arith.addi %add3A_393, %mul3A_389 : i32
      %add3A_395 = vector.broadcast %add3A_394 : i32 to vector<16xi32>
      %add3A_396 = arith.addi %add3A_395, %iota3A : vector<16xi32>
      %add3A_397 = arith.constant 0 : i32
      %add3A_398 = arith.addi %mul3A_389, %add3A_397 : i32
      %get3A = arith.index_cast %select_n3A_373 : i32 to index
      %get3A_399 = arith.index_cast %add3A_398 : i32 to index
      %get3A_400 = tpu.vector_load %arg4[%get3A, %get3A_399] {strides = array<i32>} : memref<8x4096xf32, #tpu.memory_space<vmem>>, vector<16xf32>,
      %gt3A = arith.cmpf ogt, %get3A_400, %scan3A_326 : vector<16xf32>
      %min3A = arith.minimumf %get3A_400, %scan3A_326 : vector<16xf32>
      %max3A = arith.maximumf %scan3A_342, %min3A : vector<16xf32>
      %select_n3A_401 = arith.select %gt3A, %get3A_400, %scan3A_326 : vector<16xi1>, vector<16xf32>
      %select_n3A_402 = arith.select %gt3A, %add3A_396, %scan3A_334 : vector<16xi1>, vector<16xi32>
      %add3A_403 = arith.constant 16 : i32
      %add3A_404 = vector.broadcast %add3A_403 : i32 to vector<16xi32>
      %add3A_405 = arith.addi %add3A_396, %add3A_404 : vector<16xi32>
      %add3A_406 = arith.constant 16 : i32
      %add3A_407 = arith.addi %mul3A_389, %add3A_406 : i32
      %get3A_408 = arith.index_cast %select_n3A_373 : i32 to index
      %get3A_409 = arith.index_cast %add3A_407 : i32 to index
      %get3A_410 = tpu.vector_load %arg4[%get3A_408, %get3A_409] {strides = array<i32>} : memref<8x4096xf32, #tpu.memory_space<vmem>>, vector<16xf32>,
      %gt3A_411 = arith.cmpf ogt, %get3A_410, %scan3A_327 : vector<16xf32>
      %min3A_412 = arith.minimumf %get3A_410, %scan3A_327 : vector<16xf32>
      %max3A_413 = arith.maximumf %scan3A_343, %min3A_412 : vector<16xf32>
      %select_n3A_414 = arith.select %gt3A_411, %get3A_410, %scan3A_327 : vector<16xi1>, vector<16xf32>
      %select_n3A_415 = arith.select %gt3A_411, %add3A_405, %scan3A_335 : vector<16xi1>, vector<16xi32>
      %add3A_416 = arith.constant 16 : i32
      %add3A_417 = vector.broadcast %add3A_416 : i32 to vector<16xi32>
      %add3A_418 = arith.addi %add3A_405, %add3A_417 : vector<16xi32>
      %add3A_419 = arith.constant 32 : i32
      %add3A_420 = arith.addi %mul3A_389, %add3A_419 : i32
      %get3A_421 = arith.index_cast %select_n3A_373 : i32 to index
      %get3A_422 = arith.index_cast %add3A_420 : i32 to index
      %get3A_423 = tpu.vector_load %arg4[%get3A_421, %get3A_422] {strides = array<i32>} : memref<8x4096xf32, #tpu.memory_space<vmem>>, vector<16xf32>,
      %gt3A_424 = arith.cmpf ogt, %get3A_423, %scan3A_328 : vector<16xf32>
      %min3A_425 = arith.minimumf %get3A_423, %scan3A_328 : vector<16xf32>
      %max3A_426 = arith.maximumf %scan3A_344, %min3A_425 : vector<16xf32>
      %select_n3A_427 = arith.select %gt3A_424, %get3A_423, %scan3A_328 : vector<16xi1>, vector<16xf32>
      %select_n3A_428 = arith.select %gt3A_424, %add3A_418, %scan3A_336 : vector<16xi1>, vector<16xi32>
      %add3A_429 = arith.constant 16 : i32
      %add3A_430 = vector.broadcast %add3A_429 : i32 to vector<16xi32>
      %add3A_431 = arith.addi %add3A_418, %add3A_430 : vector<16xi32>
      %add3A_432 = arith.constant 48 : i32
      %add3A_433 = arith.addi %mul3A_389, %add3A_432 : i32
      %get3A_434 = arith.index_cast %select_n3A_373 : i32 to index
      %get3A_435 = arith.index_cast %add3A_433 : i32 to index
      %get3A_436 = tpu.vector_load %arg4[%get3A_434, %get3A_435] {strides = array<i32>} : memref<8x4096xf32, #tpu.memory_space<vmem>>, vector<16xf32>,
      %gt3A_437 = arith.cmpf ogt, %get3A_436, %scan3A_329 : vector<16xf32>
      %min3A_438 = arith.minimumf %get3A_436, %scan3A_329 : vector<16xf32>
      %max3A_439 = arith.maximumf %scan3A_345, %min3A_438 : vector<16xf32>
      %select_n3A_440 = arith.select %gt3A_437, %get3A_436, %scan3A_329 : vector<16xi1>, vector<16xf32>
      %select_n3A_441 = arith.select %gt3A_437, %add3A_431, %scan3A_337 : vector<16xi1>, vector<16xi32>
      %add3A_442 = arith.constant 16 : i32
      %add3A_443 = vector.broadcast %add3A_442 : i32 to vector<16xi32>
      %add3A_444 = arith.addi %add3A_431, %add3A_443 : vector<16xi32>
      %add3A_445 = arith.constant 64 : i32
      %add3A_446 = arith.addi %mul3A_389, %add3A_445 : i32
      %get3A_447 = arith.index_cast %select_n3A_373 : i32 to index
      %get3A_448 = arith.index_cast %add3A_446 : i32 to index
      %get3A_449 = tpu.vector_load %arg4[%get3A_447, %get3A_448] {strides = array<i32>} : memref<8x4096xf32, #tpu.memory_space<vmem>>, vector<16xf32>,
      %gt3A_450 = arith.cmpf ogt, %get3A_449, %scan3A_330 : vector<16xf32>
      %min3A_451 = arith.minimumf %get3A_449, %scan3A_330 : vector<16xf32>
      %max3A_452 = arith.maximumf %scan3A_346, %min3A_451 : vector<16xf32>
      %select_n3A_453 = arith.select %gt3A_450, %get3A_449, %scan3A_330 : vector<16xi1>, vector<16xf32>
      %select_n3A_454 = arith.select %gt3A_450, %add3A_444, %scan3A_338 : vector<16xi1>, vector<16xi32>
      %add3A_455 = arith.constant 16 : i32
      %add3A_456 = vector.broadcast %add3A_455 : i32 to vector<16xi32>
      %add3A_457 = arith.addi %add3A_444, %add3A_456 : vector<16xi32>
      %add3A_458 = arith.constant 80 : i32
      %add3A_459 = arith.addi %mul3A_389, %add3A_458 : i32
      %get3A_460 = arith.index_cast %select_n3A_373 : i32 to index
      %get3A_461 = arith.index_cast %add3A_459 : i32 to index
      %get3A_462 = tpu.vector_load %arg4[%get3A_460, %get3A_461] {strides = array<i32>} : memref<8x4096xf32, #tpu.memory_space<vmem>>, vector<16xf32>,
      %gt3A_463 = arith.cmpf ogt, %get3A_462, %scan3A_331 : vector<16xf32>
      %min3A_464 = arith.minimumf %get3A_462, %scan3A_331 : vector<16xf32>
      %max3A_465 = arith.maximumf %scan3A_347, %min3A_464 : vector<16xf32>
      %select_n3A_466 = arith.select %gt3A_463, %get3A_462, %scan3A_331 : vector<16xi1>, vector<16xf32>
      %select_n3A_467 = arith.select %gt3A_463, %add3A_457, %scan3A_339 : vector<16xi1>, vector<16xi32>
      %add3A_468 = arith.constant 16 : i32
      %add3A_469 = vector.broadcast %add3A_468 : i32 to vector<16xi32>
      %add3A_470 = arith.addi %add3A_457, %add3A_469 : vector<16xi32>
      %add3A_471 = arith.constant 96 : i32
      %add3A_472 = arith.addi %mul3A_389, %add3A_471 : i32
      %get3A_473 = arith.index_cast %select_n3A_373 : i32 to index
      %get3A_474 = arith.index_cast %add3A_472 : i32 to index
      %get3A_475 = tpu.vector_load %arg4[%get3A_473, %get3A_474] {strides = array<i32>} : memref<8x4096xf32, #tpu.memory_space<vmem>>, vector<16xf32>,
      %gt3A_476 = arith.cmpf ogt, %get3A_475, %scan3A_332 : vector<16xf32>
      %min3A_477 = arith.minimumf %get3A_475, %scan3A_332 : vector<16xf32>
      %max3A_478 = arith.maximumf %scan3A_348, %min3A_477 : vector<16xf32>
      %select_n3A_479 = arith.select %gt3A_476, %get3A_475, %scan3A_332 : vector<16xi1>, vector<16xf32>
      %select_n3A_480 = arith.select %gt3A_476, %add3A_470, %scan3A_340 : vector<16xi1>, vector<16xi32>
      %add3A_481 = arith.constant 16 : i32
      %add3A_482 = vector.broadcast %add3A_481 : i32 to vector<16xi32>
      %add3A_483 = arith.addi %add3A_470, %add3A_482 : vector<16xi32>
      %add3A_484 = arith.constant 112 : i32
      %add3A_485 = arith.addi %mul3A_389, %add3A_484 : i32
      %get3A_486 = arith.index_cast %select_n3A_373 : i32 to index
      %get3A_487 = arith.index_cast %add3A_485 : i32 to index
      %get3A_488 = tpu.vector_load %arg4[%get3A_486, %get3A_487] {strides = array<i32>} : memref<8x4096xf32, #tpu.memory_space<vmem>>, vector<16xf32>,
      %gt3A_489 = arith.cmpf ogt, %get3A_488, %scan3A_333 : vector<16xf32>
      %min3A_490 = arith.minimumf %get3A_488, %scan3A_333 : vector<16xf32>
      %max3A_491 = arith.maximumf %scan3A_349, %min3A_490 : vector<16xf32>
      %select_n3A_492 = arith.select %gt3A_489, %get3A_488, %scan3A_333 : vector<16xi1>, vector<16xf32>
      %select_n3A_493 = arith.select %gt3A_489, %add3A_483, %scan3A_341 : vector<16xi1>, vector<16xi32>
      %add3A_494 = arith.constant 16 : i32
      %add3A_495 = vector.broadcast %add3A_494 : i32 to vector<16xi32>
      %add3A_496 = arith.addi %add3A_483, %add3A_495 : vector<16xi32>
      %add3A_497 = arith.constant 128 : i32
      %add3A_498 = arith.addi %mul3A_389, %add3A_497 : i32
      %get3A_499 = arith.index_cast %select_n3A_373 : i32 to index
      %get3A_500 = arith.index_cast %add3A_498 : i32 to index
      %get3A_501 = tpu.vector_load %arg4[%get3A_499, %get3A_500] {strides = array<i32>} : memref<8x4096xf32, #tpu.memory_space<vmem>>, vector<16xf32>,
      %gt3A_502 = arith.cmpf ogt, %get3A_501, %select_n3A_401 : vector<16xf32>
      %min3A_503 = arith.minimumf %get3A_501, %select_n3A_401 : vector<16xf32>
      %max3A_504 = arith.maximumf %max3A, %min3A_503 : vector<16xf32>
      %select_n3A_505 = arith.select %gt3A_502, %get3A_501, %select_n3A_401 : vector<16xi1>, vector<16xf32>
      %select_n3A_506 = arith.select %gt3A_502, %add3A_496, %select_n3A_402 : vector<16xi1>, vector<16xi32>
      %add3A_507 = arith.constant 16 : i32
      %add3A_508 = vector.broadcast %add3A_507 : i32 to vector<16xi32>
      %add3A_509 = arith.addi %add3A_496, %add3A_508 : vector<16xi32>
      %add3A_510 = arith.constant 144 : i32
      %add3A_511 = arith.addi %mul3A_389, %add3A_510 : i32
      %get3A_512 = arith.index_cast %select_n3A_373 : i32 to index
      %get3A_513 = arith.index_cast %add3A_511 : i32 to index
      %get3A_514 = tpu.vector_load %arg4[%get3A_512, %get3A_513] {strides = array<i32>} : memref<8x4096xf32, #tpu.memory_space<vmem>>, vector<16xf32>,
      %gt3A_515 = arith.cmpf ogt, %get3A_514, %select_n3A_414 : vector<16xf32>
      %min3A_516 = arith.minimumf %get3A_514, %select_n3A_414 : vector<16xf32>
      %max3A_517 = arith.maximumf %max3A_413, %min3A_516 : vector<16xf32>
      %select_n3A_518 = arith.select %gt3A_515, %get3A_514, %select_n3A_414 : vector<16xi1>, vector<16xf32>
      %select_n3A_519 = arith.select %gt3A_515, %add3A_509, %select_n3A_415 : vector<16xi1>, vector<16xi32>
      %add3A_520 = arith.constant 16 : i32
      %add3A_521 = vector.broadcast %add3A_520 : i32 to vector<16xi32>
      %add3A_522 = arith.addi %add3A_509, %add3A_521 : vector<16xi32>
      %add3A_523 = arith.constant 160 : i32
      %add3A_524 = arith.addi %mul3A_389, %add3A_523 : i32
      %get3A_525 = arith.index_cast %select_n3A_373 : i32 to index
      %get3A_526 = arith.index_cast %add3A_524 : i32 to index
      %get3A_527 = tpu.vector_load %arg4[%get3A_525, %get3A_526] {strides = array<i32>} : memref<8x4096xf32, #tpu.memory_space<vmem>>, vector<16xf32>,
      %gt3A_528 = arith.cmpf ogt, %get3A_527, %select_n3A_427 : vector<16xf32>
      %min3A_529 = arith.minimumf %get3A_527, %select_n3A_427 : vector<16xf32>
      %max3A_530 = arith.maximumf %max3A_426, %min3A_529 : vector<16xf32>
      %select_n3A_531 = arith.select %gt3A_528, %get3A_527, %select_n3A_427 : vector<16xi1>, vector<16xf32>
      %select_n3A_532 = arith.select %gt3A_528, %add3A_522, %select_n3A_428 : vector<16xi1>, vector<16xi32>
      %add3A_533 = arith.constant 16 : i32
      %add3A_534 = vector.broadcast %add3A_533 : i32 to vector<16xi32>
      %add3A_535 = arith.addi %add3A_522, %add3A_534 : vector<16xi32>
      %add3A_536 = arith.constant 176 : i32
      %add3A_537 = arith.addi %mul3A_389, %add3A_536 : i32
      %get3A_538 = arith.index_cast %select_n3A_373 : i32 to index
      %get3A_539 = arith.index_cast %add3A_537 : i32 to index
      %get3A_540 = tpu.vector_load %arg4[%get3A_538, %get3A_539] {strides = array<i32>} : memref<8x4096xf32, #tpu.memory_space<vmem>>, vector<16xf32>,
      %gt3A_541 = arith.cmpf ogt, %get3A_540, %select_n3A_440 : vector<16xf32>
      %min3A_542 = arith.minimumf %get3A_540, %select_n3A_440 : vector<16xf32>
      %max3A_543 = arith.maximumf %max3A_439, %min3A_542 : vector<16xf32>
      %select_n3A_544 = arith.select %gt3A_541, %get3A_540, %select_n3A_440 : vector<16xi1>, vector<16xf32>
      %select_n3A_545 = arith.select %gt3A_541, %add3A_535, %select_n3A_441 : vector<16xi1>, vector<16xi32>
      %add3A_546 = arith.constant 16 : i32
      %add3A_547 = vector.broadcast %add3A_546 : i32 to vector<16xi32>
      %add3A_548 = arith.addi %add3A_535, %add3A_547 : vector<16xi32>
      %add3A_549 = arith.constant 192 : i32
      %add3A_550 = arith.addi %mul3A_389, %add3A_549 : i32
      %get3A_551 = arith.index_cast %select_n3A_373 : i32 to index
      %get3A_552 = arith.index_cast %add3A_550 : i32 to index
      %get3A_553 = tpu.vector_load %arg4[%get3A_551, %get3A_552] {strides = array<i32>} : memref<8x4096xf32, #tpu.memory_space<vmem>>, vector<16xf32>,
      %gt3A_554 = arith.cmpf ogt, %get3A_553, %select_n3A_453 : vector<16xf32>
      %min3A_555 = arith.minimumf %get3A_553, %select_n3A_453 : vector<16xf32>
      %max3A_556 = arith.maximumf %max3A_452, %min3A_555 : vector<16xf32>
      %select_n3A_557 = arith.select %gt3A_554, %get3A_553, %select_n3A_453 : vector<16xi1>, vector<16xf32>
      %select_n3A_558 = arith.select %gt3A_554, %add3A_548, %select_n3A_454 : vector<16xi1>, vector<16xi32>
      %add3A_559 = arith.constant 16 : i32
      %add3A_560 = vector.broadcast %add3A_559 : i32 to vector<16xi32>
      %add3A_561 = arith.addi %add3A_548, %add3A_560 : vector<16xi32>
      %add3A_562 = arith.constant 208 : i32
      %add3A_563 = arith.addi %mul3A_389, %add3A_562 : i32
      %get3A_564 = arith.index_cast %select_n3A_373 : i32 to index
      %get3A_565 = arith.index_cast %add3A_563 : i32 to index
      %get3A_566 = tpu.vector_load %arg4[%get3A_564, %get3A_565] {strides = array<i32>} : memref<8x4096xf32, #tpu.memory_space<vmem>>, vector<16xf32>,
      %gt3A_567 = arith.cmpf ogt, %get3A_566, %select_n3A_466 : vector<16xf32>
      %min3A_568 = arith.minimumf %get3A_566, %select_n3A_466 : vector<16xf32>
      %max3A_569 = arith.maximumf %max3A_465, %min3A_568 : vector<16xf32>
      %select_n3A_570 = arith.select %gt3A_567, %get3A_566, %select_n3A_466 : vector<16xi1>, vector<16xf32>
      %select_n3A_571 = arith.select %gt3A_567, %add3A_561, %select_n3A_467 : vector<16xi1>, vector<16xi32>
      %add3A_572 = arith.constant 16 : i32
      %add3A_573 = vector.broadcast %add3A_572 : i32 to vector<16xi32>
      %add3A_574 = arith.addi %add3A_561, %add3A_573 : vector<16xi32>
      %add3A_575 = arith.constant 224 : i32
      %add3A_576 = arith.addi %mul3A_389, %add3A_575 : i32
      %get3A_577 = arith.index_cast %select_n3A_373 : i32 to index
      %get3A_578 = arith.index_cast %add3A_576 : i32 to index
      %get3A_579 = tpu.vector_load %arg4[%get3A_577, %get3A_578] {strides = array<i32>} : memref<8x4096xf32, #tpu.memory_space<vmem>>, vector<16xf32>,
      %gt3A_580 = arith.cmpf ogt, %get3A_579, %select_n3A_479 : vector<16xf32>
      %min3A_581 = arith.minimumf %get3A_579, %select_n3A_479 : vector<16xf32>
      %max3A_582 = arith.maximumf %max3A_478, %min3A_581 : vector<16xf32>
      %select_n3A_583 = arith.select %gt3A_580, %get3A_579, %select_n3A_479 : vector<16xi1>, vector<16xf32>
      %select_n3A_584 = arith.select %gt3A_580, %add3A_574, %select_n3A_480 : vector<16xi1>, vector<16xi32>
      %add3A_585 = arith.constant 16 : i32
      %add3A_586 = vector.broadcast %add3A_585 : i32 to vector<16xi32>
      %add3A_587 = arith.addi %add3A_574, %add3A_586 : vector<16xi32>
      %add3A_588 = arith.constant 240 : i32
      %add3A_589 = arith.addi %mul3A_389, %add3A_588 : i32
      %get3A_590 = arith.index_cast %select_n3A_373 : i32 to index
      %get3A_591 = arith.index_cast %add3A_589 : i32 to index
      %get3A_592 = tpu.vector_load %arg4[%get3A_590, %get3A_591] {strides = array<i32>} : memref<8x4096xf32, #tpu.memory_space<vmem>>, vector<16xf32>,
      %gt3A_593 = arith.cmpf ogt, %get3A_592, %select_n3A_492 : vector<16xf32>
      %min3A_594 = arith.minimumf %get3A_592, %select_n3A_492 : vector<16xf32>
      %max3A_595 = arith.maximumf %max3A_491, %min3A_594 : vector<16xf32>
      %select_n3A_596 = arith.select %gt3A_593, %get3A_592, %select_n3A_492 : vector<16xi1>, vector<16xf32>
      %select_n3A_597 = arith.select %gt3A_593, %add3A_587, %select_n3A_493 : vector<16xi1>, vector<16xi32>
      %add3A_598 = arith.constant 16 : i32
      %add3A_599 = vector.broadcast %add3A_598 : i32 to vector<16xi32>
      %add3A_600 = arith.addi %add3A_587, %add3A_599 : vector<16xi32>
      scf.yield %select_n3A_505, %select_n3A_518, %select_n3A_531, %select_n3A_544, %select_n3A_557, %select_n3A_570, %select_n3A_583, %select_n3A_596, %select_n3A_506, %select_n3A_519, %select_n3A_532, %select_n3A_545, %select_n3A_558, %select_n3A_571, %select_n3A_584, %select_n3A_597, %max3A_504, %max3A_517, %max3A_530, %max3A_543, %max3A_556, %max3A_569, %max3A_582, %max3A_595 : vector<16xf32>, vector<16xf32>, vector<16xf32>, vector<16xf32>, vector<16xf32>, vector<16xf32>, vector<16xf32>, vector<16xf32>, vector<16xi32>, vector<16xi32>, vector<16xi32>, vector<16xi32>, vector<16xi32>, vector<16xi32>, vector<16xi32>, vector<16xi32>, vector<16xf32>, vector<16xf32>, vector<16xf32>, vector<16xf32>, vector<16xf32>, vector<16xf32>, vector<16xf32>, vector<16xf32>
    }
    %scan3A_236 = arith.constant 128 : i32
    %broadcast_in_dim3A_237 = arith.constant -1.000000e+00 : f32
    %broadcast_in_dim3A_238 = vector.broadcast %broadcast_in_dim3A_237 : f32 to vector<16xf32>
    %broadcast_in_dim3A_239 = arith.constant 0 : i32
    %broadcast_in_dim3A_240 = vector.broadcast %broadcast_in_dim3A_239 : i32 to vector<16xi32>
    %scan3A_241 = arith.constant 0 : i32
    %scan3A_242 = arith.constant 10 : i32
    %scan3A_243 = arith.addi %scan3A_241, %scan3A_242 : i32
    %scan3A_244 = arith.constant 1 : i32
    %scan3A_245:26 = scf.for %scan3A_325 = %scan3A_241 to %scan3A_243 step %scan3A_244 iter_args(%scan3A_326 = %scan3A_235#0, %scan3A_327 = %scan3A_235#1, %scan3A_328 = %scan3A_235#2, %scan3A_329 = %scan3A_235#3, %scan3A_330 = %scan3A_235#4, %scan3A_331 = %scan3A_235#5, %scan3A_332 = %scan3A_235#6, %scan3A_333 = %scan3A_235#7, %scan3A_334 = %scan3A_235#8, %scan3A_335 = %scan3A_235#9, %scan3A_336 = %scan3A_235#10, %scan3A_337 = %scan3A_235#11, %scan3A_338 = %scan3A_235#12, %scan3A_339 = %scan3A_235#13, %scan3A_340 = %scan3A_235#14, %scan3A_341 = %scan3A_235#15, %scan3A_342 = %scan3A_235#16, %scan3A_343 = %scan3A_235#17, %scan3A_344 = %scan3A_235#18, %scan3A_345 = %scan3A_235#19, %scan3A_346 = %scan3A_235#20, %scan3A_347 = %scan3A_235#21, %scan3A_348 = %scan3A_235#22, %scan3A_349 = %scan3A_235#23, %scan3A_350 = %broadcast_in_dim3A_238, %scan3A_351 = %broadcast_in_dim3A_240) -> (vector<16xf32>, vector<16xf32>, vector<16xf32>, vector<16xf32>, vector<16xf32>, vector<16xf32>, vector<16xf32>, vector<16xf32>, vector<16xi32>, vector<16xi32>, vector<16xi32>, vector<16xi32>, vector<16xi32>, vector<16xi32>, vector<16xi32>, vector<16xi32>, vector<16xf32>, vector<16xf32>, vector<16xf32>, vector<16xf32>, vector<16xf32>, vector<16xf32>, vector<16xf32>, vector<16xf32>, vector<16xf32>, vector<16xi32>)  : i32 {
      %gt3A = arith.cmpf ogt, %scan3A_327, %scan3A_326 : vector<16xf32>
      %eq3A = arith.cmpf oeq, %scan3A_327, %scan3A_326 : vector<16xf32>
      %lt3A = arith.cmpi slt, %scan3A_335, %scan3A_334 : vector<16xi32>
      %and3A_352 = arith.andi %eq3A, %lt3A : vector<16xi1>
      %or3A = arith.ori %gt3A, %and3A_352 : vector<16xi1>
      %select_n3A_353 = arith.select %or3A, %scan3A_327, %scan3A_326 : vector<16xi1>, vector<16xf32>
      %select_n3A_354 = arith.select %or3A, %scan3A_335, %scan3A_334 : vector<16xi1>, vector<16xi32>
      %gt3A_355 = arith.cmpf ogt, %scan3A_328, %select_n3A_353 : vector<16xf32>
      %eq3A_356 = arith.cmpf oeq, %scan3A_328, %select_n3A_353 : vector<16xf32>
      %lt3A_357 = arith.cmpi slt, %scan3A_336, %select_n3A_354 : vector<16xi32>
      %and3A_358 = arith.andi %eq3A_356, %lt3A_357 : vector<16xi1>
      %or3A_359 = arith.ori %gt3A_355, %and3A_358 : vector<16xi1>
      %select_n3A_360 = arith.select %or3A_359, %scan3A_328, %select_n3A_353 : vector<16xi1>, vector<16xf32>
      %select_n3A_361 = arith.select %or3A_359, %scan3A_336, %select_n3A_354 : vector<16xi1>, vector<16xi32>
      %gt3A_362 = arith.cmpf ogt, %scan3A_329, %select_n3A_360 : vector<16xf32>
      %eq3A_363 = arith.cmpf oeq, %scan3A_329, %select_n3A_360 : vector<16xf32>
      %lt3A_364 = arith.cmpi slt, %scan3A_337, %select_n3A_361 : vector<16xi32>
      %and3A_365 = arith.andi %eq3A_363, %lt3A_364 : vector<16xi1>
      %or3A_366 = arith.ori %gt3A_362, %and3A_365 : vector<16xi1>
      %select_n3A_367 = arith.select %or3A_366, %scan3A_329, %select_n3A_360 : vector<16xi1>, vector<16xf32>
      %select_n3A_368 = arith.select %or3A_366, %scan3A_337, %select_n3A_361 : vector<16xi1>, vector<16xi32>
      %gt3A_369 = arith.cmpf ogt, %scan3A_330, %select_n3A_367 : vector<16xf32>
      %eq3A_370 = arith.cmpf oeq, %scan3A_330, %select_n3A_367 : vector<16xf32>
      %lt3A_371 = arith.cmpi slt, %scan3A_338, %select_n3A_368 : vector<16xi32>
      %and3A_372 = arith.andi %eq3A_370, %lt3A_371 : vector<16xi1>
      %or3A_373 = arith.ori %gt3A_369, %and3A_372 : vector<16xi1>
      %select_n3A_374 = arith.select %or3A_373, %scan3A_330, %select_n3A_367 : vector<16xi1>, vector<16xf32>
      %select_n3A_375 = arith.select %or3A_373, %scan3A_338, %select_n3A_368 : vector<16xi1>, vector<16xi32>
      %gt3A_376 = arith.cmpf ogt, %scan3A_331, %select_n3A_374 : vector<16xf32>
      %eq3A_377 = arith.cmpf oeq, %scan3A_331, %select_n3A_374 : vector<16xf32>
      %lt3A_378 = arith.cmpi slt, %scan3A_339, %select_n3A_375 : vector<16xi32>
      %and3A_379 = arith.andi %eq3A_377, %lt3A_378 : vector<16xi1>
      %or3A_380 = arith.ori %gt3A_376, %and3A_379 : vector<16xi1>
      %select_n3A_381 = arith.select %or3A_380, %scan3A_331, %select_n3A_374 : vector<16xi1>, vector<16xf32>
      %select_n3A_382 = arith.select %or3A_380, %scan3A_339, %select_n3A_375 : vector<16xi1>, vector<16xi32>
      %gt3A_383 = arith.cmpf ogt, %scan3A_332, %select_n3A_381 : vector<16xf32>
      %eq3A_384 = arith.cmpf oeq, %scan3A_332, %select_n3A_381 : vector<16xf32>
      %lt3A_385 = arith.cmpi slt, %scan3A_340, %select_n3A_382 : vector<16xi32>
      %and3A_386 = arith.andi %eq3A_384, %lt3A_385 : vector<16xi1>
      %or3A_387 = arith.ori %gt3A_383, %and3A_386 : vector<16xi1>
      %select_n3A_388 = arith.select %or3A_387, %scan3A_332, %select_n3A_381 : vector<16xi1>, vector<16xf32>
      %select_n3A_389 = arith.select %or3A_387, %scan3A_340, %select_n3A_382 : vector<16xi1>, vector<16xi32>
      %gt3A_390 = arith.cmpf ogt, %scan3A_333, %select_n3A_388 : vector<16xf32>
      %eq3A_391 = arith.cmpf oeq, %scan3A_333, %select_n3A_388 : vector<16xf32>
      %lt3A_392 = arith.cmpi slt, %scan3A_341, %select_n3A_389 : vector<16xi32>
      %and3A_393 = arith.andi %eq3A_391, %lt3A_392 : vector<16xi1>
      %or3A_394 = arith.ori %gt3A_390, %and3A_393 : vector<16xi1>
      %select_n3A_395 = arith.select %or3A_394, %scan3A_333, %select_n3A_388 : vector<16xi1>, vector<16xf32>
      %select_n3A_396 = arith.select %or3A_394, %scan3A_341, %select_n3A_389 : vector<16xi1>, vector<16xi32>
      %reduce_max3A = arith.constant true
      %reduce_max3A_397 = vector.broadcast %reduce_max3A : i1 to vector<16xi1>
      %reduce_max3A_398 = tpu.scan <max>, %select_n3A_395 masked %reduce_max3A_397 : vector<16xf32>, vector<16xi1> -> vector<16xf32>
      %reduce_max3A_399 = vector.extract %reduce_max3A_398[15] : f32 from vector<16xf32>
      %eq3A_400 = vector.broadcast %reduce_max3A_399 : f32 to vector<16xf32>
      %eq3A_401 = arith.cmpf oeq, %select_n3A_395, %eq3A_400 : vector<16xf32>
      %jit3A_402 = arith.constant 0 : i32
      %broadcast_in_dim3A_403 = vector.broadcast %jit3A_402 : i32 to vector<16xi32>
      %select_n3A_404 = arith.select %eq3A_401, %select_n3A_396, %broadcast_in_dim3A_403 : vector<16xi1>, vector<16xi32>
      %reduce_max3A_405 = arith.constant true
      %reduce_max3A_406 = vector.broadcast %reduce_max3A_405 : i1 to vector<16xi1>
      %reduce_max3A_407 = arith.constant -2147483648 : i32
      %reduce_max3A_408 = vector.broadcast %reduce_max3A_407 : i32 to vector<16xi32>
      %reduce_max3A_409 = arith.xori %select_n3A_404, %reduce_max3A_408 : vector<16xi32>
      %reduce_max3A_410 = tpu.scan <max>, %reduce_max3A_409 masked %reduce_max3A_406 : vector<16xi32>, vector<16xi1> -> vector<16xi32>
      %reduce_max3A_411 = arith.xori %reduce_max3A_410, %reduce_max3A_408 : vector<16xi32>
      %reduce_max3A_412 = vector.extract %reduce_max3A_411[15] : i32 from vector<16xi32>
      %while3A:25 = scf.while (%while3A_590 = %scan3A_326, %while3A_591 = %scan3A_327, %while3A_592 = %scan3A_328, %while3A_593 = %scan3A_329, %while3A_594 = %scan3A_330, %while3A_595 = %scan3A_331, %while3A_596 = %scan3A_332, %while3A_597 = %scan3A_333, %while3A_598 = %scan3A_334, %while3A_599 = %scan3A_335, %while3A_600 = %scan3A_336, %while3A_601 = %scan3A_337, %while3A_602 = %scan3A_338, %while3A_603 = %scan3A_339, %while3A_604 = %scan3A_340, %while3A_605 = %scan3A_341, %while3A_606 = %scan3A_342, %while3A_607 = %scan3A_343, %while3A_608 = %scan3A_344, %while3A_609 = %scan3A_345, %while3A_610 = %scan3A_346, %while3A_611 = %scan3A_347, %while3A_612 = %scan3A_348, %while3A_613 = %scan3A_349, %while3A_614 = %reduce_max3A_412) : (vector<16xf32>, vector<16xf32>, vector<16xf32>, vector<16xf32>, vector<16xf32>, vector<16xf32>, vector<16xf32>, vector<16xf32>, vector<16xi32>, vector<16xi32>, vector<16xi32>, vector<16xi32>, vector<16xi32>, vector<16xi32>, vector<16xi32>, vector<16xi32>, vector<16xf32>, vector<16xf32>, vector<16xf32>, vector<16xf32>, vector<16xf32>, vector<16xf32>, vector<16xf32>, vector<16xf32>, i32) -> (vector<16xf32>, vector<16xf32>, vector<16xf32>, vector<16xf32>, vector<16xf32>, vector<16xf32>, vector<16xf32>, vector<16xf32>, vector<16xi32>, vector<16xi32>, vector<16xi32>, vector<16xi32>, vector<16xi32>, vector<16xi32>, vector<16xi32>, vector<16xi32>, vector<16xf32>, vector<16xf32>, vector<16xf32>, vector<16xf32>, vector<16xf32>, vector<16xf32>, vector<16xf32>, vector<16xf32>, i32) {
        %ge3A = arith.constant 1073741824 : i32
        %ge3A_615 = arith.cmpi sge, %while3A_614, %ge3A : i32
        scf.condition(%ge3A_615) %while3A_590, %while3A_591, %while3A_592, %while3A_593, %while3A_594, %while3A_595, %while3A_596, %while3A_597, %while3A_598, %while3A_599, %while3A_600, %while3A_601, %while3A_602, %while3A_603, %while3A_604, %while3A_605, %while3A_606, %while3A_607, %while3A_608, %while3A_609, %while3A_610, %while3A_611, %while3A_612, %while3A_613, %while3A_614 : vector<16xf32>, vector<16xf32>, vector<16xf32>, vector<16xf32>, vector<16xf32>, vector<16xf32>, vector<16xf32>, vector<16xf32>, vector<16xi32>, vector<16xi32>, vector<16xi32>, vector<16xi32>, vector<16xi32>, vector<16xi32>, vector<16xi32>, vector<16xi32>, vector<16xf32>, vector<16xf32>, vector<16xf32>, vector<16xf32>, vector<16xf32>, vector<16xf32>, vector<16xf32>, vector<16xf32>, i32
      } do {
      ^bb0(%while3A_590: vector<16xf32>, %while3A_591: vector<16xf32>, %while3A_592: vector<16xf32>, %while3A_593: vector<16xf32>, %while3A_594: vector<16xf32>, %while3A_595: vector<16xf32>, %while3A_596: vector<16xf32>, %while3A_597: vector<16xf32>, %while3A_598: vector<16xi32>, %while3A_599: vector<16xi32>, %while3A_600: vector<16xi32>, %while3A_601: vector<16xi32>, %while3A_602: vector<16xi32>, %while3A_603: vector<16xi32>, %while3A_604: vector<16xi32>, %while3A_605: vector<16xi32>, %while3A_606: vector<16xf32>, %while3A_607: vector<16xf32>, %while3A_608: vector<16xf32>, %while3A_609: vector<16xf32>, %while3A_610: vector<16xf32>, %while3A_611: vector<16xf32>, %while3A_612: vector<16xf32>, %while3A_613: vector<16xf32>, %while3A_614: i32):
        %sub3A_615 = arith.constant 1073741824 : i32
        %sub3A_616 = arith.subi %while3A_614, %sub3A_615 : i32
        %mul3A_617 = arith.constant 16 : i32
        %mul3A_618 = arith.muli %sub3A_616, %mul3A_617 : i32
        %broadcast_in_dim3A_619 = arith.constant -1.000000e+00 : f32
        %broadcast_in_dim3A_620 = vector.broadcast %broadcast_in_dim3A_619 : f32 to vector<16xf32>
        %broadcast_in_dim3A_621 = arith.constant -1.000000e+00 : f32
        %broadcast_in_dim3A_622 = vector.broadcast %broadcast_in_dim3A_621 : f32 to vector<16xf32>
        %broadcast_in_dim3A_623 = arith.constant -1.000000e+00 : f32
        %broadcast_in_dim3A_624 = vector.broadcast %broadcast_in_dim3A_623 : f32 to vector<16xf32>
        %broadcast_in_dim3A_625 = arith.constant -1.000000e+00 : f32
        %broadcast_in_dim3A_626 = vector.broadcast %broadcast_in_dim3A_625 : f32 to vector<16xf32>
        %broadcast_in_dim3A_627 = arith.constant 2147483647 : i32
        %broadcast_in_dim3A_628 = vector.broadcast %broadcast_in_dim3A_627 : i32 to vector<16xi32>
        %broadcast_in_dim3A_629 = arith.constant 2147483647 : i32
        %broadcast_in_dim3A_630 = vector.broadcast %broadcast_in_dim3A_629 : i32 to vector<16xi32>
        %broadcast_in_dim3A_631 = arith.constant 2147483647 : i32
        %broadcast_in_dim3A_632 = vector.broadcast %broadcast_in_dim3A_631 : i32 to vector<16xi32>
        %broadcast_in_dim3A_633 = arith.constant 2147483647 : i32
        %broadcast_in_dim3A_634 = vector.broadcast %broadcast_in_dim3A_633 : i32 to vector<16xi32>
        %broadcast_in_dim3A_635 = arith.constant -1.000000e+00 : f32
        %broadcast_in_dim3A_636 = vector.broadcast %broadcast_in_dim3A_635 : f32 to vector<16xf32>
        %broadcast_in_dim3A_637 = arith.constant -1.000000e+00 : f32
        %broadcast_in_dim3A_638 = vector.broadcast %broadcast_in_dim3A_637 : f32 to vector<16xf32>
        %broadcast_in_dim3A_639 = arith.constant -1.000000e+00 : f32
        %broadcast_in_dim3A_640 = vector.broadcast %broadcast_in_dim3A_639 : f32 to vector<16xf32>
        %broadcast_in_dim3A_641 = arith.constant -1.000000e+00 : f32
        %broadcast_in_dim3A_642 = vector.broadcast %broadcast_in_dim3A_641 : f32 to vector<16xf32>
        %scan3A_643 = arith.constant 0 : i32
        %scan3A_644 = arith.constant 64 : i32
        %scan3A_645 = arith.addi %scan3A_643, %scan3A_644 : i32
        %scan3A_646 = arith.constant 1 : i32
        %scan3A_647:12 = scf.for %scan3A_779 = %scan3A_643 to %scan3A_645 step %scan3A_646 iter_args(%scan3A_780 = %broadcast_in_dim3A_620, %scan3A_781 = %broadcast_in_dim3A_622, %scan3A_782 = %broadcast_in_dim3A_624, %scan3A_783 = %broadcast_in_dim3A_626, %scan3A_784 = %broadcast_in_dim3A_628, %scan3A_785 = %broadcast_in_dim3A_630, %scan3A_786 = %broadcast_in_dim3A_632, %scan3A_787 = %broadcast_in_dim3A_634, %scan3A_788 = %broadcast_in_dim3A_636, %scan3A_789 = %broadcast_in_dim3A_638, %scan3A_790 = %broadcast_in_dim3A_640, %scan3A_791 = %broadcast_in_dim3A_642) -> (vector<16xf32>, vector<16xf32>, vector<16xf32>, vector<16xf32>, vector<16xi32>, vector<16xi32>, vector<16xi32>, vector<16xi32>, vector<16xf32>, vector<16xf32>, vector<16xf32>, vector<16xf32>)  : i32 {
          %jit3A_792 = arith.constant 8 : i32
          %div3A_793 = arith.divsi %scan3A_779, %jit3A_792 : i32
          %sign3A_794 = arith.constant 0 : i32
          %sign3A_795 = arith.cmpi sgt, %scan3A_779, %sign3A_794 : i32
          %sign3A_796 = arith.extui %sign3A_795 : i1 to i32
          %sign3A_797 = arith.constant 0 : i32
          %sign3A_798 = arith.cmpi slt, %scan3A_779, %sign3A_797 : i32
          %sign3A_799 = arith.extui %sign3A_798 : i1 to i32
          %sign3A_800 = arith.subi %sign3A_796, %sign3A_799 : i32
          %sign3A_801 = arith.constant 0 : i32
          %sign3A_802 = arith.cmpi sgt, %jit3A_792, %sign3A_801 : i32
          %sign3A_803 = arith.extui %sign3A_802 : i1 to i32
          %sign3A_804 = arith.constant 0 : i32
          %sign3A_805 = arith.cmpi slt, %jit3A_792, %sign3A_804 : i32
          %sign3A_806 = arith.extui %sign3A_805 : i1 to i32
          %sign3A_807 = arith.subi %sign3A_803, %sign3A_806 : i32
          %ne3A_808 = arith.cmpi ne, %sign3A_800, %sign3A_807 : i32
          %rem3A_809 = arith.remsi %scan3A_779, %jit3A_792 : i32
          %ne3A_810 = arith.constant 0 : i32
          %ne3A_811 = arith.cmpi ne, %rem3A_809, %ne3A_810 : i32
          %and3A_812 = arith.andi %ne3A_808, %ne3A_811 : i1
          %sub3A_813 = arith.constant 1 : i32
          %sub3A_814 = arith.subi %div3A_793, %sub3A_813 : i32
          %select_n3A_815 = arith.select %and3A_812, %sub3A_814, %div3A_793 : i32
          %jit3A_816 = arith.constant 8 : i32
          %eq3A_817 = arith.constant 0 : i32
          %eq3A_818 = arith.cmpi eq, %jit3A_816, %eq3A_817 : i32
          %jit3A_819 = arith.constant 1 : i32
          %select_n3A_820 = arith.select %eq3A_818, %jit3A_819, %jit3A_816 : i32
          %rem3A_821 = arith.remsi %scan3A_779, %select_n3A_820 : i32
          %ne3A_822 = arith.constant 0 : i32
          %ne3A_823 = arith.cmpi ne, %rem3A_821, %ne3A_822 : i32
          %lt3A_824 = arith.constant 0 : i32
          %lt3A_825 = arith.cmpi slt, %rem3A_821, %lt3A_824 : i32
          %lt3A_826 = arith.constant 0 : i32
          %lt3A_827 = arith.cmpi slt, %select_n3A_820, %lt3A_826 : i32
          %ne3A_828 = arith.xori %lt3A_825, %lt3A_827 : i1
          %and3A_829 = arith.andi %ne3A_828, %ne3A_823 : i1
          %add3A_830 = arith.addi %rem3A_821, %select_n3A_820 : i32
          %select_n3A_831 = arith.select %and3A_829, %add3A_830, %rem3A_821 : i32
          %mul3A_832 = arith.constant 4 : i32
          %mul3A_833 = arith.muli %select_n3A_831, %mul3A_832 : i32
          %add3A_834 = arith.addi %mul3A_18, %select_n3A_815 : i32
          %mul3A_835 = arith.constant 32768 : i32
          %mul3A_836 = arith.muli %add3A_834, %mul3A_835 : i32
          %add3A_837 = arith.addi %mul3A_836, %add3A_182 : i32
          %add3A_838 = arith.addi %add3A_837, %mul3A_618 : i32
          %add3A_839 = vector.broadcast %add3A_838 : i32 to vector<16xi32>
          %add3A_840 = arith.addi %add3A_839, %iota3A : vector<16xi32>
          %add3A_841 = arith.constant 0 : i32
          %add3A_842 = arith.addi %mul3A_833, %add3A_841 : i32
          %mul3A_843 = arith.constant 128 : i32
          %mul3A_844 = arith.muli %add3A_842, %mul3A_843 : i32
          %add3A_845 = arith.addi %mul3A_618, %mul3A_844 : i32
          %get3A = arith.index_cast %select_n3A_815 : i32 to index
          %get3A_846 = arith.index_cast %add3A_845 : i32 to index
          %get3A_847 = tpu.vector_load %arg4[%get3A, %get3A_846] {strides = array<i32>} : memref<8x4096xf32, #tpu.memory_space<vmem>>, vector<16xf32>,
          %gt3A_848 = arith.cmpf ogt, %get3A_847, %scan3A_780 : vector<16xf32>
          %min3A_849 = arith.minimumf %get3A_847, %scan3A_780 : vector<16xf32>
          %max3A_850 = arith.maximumf %scan3A_788, %min3A_849 : vector<16xf32>
          %select_n3A_851 = arith.select %gt3A_848, %get3A_847, %scan3A_780 : vector<16xi1>, vector<16xf32>
          %add3A_852 = arith.constant 0 : i32
          %add3A_853 = arith.addi %mul3A_833, %add3A_852 : i32
          %mul3A_854 = arith.constant 128 : i32
          %mul3A_855 = arith.muli %add3A_853, %mul3A_854 : i32
          %add3A_856 = vector.broadcast %mul3A_855 : i32 to vector<16xi32>
          %add3A_857 = arith.addi %add3A_840, %add3A_856 : vector<16xi32>
          %select_n3A_858 = arith.select %gt3A_848, %add3A_857, %scan3A_784 : vector<16xi1>, vector<16xi32>
          %add3A_859 = arith.constant 1 : i32
          %add3A_860 = arith.addi %mul3A_833, %add3A_859 : i32
          %mul3A_861 = arith.constant 128 : i32
          %mul3A_862 = arith.muli %add3A_860, %mul3A_861 : i32
          %add3A_863 = arith.addi %mul3A_618, %mul3A_862 : i32
          %get3A_864 = arith.index_cast %select_n3A_815 : i32 to index
          %get3A_865 = arith.index_cast %add3A_863 : i32 to index
          %get3A_866 = tpu.vector_load %arg4[%get3A_864, %get3A_865] {strides = array<i32>} : memref<8x4096xf32, #tpu.memory_space<vmem>>, vector<16xf32>,
          %gt3A_867 = arith.cmpf ogt, %get3A_866, %scan3A_781 : vector<16xf32>
          %min3A_868 = arith.minimumf %get3A_866, %scan3A_781 : vector<16xf32>
          %max3A_869 = arith.maximumf %scan3A_789, %min3A_868 : vector<16xf32>
          %select_n3A_870 = arith.select %gt3A_867, %get3A_866, %scan3A_781 : vector<16xi1>, vector<16xf32>
          %add3A_871 = arith.constant 1 : i32
          %add3A_872 = arith.addi %mul3A_833, %add3A_871 : i32
          %mul3A_873 = arith.constant 128 : i32
          %mul3A_874 = arith.muli %add3A_872, %mul3A_873 : i32
          %add3A_875 = vector.broadcast %mul3A_874 : i32 to vector<16xi32>
          %add3A_876 = arith.addi %add3A_840, %add3A_875 : vector<16xi32>
          %select_n3A_877 = arith.select %gt3A_867, %add3A_876, %scan3A_785 : vector<16xi1>, vector<16xi32>
          %add3A_878 = arith.constant 2 : i32
          %add3A_879 = arith.addi %mul3A_833, %add3A_878 : i32
          %mul3A_880 = arith.constant 128 : i32
          %mul3A_881 = arith.muli %add3A_879, %mul3A_880 : i32
          %add3A_882 = arith.addi %mul3A_618, %mul3A_881 : i32
          %get3A_883 = arith.index_cast %select_n3A_815 : i32 to index
          %get3A_884 = arith.index_cast %add3A_882 : i32 to index
          %get3A_885 = tpu.vector_load %arg4[%get3A_883, %get3A_884] {strides = array<i32>} : memref<8x4096xf32, #tpu.memory_space<vmem>>, vector<16xf32>,
          %gt3A_886 = arith.cmpf ogt, %get3A_885, %scan3A_782 : vector<16xf32>
          %min3A_887 = arith.minimumf %get3A_885, %scan3A_782 : vector<16xf32>
          %max3A_888 = arith.maximumf %scan3A_790, %min3A_887 : vector<16xf32>
          %select_n3A_889 = arith.select %gt3A_886, %get3A_885, %scan3A_782 : vector<16xi1>, vector<16xf32>
          %add3A_890 = arith.constant 2 : i32
          %add3A_891 = arith.addi %mul3A_833, %add3A_890 : i32
          %mul3A_892 = arith.constant 128 : i32
          %mul3A_893 = arith.muli %add3A_891, %mul3A_892 : i32
          %add3A_894 = vector.broadcast %mul3A_893 : i32 to vector<16xi32>
          %add3A_895 = arith.addi %add3A_840, %add3A_894 : vector<16xi32>
          %select_n3A_896 = arith.select %gt3A_886, %add3A_895, %scan3A_786 : vector<16xi1>, vector<16xi32>
          %add3A_897 = arith.constant 3 : i32
          %add3A_898 = arith.addi %mul3A_833, %add3A_897 : i32
          %mul3A_899 = arith.constant 128 : i32
          %mul3A_900 = arith.muli %add3A_898, %mul3A_899 : i32
          %add3A_901 = arith.addi %mul3A_618, %mul3A_900 : i32
          %get3A_902 = arith.index_cast %select_n3A_815 : i32 to index
          %get3A_903 = arith.index_cast %add3A_901 : i32 to index
          %get3A_904 = tpu.vector_load %arg4[%get3A_902, %get3A_903] {strides = array<i32>} : memref<8x4096xf32, #tpu.memory_space<vmem>>, vector<16xf32>,
          %gt3A_905 = arith.cmpf ogt, %get3A_904, %scan3A_783 : vector<16xf32>
          %min3A_906 = arith.minimumf %get3A_904, %scan3A_783 : vector<16xf32>
          %max3A_907 = arith.maximumf %scan3A_791, %min3A_906 : vector<16xf32>
          %select_n3A_908 = arith.select %gt3A_905, %get3A_904, %scan3A_783 : vector<16xi1>, vector<16xf32>
          %add3A_909 = arith.constant 3 : i32
          %add3A_910 = arith.addi %mul3A_833, %add3A_909 : i32
          %mul3A_911 = arith.constant 128 : i32
          %mul3A_912 = arith.muli %add3A_910, %mul3A_911 : i32
          %add3A_913 = vector.broadcast %mul3A_912 : i32 to vector<16xi32>
          %add3A_914 = arith.addi %add3A_840, %add3A_913 : vector<16xi32>
          %select_n3A_915 = arith.select %gt3A_905, %add3A_914, %scan3A_787 : vector<16xi1>, vector<16xi32>
          scf.yield %select_n3A_851, %select_n3A_870, %select_n3A_889, %select_n3A_908, %select_n3A_858, %select_n3A_877, %select_n3A_896, %select_n3A_915, %max3A_850, %max3A_869, %max3A_888, %max3A_907 : vector<16xf32>, vector<16xf32>, vector<16xf32>, vector<16xf32>, vector<16xi32>, vector<16xi32>, vector<16xi32>, vector<16xi32>, vector<16xf32>, vector<16xf32>, vector<16xf32>, vector<16xf32>
        }
        %scan3A_648 = arith.constant 64 : i32
        %max3A = arith.maximumf %scan3A_647#8, %scan3A_647#10 : vector<16xf32>
        %min3A = arith.minimumf %scan3A_647#0, %scan3A_647#2 : vector<16xf32>
        %max3A_649 = arith.maximumf %max3A, %min3A : vector<16xf32>
        %gt3A_650 = arith.cmpf ogt, %scan3A_647#2, %scan3A_647#0 : vector<16xf32>
        %eq3A_651 = arith.cmpf oeq, %scan3A_647#2, %scan3A_647#0 : vector<16xf32>
        %lt3A_652 = arith.cmpi slt, %scan3A_647#6, %scan3A_647#4 : vector<16xi32>
        %and3A_653 = arith.andi %eq3A_651, %lt3A_652 : vector<16xi1>
        %or3A_654 = arith.ori %gt3A_650, %and3A_653 : vector<16xi1>
        %select_n3A_655 = arith.select %or3A_654, %scan3A_647#2, %scan3A_647#0 : vector<16xi1>, vector<16xf32>
        %select_n3A_656 = arith.select %or3A_654, %scan3A_647#6, %scan3A_647#4 : vector<16xi1>, vector<16xi32>
        %max3A_657 = arith.maximumf %scan3A_647#9, %scan3A_647#11 : vector<16xf32>
        %min3A_658 = arith.minimumf %scan3A_647#1, %scan3A_647#3 : vector<16xf32>
        %max3A_659 = arith.maximumf %max3A_657, %min3A_658 : vector<16xf32>
        %gt3A_660 = arith.cmpf ogt, %scan3A_647#3, %scan3A_647#1 : vector<16xf32>
        %eq3A_661 = arith.cmpf oeq, %scan3A_647#3, %scan3A_647#1 : vector<16xf32>
        %lt3A_662 = arith.cmpi slt, %scan3A_647#7, %scan3A_647#5 : vector<16xi32>
        %and3A_663 = arith.andi %eq3A_661, %lt3A_662 : vector<16xi1>
        %or3A_664 = arith.ori %gt3A_660, %and3A_663 : vector<16xi1>
        %select_n3A_665 = arith.select %or3A_664, %scan3A_647#3, %scan3A_647#1 : vector<16xi1>, vector<16xf32>
        %select_n3A_666 = arith.select %or3A_664, %scan3A_647#7, %scan3A_647#5 : vector<16xi1>, vector<16xi32>
        %max3A_667 = arith.maximumf %max3A_649, %max3A_659 : vector<16xf32>
        %min3A_668 = arith.minimumf %select_n3A_655, %select_n3A_665 : vector<16xf32>
        %max3A_669 = arith.maximumf %max3A_667, %min3A_668 : vector<16xf32>
        %gt3A_670 = arith.cmpf ogt, %select_n3A_665, %select_n3A_655 : vector<16xf32>
        %eq3A_671 = arith.cmpf oeq, %select_n3A_665, %select_n3A_655 : vector<16xf32>
        %lt3A_672 = arith.cmpi slt, %select_n3A_666, %select_n3A_656 : vector<16xi32>
        %and3A_673 = arith.andi %eq3A_671, %lt3A_672 : vector<16xi1>
        %or3A_674 = arith.ori %gt3A_670, %and3A_673 : vector<16xi1>
        %select_n3A_675 = arith.select %or3A_674, %select_n3A_665, %select_n3A_655 : vector<16xi1>, vector<16xf32>
        %select_n3A_676 = arith.select %or3A_674, %select_n3A_666, %select_n3A_656 : vector<16xi1>, vector<16xi32>
        %eq3A_677 = arith.constant 0 : i32
        %eq3A_678 = arith.cmpi eq, %sub3A_616, %eq3A_677 : i32
        %select_n3A_679 = arith.select %eq3A_678, %select_n3A_675, %while3A_590 : vector<16xf32>
        %select_n3A_680 = arith.select %eq3A_678, %select_n3A_676, %while3A_598 : vector<16xi32>
        %select_n3A_681 = arith.select %eq3A_678, %max3A_669, %while3A_606 : vector<16xf32>
        %eq3A_682 = arith.constant 1 : i32
        %eq3A_683 = arith.cmpi eq, %sub3A_616, %eq3A_682 : i32
        %select_n3A_684 = arith.select %eq3A_683, %select_n3A_675, %while3A_591 : vector<16xf32>
        %select_n3A_685 = arith.select %eq3A_683, %select_n3A_676, %while3A_599 : vector<16xi32>
        %select_n3A_686 = arith.select %eq3A_683, %max3A_669, %while3A_607 : vector<16xf32>
        %eq3A_687 = arith.constant 2 : i32
        %eq3A_688 = arith.cmpi eq, %sub3A_616, %eq3A_687 : i32
        %select_n3A_689 = arith.select %eq3A_688, %select_n3A_675, %while3A_592 : vector<16xf32>
        %select_n3A_690 = arith.select %eq3A_688, %select_n3A_676, %while3A_600 : vector<16xi32>
        %select_n3A_691 = arith.select %eq3A_688, %max3A_669, %while3A_608 : vector<16xf32>
        %eq3A_692 = arith.constant 3 : i32
        %eq3A_693 = arith.cmpi eq, %sub3A_616, %eq3A_692 : i32
        %select_n3A_694 = arith.select %eq3A_693, %select_n3A_675, %while3A_593 : vector<16xf32>
        %select_n3A_695 = arith.select %eq3A_693, %select_n3A_676, %while3A_601 : vector<16xi32>
        %select_n3A_696 = arith.select %eq3A_693, %max3A_669, %while3A_609 : vector<16xf32>
        %eq3A_697 = arith.constant 4 : i32
        %eq3A_698 = arith.cmpi eq, %sub3A_616, %eq3A_697 : i32
        %select_n3A_699 = arith.select %eq3A_698, %select_n3A_675, %while3A_594 : vector<16xf32>
        %select_n3A_700 = arith.select %eq3A_698, %select_n3A_676, %while3A_602 : vector<16xi32>
        %select_n3A_701 = arith.select %eq3A_698, %max3A_669, %while3A_610 : vector<16xf32>
        %eq3A_702 = arith.constant 5 : i32
        %eq3A_703 = arith.cmpi eq, %sub3A_616, %eq3A_702 : i32
        %select_n3A_704 = arith.select %eq3A_703, %select_n3A_675, %while3A_595 : vector<16xf32>
        %select_n3A_705 = arith.select %eq3A_703, %select_n3A_676, %while3A_603 : vector<16xi32>
        %select_n3A_706 = arith.select %eq3A_703, %max3A_669, %while3A_611 : vector<16xf32>
        %eq3A_707 = arith.constant 6 : i32
        %eq3A_708 = arith.cmpi eq, %sub3A_616, %eq3A_707 : i32
        %select_n3A_709 = arith.select %eq3A_708, %select_n3A_675, %while3A_596 : vector<16xf32>
        %select_n3A_710 = arith.select %eq3A_708, %select_n3A_676, %while3A_604 : vector<16xi32>
        %select_n3A_711 = arith.select %eq3A_708, %max3A_669, %while3A_612 : vector<16xf32>
        %eq3A_712 = arith.constant 7 : i32
        %eq3A_713 = arith.cmpi eq, %sub3A_616, %eq3A_712 : i32
        %select_n3A_714 = arith.select %eq3A_713, %select_n3A_675, %while3A_597 : vector<16xf32>
        %select_n3A_715 = arith.select %eq3A_713, %select_n3A_676, %while3A_605 : vector<16xi32>
        %select_n3A_716 = arith.select %eq3A_713, %max3A_669, %while3A_613 : vector<16xf32>
        %gt3A_717 = arith.cmpf ogt, %select_n3A_684, %select_n3A_679 : vector<16xf32>
        %eq3A_718 = arith.cmpf oeq, %select_n3A_684, %select_n3A_679 : vector<16xf32>
        %lt3A_719 = arith.cmpi slt, %select_n3A_685, %select_n3A_680 : vector<16xi32>
        %and3A_720 = arith.andi %eq3A_718, %lt3A_719 : vector<16xi1>
        %or3A_721 = arith.ori %gt3A_717, %and3A_720 : vector<16xi1>
        %select_n3A_722 = arith.select %or3A_721, %select_n3A_684, %select_n3A_679 : vector<16xi1>, vector<16xf32>
        %select_n3A_723 = arith.select %or3A_721, %select_n3A_685, %select_n3A_680 : vector<16xi1>, vector<16xi32>
        %gt3A_724 = arith.cmpf ogt, %select_n3A_689, %select_n3A_722 : vector<16xf32>
        %eq3A_725 = arith.cmpf oeq, %select_n3A_689, %select_n3A_722 : vector<16xf32>
        %lt3A_726 = arith.cmpi slt, %select_n3A_690, %select_n3A_723 : vector<16xi32>
        %and3A_727 = arith.andi %eq3A_725, %lt3A_726 : vector<16xi1>
        %or3A_728 = arith.ori %gt3A_724, %and3A_727 : vector<16xi1>
        %select_n3A_729 = arith.select %or3A_728, %select_n3A_689, %select_n3A_722 : vector<16xi1>, vector<16xf32>
        %select_n3A_730 = arith.select %or3A_728, %select_n3A_690, %select_n3A_723 : vector<16xi1>, vector<16xi32>
        %gt3A_731 = arith.cmpf ogt, %select_n3A_694, %select_n3A_729 : vector<16xf32>
        %eq3A_732 = arith.cmpf oeq, %select_n3A_694, %select_n3A_729 : vector<16xf32>
        %lt3A_733 = arith.cmpi slt, %select_n3A_695, %select_n3A_730 : vector<16xi32>
        %and3A_734 = arith.andi %eq3A_732, %lt3A_733 : vector<16xi1>
        %or3A_735 = arith.ori %gt3A_731, %and3A_734 : vector<16xi1>
        %select_n3A_736 = arith.select %or3A_735, %select_n3A_694, %select_n3A_729 : vector<16xi1>, vector<16xf32>
        %select_n3A_737 = arith.select %or3A_735, %select_n3A_695, %select_n3A_730 : vector<16xi1>, vector<16xi32>
        %gt3A_738 = arith.cmpf ogt, %select_n3A_699, %select_n3A_736 : vector<16xf32>
        %eq3A_739 = arith.cmpf oeq, %select_n3A_699, %select_n3A_736 : vector<16xf32>
        %lt3A_740 = arith.cmpi slt, %select_n3A_700, %select_n3A_737 : vector<16xi32>
        %and3A_741 = arith.andi %eq3A_739, %lt3A_740 : vector<16xi1>
        %or3A_742 = arith.ori %gt3A_738, %and3A_741 : vector<16xi1>
        %select_n3A_743 = arith.select %or3A_742, %select_n3A_699, %select_n3A_736 : vector<16xi1>, vector<16xf32>
        %select_n3A_744 = arith.select %or3A_742, %select_n3A_700, %select_n3A_737 : vector<16xi1>, vector<16xi32>
        %gt3A_745 = arith.cmpf ogt, %select_n3A_704, %select_n3A_743 : vector<16xf32>
        %eq3A_746 = arith.cmpf oeq, %select_n3A_704, %select_n3A_743 : vector<16xf32>
        %lt3A_747 = arith.cmpi slt, %select_n3A_705, %select_n3A_744 : vector<16xi32>
        %and3A_748 = arith.andi %eq3A_746, %lt3A_747 : vector<16xi1>
        %or3A_749 = arith.ori %gt3A_745, %and3A_748 : vector<16xi1>
        %select_n3A_750 = arith.select %or3A_749, %select_n3A_704, %select_n3A_743 : vector<16xi1>, vector<16xf32>
        %select_n3A_751 = arith.select %or3A_749, %select_n3A_705, %select_n3A_744 : vector<16xi1>, vector<16xi32>
        %gt3A_752 = arith.cmpf ogt, %select_n3A_709, %select_n3A_750 : vector<16xf32>
        %eq3A_753 = arith.cmpf oeq, %select_n3A_709, %select_n3A_750 : vector<16xf32>
        %lt3A_754 = arith.cmpi slt, %select_n3A_710, %select_n3A_751 : vector<16xi32>
        %and3A_755 = arith.andi %eq3A_753, %lt3A_754 : vector<16xi1>
        %or3A_756 = arith.ori %gt3A_752, %and3A_755 : vector<16xi1>
        %select_n3A_757 = arith.select %or3A_756, %select_n3A_709, %select_n3A_750 : vector<16xi1>, vector<16xf32>
        %select_n3A_758 = arith.select %or3A_756, %select_n3A_710, %select_n3A_751 : vector<16xi1>, vector<16xi32>
        %gt3A_759 = arith.cmpf ogt, %select_n3A_714, %select_n3A_757 : vector<16xf32>
        %eq3A_760 = arith.cmpf oeq, %select_n3A_714, %select_n3A_757 : vector<16xf32>
        %lt3A_761 = arith.cmpi slt, %select_n3A_715, %select_n3A_758 : vector<16xi32>
        %and3A_762 = arith.andi %eq3A_760, %lt3A_761 : vector<16xi1>
        %or3A_763 = arith.ori %gt3A_759, %and3A_762 : vector<16xi1>
        %select_n3A_764 = arith.select %or3A_763, %select_n3A_714, %select_n3A_757 : vector<16xi1>, vector<16xf32>
        %select_n3A_765 = arith.select %or3A_763, %select_n3A_715, %select_n3A_758 : vector<16xi1>, vector<16xi32>
        %eq3A_766 = vector.broadcast %reduce_max3A_399 : f32 to vector<16xf32>
        %eq3A_767 = arith.cmpf oeq, %select_n3A_764, %eq3A_766 : vector<16xf32>
        %jit3A_768 = arith.constant 0 : i32
        %broadcast_in_dim3A_769 = vector.broadcast %jit3A_768 : i32 to vector<16xi32>
        %select_n3A_770 = arith.select %eq3A_767, %select_n3A_765, %broadcast_in_dim3A_769 : vector<16xi1>, vector<16xi32>
        %reduce_max3A_771 = arith.constant true
        %reduce_max3A_772 = vector.broadcast %reduce_max3A_771 : i1 to vector<16xi1>
        %reduce_max3A_773 = arith.constant -2147483648 : i32
        %reduce_max3A_774 = vector.broadcast %reduce_max3A_773 : i32 to vector<16xi32>
        %reduce_max3A_775 = arith.xori %select_n3A_770, %reduce_max3A_774 : vector<16xi32>
        %reduce_max3A_776 = tpu.scan <max>, %reduce_max3A_775 masked %reduce_max3A_772 : vector<16xi32>, vector<16xi1> -> vector<16xi32>
        %reduce_max3A_777 = arith.xori %reduce_max3A_776, %reduce_max3A_774 : vector<16xi32>
        %reduce_max3A_778 = vector.extract %reduce_max3A_777[15] : i32 from vector<16xi32>
        scf.yield %select_n3A_679, %select_n3A_684, %select_n3A_689, %select_n3A_694, %select_n3A_699, %select_n3A_704, %select_n3A_709, %select_n3A_714, %select_n3A_680, %select_n3A_685, %select_n3A_690, %select_n3A_695, %select_n3A_700, %select_n3A_705, %select_n3A_710, %select_n3A_715, %select_n3A_681, %select_n3A_686, %select_n3A_691, %select_n3A_696, %select_n3A_701, %select_n3A_706, %select_n3A_711, %select_n3A_716, %reduce_max3A_778 : vector<16xf32>, vector<16xf32>, vector<16xf32>, vector<16xf32>, vector<16xf32>, vector<16xf32>, vector<16xf32>, vector<16xf32>, vector<16xi32>, vector<16xi32>, vector<16xi32>, vector<16xi32>, vector<16xi32>, vector<16xi32>, vector<16xi32>, vector<16xi32>, vector<16xf32>, vector<16xf32>, vector<16xf32>, vector<16xf32>, vector<16xf32>, vector<16xf32>, vector<16xf32>, vector<16xf32>, i32
      }
      %gt3A_413 = arith.cmpf ogt, %while3A#1, %while3A#0 : vector<16xf32>
      %eq3A_414 = arith.cmpf oeq, %while3A#1, %while3A#0 : vector<16xf32>
      %lt3A_415 = arith.cmpi slt, %while3A#9, %while3A#8 : vector<16xi32>
      %and3A_416 = arith.andi %eq3A_414, %lt3A_415 : vector<16xi1>
      %or3A_417 = arith.ori %gt3A_413, %and3A_416 : vector<16xi1>
      %select_n3A_418 = arith.select %or3A_417, %while3A#1, %while3A#0 : vector<16xi1>, vector<16xf32>
      %select_n3A_419 = arith.select %or3A_417, %while3A#9, %while3A#8 : vector<16xi1>, vector<16xi32>
      %gt3A_420 = arith.cmpf ogt, %while3A#2, %select_n3A_418 : vector<16xf32>
      %eq3A_421 = arith.cmpf oeq, %while3A#2, %select_n3A_418 : vector<16xf32>
      %lt3A_422 = arith.cmpi slt, %while3A#10, %select_n3A_419 : vector<16xi32>
      %and3A_423 = arith.andi %eq3A_421, %lt3A_422 : vector<16xi1>
      %or3A_424 = arith.ori %gt3A_420, %and3A_423 : vector<16xi1>
      %select_n3A_425 = arith.select %or3A_424, %while3A#2, %select_n3A_418 : vector<16xi1>, vector<16xf32>
      %select_n3A_426 = arith.select %or3A_424, %while3A#10, %select_n3A_419 : vector<16xi1>, vector<16xi32>
      %gt3A_427 = arith.cmpf ogt, %while3A#3, %select_n3A_425 : vector<16xf32>
      %eq3A_428 = arith.cmpf oeq, %while3A#3, %select_n3A_425 : vector<16xf32>
      %lt3A_429 = arith.cmpi slt, %while3A#11, %select_n3A_426 : vector<16xi32>
      %and3A_430 = arith.andi %eq3A_428, %lt3A_429 : vector<16xi1>
      %or3A_431 = arith.ori %gt3A_427, %and3A_430 : vector<16xi1>
      %select_n3A_432 = arith.select %or3A_431, %while3A#3, %select_n3A_425 : vector<16xi1>, vector<16xf32>
      %select_n3A_433 = arith.select %or3A_431, %while3A#11, %select_n3A_426 : vector<16xi1>, vector<16xi32>
      %gt3A_434 = arith.cmpf ogt, %while3A#4, %select_n3A_432 : vector<16xf32>
      %eq3A_435 = arith.cmpf oeq, %while3A#4, %select_n3A_432 : vector<16xf32>
      %lt3A_436 = arith.cmpi slt, %while3A#12, %select_n3A_433 : vector<16xi32>
      %and3A_437 = arith.andi %eq3A_435, %lt3A_436 : vector<16xi1>
      %or3A_438 = arith.ori %gt3A_434, %and3A_437 : vector<16xi1>
      %select_n3A_439 = arith.select %or3A_438, %while3A#4, %select_n3A_432 : vector<16xi1>, vector<16xf32>
      %select_n3A_440 = arith.select %or3A_438, %while3A#12, %select_n3A_433 : vector<16xi1>, vector<16xi32>
      %gt3A_441 = arith.cmpf ogt, %while3A#5, %select_n3A_439 : vector<16xf32>
      %eq3A_442 = arith.cmpf oeq, %while3A#5, %select_n3A_439 : vector<16xf32>
      %lt3A_443 = arith.cmpi slt, %while3A#13, %select_n3A_440 : vector<16xi32>
      %and3A_444 = arith.andi %eq3A_442, %lt3A_443 : vector<16xi1>
      %or3A_445 = arith.ori %gt3A_441, %and3A_444 : vector<16xi1>
      %select_n3A_446 = arith.select %or3A_445, %while3A#5, %select_n3A_439 : vector<16xi1>, vector<16xf32>
      %select_n3A_447 = arith.select %or3A_445, %while3A#13, %select_n3A_440 : vector<16xi1>, vector<16xi32>
      %gt3A_448 = arith.cmpf ogt, %while3A#6, %select_n3A_446 : vector<16xf32>
      %eq3A_449 = arith.cmpf oeq, %while3A#6, %select_n3A_446 : vector<16xf32>
      %lt3A_450 = arith.cmpi slt, %while3A#14, %select_n3A_447 : vector<16xi32>
      %and3A_451 = arith.andi %eq3A_449, %lt3A_450 : vector<16xi1>
      %or3A_452 = arith.ori %gt3A_448, %and3A_451 : vector<16xi1>
      %select_n3A_453 = arith.select %or3A_452, %while3A#6, %select_n3A_446 : vector<16xi1>, vector<16xf32>
      %select_n3A_454 = arith.select %or3A_452, %while3A#14, %select_n3A_447 : vector<16xi1>, vector<16xi32>
      %gt3A_455 = arith.cmpf ogt, %while3A#7, %select_n3A_453 : vector<16xf32>
      %eq3A_456 = arith.cmpf oeq, %while3A#7, %select_n3A_453 : vector<16xf32>
      %lt3A_457 = arith.cmpi slt, %while3A#15, %select_n3A_454 : vector<16xi32>
      %and3A_458 = arith.andi %eq3A_456, %lt3A_457 : vector<16xi1>
      %or3A_459 = arith.ori %gt3A_455, %and3A_458 : vector<16xi1>
      %select_n3A_460 = arith.select %or3A_459, %while3A#7, %select_n3A_453 : vector<16xi1>, vector<16xf32>
      %select_n3A_461 = arith.select %or3A_459, %while3A#15, %select_n3A_454 : vector<16xi1>, vector<16xi32>
      %eq3A_462 = vector.broadcast %reduce_max3A_399 : f32 to vector<16xf32>
      %eq3A_463 = arith.cmpf oeq, %select_n3A_460, %eq3A_462 : vector<16xf32>
      %jit3A_464 = arith.constant 2147483647 : i32
      %broadcast_in_dim3A_465 = vector.broadcast %jit3A_464 : i32 to vector<16xi32>
      %select_n3A_466 = arith.select %eq3A_463, %select_n3A_461, %broadcast_in_dim3A_465 : vector<16xi1>, vector<16xi32>
      %reduce_min3A = arith.constant true
      %reduce_min3A_467 = vector.broadcast %reduce_min3A : i1 to vector<16xi1>
      %reduce_min3A_468 = arith.constant -2147483648 : i32
      %reduce_min3A_469 = vector.broadcast %reduce_min3A_468 : i32 to vector<16xi32>
      %reduce_min3A_470 = arith.xori %select_n3A_466, %reduce_min3A_469 : vector<16xi32>
      %reduce_min3A_471 = tpu.scan <min>, %reduce_min3A_470 masked %reduce_min3A_467 : vector<16xi32>, vector<16xi1> -> vector<16xi32>
      %reduce_min3A_472 = arith.xori %reduce_min3A_471, %reduce_min3A_469 : vector<16xi32>
      %reduce_min3A_473 = vector.extract %reduce_min3A_472[15] : i32 from vector<16xi32>
      %eq3A_474 = vector.broadcast %scan3A_325 : i32 to vector<16xi32>
      %eq3A_475 = arith.cmpi eq, %iota3A, %eq3A_474 : vector<16xi32>
      %broadcast_in_dim3A_476 = vector.broadcast %reduce_max3A_399 : f32 to vector<16xf32>
      %select_n3A_477 = arith.select %eq3A_475, %broadcast_in_dim3A_476, %scan3A_350 : vector<16xi1>, vector<16xf32>
      %eq3A_478 = vector.broadcast %scan3A_325 : i32 to vector<16xi32>
      %eq3A_479 = arith.cmpi eq, %iota3A, %eq3A_478 : vector<16xi32>
      %broadcast_in_dim3A_480 = vector.broadcast %reduce_min3A_473 : i32 to vector<16xi32>
      %select_n3A_481 = arith.select %eq3A_479, %broadcast_in_dim3A_480, %scan3A_351 : vector<16xi1>, vector<16xi32>
      %shift_right_logical3A = arith.constant 15 : i32
      %shift_right_logical3A_482 = arith.shrui %reduce_min3A_473, %shift_right_logical3A : i32
      %sub3A_483 = arith.subi %shift_right_logical3A_482, %mul3A_18 : i32
      %and3A_484 = arith.constant 32767 : i32
      %and3A_485 = arith.andi %reduce_min3A_473, %and3A_484 : i32
      %sub3A_486 = arith.subi %and3A_485, %add3A_182 : i32
      %broadcast_in_dim3A_487 = vector.broadcast %sub3A_483 : i32 to vector<16xi32>
      %broadcast_in_dim3A_488 = vector.broadcast %sub3A_486 : i32 to vector<16xi32>
      %broadcast_in_dim3A_489 = arith.constant -1.000000e+00 : f32
      %broadcast_in_dim3A_490 = vector.broadcast %broadcast_in_dim3A_489 : f32 to vector<16xf32>
      %eq3A_491 = arith.constant 0 : i32
      %eq3A_492 = vector.broadcast %eq3A_491 : i32 to vector<16xi32>
      %eq3A_493 = arith.cmpi eq, %iota3A, %eq3A_492 : vector<16xi32>
      tpu.vector_store_idx %arg4[%broadcast_in_dim3A_487, %broadcast_in_dim3A_488], %broadcast_in_dim3A_490 masked %eq3A_493 : memref<8x4096xf32, #tpu.memory_space<vmem>>[vector<16xi32>, vector<16xi32>], vector<16xf32>, vector<16xi1>
      %shift_right_logical3A_494 = arith.constant 4 : i32
      %shift_right_logical3A_495 = arith.shrui %sub3A_486, %shift_right_logical3A_494 : i32
      %and3A_496 = arith.constant 7 : i32
      %and3A_497 = arith.andi %shift_right_logical3A_495, %and3A_496 : i32
      %and3A_498 = arith.constant 15 : i32
      %and3A_499 = arith.andi %sub3A_486, %and3A_498 : i32
      %eq3A_500 = vector.broadcast %and3A_499 : i32 to vector<16xi32>
      %eq3A_501 = arith.cmpi eq, %iota3A, %eq3A_500 : vector<16xi32>
      %eq3A_502 = arith.constant 0 : i32
      %eq3A_503 = arith.cmpi eq, %and3A_497, %eq3A_502 : i32
      %and3A_504 = vector.broadcast %eq3A_503 : i1 to vector<16xi1>
      %and3A_505 = arith.andi %eq3A_501, %and3A_504 : vector<16xi1>
      %select_n3A_506 = arith.select %and3A_505, %while3A#16, %while3A#0 : vector<16xi1>, vector<16xf32>
      %jit3A_507 = arith.constant 1073741824 : i32
      %broadcast_in_dim3A_508 = vector.broadcast %jit3A_507 : i32 to vector<16xi32>
      %select_n3A_509 = arith.select %and3A_505, %broadcast_in_dim3A_508, %while3A#8 : vector<16xi1>, vector<16xi32>
      %jit3A_510 = arith.constant -1.000000e+00 : f32
      %broadcast_in_dim3A_511 = vector.broadcast %jit3A_510 : f32 to vector<16xf32>
      %select_n3A_512 = arith.select %and3A_505, %broadcast_in_dim3A_511, %while3A#16 : vector<16xi1>, vector<16xf32>
      %eq3A_513 = arith.constant 1 : i32
      %eq3A_514 = arith.cmpi eq, %and3A_497, %eq3A_513 : i32
      %and3A_515 = vector.broadcast %eq3A_514 : i1 to vector<16xi1>
      %and3A_516 = arith.andi %eq3A_501, %and3A_515 : vector<16xi1>
      %select_n3A_517 = arith.select %and3A_516, %while3A#17, %while3A#1 : vector<16xi1>, vector<16xf32>
      %jit3A_518 = arith.constant 1073741825 : i32
      %broadcast_in_dim3A_519 = vector.broadcast %jit3A_518 : i32 to vector<16xi32>
      %select_n3A_520 = arith.select %and3A_516, %broadcast_in_dim3A_519, %while3A#9 : vector<16xi1>, vector<16xi32>
      %jit3A_521 = arith.constant -1.000000e+00 : f32
      %broadcast_in_dim3A_522 = vector.broadcast %jit3A_521 : f32 to vector<16xf32>
      %select_n3A_523 = arith.select %and3A_516, %broadcast_in_dim3A_522, %while3A#17 : vector<16xi1>, vector<16xf32>
      %eq3A_524 = arith.constant 2 : i32
      %eq3A_525 = arith.cmpi eq, %and3A_497, %eq3A_524 : i32
      %and3A_526 = vector.broadcast %eq3A_525 : i1 to vector<16xi1>
      %and3A_527 = arith.andi %eq3A_501, %and3A_526 : vector<16xi1>
      %select_n3A_528 = arith.select %and3A_527, %while3A#18, %while3A#2 : vector<16xi1>, vector<16xf32>
      %jit3A_529 = arith.constant 1073741826 : i32
      %broadcast_in_dim3A_530 = vector.broadcast %jit3A_529 : i32 to vector<16xi32>
      %select_n3A_531 = arith.select %and3A_527, %broadcast_in_dim3A_530, %while3A#10 : vector<16xi1>, vector<16xi32>
      %jit3A_532 = arith.constant -1.000000e+00 : f32
      %broadcast_in_dim3A_533 = vector.broadcast %jit3A_532 : f32 to vector<16xf32>
      %select_n3A_534 = arith.select %and3A_527, %broadcast_in_dim3A_533, %while3A#18 : vector<16xi1>, vector<16xf32>
      %eq3A_535 = arith.constant 3 : i32
      %eq3A_536 = arith.cmpi eq, %and3A_497, %eq3A_535 : i32
      %and3A_537 = vector.broadcast %eq3A_536 : i1 to vector<16xi1>
      %and3A_538 = arith.andi %eq3A_501, %and3A_537 : vector<16xi1>
      %select_n3A_539 = arith.select %and3A_538, %while3A#19, %while3A#3 : vector<16xi1>, vector<16xf32>
      %jit3A_540 = arith.constant 1073741827 : i32
      %broadcast_in_dim3A_541 = vector.broadcast %jit3A_540 : i32 to vector<16xi32>
      %select_n3A_542 = arith.select %and3A_538, %broadcast_in_dim3A_541, %while3A#11 : vector<16xi1>, vector<16xi32>
      %jit3A_543 = arith.constant -1.000000e+00 : f32
      %broadcast_in_dim3A_544 = vector.broadcast %jit3A_543 : f32 to vector<16xf32>
      %select_n3A_545 = arith.select %and3A_538, %broadcast_in_dim3A_544, %while3A#19 : vector<16xi1>, vector<16xf32>
      %eq3A_546 = arith.constant 4 : i32
      %eq3A_547 = arith.cmpi eq, %and3A_497, %eq3A_546 : i32
      %and3A_548 = vector.broadcast %eq3A_547 : i1 to vector<16xi1>
      %and3A_549 = arith.andi %eq3A_501, %and3A_548 : vector<16xi1>
      %select_n3A_550 = arith.select %and3A_549, %while3A#20, %while3A#4 : vector<16xi1>, vector<16xf32>
      %jit3A_551 = arith.constant 1073741828 : i32
      %broadcast_in_dim3A_552 = vector.broadcast %jit3A_551 : i32 to vector<16xi32>
      %select_n3A_553 = arith.select %and3A_549, %broadcast_in_dim3A_552, %while3A#12 : vector<16xi1>, vector<16xi32>
      %jit3A_554 = arith.constant -1.000000e+00 : f32
      %broadcast_in_dim3A_555 = vector.broadcast %jit3A_554 : f32 to vector<16xf32>
      %select_n3A_556 = arith.select %and3A_549, %broadcast_in_dim3A_555, %while3A#20 : vector<16xi1>, vector<16xf32>
      %eq3A_557 = arith.constant 5 : i32
      %eq3A_558 = arith.cmpi eq, %and3A_497, %eq3A_557 : i32
      %and3A_559 = vector.broadcast %eq3A_558 : i1 to vector<16xi1>
      %and3A_560 = arith.andi %eq3A_501, %and3A_559 : vector<16xi1>
      %select_n3A_561 = arith.select %and3A_560, %while3A#21, %while3A#5 : vector<16xi1>, vector<16xf32>
      %jit3A_562 = arith.constant 1073741829 : i32
      %broadcast_in_dim3A_563 = vector.broadcast %jit3A_562 : i32 to vector<16xi32>
      %select_n3A_564 = arith.select %and3A_560, %broadcast_in_dim3A_563, %while3A#13 : vector<16xi1>, vector<16xi32>
      %jit3A_565 = arith.constant -1.000000e+00 : f32
      %broadcast_in_dim3A_566 = vector.broadcast %jit3A_565 : f32 to vector<16xf32>
      %select_n3A_567 = arith.select %and3A_560, %broadcast_in_dim3A_566, %while3A#21 : vector<16xi1>, vector<16xf32>
      %eq3A_568 = arith.constant 6 : i32
      %eq3A_569 = arith.cmpi eq, %and3A_497, %eq3A_568 : i32
      %and3A_570 = vector.broadcast %eq3A_569 : i1 to vector<16xi1>
      %and3A_571 = arith.andi %eq3A_501, %and3A_570 : vector<16xi1>
      %select_n3A_572 = arith.select %and3A_571, %while3A#22, %while3A#6 : vector<16xi1>, vector<16xf32>
      %jit3A_573 = arith.constant 1073741830 : i32
      %broadcast_in_dim3A_574 = vector.broadcast %jit3A_573 : i32 to vector<16xi32>
      %select_n3A_575 = arith.select %and3A_571, %broadcast_in_dim3A_574, %while3A#14 : vector<16xi1>, vector<16xi32>
      %jit3A_576 = arith.constant -1.000000e+00 : f32
      %broadcast_in_dim3A_577 = vector.broadcast %jit3A_576 : f32 to vector<16xf32>
      %select_n3A_578 = arith.select %and3A_571, %broadcast_in_dim3A_577, %while3A#22 : vector<16xi1>, vector<16xf32>
      %eq3A_579 = arith.constant 7 : i32
      %eq3A_580 = arith.cmpi eq, %and3A_497, %eq3A_579 : i32
      %and3A_581 = vector.broadcast %eq3A_580 : i1 to vector<16xi1>
      %and3A_582 = arith.andi %eq3A_501, %and3A_581 : vector<16xi1>
      %select_n3A_583 = arith.select %and3A_582, %while3A#23, %while3A#7 : vector<16xi1>, vector<16xf32>
      %jit3A_584 = arith.constant 1073741831 : i32
      %broadcast_in_dim3A_585 = vector.broadcast %jit3A_584 : i32 to vector<16xi32>
      %select_n3A_586 = arith.select %and3A_582, %broadcast_in_dim3A_585, %while3A#15 : vector<16xi1>, vector<16xi32>
      %jit3A_587 = arith.constant -1.000000e+00 : f32
      %broadcast_in_dim3A_588 = vector.broadcast %jit3A_587 : f32 to vector<16xf32>
      %select_n3A_589 = arith.select %and3A_582, %broadcast_in_dim3A_588, %while3A#23 : vector<16xi1>, vector<16xf32>
      scf.yield %select_n3A_506, %select_n3A_517, %select_n3A_528, %select_n3A_539, %select_n3A_550, %select_n3A_561, %select_n3A_572, %select_n3A_583, %select_n3A_509, %select_n3A_520, %select_n3A_531, %select_n3A_542, %select_n3A_553, %select_n3A_564, %select_n3A_575, %select_n3A_586, %select_n3A_512, %select_n3A_523, %select_n3A_534, %select_n3A_545, %select_n3A_556, %select_n3A_567, %select_n3A_578, %select_n3A_589, %select_n3A_477, %select_n3A_481 : vector<16xf32>, vector<16xf32>, vector<16xf32>, vector<16xf32>, vector<16xf32>, vector<16xf32>, vector<16xf32>, vector<16xf32>, vector<16xi32>, vector<16xi32>, vector<16xi32>, vector<16xi32>, vector<16xi32>, vector<16xi32>, vector<16xi32>, vector<16xi32>, vector<16xf32>, vector<16xf32>, vector<16xf32>, vector<16xf32>, vector<16xf32>, vector<16xf32>, vector<16xf32>, vector<16xf32>, vector<16xf32>, vector<16xi32>
    }
    %scan3A_246 = arith.constant 10 : i32
    %swap3A_247 = arith.constant 32 : index
    %swap3A_248 = tpu.vector_load %arg6[%swap3A_247] {strides = array<i32>} : memref<128xf32, #tpu.memory_space<vmem>>, vector<16xf32>,
    tpu.vector_store %arg6[%swap3A_247], %scan3A_245#24 {strides = array<i32>} : memref<128xf32, #tpu.memory_space<vmem>>, vector<16xf32>,
    %bitcast3A_249 = vector.bitcast %scan3A_245#25 : vector<16xi32> to vector<16xf32>
    %swap3A_250 = arith.constant 96 : index
    %swap3A_251 = tpu.vector_load %arg6[%swap3A_250] {strides = array<i32>} : memref<128xf32, #tpu.memory_space<vmem>>, vector<16xf32>,
    tpu.vector_store %arg6[%swap3A_250], %bitcast3A_249 {strides = array<i32>} : memref<128xf32, #tpu.memory_space<vmem>>, vector<16xf32>,
    %dma_wait3A_252 = tpu.memref_slice %arg2[%mul3A_18, %add3A_176] : memref<128x32768xf32, #tpu.memory_space<hbm>> -> memref<8x4096xf32, #tpu.memory_space<hbm>>
    %dma_wait3A_253 = tpu.memref_slice %arg2[%mul3A_18, %add3A_176] : memref<128x32768xf32, #tpu.memory_space<hbm>> -> memref<8x4096xf32, #tpu.memory_space<hbm>>
    tpu.wait_dma2 semaphore(%arg8 : memref<!tpu.dma_semaphore, #tpu.memory_space<semaphore_mem>>) src(%dma_wait3A_253 : memref<8x4096xf32, #tpu.memory_space<hbm>>) dst(%arg5 : memref<8x4096xf32, #tpu.memory_space<vmem>>)
    %add3A_254 = arith.constant 12288 : i32
    %add3A_255 = arith.addi %mul3A_22, %add3A_254 : i32
    %broadcast_in_dim3A_256 = arith.constant -1.000000e+00 : f32
    %broadcast_in_dim3A_257 = vector.broadcast %broadcast_in_dim3A_256 : f32 to vector<16xf32>
    %broadcast_in_dim3A_258 = arith.constant -1.000000e+00 : f32
    %broadcast_in_dim3A_259 = vector.broadcast %broadcast_in_dim3A_258 : f32 to vector<16xf32>
    %broadcast_in_dim3A_260 = arith.constant -1.000000e+00 : f32
    %broadcast_in_dim3A_261 = vector.broadcast %broadcast_in_dim3A_260 : f32 to vector<16xf32>
    %broadcast_in_dim3A_262 = arith.constant -1.000000e+00 : f32
    %broadcast_in_dim3A_263 = vector.broadcast %broadcast_in_dim3A_262 : f32 to vector<16xf32>
    %broadcast_in_dim3A_264 = arith.constant -1.000000e+00 : f32
    %broadcast_in_dim3A_265 = vector.broadcast %broadcast_in_dim3A_264 : f32 to vector<16xf32>
    %broadcast_in_dim3A_266 = arith.constant -1.000000e+00 : f32
    %broadcast_in_dim3A_267 = vector.broadcast %broadcast_in_dim3A_266 : f32 to vector<16xf32>
    %broadcast_in_dim3A_268 = arith.constant -1.000000e+00 : f32
    %broadcast_in_dim3A_269 = vector.broadcast %broadcast_in_dim3A_268 : f32 to vector<16xf32>
    %broadcast_in_dim3A_270 = arith.constant -1.000000e+00 : f32
    %broadcast_in_dim3A_271 = vector.broadcast %broadcast_in_dim3A_270 : f32 to vector<16xf32>
    %broadcast_in_dim3A_272 = arith.constant 2147483647 : i32
    %broadcast_in_dim3A_273 = vector.broadcast %broadcast_in_dim3A_272 : i32 to vector<16xi32>
    %broadcast_in_dim3A_274 = arith.constant 2147483647 : i32
    %broadcast_in_dim3A_275 = vector.broadcast %broadcast_in_dim3A_274 : i32 to vector<16xi32>
    %broadcast_in_dim3A_276 = arith.constant 2147483647 : i32
    %broadcast_in_dim3A_277 = vector.broadcast %broadcast_in_dim3A_276 : i32 to vector<16xi32>
    %broadcast_in_dim3A_278 = arith.constant 2147483647 : i32
    %broadcast_in_dim3A_279 = vector.broadcast %broadcast_in_dim3A_278 : i32 to vector<16xi32>
    %broadcast_in_dim3A_280 = arith.constant 2147483647 : i32
    %broadcast_in_dim3A_281 = vector.broadcast %broadcast_in_dim3A_280 : i32 to vector<16xi32>
    %broadcast_in_dim3A_282 = arith.constant 2147483647 : i32
    %broadcast_in_dim3A_283 = vector.broadcast %broadcast_in_dim3A_282 : i32 to vector<16xi32>
    %broadcast_in_dim3A_284 = arith.constant 2147483647 : i32
    %broadcast_in_dim3A_285 = vector.broadcast %broadcast_in_dim3A_284 : i32 to vector<16xi32>
    %broadcast_in_dim3A_286 = arith.constant 2147483647 : i32
    %broadcast_in_dim3A_287 = vector.broadcast %broadcast_in_dim3A_286 : i32 to vector<16xi32>
    %broadcast_in_dim3A_288 = arith.constant -1.000000e+00 : f32
    %broadcast_in_dim3A_289 = vector.broadcast %broadcast_in_dim3A_288 : f32 to vector<16xf32>
    %broadcast_in_dim3A_290 = arith.constant -1.000000e+00 : f32
    %broadcast_in_dim3A_291 = vector.broadcast %broadcast_in_dim3A_290 : f32 to vector<16xf32>
    %broadcast_in_dim3A_292 = arith.constant -1.000000e+00 : f32
    %broadcast_in_dim3A_293 = vector.broadcast %broadcast_in_dim3A_292 : f32 to vector<16xf32>
    %broadcast_in_dim3A_294 = arith.constant -1.000000e+00 : f32
    %broadcast_in_dim3A_295 = vector.broadcast %broadcast_in_dim3A_294 : f32 to vector<16xf32>
    %broadcast_in_dim3A_296 = arith.constant -1.000000e+00 : f32
    %broadcast_in_dim3A_297 = vector.broadcast %broadcast_in_dim3A_296 : f32 to vector<16xf32>
    %broadcast_in_dim3A_298 = arith.constant -1.000000e+00 : f32
    %broadcast_in_dim3A_299 = vector.broadcast %broadcast_in_dim3A_298 : f32 to vector<16xf32>
    %broadcast_in_dim3A_300 = arith.constant -1.000000e+00 : f32
    %broadcast_in_dim3A_301 = vector.broadcast %broadcast_in_dim3A_300 : f32 to vector<16xf32>
    %broadcast_in_dim3A_302 = arith.constant -1.000000e+00 : f32
    %broadcast_in_dim3A_303 = vector.broadcast %broadcast_in_dim3A_302 : f32 to vector<16xf32>
    %scan3A_304 = arith.constant 0 : i32
    %scan3A_305 = arith.constant 128 : i32
    %scan3A_306 = arith.addi %scan3A_304, %scan3A_305 : i32
    %scan3A_307 = arith.constant 1 : i32
    %scan3A_308:24 = scf.for %scan3A_325 = %scan3A_304 to %scan3A_306 step %scan3A_307 iter_args(%scan3A_326 = %broadcast_in_dim3A_257, %scan3A_327 = %broadcast_in_dim3A_259, %scan3A_328 = %broadcast_in_dim3A_261, %scan3A_329 = %broadcast_in_dim3A_263, %scan3A_330 = %broadcast_in_dim3A_265, %scan3A_331 = %broadcast_in_dim3A_267, %scan3A_332 = %broadcast_in_dim3A_269, %scan3A_333 = %broadcast_in_dim3A_271, %scan3A_334 = %broadcast_in_dim3A_273, %scan3A_335 = %broadcast_in_dim3A_275, %scan3A_336 = %broadcast_in_dim3A_277, %scan3A_337 = %broadcast_in_dim3A_279, %scan3A_338 = %broadcast_in_dim3A_281, %scan3A_339 = %broadcast_in_dim3A_283, %scan3A_340 = %broadcast_in_dim3A_285, %scan3A_341 = %broadcast_in_dim3A_287, %scan3A_342 = %broadcast_in_dim3A_289, %scan3A_343 = %broadcast_in_dim3A_291, %scan3A_344 = %broadcast_in_dim3A_293, %scan3A_345 = %broadcast_in_dim3A_295, %scan3A_346 = %broadcast_in_dim3A_297, %scan3A_347 = %broadcast_in_dim3A_299, %scan3A_348 = %broadcast_in_dim3A_301, %scan3A_349 = %broadcast_in_dim3A_303) -> (vector<16xf32>, vector<16xf32>, vector<16xf32>, vector<16xf32>, vector<16xf32>, vector<16xf32>, vector<16xf32>, vector<16xf32>, vector<16xi32>, vector<16xi32>, vector<16xi32>, vector<16xi32>, vector<16xi32>, vector<16xi32>, vector<16xi32>, vector<16xi32>, vector<16xf32>, vector<16xf32>, vector<16xf32>, vector<16xf32>, vector<16xf32>, vector<16xf32>, vector<16xf32>, vector<16xf32>)  : i32 {
      %jit3A_350 = arith.constant 16 : i32
      %div3A_351 = arith.divsi %scan3A_325, %jit3A_350 : i32
      %sign3A_352 = arith.constant 0 : i32
      %sign3A_353 = arith.cmpi sgt, %scan3A_325, %sign3A_352 : i32
      %sign3A_354 = arith.extui %sign3A_353 : i1 to i32
      %sign3A_355 = arith.constant 0 : i32
      %sign3A_356 = arith.cmpi slt, %scan3A_325, %sign3A_355 : i32
      %sign3A_357 = arith.extui %sign3A_356 : i1 to i32
      %sign3A_358 = arith.subi %sign3A_354, %sign3A_357 : i32
      %sign3A_359 = arith.constant 0 : i32
      %sign3A_360 = arith.cmpi sgt, %jit3A_350, %sign3A_359 : i32
      %sign3A_361 = arith.extui %sign3A_360 : i1 to i32
      %sign3A_362 = arith.constant 0 : i32
      %sign3A_363 = arith.cmpi slt, %jit3A_350, %sign3A_362 : i32
      %sign3A_364 = arith.extui %sign3A_363 : i1 to i32
      %sign3A_365 = arith.subi %sign3A_361, %sign3A_364 : i32
      %ne3A_366 = arith.cmpi ne, %sign3A_358, %sign3A_365 : i32
      %rem3A_367 = arith.remsi %scan3A_325, %jit3A_350 : i32
      %ne3A_368 = arith.constant 0 : i32
      %ne3A_369 = arith.cmpi ne, %rem3A_367, %ne3A_368 : i32
      %and3A_370 = arith.andi %ne3A_366, %ne3A_369 : i1
      %sub3A_371 = arith.constant 1 : i32
      %sub3A_372 = arith.subi %div3A_351, %sub3A_371 : i32
      %select_n3A_373 = arith.select %and3A_370, %sub3A_372, %div3A_351 : i32
      %jit3A_374 = arith.constant 16 : i32
      %eq3A = arith.constant 0 : i32
      %eq3A_375 = arith.cmpi eq, %jit3A_374, %eq3A : i32
      %jit3A_376 = arith.constant 1 : i32
      %select_n3A_377 = arith.select %eq3A_375, %jit3A_376, %jit3A_374 : i32
      %rem3A_378 = arith.remsi %scan3A_325, %select_n3A_377 : i32
      %ne3A_379 = arith.constant 0 : i32
      %ne3A_380 = arith.cmpi ne, %rem3A_378, %ne3A_379 : i32
      %lt3A = arith.constant 0 : i32
      %lt3A_381 = arith.cmpi slt, %rem3A_378, %lt3A : i32
      %lt3A_382 = arith.constant 0 : i32
      %lt3A_383 = arith.cmpi slt, %select_n3A_377, %lt3A_382 : i32
      %ne3A_384 = arith.xori %lt3A_381, %lt3A_383 : i1
      %and3A_385 = arith.andi %ne3A_384, %ne3A_380 : i1
      %add3A_386 = arith.addi %rem3A_378, %select_n3A_377 : i32
      %select_n3A_387 = arith.select %and3A_385, %add3A_386, %rem3A_378 : i32
      %mul3A_388 = arith.constant 256 : i32
      %mul3A_389 = arith.muli %select_n3A_387, %mul3A_388 : i32
      %add3A_390 = arith.addi %mul3A_18, %select_n3A_373 : i32
      %mul3A_391 = arith.constant 32768 : i32
      %mul3A_392 = arith.muli %add3A_390, %mul3A_391 : i32
      %add3A_393 = arith.addi %mul3A_392, %add3A_255 : i32
      %add3A_394 = arith.addi %add3A_393, %mul3A_389 : i32
      %add3A_395 = vector.broadcast %add3A_394 : i32 to vector<16xi32>
      %add3A_396 = arith.addi %add3A_395, %iota3A : vector<16xi32>
      %add3A_397 = arith.constant 0 : i32
      %add3A_398 = arith.addi %mul3A_389, %add3A_397 : i32
      %get3A = arith.index_cast %select_n3A_373 : i32 to index
      %get3A_399 = arith.index_cast %add3A_398 : i32 to index
      %get3A_400 = tpu.vector_load %arg5[%get3A, %get3A_399] {strides = array<i32>} : memref<8x4096xf32, #tpu.memory_space<vmem>>, vector<16xf32>,
      %gt3A = arith.cmpf ogt, %get3A_400, %scan3A_326 : vector<16xf32>
      %min3A = arith.minimumf %get3A_400, %scan3A_326 : vector<16xf32>
      %max3A = arith.maximumf %scan3A_342, %min3A : vector<16xf32>
      %select_n3A_401 = arith.select %gt3A, %get3A_400, %scan3A_326 : vector<16xi1>, vector<16xf32>
      %select_n3A_402 = arith.select %gt3A, %add3A_396, %scan3A_334 : vector<16xi1>, vector<16xi32>
      %add3A_403 = arith.constant 16 : i32
      %add3A_404 = vector.broadcast %add3A_403 : i32 to vector<16xi32>
      %add3A_405 = arith.addi %add3A_396, %add3A_404 : vector<16xi32>
      %add3A_406 = arith.constant 16 : i32
      %add3A_407 = arith.addi %mul3A_389, %add3A_406 : i32
      %get3A_408 = arith.index_cast %select_n3A_373 : i32 to index
      %get3A_409 = arith.index_cast %add3A_407 : i32 to index
      %get3A_410 = tpu.vector_load %arg5[%get3A_408, %get3A_409] {strides = array<i32>} : memref<8x4096xf32, #tpu.memory_space<vmem>>, vector<16xf32>,
      %gt3A_411 = arith.cmpf ogt, %get3A_410, %scan3A_327 : vector<16xf32>
      %min3A_412 = arith.minimumf %get3A_410, %scan3A_327 : vector<16xf32>
      %max3A_413 = arith.maximumf %scan3A_343, %min3A_412 : vector<16xf32>
      %select_n3A_414 = arith.select %gt3A_411, %get3A_410, %scan3A_327 : vector<16xi1>, vector<16xf32>
      %select_n3A_415 = arith.select %gt3A_411, %add3A_405, %scan3A_335 : vector<16xi1>, vector<16xi32>
      %add3A_416 = arith.constant 16 : i32
      %add3A_417 = vector.broadcast %add3A_416 : i32 to vector<16xi32>
      %add3A_418 = arith.addi %add3A_405, %add3A_417 : vector<16xi32>
      %add3A_419 = arith.constant 32 : i32
      %add3A_420 = arith.addi %mul3A_389, %add3A_419 : i32
      %get3A_421 = arith.index_cast %select_n3A_373 : i32 to index
      %get3A_422 = arith.index_cast %add3A_420 : i32 to index
      %get3A_423 = tpu.vector_load %arg5[%get3A_421, %get3A_422] {strides = array<i32>} : memref<8x4096xf32, #tpu.memory_space<vmem>>, vector<16xf32>,
      %gt3A_424 = arith.cmpf ogt, %get3A_423, %scan3A_328 : vector<16xf32>
      %min3A_425 = arith.minimumf %get3A_423, %scan3A_328 : vector<16xf32>
      %max3A_426 = arith.maximumf %scan3A_344, %min3A_425 : vector<16xf32>
      %select_n3A_427 = arith.select %gt3A_424, %get3A_423, %scan3A_328 : vector<16xi1>, vector<16xf32>
      %select_n3A_428 = arith.select %gt3A_424, %add3A_418, %scan3A_336 : vector<16xi1>, vector<16xi32>
      %add3A_429 = arith.constant 16 : i32
      %add3A_430 = vector.broadcast %add3A_429 : i32 to vector<16xi32>
      %add3A_431 = arith.addi %add3A_418, %add3A_430 : vector<16xi32>
      %add3A_432 = arith.constant 48 : i32
      %add3A_433 = arith.addi %mul3A_389, %add3A_432 : i32
      %get3A_434 = arith.index_cast %select_n3A_373 : i32 to index
      %get3A_435 = arith.index_cast %add3A_433 : i32 to index
      %get3A_436 = tpu.vector_load %arg5[%get3A_434, %get3A_435] {strides = array<i32>} : memref<8x4096xf32, #tpu.memory_space<vmem>>, vector<16xf32>,
      %gt3A_437 = arith.cmpf ogt, %get3A_436, %scan3A_329 : vector<16xf32>
      %min3A_438 = arith.minimumf %get3A_436, %scan3A_329 : vector<16xf32>
      %max3A_439 = arith.maximumf %scan3A_345, %min3A_438 : vector<16xf32>
      %select_n3A_440 = arith.select %gt3A_437, %get3A_436, %scan3A_329 : vector<16xi1>, vector<16xf32>
      %select_n3A_441 = arith.select %gt3A_437, %add3A_431, %scan3A_337 : vector<16xi1>, vector<16xi32>
      %add3A_442 = arith.constant 16 : i32
      %add3A_443 = vector.broadcast %add3A_442 : i32 to vector<16xi32>
      %add3A_444 = arith.addi %add3A_431, %add3A_443 : vector<16xi32>
      %add3A_445 = arith.constant 64 : i32
      %add3A_446 = arith.addi %mul3A_389, %add3A_445 : i32
      %get3A_447 = arith.index_cast %select_n3A_373 : i32 to index
      %get3A_448 = arith.index_cast %add3A_446 : i32 to index
      %get3A_449 = tpu.vector_load %arg5[%get3A_447, %get3A_448] {strides = array<i32>} : memref<8x4096xf32, #tpu.memory_space<vmem>>, vector<16xf32>,
      %gt3A_450 = arith.cmpf ogt, %get3A_449, %scan3A_330 : vector<16xf32>
      %min3A_451 = arith.minimumf %get3A_449, %scan3A_330 : vector<16xf32>
      %max3A_452 = arith.maximumf %scan3A_346, %min3A_451 : vector<16xf32>
      %select_n3A_453 = arith.select %gt3A_450, %get3A_449, %scan3A_330 : vector<16xi1>, vector<16xf32>
      %select_n3A_454 = arith.select %gt3A_450, %add3A_444, %scan3A_338 : vector<16xi1>, vector<16xi32>
      %add3A_455 = arith.constant 16 : i32
      %add3A_456 = vector.broadcast %add3A_455 : i32 to vector<16xi32>
      %add3A_457 = arith.addi %add3A_444, %add3A_456 : vector<16xi32>
      %add3A_458 = arith.constant 80 : i32
      %add3A_459 = arith.addi %mul3A_389, %add3A_458 : i32
      %get3A_460 = arith.index_cast %select_n3A_373 : i32 to index
      %get3A_461 = arith.index_cast %add3A_459 : i32 to index
      %get3A_462 = tpu.vector_load %arg5[%get3A_460, %get3A_461] {strides = array<i32>} : memref<8x4096xf32, #tpu.memory_space<vmem>>, vector<16xf32>,
      %gt3A_463 = arith.cmpf ogt, %get3A_462, %scan3A_331 : vector<16xf32>
      %min3A_464 = arith.minimumf %get3A_462, %scan3A_331 : vector<16xf32>
      %max3A_465 = arith.maximumf %scan3A_347, %min3A_464 : vector<16xf32>
      %select_n3A_466 = arith.select %gt3A_463, %get3A_462, %scan3A_331 : vector<16xi1>, vector<16xf32>
      %select_n3A_467 = arith.select %gt3A_463, %add3A_457, %scan3A_339 : vector<16xi1>, vector<16xi32>
      %add3A_468 = arith.constant 16 : i32
      %add3A_469 = vector.broadcast %add3A_468 : i32 to vector<16xi32>
      %add3A_470 = arith.addi %add3A_457, %add3A_469 : vector<16xi32>
      %add3A_471 = arith.constant 96 : i32
      %add3A_472 = arith.addi %mul3A_389, %add3A_471 : i32
      %get3A_473 = arith.index_cast %select_n3A_373 : i32 to index
      %get3A_474 = arith.index_cast %add3A_472 : i32 to index
      %get3A_475 = tpu.vector_load %arg5[%get3A_473, %get3A_474] {strides = array<i32>} : memref<8x4096xf32, #tpu.memory_space<vmem>>, vector<16xf32>,
      %gt3A_476 = arith.cmpf ogt, %get3A_475, %scan3A_332 : vector<16xf32>
      %min3A_477 = arith.minimumf %get3A_475, %scan3A_332 : vector<16xf32>
      %max3A_478 = arith.maximumf %scan3A_348, %min3A_477 : vector<16xf32>
      %select_n3A_479 = arith.select %gt3A_476, %get3A_475, %scan3A_332 : vector<16xi1>, vector<16xf32>
      %select_n3A_480 = arith.select %gt3A_476, %add3A_470, %scan3A_340 : vector<16xi1>, vector<16xi32>
      %add3A_481 = arith.constant 16 : i32
      %add3A_482 = vector.broadcast %add3A_481 : i32 to vector<16xi32>
      %add3A_483 = arith.addi %add3A_470, %add3A_482 : vector<16xi32>
      %add3A_484 = arith.constant 112 : i32
      %add3A_485 = arith.addi %mul3A_389, %add3A_484 : i32
      %get3A_486 = arith.index_cast %select_n3A_373 : i32 to index
      %get3A_487 = arith.index_cast %add3A_485 : i32 to index
      %get3A_488 = tpu.vector_load %arg5[%get3A_486, %get3A_487] {strides = array<i32>} : memref<8x4096xf32, #tpu.memory_space<vmem>>, vector<16xf32>,
      %gt3A_489 = arith.cmpf ogt, %get3A_488, %scan3A_333 : vector<16xf32>
      %min3A_490 = arith.minimumf %get3A_488, %scan3A_333 : vector<16xf32>
      %max3A_491 = arith.maximumf %scan3A_349, %min3A_490 : vector<16xf32>
      %select_n3A_492 = arith.select %gt3A_489, %get3A_488, %scan3A_333 : vector<16xi1>, vector<16xf32>
      %select_n3A_493 = arith.select %gt3A_489, %add3A_483, %scan3A_341 : vector<16xi1>, vector<16xi32>
      %add3A_494 = arith.constant 16 : i32
      %add3A_495 = vector.broadcast %add3A_494 : i32 to vector<16xi32>
      %add3A_496 = arith.addi %add3A_483, %add3A_495 : vector<16xi32>
      %add3A_497 = arith.constant 128 : i32
      %add3A_498 = arith.addi %mul3A_389, %add3A_497 : i32
      %get3A_499 = arith.index_cast %select_n3A_373 : i32 to index
      %get3A_500 = arith.index_cast %add3A_498 : i32 to index
      %get3A_501 = tpu.vector_load %arg5[%get3A_499, %get3A_500] {strides = array<i32>} : memref<8x4096xf32, #tpu.memory_space<vmem>>, vector<16xf32>,
      %gt3A_502 = arith.cmpf ogt, %get3A_501, %select_n3A_401 : vector<16xf32>
      %min3A_503 = arith.minimumf %get3A_501, %select_n3A_401 : vector<16xf32>
      %max3A_504 = arith.maximumf %max3A, %min3A_503 : vector<16xf32>
      %select_n3A_505 = arith.select %gt3A_502, %get3A_501, %select_n3A_401 : vector<16xi1>, vector<16xf32>
      %select_n3A_506 = arith.select %gt3A_502, %add3A_496, %select_n3A_402 : vector<16xi1>, vector<16xi32>
      %add3A_507 = arith.constant 16 : i32
      %add3A_508 = vector.broadcast %add3A_507 : i32 to vector<16xi32>
      %add3A_509 = arith.addi %add3A_496, %add3A_508 : vector<16xi32>
      %add3A_510 = arith.constant 144 : i32
      %add3A_511 = arith.addi %mul3A_389, %add3A_510 : i32
      %get3A_512 = arith.index_cast %select_n3A_373 : i32 to index
      %get3A_513 = arith.index_cast %add3A_511 : i32 to index
      %get3A_514 = tpu.vector_load %arg5[%get3A_512, %get3A_513] {strides = array<i32>} : memref<8x4096xf32, #tpu.memory_space<vmem>>, vector<16xf32>,
      %gt3A_515 = arith.cmpf ogt, %get3A_514, %select_n3A_414 : vector<16xf32>
      %min3A_516 = arith.minimumf %get3A_514, %select_n3A_414 : vector<16xf32>
      %max3A_517 = arith.maximumf %max3A_413, %min3A_516 : vector<16xf32>
      %select_n3A_518 = arith.select %gt3A_515, %get3A_514, %select_n3A_414 : vector<16xi1>, vector<16xf32>
      %select_n3A_519 = arith.select %gt3A_515, %add3A_509, %select_n3A_415 : vector<16xi1>, vector<16xi32>
      %add3A_520 = arith.constant 16 : i32
      %add3A_521 = vector.broadcast %add3A_520 : i32 to vector<16xi32>
      %add3A_522 = arith.addi %add3A_509, %add3A_521 : vector<16xi32>
      %add3A_523 = arith.constant 160 : i32
      %add3A_524 = arith.addi %mul3A_389, %add3A_523 : i32
      %get3A_525 = arith.index_cast %select_n3A_373 : i32 to index
      %get3A_526 = arith.index_cast %add3A_524 : i32 to index
      %get3A_527 = tpu.vector_load %arg5[%get3A_525, %get3A_526] {strides = array<i32>} : memref<8x4096xf32, #tpu.memory_space<vmem>>, vector<16xf32>,
      %gt3A_528 = arith.cmpf ogt, %get3A_527, %select_n3A_427 : vector<16xf32>
      %min3A_529 = arith.minimumf %get3A_527, %select_n3A_427 : vector<16xf32>
      %max3A_530 = arith.maximumf %max3A_426, %min3A_529 : vector<16xf32>
      %select_n3A_531 = arith.select %gt3A_528, %get3A_527, %select_n3A_427 : vector<16xi1>, vector<16xf32>
      %select_n3A_532 = arith.select %gt3A_528, %add3A_522, %select_n3A_428 : vector<16xi1>, vector<16xi32>
      %add3A_533 = arith.constant 16 : i32
      %add3A_534 = vector.broadcast %add3A_533 : i32 to vector<16xi32>
      %add3A_535 = arith.addi %add3A_522, %add3A_534 : vector<16xi32>
      %add3A_536 = arith.constant 176 : i32
      %add3A_537 = arith.addi %mul3A_389, %add3A_536 : i32
      %get3A_538 = arith.index_cast %select_n3A_373 : i32 to index
      %get3A_539 = arith.index_cast %add3A_537 : i32 to index
      %get3A_540 = tpu.vector_load %arg5[%get3A_538, %get3A_539] {strides = array<i32>} : memref<8x4096xf32, #tpu.memory_space<vmem>>, vector<16xf32>,
      %gt3A_541 = arith.cmpf ogt, %get3A_540, %select_n3A_440 : vector<16xf32>
      %min3A_542 = arith.minimumf %get3A_540, %select_n3A_440 : vector<16xf32>
      %max3A_543 = arith.maximumf %max3A_439, %min3A_542 : vector<16xf32>
      %select_n3A_544 = arith.select %gt3A_541, %get3A_540, %select_n3A_440 : vector<16xi1>, vector<16xf32>
      %select_n3A_545 = arith.select %gt3A_541, %add3A_535, %select_n3A_441 : vector<16xi1>, vector<16xi32>
      %add3A_546 = arith.constant 16 : i32
      %add3A_547 = vector.broadcast %add3A_546 : i32 to vector<16xi32>
      %add3A_548 = arith.addi %add3A_535, %add3A_547 : vector<16xi32>
      %add3A_549 = arith.constant 192 : i32
      %add3A_550 = arith.addi %mul3A_389, %add3A_549 : i32
      %get3A_551 = arith.index_cast %select_n3A_373 : i32 to index
      %get3A_552 = arith.index_cast %add3A_550 : i32 to index
      %get3A_553 = tpu.vector_load %arg5[%get3A_551, %get3A_552] {strides = array<i32>} : memref<8x4096xf32, #tpu.memory_space<vmem>>, vector<16xf32>,
      %gt3A_554 = arith.cmpf ogt, %get3A_553, %select_n3A_453 : vector<16xf32>
      %min3A_555 = arith.minimumf %get3A_553, %select_n3A_453 : vector<16xf32>
      %max3A_556 = arith.maximumf %max3A_452, %min3A_555 : vector<16xf32>
      %select_n3A_557 = arith.select %gt3A_554, %get3A_553, %select_n3A_453 : vector<16xi1>, vector<16xf32>
      %select_n3A_558 = arith.select %gt3A_554, %add3A_548, %select_n3A_454 : vector<16xi1>, vector<16xi32>
      %add3A_559 = arith.constant 16 : i32
      %add3A_560 = vector.broadcast %add3A_559 : i32 to vector<16xi32>
      %add3A_561 = arith.addi %add3A_548, %add3A_560 : vector<16xi32>
      %add3A_562 = arith.constant 208 : i32
      %add3A_563 = arith.addi %mul3A_389, %add3A_562 : i32
      %get3A_564 = arith.index_cast %select_n3A_373 : i32 to index
      %get3A_565 = arith.index_cast %add3A_563 : i32 to index
      %get3A_566 = tpu.vector_load %arg5[%get3A_564, %get3A_565] {strides = array<i32>} : memref<8x4096xf32, #tpu.memory_space<vmem>>, vector<16xf32>,
      %gt3A_567 = arith.cmpf ogt, %get3A_566, %select_n3A_466 : vector<16xf32>
      %min3A_568 = arith.minimumf %get3A_566, %select_n3A_466 : vector<16xf32>
      %max3A_569 = arith.maximumf %max3A_465, %min3A_568 : vector<16xf32>
      %select_n3A_570 = arith.select %gt3A_567, %get3A_566, %select_n3A_466 : vector<16xi1>, vector<16xf32>
      %select_n3A_571 = arith.select %gt3A_567, %add3A_561, %select_n3A_467 : vector<16xi1>, vector<16xi32>
      %add3A_572 = arith.constant 16 : i32
      %add3A_573 = vector.broadcast %add3A_572 : i32 to vector<16xi32>
      %add3A_574 = arith.addi %add3A_561, %add3A_573 : vector<16xi32>
      %add3A_575 = arith.constant 224 : i32
      %add3A_576 = arith.addi %mul3A_389, %add3A_575 : i32
      %get3A_577 = arith.index_cast %select_n3A_373 : i32 to index
      %get3A_578 = arith.index_cast %add3A_576 : i32 to index
      %get3A_579 = tpu.vector_load %arg5[%get3A_577, %get3A_578] {strides = array<i32>} : memref<8x4096xf32, #tpu.memory_space<vmem>>, vector<16xf32>,
      %gt3A_580 = arith.cmpf ogt, %get3A_579, %select_n3A_479 : vector<16xf32>
      %min3A_581 = arith.minimumf %get3A_579, %select_n3A_479 : vector<16xf32>
      %max3A_582 = arith.maximumf %max3A_478, %min3A_581 : vector<16xf32>
      %select_n3A_583 = arith.select %gt3A_580, %get3A_579, %select_n3A_479 : vector<16xi1>, vector<16xf32>
      %select_n3A_584 = arith.select %gt3A_580, %add3A_574, %select_n3A_480 : vector<16xi1>, vector<16xi32>
      %add3A_585 = arith.constant 16 : i32
      %add3A_586 = vector.broadcast %add3A_585 : i32 to vector<16xi32>
      %add3A_587 = arith.addi %add3A_574, %add3A_586 : vector<16xi32>
      %add3A_588 = arith.constant 240 : i32
      %add3A_589 = arith.addi %mul3A_389, %add3A_588 : i32
      %get3A_590 = arith.index_cast %select_n3A_373 : i32 to index
      %get3A_591 = arith.index_cast %add3A_589 : i32 to index
      %get3A_592 = tpu.vector_load %arg5[%get3A_590, %get3A_591] {strides = array<i32>} : memref<8x4096xf32, #tpu.memory_space<vmem>>, vector<16xf32>,
      %gt3A_593 = arith.cmpf ogt, %get3A_592, %select_n3A_492 : vector<16xf32>
      %min3A_594 = arith.minimumf %get3A_592, %select_n3A_492 : vector<16xf32>
      %max3A_595 = arith.maximumf %max3A_491, %min3A_594 : vector<16xf32>
      %select_n3A_596 = arith.select %gt3A_593, %get3A_592, %select_n3A_492 : vector<16xi1>, vector<16xf32>
      %select_n3A_597 = arith.select %gt3A_593, %add3A_587, %select_n3A_493 : vector<16xi1>, vector<16xi32>
      %add3A_598 = arith.constant 16 : i32
      %add3A_599 = vector.broadcast %add3A_598 : i32 to vector<16xi32>
      %add3A_600 = arith.addi %add3A_587, %add3A_599 : vector<16xi32>
      scf.yield %select_n3A_505, %select_n3A_518, %select_n3A_531, %select_n3A_544, %select_n3A_557, %select_n3A_570, %select_n3A_583, %select_n3A_596, %select_n3A_506, %select_n3A_519, %select_n3A_532, %select_n3A_545, %select_n3A_558, %select_n3A_571, %select_n3A_584, %select_n3A_597, %max3A_504, %max3A_517, %max3A_530, %max3A_543, %max3A_556, %max3A_569, %max3A_582, %max3A_595 : vector<16xf32>, vector<16xf32>, vector<16xf32>, vector<16xf32>, vector<16xf32>, vector<16xf32>, vector<16xf32>, vector<16xf32>, vector<16xi32>, vector<16xi32>, vector<16xi32>, vector<16xi32>, vector<16xi32>, vector<16xi32>, vector<16xi32>, vector<16xi32>, vector<16xf32>, vector<16xf32>, vector<16xf32>, vector<16xf32>, vector<16xf32>, vector<16xf32>, vector<16xf32>, vector<16xf32>
    }
    %scan3A_309 = arith.constant 128 : i32
    %broadcast_in_dim3A_310 = arith.constant -1.000000e+00 : f32
    %broadcast_in_dim3A_311 = vector.broadcast %broadcast_in_dim3A_310 : f32 to vector<16xf32>
    %broadcast_in_dim3A_312 = arith.constant 0 : i32
    %broadcast_in_dim3A_313 = vector.broadcast %broadcast_in_dim3A_312 : i32 to vector<16xi32>
    %scan3A_314 = arith.constant 0 : i32
    %scan3A_315 = arith.constant 10 : i32
    %scan3A_316 = arith.addi %scan3A_314, %scan3A_315 : i32
    %scan3A_317 = arith.constant 1 : i32
    %scan3A_318:26 = scf.for %scan3A_325 = %scan3A_314 to %scan3A_316 step %scan3A_317 iter_args(%scan3A_326 = %scan3A_308#0, %scan3A_327 = %scan3A_308#1, %scan3A_328 = %scan3A_308#2, %scan3A_329 = %scan3A_308#3, %scan3A_330 = %scan3A_308#4, %scan3A_331 = %scan3A_308#5, %scan3A_332 = %scan3A_308#6, %scan3A_333 = %scan3A_308#7, %scan3A_334 = %scan3A_308#8, %scan3A_335 = %scan3A_308#9, %scan3A_336 = %scan3A_308#10, %scan3A_337 = %scan3A_308#11, %scan3A_338 = %scan3A_308#12, %scan3A_339 = %scan3A_308#13, %scan3A_340 = %scan3A_308#14, %scan3A_341 = %scan3A_308#15, %scan3A_342 = %scan3A_308#16, %scan3A_343 = %scan3A_308#17, %scan3A_344 = %scan3A_308#18, %scan3A_345 = %scan3A_308#19, %scan3A_346 = %scan3A_308#20, %scan3A_347 = %scan3A_308#21, %scan3A_348 = %scan3A_308#22, %scan3A_349 = %scan3A_308#23, %scan3A_350 = %broadcast_in_dim3A_311, %scan3A_351 = %broadcast_in_dim3A_313) -> (vector<16xf32>, vector<16xf32>, vector<16xf32>, vector<16xf32>, vector<16xf32>, vector<16xf32>, vector<16xf32>, vector<16xf32>, vector<16xi32>, vector<16xi32>, vector<16xi32>, vector<16xi32>, vector<16xi32>, vector<16xi32>, vector<16xi32>, vector<16xi32>, vector<16xf32>, vector<16xf32>, vector<16xf32>, vector<16xf32>, vector<16xf32>, vector<16xf32>, vector<16xf32>, vector<16xf32>, vector<16xf32>, vector<16xi32>)  : i32 {
      %gt3A = arith.cmpf ogt, %scan3A_327, %scan3A_326 : vector<16xf32>
      %eq3A = arith.cmpf oeq, %scan3A_327, %scan3A_326 : vector<16xf32>
      %lt3A = arith.cmpi slt, %scan3A_335, %scan3A_334 : vector<16xi32>
      %and3A_352 = arith.andi %eq3A, %lt3A : vector<16xi1>
      %or3A = arith.ori %gt3A, %and3A_352 : vector<16xi1>
      %select_n3A_353 = arith.select %or3A, %scan3A_327, %scan3A_326 : vector<16xi1>, vector<16xf32>
      %select_n3A_354 = arith.select %or3A, %scan3A_335, %scan3A_334 : vector<16xi1>, vector<16xi32>
      %gt3A_355 = arith.cmpf ogt, %scan3A_328, %select_n3A_353 : vector<16xf32>
      %eq3A_356 = arith.cmpf oeq, %scan3A_328, %select_n3A_353 : vector<16xf32>
      %lt3A_357 = arith.cmpi slt, %scan3A_336, %select_n3A_354 : vector<16xi32>
      %and3A_358 = arith.andi %eq3A_356, %lt3A_357 : vector<16xi1>
      %or3A_359 = arith.ori %gt3A_355, %and3A_358 : vector<16xi1>
      %select_n3A_360 = arith.select %or3A_359, %scan3A_328, %select_n3A_353 : vector<16xi1>, vector<16xf32>
      %select_n3A_361 = arith.select %or3A_359, %scan3A_336, %select_n3A_354 : vector<16xi1>, vector<16xi32>
      %gt3A_362 = arith.cmpf ogt, %scan3A_329, %select_n3A_360 : vector<16xf32>
      %eq3A_363 = arith.cmpf oeq, %scan3A_329, %select_n3A_360 : vector<16xf32>
      %lt3A_364 = arith.cmpi slt, %scan3A_337, %select_n3A_361 : vector<16xi32>
      %and3A_365 = arith.andi %eq3A_363, %lt3A_364 : vector<16xi1>
      %or3A_366 = arith.ori %gt3A_362, %and3A_365 : vector<16xi1>
      %select_n3A_367 = arith.select %or3A_366, %scan3A_329, %select_n3A_360 : vector<16xi1>, vector<16xf32>
      %select_n3A_368 = arith.select %or3A_366, %scan3A_337, %select_n3A_361 : vector<16xi1>, vector<16xi32>
      %gt3A_369 = arith.cmpf ogt, %scan3A_330, %select_n3A_367 : vector<16xf32>
      %eq3A_370 = arith.cmpf oeq, %scan3A_330, %select_n3A_367 : vector<16xf32>
      %lt3A_371 = arith.cmpi slt, %scan3A_338, %select_n3A_368 : vector<16xi32>
      %and3A_372 = arith.andi %eq3A_370, %lt3A_371 : vector<16xi1>
      %or3A_373 = arith.ori %gt3A_369, %and3A_372 : vector<16xi1>
      %select_n3A_374 = arith.select %or3A_373, %scan3A_330, %select_n3A_367 : vector<16xi1>, vector<16xf32>
      %select_n3A_375 = arith.select %or3A_373, %scan3A_338, %select_n3A_368 : vector<16xi1>, vector<16xi32>
      %gt3A_376 = arith.cmpf ogt, %scan3A_331, %select_n3A_374 : vector<16xf32>
      %eq3A_377 = arith.cmpf oeq, %scan3A_331, %select_n3A_374 : vector<16xf32>
      %lt3A_378 = arith.cmpi slt, %scan3A_339, %select_n3A_375 : vector<16xi32>
      %and3A_379 = arith.andi %eq3A_377, %lt3A_378 : vector<16xi1>
      %or3A_380 = arith.ori %gt3A_376, %and3A_379 : vector<16xi1>
      %select_n3A_381 = arith.select %or3A_380, %scan3A_331, %select_n3A_374 : vector<16xi1>, vector<16xf32>
      %select_n3A_382 = arith.select %or3A_380, %scan3A_339, %select_n3A_375 : vector<16xi1>, vector<16xi32>
      %gt3A_383 = arith.cmpf ogt, %scan3A_332, %select_n3A_381 : vector<16xf32>
      %eq3A_384 = arith.cmpf oeq, %scan3A_332, %select_n3A_381 : vector<16xf32>
      %lt3A_385 = arith.cmpi slt, %scan3A_340, %select_n3A_382 : vector<16xi32>
      %and3A_386 = arith.andi %eq3A_384, %lt3A_385 : vector<16xi1>
      %or3A_387 = arith.ori %gt3A_383, %and3A_386 : vector<16xi1>
      %select_n3A_388 = arith.select %or3A_387, %scan3A_332, %select_n3A_381 : vector<16xi1>, vector<16xf32>
      %select_n3A_389 = arith.select %or3A_387, %scan3A_340, %select_n3A_382 : vector<16xi1>, vector<16xi32>
      %gt3A_390 = arith.cmpf ogt, %scan3A_333, %select_n3A_388 : vector<16xf32>
      %eq3A_391 = arith.cmpf oeq, %scan3A_333, %select_n3A_388 : vector<16xf32>
      %lt3A_392 = arith.cmpi slt, %scan3A_341, %select_n3A_389 : vector<16xi32>
      %and3A_393 = arith.andi %eq3A_391, %lt3A_392 : vector<16xi1>
      %or3A_394 = arith.ori %gt3A_390, %and3A_393 : vector<16xi1>
      %select_n3A_395 = arith.select %or3A_394, %scan3A_333, %select_n3A_388 : vector<16xi1>, vector<16xf32>
      %select_n3A_396 = arith.select %or3A_394, %scan3A_341, %select_n3A_389 : vector<16xi1>, vector<16xi32>
      %reduce_max3A = arith.constant true
      %reduce_max3A_397 = vector.broadcast %reduce_max3A : i1 to vector<16xi1>
      %reduce_max3A_398 = tpu.scan <max>, %select_n3A_395 masked %reduce_max3A_397 : vector<16xf32>, vector<16xi1> -> vector<16xf32>
      %reduce_max3A_399 = vector.extract %reduce_max3A_398[15] : f32 from vector<16xf32>
      %eq3A_400 = vector.broadcast %reduce_max3A_399 : f32 to vector<16xf32>
      %eq3A_401 = arith.cmpf oeq, %select_n3A_395, %eq3A_400 : vector<16xf32>
      %jit3A_402 = arith.constant 0 : i32
      %broadcast_in_dim3A_403 = vector.broadcast %jit3A_402 : i32 to vector<16xi32>
      %select_n3A_404 = arith.select %eq3A_401, %select_n3A_396, %broadcast_in_dim3A_403 : vector<16xi1>, vector<16xi32>
      %reduce_max3A_405 = arith.constant true
      %reduce_max3A_406 = vector.broadcast %reduce_max3A_405 : i1 to vector<16xi1>
      %reduce_max3A_407 = arith.constant -2147483648 : i32
      %reduce_max3A_408 = vector.broadcast %reduce_max3A_407 : i32 to vector<16xi32>
      %reduce_max3A_409 = arith.xori %select_n3A_404, %reduce_max3A_408 : vector<16xi32>
      %reduce_max3A_410 = tpu.scan <max>, %reduce_max3A_409 masked %reduce_max3A_406 : vector<16xi32>, vector<16xi1> -> vector<16xi32>
      %reduce_max3A_411 = arith.xori %reduce_max3A_410, %reduce_max3A_408 : vector<16xi32>
      %reduce_max3A_412 = vector.extract %reduce_max3A_411[15] : i32 from vector<16xi32>
      %while3A:25 = scf.while (%while3A_590 = %scan3A_326, %while3A_591 = %scan3A_327, %while3A_592 = %scan3A_328, %while3A_593 = %scan3A_329, %while3A_594 = %scan3A_330, %while3A_595 = %scan3A_331, %while3A_596 = %scan3A_332, %while3A_597 = %scan3A_333, %while3A_598 = %scan3A_334, %while3A_599 = %scan3A_335, %while3A_600 = %scan3A_336, %while3A_601 = %scan3A_337, %while3A_602 = %scan3A_338, %while3A_603 = %scan3A_339, %while3A_604 = %scan3A_340, %while3A_605 = %scan3A_341, %while3A_606 = %scan3A_342, %while3A_607 = %scan3A_343, %while3A_608 = %scan3A_344, %while3A_609 = %scan3A_345, %while3A_610 = %scan3A_346, %while3A_611 = %scan3A_347, %while3A_612 = %scan3A_348, %while3A_613 = %scan3A_349, %while3A_614 = %reduce_max3A_412) : (vector<16xf32>, vector<16xf32>, vector<16xf32>, vector<16xf32>, vector<16xf32>, vector<16xf32>, vector<16xf32>, vector<16xf32>, vector<16xi32>, vector<16xi32>, vector<16xi32>, vector<16xi32>, vector<16xi32>, vector<16xi32>, vector<16xi32>, vector<16xi32>, vector<16xf32>, vector<16xf32>, vector<16xf32>, vector<16xf32>, vector<16xf32>, vector<16xf32>, vector<16xf32>, vector<16xf32>, i32) -> (vector<16xf32>, vector<16xf32>, vector<16xf32>, vector<16xf32>, vector<16xf32>, vector<16xf32>, vector<16xf32>, vector<16xf32>, vector<16xi32>, vector<16xi32>, vector<16xi32>, vector<16xi32>, vector<16xi32>, vector<16xi32>, vector<16xi32>, vector<16xi32>, vector<16xf32>, vector<16xf32>, vector<16xf32>, vector<16xf32>, vector<16xf32>, vector<16xf32>, vector<16xf32>, vector<16xf32>, i32) {
        %ge3A = arith.constant 1073741824 : i32
        %ge3A_615 = arith.cmpi sge, %while3A_614, %ge3A : i32
        scf.condition(%ge3A_615) %while3A_590, %while3A_591, %while3A_592, %while3A_593, %while3A_594, %while3A_595, %while3A_596, %while3A_597, %while3A_598, %while3A_599, %while3A_600, %while3A_601, %while3A_602, %while3A_603, %while3A_604, %while3A_605, %while3A_606, %while3A_607, %while3A_608, %while3A_609, %while3A_610, %while3A_611, %while3A_612, %while3A_613, %while3A_614 : vector<16xf32>, vector<16xf32>, vector<16xf32>, vector<16xf32>, vector<16xf32>, vector<16xf32>, vector<16xf32>, vector<16xf32>, vector<16xi32>, vector<16xi32>, vector<16xi32>, vector<16xi32>, vector<16xi32>, vector<16xi32>, vector<16xi32>, vector<16xi32>, vector<16xf32>, vector<16xf32>, vector<16xf32>, vector<16xf32>, vector<16xf32>, vector<16xf32>, vector<16xf32>, vector<16xf32>, i32
      } do {
      ^bb0(%while3A_590: vector<16xf32>, %while3A_591: vector<16xf32>, %while3A_592: vector<16xf32>, %while3A_593: vector<16xf32>, %while3A_594: vector<16xf32>, %while3A_595: vector<16xf32>, %while3A_596: vector<16xf32>, %while3A_597: vector<16xf32>, %while3A_598: vector<16xi32>, %while3A_599: vector<16xi32>, %while3A_600: vector<16xi32>, %while3A_601: vector<16xi32>, %while3A_602: vector<16xi32>, %while3A_603: vector<16xi32>, %while3A_604: vector<16xi32>, %while3A_605: vector<16xi32>, %while3A_606: vector<16xf32>, %while3A_607: vector<16xf32>, %while3A_608: vector<16xf32>, %while3A_609: vector<16xf32>, %while3A_610: vector<16xf32>, %while3A_611: vector<16xf32>, %while3A_612: vector<16xf32>, %while3A_613: vector<16xf32>, %while3A_614: i32):
        %sub3A_615 = arith.constant 1073741824 : i32
        %sub3A_616 = arith.subi %while3A_614, %sub3A_615 : i32
        %mul3A_617 = arith.constant 16 : i32
        %mul3A_618 = arith.muli %sub3A_616, %mul3A_617 : i32
        %broadcast_in_dim3A_619 = arith.constant -1.000000e+00 : f32
        %broadcast_in_dim3A_620 = vector.broadcast %broadcast_in_dim3A_619 : f32 to vector<16xf32>
        %broadcast_in_dim3A_621 = arith.constant -1.000000e+00 : f32
        %broadcast_in_dim3A_622 = vector.broadcast %broadcast_in_dim3A_621 : f32 to vector<16xf32>
        %broadcast_in_dim3A_623 = arith.constant -1.000000e+00 : f32
        %broadcast_in_dim3A_624 = vector.broadcast %broadcast_in_dim3A_623 : f32 to vector<16xf32>
        %broadcast_in_dim3A_625 = arith.constant -1.000000e+00 : f32
        %broadcast_in_dim3A_626 = vector.broadcast %broadcast_in_dim3A_625 : f32 to vector<16xf32>
        %broadcast_in_dim3A_627 = arith.constant 2147483647 : i32
        %broadcast_in_dim3A_628 = vector.broadcast %broadcast_in_dim3A_627 : i32 to vector<16xi32>
        %broadcast_in_dim3A_629 = arith.constant 2147483647 : i32
        %broadcast_in_dim3A_630 = vector.broadcast %broadcast_in_dim3A_629 : i32 to vector<16xi32>
        %broadcast_in_dim3A_631 = arith.constant 2147483647 : i32
        %broadcast_in_dim3A_632 = vector.broadcast %broadcast_in_dim3A_631 : i32 to vector<16xi32>
        %broadcast_in_dim3A_633 = arith.constant 2147483647 : i32
        %broadcast_in_dim3A_634 = vector.broadcast %broadcast_in_dim3A_633 : i32 to vector<16xi32>
        %broadcast_in_dim3A_635 = arith.constant -1.000000e+00 : f32
        %broadcast_in_dim3A_636 = vector.broadcast %broadcast_in_dim3A_635 : f32 to vector<16xf32>
        %broadcast_in_dim3A_637 = arith.constant -1.000000e+00 : f32
        %broadcast_in_dim3A_638 = vector.broadcast %broadcast_in_dim3A_637 : f32 to vector<16xf32>
        %broadcast_in_dim3A_639 = arith.constant -1.000000e+00 : f32
        %broadcast_in_dim3A_640 = vector.broadcast %broadcast_in_dim3A_639 : f32 to vector<16xf32>
        %broadcast_in_dim3A_641 = arith.constant -1.000000e+00 : f32
        %broadcast_in_dim3A_642 = vector.broadcast %broadcast_in_dim3A_641 : f32 to vector<16xf32>
        %scan3A_643 = arith.constant 0 : i32
        %scan3A_644 = arith.constant 64 : i32
        %scan3A_645 = arith.addi %scan3A_643, %scan3A_644 : i32
        %scan3A_646 = arith.constant 1 : i32
        %scan3A_647:12 = scf.for %scan3A_779 = %scan3A_643 to %scan3A_645 step %scan3A_646 iter_args(%scan3A_780 = %broadcast_in_dim3A_620, %scan3A_781 = %broadcast_in_dim3A_622, %scan3A_782 = %broadcast_in_dim3A_624, %scan3A_783 = %broadcast_in_dim3A_626, %scan3A_784 = %broadcast_in_dim3A_628, %scan3A_785 = %broadcast_in_dim3A_630, %scan3A_786 = %broadcast_in_dim3A_632, %scan3A_787 = %broadcast_in_dim3A_634, %scan3A_788 = %broadcast_in_dim3A_636, %scan3A_789 = %broadcast_in_dim3A_638, %scan3A_790 = %broadcast_in_dim3A_640, %scan3A_791 = %broadcast_in_dim3A_642) -> (vector<16xf32>, vector<16xf32>, vector<16xf32>, vector<16xf32>, vector<16xi32>, vector<16xi32>, vector<16xi32>, vector<16xi32>, vector<16xf32>, vector<16xf32>, vector<16xf32>, vector<16xf32>)  : i32 {
          %jit3A_792 = arith.constant 8 : i32
          %div3A_793 = arith.divsi %scan3A_779, %jit3A_792 : i32
          %sign3A_794 = arith.constant 0 : i32
          %sign3A_795 = arith.cmpi sgt, %scan3A_779, %sign3A_794 : i32
          %sign3A_796 = arith.extui %sign3A_795 : i1 to i32
          %sign3A_797 = arith.constant 0 : i32
          %sign3A_798 = arith.cmpi slt, %scan3A_779, %sign3A_797 : i32
          %sign3A_799 = arith.extui %sign3A_798 : i1 to i32
          %sign3A_800 = arith.subi %sign3A_796, %sign3A_799 : i32
          %sign3A_801 = arith.constant 0 : i32
          %sign3A_802 = arith.cmpi sgt, %jit3A_792, %sign3A_801 : i32
          %sign3A_803 = arith.extui %sign3A_802 : i1 to i32
          %sign3A_804 = arith.constant 0 : i32
          %sign3A_805 = arith.cmpi slt, %jit3A_792, %sign3A_804 : i32
          %sign3A_806 = arith.extui %sign3A_805 : i1 to i32
          %sign3A_807 = arith.subi %sign3A_803, %sign3A_806 : i32
          %ne3A_808 = arith.cmpi ne, %sign3A_800, %sign3A_807 : i32
          %rem3A_809 = arith.remsi %scan3A_779, %jit3A_792 : i32
          %ne3A_810 = arith.constant 0 : i32
          %ne3A_811 = arith.cmpi ne, %rem3A_809, %ne3A_810 : i32
          %and3A_812 = arith.andi %ne3A_808, %ne3A_811 : i1
          %sub3A_813 = arith.constant 1 : i32
          %sub3A_814 = arith.subi %div3A_793, %sub3A_813 : i32
          %select_n3A_815 = arith.select %and3A_812, %sub3A_814, %div3A_793 : i32
          %jit3A_816 = arith.constant 8 : i32
          %eq3A_817 = arith.constant 0 : i32
          %eq3A_818 = arith.cmpi eq, %jit3A_816, %eq3A_817 : i32
          %jit3A_819 = arith.constant 1 : i32
          %select_n3A_820 = arith.select %eq3A_818, %jit3A_819, %jit3A_816 : i32
          %rem3A_821 = arith.remsi %scan3A_779, %select_n3A_820 : i32
          %ne3A_822 = arith.constant 0 : i32
          %ne3A_823 = arith.cmpi ne, %rem3A_821, %ne3A_822 : i32
          %lt3A_824 = arith.constant 0 : i32
          %lt3A_825 = arith.cmpi slt, %rem3A_821, %lt3A_824 : i32
          %lt3A_826 = arith.constant 0 : i32
          %lt3A_827 = arith.cmpi slt, %select_n3A_820, %lt3A_826 : i32
          %ne3A_828 = arith.xori %lt3A_825, %lt3A_827 : i1
          %and3A_829 = arith.andi %ne3A_828, %ne3A_823 : i1
          %add3A_830 = arith.addi %rem3A_821, %select_n3A_820 : i32
          %select_n3A_831 = arith.select %and3A_829, %add3A_830, %rem3A_821 : i32
          %mul3A_832 = arith.constant 4 : i32
          %mul3A_833 = arith.muli %select_n3A_831, %mul3A_832 : i32
          %add3A_834 = arith.addi %mul3A_18, %select_n3A_815 : i32
          %mul3A_835 = arith.constant 32768 : i32
          %mul3A_836 = arith.muli %add3A_834, %mul3A_835 : i32
          %add3A_837 = arith.addi %mul3A_836, %add3A_255 : i32
          %add3A_838 = arith.addi %add3A_837, %mul3A_618 : i32
          %add3A_839 = vector.broadcast %add3A_838 : i32 to vector<16xi32>
          %add3A_840 = arith.addi %add3A_839, %iota3A : vector<16xi32>
          %add3A_841 = arith.constant 0 : i32
          %add3A_842 = arith.addi %mul3A_833, %add3A_841 : i32
          %mul3A_843 = arith.constant 128 : i32
          %mul3A_844 = arith.muli %add3A_842, %mul3A_843 : i32
          %add3A_845 = arith.addi %mul3A_618, %mul3A_844 : i32
          %get3A = arith.index_cast %select_n3A_815 : i32 to index
          %get3A_846 = arith.index_cast %add3A_845 : i32 to index
          %get3A_847 = tpu.vector_load %arg5[%get3A, %get3A_846] {strides = array<i32>} : memref<8x4096xf32, #tpu.memory_space<vmem>>, vector<16xf32>,
          %gt3A_848 = arith.cmpf ogt, %get3A_847, %scan3A_780 : vector<16xf32>
          %min3A_849 = arith.minimumf %get3A_847, %scan3A_780 : vector<16xf32>
          %max3A_850 = arith.maximumf %scan3A_788, %min3A_849 : vector<16xf32>
          %select_n3A_851 = arith.select %gt3A_848, %get3A_847, %scan3A_780 : vector<16xi1>, vector<16xf32>
          %add3A_852 = arith.constant 0 : i32
          %add3A_853 = arith.addi %mul3A_833, %add3A_852 : i32
          %mul3A_854 = arith.constant 128 : i32
          %mul3A_855 = arith.muli %add3A_853, %mul3A_854 : i32
          %add3A_856 = vector.broadcast %mul3A_855 : i32 to vector<16xi32>
          %add3A_857 = arith.addi %add3A_840, %add3A_856 : vector<16xi32>
          %select_n3A_858 = arith.select %gt3A_848, %add3A_857, %scan3A_784 : vector<16xi1>, vector<16xi32>
          %add3A_859 = arith.constant 1 : i32
          %add3A_860 = arith.addi %mul3A_833, %add3A_859 : i32
          %mul3A_861 = arith.constant 128 : i32
          %mul3A_862 = arith.muli %add3A_860, %mul3A_861 : i32
          %add3A_863 = arith.addi %mul3A_618, %mul3A_862 : i32
          %get3A_864 = arith.index_cast %select_n3A_815 : i32 to index
          %get3A_865 = arith.index_cast %add3A_863 : i32 to index
          %get3A_866 = tpu.vector_load %arg5[%get3A_864, %get3A_865] {strides = array<i32>} : memref<8x4096xf32, #tpu.memory_space<vmem>>, vector<16xf32>,
          %gt3A_867 = arith.cmpf ogt, %get3A_866, %scan3A_781 : vector<16xf32>
          %min3A_868 = arith.minimumf %get3A_866, %scan3A_781 : vector<16xf32>
          %max3A_869 = arith.maximumf %scan3A_789, %min3A_868 : vector<16xf32>
          %select_n3A_870 = arith.select %gt3A_867, %get3A_866, %scan3A_781 : vector<16xi1>, vector<16xf32>
          %add3A_871 = arith.constant 1 : i32
          %add3A_872 = arith.addi %mul3A_833, %add3A_871 : i32
          %mul3A_873 = arith.constant 128 : i32
          %mul3A_874 = arith.muli %add3A_872, %mul3A_873 : i32
          %add3A_875 = vector.broadcast %mul3A_874 : i32 to vector<16xi32>
          %add3A_876 = arith.addi %add3A_840, %add3A_875 : vector<16xi32>
          %select_n3A_877 = arith.select %gt3A_867, %add3A_876, %scan3A_785 : vector<16xi1>, vector<16xi32>
          %add3A_878 = arith.constant 2 : i32
          %add3A_879 = arith.addi %mul3A_833, %add3A_878 : i32
          %mul3A_880 = arith.constant 128 : i32
          %mul3A_881 = arith.muli %add3A_879, %mul3A_880 : i32
          %add3A_882 = arith.addi %mul3A_618, %mul3A_881 : i32
          %get3A_883 = arith.index_cast %select_n3A_815 : i32 to index
          %get3A_884 = arith.index_cast %add3A_882 : i32 to index
          %get3A_885 = tpu.vector_load %arg5[%get3A_883, %get3A_884] {strides = array<i32>} : memref<8x4096xf32, #tpu.memory_space<vmem>>, vector<16xf32>,
          %gt3A_886 = arith.cmpf ogt, %get3A_885, %scan3A_782 : vector<16xf32>
          %min3A_887 = arith.minimumf %get3A_885, %scan3A_782 : vector<16xf32>
          %max3A_888 = arith.maximumf %scan3A_790, %min3A_887 : vector<16xf32>
          %select_n3A_889 = arith.select %gt3A_886, %get3A_885, %scan3A_782 : vector<16xi1>, vector<16xf32>
          %add3A_890 = arith.constant 2 : i32
          %add3A_891 = arith.addi %mul3A_833, %add3A_890 : i32
          %mul3A_892 = arith.constant 128 : i32
          %mul3A_893 = arith.muli %add3A_891, %mul3A_892 : i32
          %add3A_894 = vector.broadcast %mul3A_893 : i32 to vector<16xi32>
          %add3A_895 = arith.addi %add3A_840, %add3A_894 : vector<16xi32>
          %select_n3A_896 = arith.select %gt3A_886, %add3A_895, %scan3A_786 : vector<16xi1>, vector<16xi32>
          %add3A_897 = arith.constant 3 : i32
          %add3A_898 = arith.addi %mul3A_833, %add3A_897 : i32
          %mul3A_899 = arith.constant 128 : i32
          %mul3A_900 = arith.muli %add3A_898, %mul3A_899 : i32
          %add3A_901 = arith.addi %mul3A_618, %mul3A_900 : i32
          %get3A_902 = arith.index_cast %select_n3A_815 : i32 to index
          %get3A_903 = arith.index_cast %add3A_901 : i32 to index
          %get3A_904 = tpu.vector_load %arg5[%get3A_902, %get3A_903] {strides = array<i32>} : memref<8x4096xf32, #tpu.memory_space<vmem>>, vector<16xf32>,
          %gt3A_905 = arith.cmpf ogt, %get3A_904, %scan3A_783 : vector<16xf32>
          %min3A_906 = arith.minimumf %get3A_904, %scan3A_783 : vector<16xf32>
          %max3A_907 = arith.maximumf %scan3A_791, %min3A_906 : vector<16xf32>
          %select_n3A_908 = arith.select %gt3A_905, %get3A_904, %scan3A_783 : vector<16xi1>, vector<16xf32>
          %add3A_909 = arith.constant 3 : i32
          %add3A_910 = arith.addi %mul3A_833, %add3A_909 : i32
          %mul3A_911 = arith.constant 128 : i32
          %mul3A_912 = arith.muli %add3A_910, %mul3A_911 : i32
          %add3A_913 = vector.broadcast %mul3A_912 : i32 to vector<16xi32>
          %add3A_914 = arith.addi %add3A_840, %add3A_913 : vector<16xi32>
          %select_n3A_915 = arith.select %gt3A_905, %add3A_914, %scan3A_787 : vector<16xi1>, vector<16xi32>
          scf.yield %select_n3A_851, %select_n3A_870, %select_n3A_889, %select_n3A_908, %select_n3A_858, %select_n3A_877, %select_n3A_896, %select_n3A_915, %max3A_850, %max3A_869, %max3A_888, %max3A_907 : vector<16xf32>, vector<16xf32>, vector<16xf32>, vector<16xf32>, vector<16xi32>, vector<16xi32>, vector<16xi32>, vector<16xi32>, vector<16xf32>, vector<16xf32>, vector<16xf32>, vector<16xf32>
        }
        %scan3A_648 = arith.constant 64 : i32
        %max3A = arith.maximumf %scan3A_647#8, %scan3A_647#10 : vector<16xf32>
        %min3A = arith.minimumf %scan3A_647#0, %scan3A_647#2 : vector<16xf32>
        %max3A_649 = arith.maximumf %max3A, %min3A : vector<16xf32>
        %gt3A_650 = arith.cmpf ogt, %scan3A_647#2, %scan3A_647#0 : vector<16xf32>
        %eq3A_651 = arith.cmpf oeq, %scan3A_647#2, %scan3A_647#0 : vector<16xf32>
        %lt3A_652 = arith.cmpi slt, %scan3A_647#6, %scan3A_647#4 : vector<16xi32>
        %and3A_653 = arith.andi %eq3A_651, %lt3A_652 : vector<16xi1>
        %or3A_654 = arith.ori %gt3A_650, %and3A_653 : vector<16xi1>
        %select_n3A_655 = arith.select %or3A_654, %scan3A_647#2, %scan3A_647#0 : vector<16xi1>, vector<16xf32>
        %select_n3A_656 = arith.select %or3A_654, %scan3A_647#6, %scan3A_647#4 : vector<16xi1>, vector<16xi32>
        %max3A_657 = arith.maximumf %scan3A_647#9, %scan3A_647#11 : vector<16xf32>
        %min3A_658 = arith.minimumf %scan3A_647#1, %scan3A_647#3 : vector<16xf32>
        %max3A_659 = arith.maximumf %max3A_657, %min3A_658 : vector<16xf32>
        %gt3A_660 = arith.cmpf ogt, %scan3A_647#3, %scan3A_647#1 : vector<16xf32>
        %eq3A_661 = arith.cmpf oeq, %scan3A_647#3, %scan3A_647#1 : vector<16xf32>
        %lt3A_662 = arith.cmpi slt, %scan3A_647#7, %scan3A_647#5 : vector<16xi32>
        %and3A_663 = arith.andi %eq3A_661, %lt3A_662 : vector<16xi1>
        %or3A_664 = arith.ori %gt3A_660, %and3A_663 : vector<16xi1>
        %select_n3A_665 = arith.select %or3A_664, %scan3A_647#3, %scan3A_647#1 : vector<16xi1>, vector<16xf32>
        %select_n3A_666 = arith.select %or3A_664, %scan3A_647#7, %scan3A_647#5 : vector<16xi1>, vector<16xi32>
        %max3A_667 = arith.maximumf %max3A_649, %max3A_659 : vector<16xf32>
        %min3A_668 = arith.minimumf %select_n3A_655, %select_n3A_665 : vector<16xf32>
        %max3A_669 = arith.maximumf %max3A_667, %min3A_668 : vector<16xf32>
        %gt3A_670 = arith.cmpf ogt, %select_n3A_665, %select_n3A_655 : vector<16xf32>
        %eq3A_671 = arith.cmpf oeq, %select_n3A_665, %select_n3A_655 : vector<16xf32>
        %lt3A_672 = arith.cmpi slt, %select_n3A_666, %select_n3A_656 : vector<16xi32>
        %and3A_673 = arith.andi %eq3A_671, %lt3A_672 : vector<16xi1>
        %or3A_674 = arith.ori %gt3A_670, %and3A_673 : vector<16xi1>
        %select_n3A_675 = arith.select %or3A_674, %select_n3A_665, %select_n3A_655 : vector<16xi1>, vector<16xf32>
        %select_n3A_676 = arith.select %or3A_674, %select_n3A_666, %select_n3A_656 : vector<16xi1>, vector<16xi32>
        %eq3A_677 = arith.constant 0 : i32
        %eq3A_678 = arith.cmpi eq, %sub3A_616, %eq3A_677 : i32
        %select_n3A_679 = arith.select %eq3A_678, %select_n3A_675, %while3A_590 : vector<16xf32>
        %select_n3A_680 = arith.select %eq3A_678, %select_n3A_676, %while3A_598 : vector<16xi32>
        %select_n3A_681 = arith.select %eq3A_678, %max3A_669, %while3A_606 : vector<16xf32>
        %eq3A_682 = arith.constant 1 : i32
        %eq3A_683 = arith.cmpi eq, %sub3A_616, %eq3A_682 : i32
        %select_n3A_684 = arith.select %eq3A_683, %select_n3A_675, %while3A_591 : vector<16xf32>
        %select_n3A_685 = arith.select %eq3A_683, %select_n3A_676, %while3A_599 : vector<16xi32>
        %select_n3A_686 = arith.select %eq3A_683, %max3A_669, %while3A_607 : vector<16xf32>
        %eq3A_687 = arith.constant 2 : i32
        %eq3A_688 = arith.cmpi eq, %sub3A_616, %eq3A_687 : i32
        %select_n3A_689 = arith.select %eq3A_688, %select_n3A_675, %while3A_592 : vector<16xf32>
        %select_n3A_690 = arith.select %eq3A_688, %select_n3A_676, %while3A_600 : vector<16xi32>
        %select_n3A_691 = arith.select %eq3A_688, %max3A_669, %while3A_608 : vector<16xf32>
        %eq3A_692 = arith.constant 3 : i32
        %eq3A_693 = arith.cmpi eq, %sub3A_616, %eq3A_692 : i32
        %select_n3A_694 = arith.select %eq3A_693, %select_n3A_675, %while3A_593 : vector<16xf32>
        %select_n3A_695 = arith.select %eq3A_693, %select_n3A_676, %while3A_601 : vector<16xi32>
        %select_n3A_696 = arith.select %eq3A_693, %max3A_669, %while3A_609 : vector<16xf32>
        %eq3A_697 = arith.constant 4 : i32
        %eq3A_698 = arith.cmpi eq, %sub3A_616, %eq3A_697 : i32
        %select_n3A_699 = arith.select %eq3A_698, %select_n3A_675, %while3A_594 : vector<16xf32>
        %select_n3A_700 = arith.select %eq3A_698, %select_n3A_676, %while3A_602 : vector<16xi32>
        %select_n3A_701 = arith.select %eq3A_698, %max3A_669, %while3A_610 : vector<16xf32>
        %eq3A_702 = arith.constant 5 : i32
        %eq3A_703 = arith.cmpi eq, %sub3A_616, %eq3A_702 : i32
        %select_n3A_704 = arith.select %eq3A_703, %select_n3A_675, %while3A_595 : vector<16xf32>
        %select_n3A_705 = arith.select %eq3A_703, %select_n3A_676, %while3A_603 : vector<16xi32>
        %select_n3A_706 = arith.select %eq3A_703, %max3A_669, %while3A_611 : vector<16xf32>
        %eq3A_707 = arith.constant 6 : i32
        %eq3A_708 = arith.cmpi eq, %sub3A_616, %eq3A_707 : i32
        %select_n3A_709 = arith.select %eq3A_708, %select_n3A_675, %while3A_596 : vector<16xf32>
        %select_n3A_710 = arith.select %eq3A_708, %select_n3A_676, %while3A_604 : vector<16xi32>
        %select_n3A_711 = arith.select %eq3A_708, %max3A_669, %while3A_612 : vector<16xf32>
        %eq3A_712 = arith.constant 7 : i32
        %eq3A_713 = arith.cmpi eq, %sub3A_616, %eq3A_712 : i32
        %select_n3A_714 = arith.select %eq3A_713, %select_n3A_675, %while3A_597 : vector<16xf32>
        %select_n3A_715 = arith.select %eq3A_713, %select_n3A_676, %while3A_605 : vector<16xi32>
        %select_n3A_716 = arith.select %eq3A_713, %max3A_669, %while3A_613 : vector<16xf32>
        %gt3A_717 = arith.cmpf ogt, %select_n3A_684, %select_n3A_679 : vector<16xf32>
        %eq3A_718 = arith.cmpf oeq, %select_n3A_684, %select_n3A_679 : vector<16xf32>
        %lt3A_719 = arith.cmpi slt, %select_n3A_685, %select_n3A_680 : vector<16xi32>
        %and3A_720 = arith.andi %eq3A_718, %lt3A_719 : vector<16xi1>
        %or3A_721 = arith.ori %gt3A_717, %and3A_720 : vector<16xi1>
        %select_n3A_722 = arith.select %or3A_721, %select_n3A_684, %select_n3A_679 : vector<16xi1>, vector<16xf32>
        %select_n3A_723 = arith.select %or3A_721, %select_n3A_685, %select_n3A_680 : vector<16xi1>, vector<16xi32>
        %gt3A_724 = arith.cmpf ogt, %select_n3A_689, %select_n3A_722 : vector<16xf32>
        %eq3A_725 = arith.cmpf oeq, %select_n3A_689, %select_n3A_722 : vector<16xf32>
        %lt3A_726 = arith.cmpi slt, %select_n3A_690, %select_n3A_723 : vector<16xi32>
        %and3A_727 = arith.andi %eq3A_725, %lt3A_726 : vector<16xi1>
        %or3A_728 = arith.ori %gt3A_724, %and3A_727 : vector<16xi1>
        %select_n3A_729 = arith.select %or3A_728, %select_n3A_689, %select_n3A_722 : vector<16xi1>, vector<16xf32>
        %select_n3A_730 = arith.select %or3A_728, %select_n3A_690, %select_n3A_723 : vector<16xi1>, vector<16xi32>
        %gt3A_731 = arith.cmpf ogt, %select_n3A_694, %select_n3A_729 : vector<16xf32>
        %eq3A_732 = arith.cmpf oeq, %select_n3A_694, %select_n3A_729 : vector<16xf32>
        %lt3A_733 = arith.cmpi slt, %select_n3A_695, %select_n3A_730 : vector<16xi32>
        %and3A_734 = arith.andi %eq3A_732, %lt3A_733 : vector<16xi1>
        %or3A_735 = arith.ori %gt3A_731, %and3A_734 : vector<16xi1>
        %select_n3A_736 = arith.select %or3A_735, %select_n3A_694, %select_n3A_729 : vector<16xi1>, vector<16xf32>
        %select_n3A_737 = arith.select %or3A_735, %select_n3A_695, %select_n3A_730 : vector<16xi1>, vector<16xi32>
        %gt3A_738 = arith.cmpf ogt, %select_n3A_699, %select_n3A_736 : vector<16xf32>
        %eq3A_739 = arith.cmpf oeq, %select_n3A_699, %select_n3A_736 : vector<16xf32>
        %lt3A_740 = arith.cmpi slt, %select_n3A_700, %select_n3A_737 : vector<16xi32>
        %and3A_741 = arith.andi %eq3A_739, %lt3A_740 : vector<16xi1>
        %or3A_742 = arith.ori %gt3A_738, %and3A_741 : vector<16xi1>
        %select_n3A_743 = arith.select %or3A_742, %select_n3A_699, %select_n3A_736 : vector<16xi1>, vector<16xf32>
        %select_n3A_744 = arith.select %or3A_742, %select_n3A_700, %select_n3A_737 : vector<16xi1>, vector<16xi32>
        %gt3A_745 = arith.cmpf ogt, %select_n3A_704, %select_n3A_743 : vector<16xf32>
        %eq3A_746 = arith.cmpf oeq, %select_n3A_704, %select_n3A_743 : vector<16xf32>
        %lt3A_747 = arith.cmpi slt, %select_n3A_705, %select_n3A_744 : vector<16xi32>
        %and3A_748 = arith.andi %eq3A_746, %lt3A_747 : vector<16xi1>
        %or3A_749 = arith.ori %gt3A_745, %and3A_748 : vector<16xi1>
        %select_n3A_750 = arith.select %or3A_749, %select_n3A_704, %select_n3A_743 : vector<16xi1>, vector<16xf32>
        %select_n3A_751 = arith.select %or3A_749, %select_n3A_705, %select_n3A_744 : vector<16xi1>, vector<16xi32>
        %gt3A_752 = arith.cmpf ogt, %select_n3A_709, %select_n3A_750 : vector<16xf32>
        %eq3A_753 = arith.cmpf oeq, %select_n3A_709, %select_n3A_750 : vector<16xf32>
        %lt3A_754 = arith.cmpi slt, %select_n3A_710, %select_n3A_751 : vector<16xi32>
        %and3A_755 = arith.andi %eq3A_753, %lt3A_754 : vector<16xi1>
        %or3A_756 = arith.ori %gt3A_752, %and3A_755 : vector<16xi1>
        %select_n3A_757 = arith.select %or3A_756, %select_n3A_709, %select_n3A_750 : vector<16xi1>, vector<16xf32>
        %select_n3A_758 = arith.select %or3A_756, %select_n3A_710, %select_n3A_751 : vector<16xi1>, vector<16xi32>
        %gt3A_759 = arith.cmpf ogt, %select_n3A_714, %select_n3A_757 : vector<16xf32>
        %eq3A_760 = arith.cmpf oeq, %select_n3A_714, %select_n3A_757 : vector<16xf32>
        %lt3A_761 = arith.cmpi slt, %select_n3A_715, %select_n3A_758 : vector<16xi32>
        %and3A_762 = arith.andi %eq3A_760, %lt3A_761 : vector<16xi1>
        %or3A_763 = arith.ori %gt3A_759, %and3A_762 : vector<16xi1>
        %select_n3A_764 = arith.select %or3A_763, %select_n3A_714, %select_n3A_757 : vector<16xi1>, vector<16xf32>
        %select_n3A_765 = arith.select %or3A_763, %select_n3A_715, %select_n3A_758 : vector<16xi1>, vector<16xi32>
        %eq3A_766 = vector.broadcast %reduce_max3A_399 : f32 to vector<16xf32>
        %eq3A_767 = arith.cmpf oeq, %select_n3A_764, %eq3A_766 : vector<16xf32>
        %jit3A_768 = arith.constant 0 : i32
        %broadcast_in_dim3A_769 = vector.broadcast %jit3A_768 : i32 to vector<16xi32>
        %select_n3A_770 = arith.select %eq3A_767, %select_n3A_765, %broadcast_in_dim3A_769 : vector<16xi1>, vector<16xi32>
        %reduce_max3A_771 = arith.constant true
        %reduce_max3A_772 = vector.broadcast %reduce_max3A_771 : i1 to vector<16xi1>
        %reduce_max3A_773 = arith.constant -2147483648 : i32
        %reduce_max3A_774 = vector.broadcast %reduce_max3A_773 : i32 to vector<16xi32>
        %reduce_max3A_775 = arith.xori %select_n3A_770, %reduce_max3A_774 : vector<16xi32>
        %reduce_max3A_776 = tpu.scan <max>, %reduce_max3A_775 masked %reduce_max3A_772 : vector<16xi32>, vector<16xi1> -> vector<16xi32>
        %reduce_max3A_777 = arith.xori %reduce_max3A_776, %reduce_max3A_774 : vector<16xi32>
        %reduce_max3A_778 = vector.extract %reduce_max3A_777[15] : i32 from vector<16xi32>
        scf.yield %select_n3A_679, %select_n3A_684, %select_n3A_689, %select_n3A_694, %select_n3A_699, %select_n3A_704, %select_n3A_709, %select_n3A_714, %select_n3A_680, %select_n3A_685, %select_n3A_690, %select_n3A_695, %select_n3A_700, %select_n3A_705, %select_n3A_710, %select_n3A_715, %select_n3A_681, %select_n3A_686, %select_n3A_691, %select_n3A_696, %select_n3A_701, %select_n3A_706, %select_n3A_711, %select_n3A_716, %reduce_max3A_778 : vector<16xf32>, vector<16xf32>, vector<16xf32>, vector<16xf32>, vector<16xf32>, vector<16xf32>, vector<16xf32>, vector<16xf32>, vector<16xi32>, vector<16xi32>, vector<16xi32>, vector<16xi32>, vector<16xi32>, vector<16xi32>, vector<16xi32>, vector<16xi32>, vector<16xf32>, vector<16xf32>, vector<16xf32>, vector<16xf32>, vector<16xf32>, vector<16xf32>, vector<16xf32>, vector<16xf32>, i32
      }
      %gt3A_413 = arith.cmpf ogt, %while3A#1, %while3A#0 : vector<16xf32>
      %eq3A_414 = arith.cmpf oeq, %while3A#1, %while3A#0 : vector<16xf32>
      %lt3A_415 = arith.cmpi slt, %while3A#9, %while3A#8 : vector<16xi32>
      %and3A_416 = arith.andi %eq3A_414, %lt3A_415 : vector<16xi1>
      %or3A_417 = arith.ori %gt3A_413, %and3A_416 : vector<16xi1>
      %select_n3A_418 = arith.select %or3A_417, %while3A#1, %while3A#0 : vector<16xi1>, vector<16xf32>
      %select_n3A_419 = arith.select %or3A_417, %while3A#9, %while3A#8 : vector<16xi1>, vector<16xi32>
      %gt3A_420 = arith.cmpf ogt, %while3A#2, %select_n3A_418 : vector<16xf32>
      %eq3A_421 = arith.cmpf oeq, %while3A#2, %select_n3A_418 : vector<16xf32>
      %lt3A_422 = arith.cmpi slt, %while3A#10, %select_n3A_419 : vector<16xi32>
      %and3A_423 = arith.andi %eq3A_421, %lt3A_422 : vector<16xi1>
      %or3A_424 = arith.ori %gt3A_420, %and3A_423 : vector<16xi1>
      %select_n3A_425 = arith.select %or3A_424, %while3A#2, %select_n3A_418 : vector<16xi1>, vector<16xf32>
      %select_n3A_426 = arith.select %or3A_424, %while3A#10, %select_n3A_419 : vector<16xi1>, vector<16xi32>
      %gt3A_427 = arith.cmpf ogt, %while3A#3, %select_n3A_425 : vector<16xf32>
      %eq3A_428 = arith.cmpf oeq, %while3A#3, %select_n3A_425 : vector<16xf32>
      %lt3A_429 = arith.cmpi slt, %while3A#11, %select_n3A_426 : vector<16xi32>
      %and3A_430 = arith.andi %eq3A_428, %lt3A_429 : vector<16xi1>
      %or3A_431 = arith.ori %gt3A_427, %and3A_430 : vector<16xi1>
      %select_n3A_432 = arith.select %or3A_431, %while3A#3, %select_n3A_425 : vector<16xi1>, vector<16xf32>
      %select_n3A_433 = arith.select %or3A_431, %while3A#11, %select_n3A_426 : vector<16xi1>, vector<16xi32>
      %gt3A_434 = arith.cmpf ogt, %while3A#4, %select_n3A_432 : vector<16xf32>
      %eq3A_435 = arith.cmpf oeq, %while3A#4, %select_n3A_432 : vector<16xf32>
      %lt3A_436 = arith.cmpi slt, %while3A#12, %select_n3A_433 : vector<16xi32>
      %and3A_437 = arith.andi %eq3A_435, %lt3A_436 : vector<16xi1>
      %or3A_438 = arith.ori %gt3A_434, %and3A_437 : vector<16xi1>
      %select_n3A_439 = arith.select %or3A_438, %while3A#4, %select_n3A_432 : vector<16xi1>, vector<16xf32>
      %select_n3A_440 = arith.select %or3A_438, %while3A#12, %select_n3A_433 : vector<16xi1>, vector<16xi32>
      %gt3A_441 = arith.cmpf ogt, %while3A#5, %select_n3A_439 : vector<16xf32>
      %eq3A_442 = arith.cmpf oeq, %while3A#5, %select_n3A_439 : vector<16xf32>
      %lt3A_443 = arith.cmpi slt, %while3A#13, %select_n3A_440 : vector<16xi32>
      %and3A_444 = arith.andi %eq3A_442, %lt3A_443 : vector<16xi1>
      %or3A_445 = arith.ori %gt3A_441, %and3A_444 : vector<16xi1>
      %select_n3A_446 = arith.select %or3A_445, %while3A#5, %select_n3A_439 : vector<16xi1>, vector<16xf32>
      %select_n3A_447 = arith.select %or3A_445, %while3A#13, %select_n3A_440 : vector<16xi1>, vector<16xi32>
      %gt3A_448 = arith.cmpf ogt, %while3A#6, %select_n3A_446 : vector<16xf32>
      %eq3A_449 = arith.cmpf oeq, %while3A#6, %select_n3A_446 : vector<16xf32>
      %lt3A_450 = arith.cmpi slt, %while3A#14, %select_n3A_447 : vector<16xi32>
      %and3A_451 = arith.andi %eq3A_449, %lt3A_450 : vector<16xi1>
      %or3A_452 = arith.ori %gt3A_448, %and3A_451 : vector<16xi1>
      %select_n3A_453 = arith.select %or3A_452, %while3A#6, %select_n3A_446 : vector<16xi1>, vector<16xf32>
      %select_n3A_454 = arith.select %or3A_452, %while3A#14, %select_n3A_447 : vector<16xi1>, vector<16xi32>
      %gt3A_455 = arith.cmpf ogt, %while3A#7, %select_n3A_453 : vector<16xf32>
      %eq3A_456 = arith.cmpf oeq, %while3A#7, %select_n3A_453 : vector<16xf32>
      %lt3A_457 = arith.cmpi slt, %while3A#15, %select_n3A_454 : vector<16xi32>
      %and3A_458 = arith.andi %eq3A_456, %lt3A_457 : vector<16xi1>
      %or3A_459 = arith.ori %gt3A_455, %and3A_458 : vector<16xi1>
      %select_n3A_460 = arith.select %or3A_459, %while3A#7, %select_n3A_453 : vector<16xi1>, vector<16xf32>
      %select_n3A_461 = arith.select %or3A_459, %while3A#15, %select_n3A_454 : vector<16xi1>, vector<16xi32>
      %eq3A_462 = vector.broadcast %reduce_max3A_399 : f32 to vector<16xf32>
      %eq3A_463 = arith.cmpf oeq, %select_n3A_460, %eq3A_462 : vector<16xf32>
      %jit3A_464 = arith.constant 2147483647 : i32
      %broadcast_in_dim3A_465 = vector.broadcast %jit3A_464 : i32 to vector<16xi32>
      %select_n3A_466 = arith.select %eq3A_463, %select_n3A_461, %broadcast_in_dim3A_465 : vector<16xi1>, vector<16xi32>
      %reduce_min3A = arith.constant true
      %reduce_min3A_467 = vector.broadcast %reduce_min3A : i1 to vector<16xi1>
      %reduce_min3A_468 = arith.constant -2147483648 : i32
      %reduce_min3A_469 = vector.broadcast %reduce_min3A_468 : i32 to vector<16xi32>
      %reduce_min3A_470 = arith.xori %select_n3A_466, %reduce_min3A_469 : vector<16xi32>
      %reduce_min3A_471 = tpu.scan <min>, %reduce_min3A_470 masked %reduce_min3A_467 : vector<16xi32>, vector<16xi1> -> vector<16xi32>
      %reduce_min3A_472 = arith.xori %reduce_min3A_471, %reduce_min3A_469 : vector<16xi32>
      %reduce_min3A_473 = vector.extract %reduce_min3A_472[15] : i32 from vector<16xi32>
      %eq3A_474 = vector.broadcast %scan3A_325 : i32 to vector<16xi32>
      %eq3A_475 = arith.cmpi eq, %iota3A, %eq3A_474 : vector<16xi32>
      %broadcast_in_dim3A_476 = vector.broadcast %reduce_max3A_399 : f32 to vector<16xf32>
      %select_n3A_477 = arith.select %eq3A_475, %broadcast_in_dim3A_476, %scan3A_350 : vector<16xi1>, vector<16xf32>
      %eq3A_478 = vector.broadcast %scan3A_325 : i32 to vector<16xi32>
      %eq3A_479 = arith.cmpi eq, %iota3A, %eq3A_478 : vector<16xi32>
      %broadcast_in_dim3A_480 = vector.broadcast %reduce_min3A_473 : i32 to vector<16xi32>
      %select_n3A_481 = arith.select %eq3A_479, %broadcast_in_dim3A_480, %scan3A_351 : vector<16xi1>, vector<16xi32>
      %shift_right_logical3A = arith.constant 15 : i32
      %shift_right_logical3A_482 = arith.shrui %reduce_min3A_473, %shift_right_logical3A : i32
      %sub3A_483 = arith.subi %shift_right_logical3A_482, %mul3A_18 : i32
      %and3A_484 = arith.constant 32767 : i32
      %and3A_485 = arith.andi %reduce_min3A_473, %and3A_484 : i32
      %sub3A_486 = arith.subi %and3A_485, %add3A_255 : i32
      %broadcast_in_dim3A_487 = vector.broadcast %sub3A_483 : i32 to vector<16xi32>
      %broadcast_in_dim3A_488 = vector.broadcast %sub3A_486 : i32 to vector<16xi32>
      %broadcast_in_dim3A_489 = arith.constant -1.000000e+00 : f32
      %broadcast_in_dim3A_490 = vector.broadcast %broadcast_in_dim3A_489 : f32 to vector<16xf32>
      %eq3A_491 = arith.constant 0 : i32
      %eq3A_492 = vector.broadcast %eq3A_491 : i32 to vector<16xi32>
      %eq3A_493 = arith.cmpi eq, %iota3A, %eq3A_492 : vector<16xi32>
      tpu.vector_store_idx %arg5[%broadcast_in_dim3A_487, %broadcast_in_dim3A_488], %broadcast_in_dim3A_490 masked %eq3A_493 : memref<8x4096xf32, #tpu.memory_space<vmem>>[vector<16xi32>, vector<16xi32>], vector<16xf32>, vector<16xi1>
      %shift_right_logical3A_494 = arith.constant 4 : i32
      %shift_right_logical3A_495 = arith.shrui %sub3A_486, %shift_right_logical3A_494 : i32
      %and3A_496 = arith.constant 7 : i32
      %and3A_497 = arith.andi %shift_right_logical3A_495, %and3A_496 : i32
      %and3A_498 = arith.constant 15 : i32
      %and3A_499 = arith.andi %sub3A_486, %and3A_498 : i32
      %eq3A_500 = vector.broadcast %and3A_499 : i32 to vector<16xi32>
      %eq3A_501 = arith.cmpi eq, %iota3A, %eq3A_500 : vector<16xi32>
      %eq3A_502 = arith.constant 0 : i32
      %eq3A_503 = arith.cmpi eq, %and3A_497, %eq3A_502 : i32
      %and3A_504 = vector.broadcast %eq3A_503 : i1 to vector<16xi1>
      %and3A_505 = arith.andi %eq3A_501, %and3A_504 : vector<16xi1>
      %select_n3A_506 = arith.select %and3A_505, %while3A#16, %while3A#0 : vector<16xi1>, vector<16xf32>
      %jit3A_507 = arith.constant 1073741824 : i32
      %broadcast_in_dim3A_508 = vector.broadcast %jit3A_507 : i32 to vector<16xi32>
      %select_n3A_509 = arith.select %and3A_505, %broadcast_in_dim3A_508, %while3A#8 : vector<16xi1>, vector<16xi32>
      %jit3A_510 = arith.constant -1.000000e+00 : f32
      %broadcast_in_dim3A_511 = vector.broadcast %jit3A_510 : f32 to vector<16xf32>
      %select_n3A_512 = arith.select %and3A_505, %broadcast_in_dim3A_511, %while3A#16 : vector<16xi1>, vector<16xf32>
      %eq3A_513 = arith.constant 1 : i32
      %eq3A_514 = arith.cmpi eq, %and3A_497, %eq3A_513 : i32
      %and3A_515 = vector.broadcast %eq3A_514 : i1 to vector<16xi1>
      %and3A_516 = arith.andi %eq3A_501, %and3A_515 : vector<16xi1>
      %select_n3A_517 = arith.select %and3A_516, %while3A#17, %while3A#1 : vector<16xi1>, vector<16xf32>
      %jit3A_518 = arith.constant 1073741825 : i32
      %broadcast_in_dim3A_519 = vector.broadcast %jit3A_518 : i32 to vector<16xi32>
      %select_n3A_520 = arith.select %and3A_516, %broadcast_in_dim3A_519, %while3A#9 : vector<16xi1>, vector<16xi32>
      %jit3A_521 = arith.constant -1.000000e+00 : f32
      %broadcast_in_dim3A_522 = vector.broadcast %jit3A_521 : f32 to vector<16xf32>
      %select_n3A_523 = arith.select %and3A_516, %broadcast_in_dim3A_522, %while3A#17 : vector<16xi1>, vector<16xf32>
      %eq3A_524 = arith.constant 2 : i32
      %eq3A_525 = arith.cmpi eq, %and3A_497, %eq3A_524 : i32
      %and3A_526 = vector.broadcast %eq3A_525 : i1 to vector<16xi1>
      %and3A_527 = arith.andi %eq3A_501, %and3A_526 : vector<16xi1>
      %select_n3A_528 = arith.select %and3A_527, %while3A#18, %while3A#2 : vector<16xi1>, vector<16xf32>
      %jit3A_529 = arith.constant 1073741826 : i32
      %broadcast_in_dim3A_530 = vector.broadcast %jit3A_529 : i32 to vector<16xi32>
      %select_n3A_531 = arith.select %and3A_527, %broadcast_in_dim3A_530, %while3A#10 : vector<16xi1>, vector<16xi32>
      %jit3A_532 = arith.constant -1.000000e+00 : f32
      %broadcast_in_dim3A_533 = vector.broadcast %jit3A_532 : f32 to vector<16xf32>
      %select_n3A_534 = arith.select %and3A_527, %broadcast_in_dim3A_533, %while3A#18 : vector<16xi1>, vector<16xf32>
      %eq3A_535 = arith.constant 3 : i32
      %eq3A_536 = arith.cmpi eq, %and3A_497, %eq3A_535 : i32
      %and3A_537 = vector.broadcast %eq3A_536 : i1 to vector<16xi1>
      %and3A_538 = arith.andi %eq3A_501, %and3A_537 : vector<16xi1>
      %select_n3A_539 = arith.select %and3A_538, %while3A#19, %while3A#3 : vector<16xi1>, vector<16xf32>
      %jit3A_540 = arith.constant 1073741827 : i32
      %broadcast_in_dim3A_541 = vector.broadcast %jit3A_540 : i32 to vector<16xi32>
      %select_n3A_542 = arith.select %and3A_538, %broadcast_in_dim3A_541, %while3A#11 : vector<16xi1>, vector<16xi32>
      %jit3A_543 = arith.constant -1.000000e+00 : f32
      %broadcast_in_dim3A_544 = vector.broadcast %jit3A_543 : f32 to vector<16xf32>
      %select_n3A_545 = arith.select %and3A_538, %broadcast_in_dim3A_544, %while3A#19 : vector<16xi1>, vector<16xf32>
      %eq3A_546 = arith.constant 4 : i32
      %eq3A_547 = arith.cmpi eq, %and3A_497, %eq3A_546 : i32
      %and3A_548 = vector.broadcast %eq3A_547 : i1 to vector<16xi1>
      %and3A_549 = arith.andi %eq3A_501, %and3A_548 : vector<16xi1>
      %select_n3A_550 = arith.select %and3A_549, %while3A#20, %while3A#4 : vector<16xi1>, vector<16xf32>
      %jit3A_551 = arith.constant 1073741828 : i32
      %broadcast_in_dim3A_552 = vector.broadcast %jit3A_551 : i32 to vector<16xi32>
      %select_n3A_553 = arith.select %and3A_549, %broadcast_in_dim3A_552, %while3A#12 : vector<16xi1>, vector<16xi32>
      %jit3A_554 = arith.constant -1.000000e+00 : f32
      %broadcast_in_dim3A_555 = vector.broadcast %jit3A_554 : f32 to vector<16xf32>
      %select_n3A_556 = arith.select %and3A_549, %broadcast_in_dim3A_555, %while3A#20 : vector<16xi1>, vector<16xf32>
      %eq3A_557 = arith.constant 5 : i32
      %eq3A_558 = arith.cmpi eq, %and3A_497, %eq3A_557 : i32
      %and3A_559 = vector.broadcast %eq3A_558 : i1 to vector<16xi1>
      %and3A_560 = arith.andi %eq3A_501, %and3A_559 : vector<16xi1>
      %select_n3A_561 = arith.select %and3A_560, %while3A#21, %while3A#5 : vector<16xi1>, vector<16xf32>
      %jit3A_562 = arith.constant 1073741829 : i32
      %broadcast_in_dim3A_563 = vector.broadcast %jit3A_562 : i32 to vector<16xi32>
      %select_n3A_564 = arith.select %and3A_560, %broadcast_in_dim3A_563, %while3A#13 : vector<16xi1>, vector<16xi32>
      %jit3A_565 = arith.constant -1.000000e+00 : f32
      %broadcast_in_dim3A_566 = vector.broadcast %jit3A_565 : f32 to vector<16xf32>
      %select_n3A_567 = arith.select %and3A_560, %broadcast_in_dim3A_566, %while3A#21 : vector<16xi1>, vector<16xf32>
      %eq3A_568 = arith.constant 6 : i32
      %eq3A_569 = arith.cmpi eq, %and3A_497, %eq3A_568 : i32
      %and3A_570 = vector.broadcast %eq3A_569 : i1 to vector<16xi1>
      %and3A_571 = arith.andi %eq3A_501, %and3A_570 : vector<16xi1>
      %select_n3A_572 = arith.select %and3A_571, %while3A#22, %while3A#6 : vector<16xi1>, vector<16xf32>
      %jit3A_573 = arith.constant 1073741830 : i32
      %broadcast_in_dim3A_574 = vector.broadcast %jit3A_573 : i32 to vector<16xi32>
      %select_n3A_575 = arith.select %and3A_571, %broadcast_in_dim3A_574, %while3A#14 : vector<16xi1>, vector<16xi32>
      %jit3A_576 = arith.constant -1.000000e+00 : f32
      %broadcast_in_dim3A_577 = vector.broadcast %jit3A_576 : f32 to vector<16xf32>
      %select_n3A_578 = arith.select %and3A_571, %broadcast_in_dim3A_577, %while3A#22 : vector<16xi1>, vector<16xf32>
      %eq3A_579 = arith.constant 7 : i32
      %eq3A_580 = arith.cmpi eq, %and3A_497, %eq3A_579 : i32
      %and3A_581 = vector.broadcast %eq3A_580 : i1 to vector<16xi1>
      %and3A_582 = arith.andi %eq3A_501, %and3A_581 : vector<16xi1>
      %select_n3A_583 = arith.select %and3A_582, %while3A#23, %while3A#7 : vector<16xi1>, vector<16xf32>
      %jit3A_584 = arith.constant 1073741831 : i32
      %broadcast_in_dim3A_585 = vector.broadcast %jit3A_584 : i32 to vector<16xi32>
      %select_n3A_586 = arith.select %and3A_582, %broadcast_in_dim3A_585, %while3A#15 : vector<16xi1>, vector<16xi32>
      %jit3A_587 = arith.constant -1.000000e+00 : f32
      %broadcast_in_dim3A_588 = vector.broadcast %jit3A_587 : f32 to vector<16xf32>
      %select_n3A_589 = arith.select %and3A_582, %broadcast_in_dim3A_588, %while3A#23 : vector<16xi1>, vector<16xf32>
      scf.yield %select_n3A_506, %select_n3A_517, %select_n3A_528, %select_n3A_539, %select_n3A_550, %select_n3A_561, %select_n3A_572, %select_n3A_583, %select_n3A_509, %select_n3A_520, %select_n3A_531, %select_n3A_542, %select_n3A_553, %select_n3A_564, %select_n3A_575, %select_n3A_586, %select_n3A_512, %select_n3A_523, %select_n3A_534, %select_n3A_545, %select_n3A_556, %select_n3A_567, %select_n3A_578, %select_n3A_589, %select_n3A_477, %select_n3A_481 : vector<16xf32>, vector<16xf32>, vector<16xf32>, vector<16xf32>, vector<16xf32>, vector<16xf32>, vector<16xf32>, vector<16xf32>, vector<16xi32>, vector<16xi32>, vector<16xi32>, vector<16xi32>, vector<16xi32>, vector<16xi32>, vector<16xi32>, vector<16xi32>, vector<16xf32>, vector<16xf32>, vector<16xf32>, vector<16xf32>, vector<16xf32>, vector<16xf32>, vector<16xf32>, vector<16xf32>, vector<16xf32>, vector<16xi32>
    }
    %scan3A_319 = arith.constant 10 : i32
    %swap3A_320 = arith.constant 48 : index
    %swap3A_321 = tpu.vector_load %arg6[%swap3A_320] {strides = array<i32>} : memref<128xf32, #tpu.memory_space<vmem>>, vector<16xf32>,
    tpu.vector_store %arg6[%swap3A_320], %scan3A_318#24 {strides = array<i32>} : memref<128xf32, #tpu.memory_space<vmem>>, vector<16xf32>,
    %bitcast3A_322 = vector.bitcast %scan3A_318#25 : vector<16xi32> to vector<16xf32>
    %swap3A_323 = arith.constant 112 : index
    %swap3A_324 = tpu.vector_load %arg6[%swap3A_323] {strides = array<i32>} : memref<128xf32, #tpu.memory_space<vmem>>, vector<16xf32>,
    tpu.vector_store %arg6[%swap3A_323], %bitcast3A_322 {strides = array<i32>} : memref<128xf32, #tpu.memory_space<vmem>>, vector<16xf32>,
    "tpu.region"() ({
      %run_scoped3A = tpu.sem_alloc : memref<!tpu.dma_semaphore, #tpu.memory_space<semaphore_mem>>
      %dma_start3A_325 = arith.constant 0 : i32
      %dma_start3A_326 = tpu.memref_slice %arg3[%add3A, %dma_start3A_325] : memref<32x128xf32, #tpu.memory_space<hbm>> -> memref<1x128xf32, #tpu.memory_space<hbm>>
      %dma_start3A_327 = tpu.memref_squeeze %dma_start3A_326 : memref<1x128xf32, #tpu.memory_space<hbm>> -> memref<128xf32, #tpu.memory_space<hbm>>
      %dma_start3A_328 = arith.constant 0 : i32
      %dma_start3A_329 = tpu.memref_slice %arg3[%add3A, %dma_start3A_328] : memref<32x128xf32, #tpu.memory_space<hbm>> -> memref<1x128xf32, #tpu.memory_space<hbm>>
      %dma_start3A_330 = tpu.memref_squeeze %dma_start3A_329 : memref<1x128xf32, #tpu.memory_space<hbm>> -> memref<128xf32, #tpu.memory_space<hbm>>
      tpu.enqueue_dma source(%arg6 : memref<128xf32, #tpu.memory_space<vmem>>) target(%dma_start3A_330 : memref<128xf32, #tpu.memory_space<hbm>>) target_semaphore(%run_scoped3A : memref<!tpu.dma_semaphore, #tpu.memory_space<semaphore_mem>>)
      %dma_wait3A_331 = arith.constant 0 : i32
      %dma_wait3A_332 = tpu.memref_slice %arg3[%add3A, %dma_wait3A_331] : memref<32x128xf32, #tpu.memory_space<hbm>> -> memref<1x128xf32, #tpu.memory_space<hbm>>
      %dma_wait3A_333 = tpu.memref_squeeze %dma_wait3A_332 : memref<1x128xf32, #tpu.memory_space<hbm>> -> memref<128xf32, #tpu.memory_space<hbm>>
      %dma_wait3A_334 = arith.constant 0 : i32
      %dma_wait3A_335 = tpu.memref_slice %arg3[%add3A, %dma_wait3A_334] : memref<32x128xf32, #tpu.memory_space<hbm>> -> memref<1x128xf32, #tpu.memory_space<hbm>>
      %dma_wait3A_336 = tpu.memref_squeeze %dma_wait3A_335 : memref<1x128xf32, #tpu.memory_space<hbm>> -> memref<128xf32, #tpu.memory_space<hbm>>
      tpu.wait_dma2 semaphore(%run_scoped3A : memref<!tpu.dma_semaphore, #tpu.memory_space<semaphore_mem>>) src(%arg6 : memref<128xf32, #tpu.memory_space<vmem>>) dst(%dma_wait3A_336 : memref<128xf32, #tpu.memory_space<hbm>>)
      tpu.yield
    }) : () -> ()
    return
  }
}

module attributes {stable_mosaic.version = 14 : i64} {
  func.func @_tc_sum_body(%arg0: i32, %arg1: memref<128x4096xf32, #tpu.memory_space<vmem>>, %arg2: memref<128x128xf32, #tpu.memory_space<vmem>>) attributes {dimension_semantics = [#tpu.dimension_semantics<arbitrary>], iteration_bounds = array<i64: 8>, scalar_prefetch = 0 : i64, scratch_operands = 0 : i64, tpu.core_type = #tpu.core_type<tc>, window_params = [{transform_indices = @transform_0, window_bounds = array<i64: 128, 4096>}, {pipeline_mode = #tpu.pipeline_mode<synchronous>, transform_indices = @transform_1, window_bounds = array<i64: 128, 128>}]} {
    %get3A = arith.constant 0 : index
    %get3A_0 = arith.constant 0 : index
    %get3A_1 = vector.load %arg1[%get3A, %get3A_0] : memref<128x4096xf32, #tpu.memory_space<vmem>>, vector<128x4096xf32>
    %broadcast_in_dim3A = arith.constant 0.000000e+00 : f32
    %broadcast_in_dim3A_2 = vector.broadcast %broadcast_in_dim3A : f32 to vector<128x128xf32>
    %slice3A = vector.extract_strided_slice %get3A_1 {offsets = [0, 0], sizes = [128, 128], strides = [1, 1]} : vector<128x4096xf32> to vector<128x128xf32>
    %add3A = arith.addf %broadcast_in_dim3A_2, %slice3A : vector<128x128xf32>
    %slice3A_3 = vector.extract_strided_slice %get3A_1 {offsets = [0, 128], sizes = [128, 128], strides = [1, 1]} : vector<128x4096xf32> to vector<128x128xf32>
    %add3A_4 = arith.addf %add3A, %slice3A_3 : vector<128x128xf32>
    %slice3A_5 = vector.extract_strided_slice %get3A_1 {offsets = [0, 256], sizes = [128, 128], strides = [1, 1]} : vector<128x4096xf32> to vector<128x128xf32>
    %add3A_6 = arith.addf %add3A_4, %slice3A_5 : vector<128x128xf32>
    %slice3A_7 = vector.extract_strided_slice %get3A_1 {offsets = [0, 384], sizes = [128, 128], strides = [1, 1]} : vector<128x4096xf32> to vector<128x128xf32>
    %add3A_8 = arith.addf %add3A_6, %slice3A_7 : vector<128x128xf32>
    %slice3A_9 = vector.extract_strided_slice %get3A_1 {offsets = [0, 512], sizes = [128, 128], strides = [1, 1]} : vector<128x4096xf32> to vector<128x128xf32>
    %add3A_10 = arith.addf %add3A_8, %slice3A_9 : vector<128x128xf32>
    %slice3A_11 = vector.extract_strided_slice %get3A_1 {offsets = [0, 640], sizes = [128, 128], strides = [1, 1]} : vector<128x4096xf32> to vector<128x128xf32>
    %add3A_12 = arith.addf %add3A_10, %slice3A_11 : vector<128x128xf32>
    %slice3A_13 = vector.extract_strided_slice %get3A_1 {offsets = [0, 768], sizes = [128, 128], strides = [1, 1]} : vector<128x4096xf32> to vector<128x128xf32>
    %add3A_14 = arith.addf %add3A_12, %slice3A_13 : vector<128x128xf32>
    %slice3A_15 = vector.extract_strided_slice %get3A_1 {offsets = [0, 896], sizes = [128, 128], strides = [1, 1]} : vector<128x4096xf32> to vector<128x128xf32>
    %add3A_16 = arith.addf %add3A_14, %slice3A_15 : vector<128x128xf32>
    %slice3A_17 = vector.extract_strided_slice %get3A_1 {offsets = [0, 1024], sizes = [128, 128], strides = [1, 1]} : vector<128x4096xf32> to vector<128x128xf32>
    %add3A_18 = arith.addf %add3A_16, %slice3A_17 : vector<128x128xf32>
    %slice3A_19 = vector.extract_strided_slice %get3A_1 {offsets = [0, 1152], sizes = [128, 128], strides = [1, 1]} : vector<128x4096xf32> to vector<128x128xf32>
    %add3A_20 = arith.addf %add3A_18, %slice3A_19 : vector<128x128xf32>
    %slice3A_21 = vector.extract_strided_slice %get3A_1 {offsets = [0, 1280], sizes = [128, 128], strides = [1, 1]} : vector<128x4096xf32> to vector<128x128xf32>
    %add3A_22 = arith.addf %add3A_20, %slice3A_21 : vector<128x128xf32>
    %slice3A_23 = vector.extract_strided_slice %get3A_1 {offsets = [0, 1408], sizes = [128, 128], strides = [1, 1]} : vector<128x4096xf32> to vector<128x128xf32>
    %add3A_24 = arith.addf %add3A_22, %slice3A_23 : vector<128x128xf32>
    %slice3A_25 = vector.extract_strided_slice %get3A_1 {offsets = [0, 1536], sizes = [128, 128], strides = [1, 1]} : vector<128x4096xf32> to vector<128x128xf32>
    %add3A_26 = arith.addf %add3A_24, %slice3A_25 : vector<128x128xf32>
    %slice3A_27 = vector.extract_strided_slice %get3A_1 {offsets = [0, 1664], sizes = [128, 128], strides = [1, 1]} : vector<128x4096xf32> to vector<128x128xf32>
    %add3A_28 = arith.addf %add3A_26, %slice3A_27 : vector<128x128xf32>
    %slice3A_29 = vector.extract_strided_slice %get3A_1 {offsets = [0, 1792], sizes = [128, 128], strides = [1, 1]} : vector<128x4096xf32> to vector<128x128xf32>
    %add3A_30 = arith.addf %add3A_28, %slice3A_29 : vector<128x128xf32>
    %slice3A_31 = vector.extract_strided_slice %get3A_1 {offsets = [0, 1920], sizes = [128, 128], strides = [1, 1]} : vector<128x4096xf32> to vector<128x128xf32>
    %add3A_32 = arith.addf %add3A_30, %slice3A_31 : vector<128x128xf32>
    %slice3A_33 = vector.extract_strided_slice %get3A_1 {offsets = [0, 2048], sizes = [128, 128], strides = [1, 1]} : vector<128x4096xf32> to vector<128x128xf32>
    %add3A_34 = arith.addf %add3A_32, %slice3A_33 : vector<128x128xf32>
    %slice3A_35 = vector.extract_strided_slice %get3A_1 {offsets = [0, 2176], sizes = [128, 128], strides = [1, 1]} : vector<128x4096xf32> to vector<128x128xf32>
    %add3A_36 = arith.addf %add3A_34, %slice3A_35 : vector<128x128xf32>
    %slice3A_37 = vector.extract_strided_slice %get3A_1 {offsets = [0, 2304], sizes = [128, 128], strides = [1, 1]} : vector<128x4096xf32> to vector<128x128xf32>
    %add3A_38 = arith.addf %add3A_36, %slice3A_37 : vector<128x128xf32>
    %slice3A_39 = vector.extract_strided_slice %get3A_1 {offsets = [0, 2432], sizes = [128, 128], strides = [1, 1]} : vector<128x4096xf32> to vector<128x128xf32>
    %add3A_40 = arith.addf %add3A_38, %slice3A_39 : vector<128x128xf32>
    %slice3A_41 = vector.extract_strided_slice %get3A_1 {offsets = [0, 2560], sizes = [128, 128], strides = [1, 1]} : vector<128x4096xf32> to vector<128x128xf32>
    %add3A_42 = arith.addf %add3A_40, %slice3A_41 : vector<128x128xf32>
    %slice3A_43 = vector.extract_strided_slice %get3A_1 {offsets = [0, 2688], sizes = [128, 128], strides = [1, 1]} : vector<128x4096xf32> to vector<128x128xf32>
    %add3A_44 = arith.addf %add3A_42, %slice3A_43 : vector<128x128xf32>
    %slice3A_45 = vector.extract_strided_slice %get3A_1 {offsets = [0, 2816], sizes = [128, 128], strides = [1, 1]} : vector<128x4096xf32> to vector<128x128xf32>
    %add3A_46 = arith.addf %add3A_44, %slice3A_45 : vector<128x128xf32>
    %slice3A_47 = vector.extract_strided_slice %get3A_1 {offsets = [0, 2944], sizes = [128, 128], strides = [1, 1]} : vector<128x4096xf32> to vector<128x128xf32>
    %add3A_48 = arith.addf %add3A_46, %slice3A_47 : vector<128x128xf32>
    %slice3A_49 = vector.extract_strided_slice %get3A_1 {offsets = [0, 3072], sizes = [128, 128], strides = [1, 1]} : vector<128x4096xf32> to vector<128x128xf32>
    %add3A_50 = arith.addf %add3A_48, %slice3A_49 : vector<128x128xf32>
    %slice3A_51 = vector.extract_strided_slice %get3A_1 {offsets = [0, 3200], sizes = [128, 128], strides = [1, 1]} : vector<128x4096xf32> to vector<128x128xf32>
    %add3A_52 = arith.addf %add3A_50, %slice3A_51 : vector<128x128xf32>
    %slice3A_53 = vector.extract_strided_slice %get3A_1 {offsets = [0, 3328], sizes = [128, 128], strides = [1, 1]} : vector<128x4096xf32> to vector<128x128xf32>
    %add3A_54 = arith.addf %add3A_52, %slice3A_53 : vector<128x128xf32>
    %slice3A_55 = vector.extract_strided_slice %get3A_1 {offsets = [0, 3456], sizes = [128, 128], strides = [1, 1]} : vector<128x4096xf32> to vector<128x128xf32>
    %add3A_56 = arith.addf %add3A_54, %slice3A_55 : vector<128x128xf32>
    %slice3A_57 = vector.extract_strided_slice %get3A_1 {offsets = [0, 3584], sizes = [128, 128], strides = [1, 1]} : vector<128x4096xf32> to vector<128x128xf32>
    %add3A_58 = arith.addf %add3A_56, %slice3A_57 : vector<128x128xf32>
    %slice3A_59 = vector.extract_strided_slice %get3A_1 {offsets = [0, 3712], sizes = [128, 128], strides = [1, 1]} : vector<128x4096xf32> to vector<128x128xf32>
    %add3A_60 = arith.addf %add3A_58, %slice3A_59 : vector<128x128xf32>
    %slice3A_61 = vector.extract_strided_slice %get3A_1 {offsets = [0, 3840], sizes = [128, 128], strides = [1, 1]} : vector<128x4096xf32> to vector<128x128xf32>
    %add3A_62 = arith.addf %add3A_60, %slice3A_61 : vector<128x128xf32>
    %slice3A_63 = vector.extract_strided_slice %get3A_1 {offsets = [0, 3968], sizes = [128, 128], strides = [1, 1]} : vector<128x4096xf32> to vector<128x128xf32>
    %add3A_64 = arith.addf %add3A_62, %slice3A_63 : vector<128x128xf32>
    %eq3A = arith.constant 0 : i32
    %eq3A_65 = arith.cmpi eq, %arg0, %eq3A : i32
    %convert_element_type3A = arith.extui %eq3A_65 : i1 to i32
    %cond3A = arith.constant 0 : i32
    %cond3A_66 = arith.cmpi ne, %convert_element_type3A, %cond3A : i32
    scf.if %cond3A_66 {
      %swap3A = arith.constant 0 : index
      %swap3A_71 = arith.constant 0 : index
      %swap3A_72 = vector.load %arg2[%swap3A, %swap3A_71] : memref<128x128xf32, #tpu.memory_space<vmem>>, vector<128x128xf32>
      tpu.vector_store %arg2[%swap3A, %swap3A_71], %add3A_64 {strides = array<i32>} : memref<128x128xf32, #tpu.memory_space<vmem>>, vector<128x128xf32>,
    } else {
    }
    %gt3A = arith.constant 0 : i32
    %gt3A_67 = arith.cmpi sgt, %arg0, %gt3A : i32
    %convert_element_type3A_68 = arith.extui %gt3A_67 : i1 to i32
    %cond3A_69 = arith.constant 0 : i32
    %cond3A_70 = arith.cmpi ne, %convert_element_type3A_68, %cond3A_69 : i32
    scf.if %cond3A_70 {
      %get3A_71 = arith.constant 0 : index
      %get3A_72 = arith.constant 0 : index
      %get3A_73 = vector.load %arg2[%get3A_71, %get3A_72] : memref<128x128xf32, #tpu.memory_space<vmem>>, vector<128x128xf32>
      %add3A_74 = arith.addf %get3A_73, %add3A_64 : vector<128x128xf32>
      %swap3A = arith.constant 0 : index
      %swap3A_75 = arith.constant 0 : index
      %swap3A_76 = vector.load %arg2[%swap3A, %swap3A_75] : memref<128x128xf32, #tpu.memory_space<vmem>>, vector<128x128xf32>
      tpu.vector_store %arg2[%swap3A, %swap3A_75], %add3A_74 {strides = array<i32>} : memref<128x128xf32, #tpu.memory_space<vmem>>, vector<128x128xf32>,
    } else {
    }
    return
  }
  func.func @transform_0(%arg0: i32) -> (i32, i32) {
    %c0_i32 = arith.constant 0 : i32
    %c0_i32_0 = arith.constant 0 : i32
    return %c0_i32, %arg0 : i32, i32
  }
  func.func @transform_1(%arg0: i32) -> (i32, i32) {
    %c0_i32 = arith.constant 0 : i32
    %c0_i32_0 = arith.constant 0 : i32
    %c0_i32_1 = arith.constant 0 : i32
    return %c0_i32, %c0_i32_0 : i32, i32
  }
}

module attributes {stable_mosaic.version = 14 : i64} {
  func.func @_merge_body(%arg0: memref<32x128xf32, #tpu.memory_space<vmem>>, %arg1: memref<128x128xf32, #tpu.memory_space<vmem>>, %arg2: memref<10x2xi32, #tpu.memory_space<smem>>) attributes {dimension_semantics = [], scalar_prefetch = 0 : i64, scratch_operands = 0 : i64, tpu.core_type = #tpu.core_type<tc>} {
    %get3A = arith.constant 0 : index
    %get3A_0 = arith.constant 0 : index
    %get3A_1 = vector.load %arg0[%get3A, %get3A_0] : memref<32x128xf32, #tpu.memory_space<vmem>>, vector<32x128xf32>
    %slice3A = vector.extract_strided_slice %get3A_1 {offsets = [0, 0], sizes = [32, 64], strides = [1, 1]} : vector<32x128xf32> to vector<32x64xf32>
    %slice3A_2 = vector.extract_strided_slice %get3A_1 {offsets = [0, 64], sizes = [32, 64], strides = [1, 1]} : vector<32x128xf32> to vector<32x64xf32>
    %bitcast_convert_type3A = tpu.bitcast %slice3A_2 : vector<32x64xf32> -> vector<32x64xi32>
    %get3A_3 = arith.constant 0 : index
    %get3A_4 = arith.constant 0 : index
    %get3A_5 = vector.load %arg1[%get3A_3, %get3A_4] : memref<128x128xf32, #tpu.memory_space<vmem>>, vector<128x128xf32>
    %reduce_sum3A = vector.shape_cast %get3A_5 : vector<128x128xf32> to vector<1x128x128xf32>
    %reduce_sum3A_6 = arith.constant dense<0.000000e+00> : vector<1xf32>
    %reduce_sum3A_7 = vector.multi_reduction <add>, %reduce_sum3A, %reduce_sum3A_6 [1, 2] : vector<1x128x128xf32> to vector<1xf32>
    %reduce_sum3A_8 = vector.shape_cast %reduce_sum3A_7 : vector<1xf32> to vector<1x1x1xf32>
    %reduce_sum3A_9 = vector.extract %reduce_sum3A_8[0, 0, 0] : f32 from vector<1x1x1xf32>
    %min3A = arith.constant 1.000000e+01 : f32
    %min3A_10 = arith.minimumf %min3A, %reduce_sum3A_9 : f32
    %convert_element_type3A = arith.fptosi %min3A_10 : f32 to i32
    %reduce_max3A = vector.shape_cast %slice3A : vector<32x64xf32> to vector<1x32x64xf32>
    %reduce_max3A_11 = arith.constant dense<0xFF800000> : vector<1xf32>
    %reduce_max3A_12 = vector.multi_reduction <maximumf>, %reduce_max3A, %reduce_max3A_11 [1, 2] : vector<1x32x64xf32> to vector<1xf32>
    %reduce_max3A_13 = vector.shape_cast %reduce_max3A_12 : vector<1xf32> to vector<1x1x1xf32>
    %reduce_max3A_14 = vector.extract %reduce_max3A_13[0, 0, 0] : f32 from vector<1x1x1xf32>
    %eq3A = vector.broadcast %reduce_max3A_14 : f32 to vector<32x64xf32>
    %eq3A_15 = arith.cmpf oeq, %slice3A, %eq3A : vector<32x64xf32>
    %jit3A = arith.constant 2147483647 : i32
    %broadcast_in_dim3A = vector.broadcast %jit3A : i32 to vector<32x64xi32>
    %select_n3A = arith.select %eq3A_15, %bitcast_convert_type3A, %broadcast_in_dim3A : vector<32x64xi1>, vector<32x64xi32>
    %reduce_min3A = vector.shape_cast %select_n3A : vector<32x64xi32> to vector<1x32x64xi32>
    %reduce_min3A_16 = arith.constant dense<2147483647> : vector<1xi32>
    %reduce_min3A_17 = vector.multi_reduction <minsi>, %reduce_min3A, %reduce_min3A_16 [1, 2] : vector<1x32x64xi32> to vector<1xi32>
    %reduce_min3A_18 = vector.shape_cast %reduce_min3A_17 : vector<1xi32> to vector<1x1x1xi32>
    %reduce_min3A_19 = vector.extract %reduce_min3A_18[0, 0, 0] : i32 from vector<1x1x1xi32>
    %gt3A = arith.constant 0 : i32
    %gt3A_20 = arith.cmpi sgt, %convert_element_type3A, %gt3A : i32
    %shift_right_logical3A = arith.constant 15 : i32
    %shift_right_logical3A_21 = arith.shrui %reduce_min3A_19, %shift_right_logical3A : i32
    %and3A = arith.constant 32767 : i32
    %and3A_22 = arith.andi %reduce_min3A_19, %and3A : i32
    %jit3A_23 = arith.constant 0 : i32
    %select_n3A_24 = arith.select %gt3A_20, %shift_right_logical3A_21, %jit3A_23 : i32
    %swap3A = arith.constant 0 : index
    %swap3A_25 = arith.constant 0 : index
    %swap3A_26 = memref.load %arg2[%swap3A, %swap3A_25] : memref<10x2xi32, #tpu.memory_space<smem>>
    memref.store %select_n3A_24, %arg2[%swap3A, %swap3A_25] : memref<10x2xi32, #tpu.memory_space<smem>>
    %jit3A_27 = arith.constant 0 : i32
    %select_n3A_28 = arith.select %gt3A_20, %and3A_22, %jit3A_27 : i32
    %swap3A_29 = arith.constant 0 : index
    %swap3A_30 = arith.constant 1 : index
    %swap3A_31 = memref.load %arg2[%swap3A_29, %swap3A_30] : memref<10x2xi32, #tpu.memory_space<smem>>
    memref.store %select_n3A_28, %arg2[%swap3A_29, %swap3A_30] : memref<10x2xi32, #tpu.memory_space<smem>>
    %eq3A_32 = vector.broadcast %reduce_min3A_19 : i32 to vector<32x64xi32>
    %eq3A_33 = arith.cmpi eq, %bitcast_convert_type3A, %eq3A_32 : vector<32x64xi32>
    %eq3A_34 = vector.broadcast %reduce_max3A_14 : f32 to vector<32x64xf32>
    %eq3A_35 = arith.cmpf oeq, %slice3A, %eq3A_34 : vector<32x64xf32>
    %and3A_36 = arith.andi %eq3A_33, %eq3A_35 : vector<32x64xi1>
    %jit3A_37 = arith.constant -1.000000e+00 : f32
    %broadcast_in_dim3A_38 = vector.broadcast %jit3A_37 : f32 to vector<32x64xf32>
    %select_n3A_39 = arith.select %and3A_36, %broadcast_in_dim3A_38, %slice3A : vector<32x64xi1>, vector<32x64xf32>
    %reduce_max3A_40 = vector.shape_cast %select_n3A_39 : vector<32x64xf32> to vector<1x32x64xf32>
    %reduce_max3A_41 = arith.constant dense<0xFF800000> : vector<1xf32>
    %reduce_max3A_42 = vector.multi_reduction <maximumf>, %reduce_max3A_40, %reduce_max3A_41 [1, 2] : vector<1x32x64xf32> to vector<1xf32>
    %reduce_max3A_43 = vector.shape_cast %reduce_max3A_42 : vector<1xf32> to vector<1x1x1xf32>
    %reduce_max3A_44 = vector.extract %reduce_max3A_43[0, 0, 0] : f32 from vector<1x1x1xf32>
    %eq3A_45 = vector.broadcast %reduce_max3A_44 : f32 to vector<32x64xf32>
    %eq3A_46 = arith.cmpf oeq, %select_n3A_39, %eq3A_45 : vector<32x64xf32>
    %jit3A_47 = arith.constant 2147483647 : i32
    %broadcast_in_dim3A_48 = vector.broadcast %jit3A_47 : i32 to vector<32x64xi32>
    %select_n3A_49 = arith.select %eq3A_46, %bitcast_convert_type3A, %broadcast_in_dim3A_48 : vector<32x64xi1>, vector<32x64xi32>
    %reduce_min3A_50 = vector.shape_cast %select_n3A_49 : vector<32x64xi32> to vector<1x32x64xi32>
    %reduce_min3A_51 = arith.constant dense<2147483647> : vector<1xi32>
    %reduce_min3A_52 = vector.multi_reduction <minsi>, %reduce_min3A_50, %reduce_min3A_51 [1, 2] : vector<1x32x64xi32> to vector<1xi32>
    %reduce_min3A_53 = vector.shape_cast %reduce_min3A_52 : vector<1xi32> to vector<1x1x1xi32>
    %reduce_min3A_54 = vector.extract %reduce_min3A_53[0, 0, 0] : i32 from vector<1x1x1xi32>
    %gt3A_55 = arith.constant 1 : i32
    %gt3A_56 = arith.cmpi sgt, %convert_element_type3A, %gt3A_55 : i32
    %shift_right_logical3A_57 = arith.constant 15 : i32
    %shift_right_logical3A_58 = arith.shrui %reduce_min3A_54, %shift_right_logical3A_57 : i32
    %and3A_59 = arith.constant 32767 : i32
    %and3A_60 = arith.andi %reduce_min3A_54, %and3A_59 : i32
    %jit3A_61 = arith.constant 0 : i32
    %select_n3A_62 = arith.select %gt3A_56, %shift_right_logical3A_58, %jit3A_61 : i32
    %swap3A_63 = arith.constant 1 : index
    %swap3A_64 = arith.constant 0 : index
    %swap3A_65 = memref.load %arg2[%swap3A_63, %swap3A_64] : memref<10x2xi32, #tpu.memory_space<smem>>
    memref.store %select_n3A_62, %arg2[%swap3A_63, %swap3A_64] : memref<10x2xi32, #tpu.memory_space<smem>>
    %jit3A_66 = arith.constant 0 : i32
    %select_n3A_67 = arith.select %gt3A_56, %and3A_60, %jit3A_66 : i32
    %swap3A_68 = arith.constant 1 : index
    %swap3A_69 = arith.constant 1 : index
    %swap3A_70 = memref.load %arg2[%swap3A_68, %swap3A_69] : memref<10x2xi32, #tpu.memory_space<smem>>
    memref.store %select_n3A_67, %arg2[%swap3A_68, %swap3A_69] : memref<10x2xi32, #tpu.memory_space<smem>>
    %eq3A_71 = vector.broadcast %reduce_min3A_54 : i32 to vector<32x64xi32>
    %eq3A_72 = arith.cmpi eq, %bitcast_convert_type3A, %eq3A_71 : vector<32x64xi32>
    %eq3A_73 = vector.broadcast %reduce_max3A_44 : f32 to vector<32x64xf32>
    %eq3A_74 = arith.cmpf oeq, %select_n3A_39, %eq3A_73 : vector<32x64xf32>
    %and3A_75 = arith.andi %eq3A_72, %eq3A_74 : vector<32x64xi1>
    %jit3A_76 = arith.constant -1.000000e+00 : f32
    %broadcast_in_dim3A_77 = vector.broadcast %jit3A_76 : f32 to vector<32x64xf32>
    %select_n3A_78 = arith.select %and3A_75, %broadcast_in_dim3A_77, %select_n3A_39 : vector<32x64xi1>, vector<32x64xf32>
    %reduce_max3A_79 = vector.shape_cast %select_n3A_78 : vector<32x64xf32> to vector<1x32x64xf32>
    %reduce_max3A_80 = arith.constant dense<0xFF800000> : vector<1xf32>
    %reduce_max3A_81 = vector.multi_reduction <maximumf>, %reduce_max3A_79, %reduce_max3A_80 [1, 2] : vector<1x32x64xf32> to vector<1xf32>
    %reduce_max3A_82 = vector.shape_cast %reduce_max3A_81 : vector<1xf32> to vector<1x1x1xf32>
    %reduce_max3A_83 = vector.extract %reduce_max3A_82[0, 0, 0] : f32 from vector<1x1x1xf32>
    %eq3A_84 = vector.broadcast %reduce_max3A_83 : f32 to vector<32x64xf32>
    %eq3A_85 = arith.cmpf oeq, %select_n3A_78, %eq3A_84 : vector<32x64xf32>
    %jit3A_86 = arith.constant 2147483647 : i32
    %broadcast_in_dim3A_87 = vector.broadcast %jit3A_86 : i32 to vector<32x64xi32>
    %select_n3A_88 = arith.select %eq3A_85, %bitcast_convert_type3A, %broadcast_in_dim3A_87 : vector<32x64xi1>, vector<32x64xi32>
    %reduce_min3A_89 = vector.shape_cast %select_n3A_88 : vector<32x64xi32> to vector<1x32x64xi32>
    %reduce_min3A_90 = arith.constant dense<2147483647> : vector<1xi32>
    %reduce_min3A_91 = vector.multi_reduction <minsi>, %reduce_min3A_89, %reduce_min3A_90 [1, 2] : vector<1x32x64xi32> to vector<1xi32>
    %reduce_min3A_92 = vector.shape_cast %reduce_min3A_91 : vector<1xi32> to vector<1x1x1xi32>
    %reduce_min3A_93 = vector.extract %reduce_min3A_92[0, 0, 0] : i32 from vector<1x1x1xi32>
    %gt3A_94 = arith.constant 2 : i32
    %gt3A_95 = arith.cmpi sgt, %convert_element_type3A, %gt3A_94 : i32
    %shift_right_logical3A_96 = arith.constant 15 : i32
    %shift_right_logical3A_97 = arith.shrui %reduce_min3A_93, %shift_right_logical3A_96 : i32
    %and3A_98 = arith.constant 32767 : i32
    %and3A_99 = arith.andi %reduce_min3A_93, %and3A_98 : i32
    %jit3A_100 = arith.constant 0 : i32
    %select_n3A_101 = arith.select %gt3A_95, %shift_right_logical3A_97, %jit3A_100 : i32
    %swap3A_102 = arith.constant 2 : index
    %swap3A_103 = arith.constant 0 : index
    %swap3A_104 = memref.load %arg2[%swap3A_102, %swap3A_103] : memref<10x2xi32, #tpu.memory_space<smem>>
    memref.store %select_n3A_101, %arg2[%swap3A_102, %swap3A_103] : memref<10x2xi32, #tpu.memory_space<smem>>
    %jit3A_105 = arith.constant 0 : i32
    %select_n3A_106 = arith.select %gt3A_95, %and3A_99, %jit3A_105 : i32
    %swap3A_107 = arith.constant 2 : index
    %swap3A_108 = arith.constant 1 : index
    %swap3A_109 = memref.load %arg2[%swap3A_107, %swap3A_108] : memref<10x2xi32, #tpu.memory_space<smem>>
    memref.store %select_n3A_106, %arg2[%swap3A_107, %swap3A_108] : memref<10x2xi32, #tpu.memory_space<smem>>
    %eq3A_110 = vector.broadcast %reduce_min3A_93 : i32 to vector<32x64xi32>
    %eq3A_111 = arith.cmpi eq, %bitcast_convert_type3A, %eq3A_110 : vector<32x64xi32>
    %eq3A_112 = vector.broadcast %reduce_max3A_83 : f32 to vector<32x64xf32>
    %eq3A_113 = arith.cmpf oeq, %select_n3A_78, %eq3A_112 : vector<32x64xf32>
    %and3A_114 = arith.andi %eq3A_111, %eq3A_113 : vector<32x64xi1>
    %jit3A_115 = arith.constant -1.000000e+00 : f32
    %broadcast_in_dim3A_116 = vector.broadcast %jit3A_115 : f32 to vector<32x64xf32>
    %select_n3A_117 = arith.select %and3A_114, %broadcast_in_dim3A_116, %select_n3A_78 : vector<32x64xi1>, vector<32x64xf32>
    %reduce_max3A_118 = vector.shape_cast %select_n3A_117 : vector<32x64xf32> to vector<1x32x64xf32>
    %reduce_max3A_119 = arith.constant dense<0xFF800000> : vector<1xf32>
    %reduce_max3A_120 = vector.multi_reduction <maximumf>, %reduce_max3A_118, %reduce_max3A_119 [1, 2] : vector<1x32x64xf32> to vector<1xf32>
    %reduce_max3A_121 = vector.shape_cast %reduce_max3A_120 : vector<1xf32> to vector<1x1x1xf32>
    %reduce_max3A_122 = vector.extract %reduce_max3A_121[0, 0, 0] : f32 from vector<1x1x1xf32>
    %eq3A_123 = vector.broadcast %reduce_max3A_122 : f32 to vector<32x64xf32>
    %eq3A_124 = arith.cmpf oeq, %select_n3A_117, %eq3A_123 : vector<32x64xf32>
    %jit3A_125 = arith.constant 2147483647 : i32
    %broadcast_in_dim3A_126 = vector.broadcast %jit3A_125 : i32 to vector<32x64xi32>
    %select_n3A_127 = arith.select %eq3A_124, %bitcast_convert_type3A, %broadcast_in_dim3A_126 : vector<32x64xi1>, vector<32x64xi32>
    %reduce_min3A_128 = vector.shape_cast %select_n3A_127 : vector<32x64xi32> to vector<1x32x64xi32>
    %reduce_min3A_129 = arith.constant dense<2147483647> : vector<1xi32>
    %reduce_min3A_130 = vector.multi_reduction <minsi>, %reduce_min3A_128, %reduce_min3A_129 [1, 2] : vector<1x32x64xi32> to vector<1xi32>
    %reduce_min3A_131 = vector.shape_cast %reduce_min3A_130 : vector<1xi32> to vector<1x1x1xi32>
    %reduce_min3A_132 = vector.extract %reduce_min3A_131[0, 0, 0] : i32 from vector<1x1x1xi32>
    %gt3A_133 = arith.constant 3 : i32
    %gt3A_134 = arith.cmpi sgt, %convert_element_type3A, %gt3A_133 : i32
    %shift_right_logical3A_135 = arith.constant 15 : i32
    %shift_right_logical3A_136 = arith.shrui %reduce_min3A_132, %shift_right_logical3A_135 : i32
    %and3A_137 = arith.constant 32767 : i32
    %and3A_138 = arith.andi %reduce_min3A_132, %and3A_137 : i32
    %jit3A_139 = arith.constant 0 : i32
    %select_n3A_140 = arith.select %gt3A_134, %shift_right_logical3A_136, %jit3A_139 : i32
    %swap3A_141 = arith.constant 3 : index
    %swap3A_142 = arith.constant 0 : index
    %swap3A_143 = memref.load %arg2[%swap3A_141, %swap3A_142] : memref<10x2xi32, #tpu.memory_space<smem>>
    memref.store %select_n3A_140, %arg2[%swap3A_141, %swap3A_142] : memref<10x2xi32, #tpu.memory_space<smem>>
    %jit3A_144 = arith.constant 0 : i32
    %select_n3A_145 = arith.select %gt3A_134, %and3A_138, %jit3A_144 : i32
    %swap3A_146 = arith.constant 3 : index
    %swap3A_147 = arith.constant 1 : index
    %swap3A_148 = memref.load %arg2[%swap3A_146, %swap3A_147] : memref<10x2xi32, #tpu.memory_space<smem>>
    memref.store %select_n3A_145, %arg2[%swap3A_146, %swap3A_147] : memref<10x2xi32, #tpu.memory_space<smem>>
    %eq3A_149 = vector.broadcast %reduce_min3A_132 : i32 to vector<32x64xi32>
    %eq3A_150 = arith.cmpi eq, %bitcast_convert_type3A, %eq3A_149 : vector<32x64xi32>
    %eq3A_151 = vector.broadcast %reduce_max3A_122 : f32 to vector<32x64xf32>
    %eq3A_152 = arith.cmpf oeq, %select_n3A_117, %eq3A_151 : vector<32x64xf32>
    %and3A_153 = arith.andi %eq3A_150, %eq3A_152 : vector<32x64xi1>
    %jit3A_154 = arith.constant -1.000000e+00 : f32
    %broadcast_in_dim3A_155 = vector.broadcast %jit3A_154 : f32 to vector<32x64xf32>
    %select_n3A_156 = arith.select %and3A_153, %broadcast_in_dim3A_155, %select_n3A_117 : vector<32x64xi1>, vector<32x64xf32>
    %reduce_max3A_157 = vector.shape_cast %select_n3A_156 : vector<32x64xf32> to vector<1x32x64xf32>
    %reduce_max3A_158 = arith.constant dense<0xFF800000> : vector<1xf32>
    %reduce_max3A_159 = vector.multi_reduction <maximumf>, %reduce_max3A_157, %reduce_max3A_158 [1, 2] : vector<1x32x64xf32> to vector<1xf32>
    %reduce_max3A_160 = vector.shape_cast %reduce_max3A_159 : vector<1xf32> to vector<1x1x1xf32>
    %reduce_max3A_161 = vector.extract %reduce_max3A_160[0, 0, 0] : f32 from vector<1x1x1xf32>
    %eq3A_162 = vector.broadcast %reduce_max3A_161 : f32 to vector<32x64xf32>
    %eq3A_163 = arith.cmpf oeq, %select_n3A_156, %eq3A_162 : vector<32x64xf32>
    %jit3A_164 = arith.constant 2147483647 : i32
    %broadcast_in_dim3A_165 = vector.broadcast %jit3A_164 : i32 to vector<32x64xi32>
    %select_n3A_166 = arith.select %eq3A_163, %bitcast_convert_type3A, %broadcast_in_dim3A_165 : vector<32x64xi1>, vector<32x64xi32>
    %reduce_min3A_167 = vector.shape_cast %select_n3A_166 : vector<32x64xi32> to vector<1x32x64xi32>
    %reduce_min3A_168 = arith.constant dense<2147483647> : vector<1xi32>
    %reduce_min3A_169 = vector.multi_reduction <minsi>, %reduce_min3A_167, %reduce_min3A_168 [1, 2] : vector<1x32x64xi32> to vector<1xi32>
    %reduce_min3A_170 = vector.shape_cast %reduce_min3A_169 : vector<1xi32> to vector<1x1x1xi32>
    %reduce_min3A_171 = vector.extract %reduce_min3A_170[0, 0, 0] : i32 from vector<1x1x1xi32>
    %gt3A_172 = arith.constant 4 : i32
    %gt3A_173 = arith.cmpi sgt, %convert_element_type3A, %gt3A_172 : i32
    %shift_right_logical3A_174 = arith.constant 15 : i32
    %shift_right_logical3A_175 = arith.shrui %reduce_min3A_171, %shift_right_logical3A_174 : i32
    %and3A_176 = arith.constant 32767 : i32
    %and3A_177 = arith.andi %reduce_min3A_171, %and3A_176 : i32
    %jit3A_178 = arith.constant 0 : i32
    %select_n3A_179 = arith.select %gt3A_173, %shift_right_logical3A_175, %jit3A_178 : i32
    %swap3A_180 = arith.constant 4 : index
    %swap3A_181 = arith.constant 0 : index
    %swap3A_182 = memref.load %arg2[%swap3A_180, %swap3A_181] : memref<10x2xi32, #tpu.memory_space<smem>>
    memref.store %select_n3A_179, %arg2[%swap3A_180, %swap3A_181] : memref<10x2xi32, #tpu.memory_space<smem>>
    %jit3A_183 = arith.constant 0 : i32
    %select_n3A_184 = arith.select %gt3A_173, %and3A_177, %jit3A_183 : i32
    %swap3A_185 = arith.constant 4 : index
    %swap3A_186 = arith.constant 1 : index
    %swap3A_187 = memref.load %arg2[%swap3A_185, %swap3A_186] : memref<10x2xi32, #tpu.memory_space<smem>>
    memref.store %select_n3A_184, %arg2[%swap3A_185, %swap3A_186] : memref<10x2xi32, #tpu.memory_space<smem>>
    %eq3A_188 = vector.broadcast %reduce_min3A_171 : i32 to vector<32x64xi32>
    %eq3A_189 = arith.cmpi eq, %bitcast_convert_type3A, %eq3A_188 : vector<32x64xi32>
    %eq3A_190 = vector.broadcast %reduce_max3A_161 : f32 to vector<32x64xf32>
    %eq3A_191 = arith.cmpf oeq, %select_n3A_156, %eq3A_190 : vector<32x64xf32>
    %and3A_192 = arith.andi %eq3A_189, %eq3A_191 : vector<32x64xi1>
    %jit3A_193 = arith.constant -1.000000e+00 : f32
    %broadcast_in_dim3A_194 = vector.broadcast %jit3A_193 : f32 to vector<32x64xf32>
    %select_n3A_195 = arith.select %and3A_192, %broadcast_in_dim3A_194, %select_n3A_156 : vector<32x64xi1>, vector<32x64xf32>
    %reduce_max3A_196 = vector.shape_cast %select_n3A_195 : vector<32x64xf32> to vector<1x32x64xf32>
    %reduce_max3A_197 = arith.constant dense<0xFF800000> : vector<1xf32>
    %reduce_max3A_198 = vector.multi_reduction <maximumf>, %reduce_max3A_196, %reduce_max3A_197 [1, 2] : vector<1x32x64xf32> to vector<1xf32>
    %reduce_max3A_199 = vector.shape_cast %reduce_max3A_198 : vector<1xf32> to vector<1x1x1xf32>
    %reduce_max3A_200 = vector.extract %reduce_max3A_199[0, 0, 0] : f32 from vector<1x1x1xf32>
    %eq3A_201 = vector.broadcast %reduce_max3A_200 : f32 to vector<32x64xf32>
    %eq3A_202 = arith.cmpf oeq, %select_n3A_195, %eq3A_201 : vector<32x64xf32>
    %jit3A_203 = arith.constant 2147483647 : i32
    %broadcast_in_dim3A_204 = vector.broadcast %jit3A_203 : i32 to vector<32x64xi32>
    %select_n3A_205 = arith.select %eq3A_202, %bitcast_convert_type3A, %broadcast_in_dim3A_204 : vector<32x64xi1>, vector<32x64xi32>
    %reduce_min3A_206 = vector.shape_cast %select_n3A_205 : vector<32x64xi32> to vector<1x32x64xi32>
    %reduce_min3A_207 = arith.constant dense<2147483647> : vector<1xi32>
    %reduce_min3A_208 = vector.multi_reduction <minsi>, %reduce_min3A_206, %reduce_min3A_207 [1, 2] : vector<1x32x64xi32> to vector<1xi32>
    %reduce_min3A_209 = vector.shape_cast %reduce_min3A_208 : vector<1xi32> to vector<1x1x1xi32>
    %reduce_min3A_210 = vector.extract %reduce_min3A_209[0, 0, 0] : i32 from vector<1x1x1xi32>
    %gt3A_211 = arith.constant 5 : i32
    %gt3A_212 = arith.cmpi sgt, %convert_element_type3A, %gt3A_211 : i32
    %shift_right_logical3A_213 = arith.constant 15 : i32
    %shift_right_logical3A_214 = arith.shrui %reduce_min3A_210, %shift_right_logical3A_213 : i32
    %and3A_215 = arith.constant 32767 : i32
    %and3A_216 = arith.andi %reduce_min3A_210, %and3A_215 : i32
    %jit3A_217 = arith.constant 0 : i32
    %select_n3A_218 = arith.select %gt3A_212, %shift_right_logical3A_214, %jit3A_217 : i32
    %swap3A_219 = arith.constant 5 : index
    %swap3A_220 = arith.constant 0 : index
    %swap3A_221 = memref.load %arg2[%swap3A_219, %swap3A_220] : memref<10x2xi32, #tpu.memory_space<smem>>
    memref.store %select_n3A_218, %arg2[%swap3A_219, %swap3A_220] : memref<10x2xi32, #tpu.memory_space<smem>>
    %jit3A_222 = arith.constant 0 : i32
    %select_n3A_223 = arith.select %gt3A_212, %and3A_216, %jit3A_222 : i32
    %swap3A_224 = arith.constant 5 : index
    %swap3A_225 = arith.constant 1 : index
    %swap3A_226 = memref.load %arg2[%swap3A_224, %swap3A_225] : memref<10x2xi32, #tpu.memory_space<smem>>
    memref.store %select_n3A_223, %arg2[%swap3A_224, %swap3A_225] : memref<10x2xi32, #tpu.memory_space<smem>>
    %eq3A_227 = vector.broadcast %reduce_min3A_210 : i32 to vector<32x64xi32>
    %eq3A_228 = arith.cmpi eq, %bitcast_convert_type3A, %eq3A_227 : vector<32x64xi32>
    %eq3A_229 = vector.broadcast %reduce_max3A_200 : f32 to vector<32x64xf32>
    %eq3A_230 = arith.cmpf oeq, %select_n3A_195, %eq3A_229 : vector<32x64xf32>
    %and3A_231 = arith.andi %eq3A_228, %eq3A_230 : vector<32x64xi1>
    %jit3A_232 = arith.constant -1.000000e+00 : f32
    %broadcast_in_dim3A_233 = vector.broadcast %jit3A_232 : f32 to vector<32x64xf32>
    %select_n3A_234 = arith.select %and3A_231, %broadcast_in_dim3A_233, %select_n3A_195 : vector<32x64xi1>, vector<32x64xf32>
    %reduce_max3A_235 = vector.shape_cast %select_n3A_234 : vector<32x64xf32> to vector<1x32x64xf32>
    %reduce_max3A_236 = arith.constant dense<0xFF800000> : vector<1xf32>
    %reduce_max3A_237 = vector.multi_reduction <maximumf>, %reduce_max3A_235, %reduce_max3A_236 [1, 2] : vector<1x32x64xf32> to vector<1xf32>
    %reduce_max3A_238 = vector.shape_cast %reduce_max3A_237 : vector<1xf32> to vector<1x1x1xf32>
    %reduce_max3A_239 = vector.extract %reduce_max3A_238[0, 0, 0] : f32 from vector<1x1x1xf32>
    %eq3A_240 = vector.broadcast %reduce_max3A_239 : f32 to vector<32x64xf32>
    %eq3A_241 = arith.cmpf oeq, %select_n3A_234, %eq3A_240 : vector<32x64xf32>
    %jit3A_242 = arith.constant 2147483647 : i32
    %broadcast_in_dim3A_243 = vector.broadcast %jit3A_242 : i32 to vector<32x64xi32>
    %select_n3A_244 = arith.select %eq3A_241, %bitcast_convert_type3A, %broadcast_in_dim3A_243 : vector<32x64xi1>, vector<32x64xi32>
    %reduce_min3A_245 = vector.shape_cast %select_n3A_244 : vector<32x64xi32> to vector<1x32x64xi32>
    %reduce_min3A_246 = arith.constant dense<2147483647> : vector<1xi32>
    %reduce_min3A_247 = vector.multi_reduction <minsi>, %reduce_min3A_245, %reduce_min3A_246 [1, 2] : vector<1x32x64xi32> to vector<1xi32>
    %reduce_min3A_248 = vector.shape_cast %reduce_min3A_247 : vector<1xi32> to vector<1x1x1xi32>
    %reduce_min3A_249 = vector.extract %reduce_min3A_248[0, 0, 0] : i32 from vector<1x1x1xi32>
    %gt3A_250 = arith.constant 6 : i32
    %gt3A_251 = arith.cmpi sgt, %convert_element_type3A, %gt3A_250 : i32
    %shift_right_logical3A_252 = arith.constant 15 : i32
    %shift_right_logical3A_253 = arith.shrui %reduce_min3A_249, %shift_right_logical3A_252 : i32
    %and3A_254 = arith.constant 32767 : i32
    %and3A_255 = arith.andi %reduce_min3A_249, %and3A_254 : i32
    %jit3A_256 = arith.constant 0 : i32
    %select_n3A_257 = arith.select %gt3A_251, %shift_right_logical3A_253, %jit3A_256 : i32
    %swap3A_258 = arith.constant 6 : index
    %swap3A_259 = arith.constant 0 : index
    %swap3A_260 = memref.load %arg2[%swap3A_258, %swap3A_259] : memref<10x2xi32, #tpu.memory_space<smem>>
    memref.store %select_n3A_257, %arg2[%swap3A_258, %swap3A_259] : memref<10x2xi32, #tpu.memory_space<smem>>
    %jit3A_261 = arith.constant 0 : i32
    %select_n3A_262 = arith.select %gt3A_251, %and3A_255, %jit3A_261 : i32
    %swap3A_263 = arith.constant 6 : index
    %swap3A_264 = arith.constant 1 : index
    %swap3A_265 = memref.load %arg2[%swap3A_263, %swap3A_264] : memref<10x2xi32, #tpu.memory_space<smem>>
    memref.store %select_n3A_262, %arg2[%swap3A_263, %swap3A_264] : memref<10x2xi32, #tpu.memory_space<smem>>
    %eq3A_266 = vector.broadcast %reduce_min3A_249 : i32 to vector<32x64xi32>
    %eq3A_267 = arith.cmpi eq, %bitcast_convert_type3A, %eq3A_266 : vector<32x64xi32>
    %eq3A_268 = vector.broadcast %reduce_max3A_239 : f32 to vector<32x64xf32>
    %eq3A_269 = arith.cmpf oeq, %select_n3A_234, %eq3A_268 : vector<32x64xf32>
    %and3A_270 = arith.andi %eq3A_267, %eq3A_269 : vector<32x64xi1>
    %jit3A_271 = arith.constant -1.000000e+00 : f32
    %broadcast_in_dim3A_272 = vector.broadcast %jit3A_271 : f32 to vector<32x64xf32>
    %select_n3A_273 = arith.select %and3A_270, %broadcast_in_dim3A_272, %select_n3A_234 : vector<32x64xi1>, vector<32x64xf32>
    %reduce_max3A_274 = vector.shape_cast %select_n3A_273 : vector<32x64xf32> to vector<1x32x64xf32>
    %reduce_max3A_275 = arith.constant dense<0xFF800000> : vector<1xf32>
    %reduce_max3A_276 = vector.multi_reduction <maximumf>, %reduce_max3A_274, %reduce_max3A_275 [1, 2] : vector<1x32x64xf32> to vector<1xf32>
    %reduce_max3A_277 = vector.shape_cast %reduce_max3A_276 : vector<1xf32> to vector<1x1x1xf32>
    %reduce_max3A_278 = vector.extract %reduce_max3A_277[0, 0, 0] : f32 from vector<1x1x1xf32>
    %eq3A_279 = vector.broadcast %reduce_max3A_278 : f32 to vector<32x64xf32>
    %eq3A_280 = arith.cmpf oeq, %select_n3A_273, %eq3A_279 : vector<32x64xf32>
    %jit3A_281 = arith.constant 2147483647 : i32
    %broadcast_in_dim3A_282 = vector.broadcast %jit3A_281 : i32 to vector<32x64xi32>
    %select_n3A_283 = arith.select %eq3A_280, %bitcast_convert_type3A, %broadcast_in_dim3A_282 : vector<32x64xi1>, vector<32x64xi32>
    %reduce_min3A_284 = vector.shape_cast %select_n3A_283 : vector<32x64xi32> to vector<1x32x64xi32>
    %reduce_min3A_285 = arith.constant dense<2147483647> : vector<1xi32>
    %reduce_min3A_286 = vector.multi_reduction <minsi>, %reduce_min3A_284, %reduce_min3A_285 [1, 2] : vector<1x32x64xi32> to vector<1xi32>
    %reduce_min3A_287 = vector.shape_cast %reduce_min3A_286 : vector<1xi32> to vector<1x1x1xi32>
    %reduce_min3A_288 = vector.extract %reduce_min3A_287[0, 0, 0] : i32 from vector<1x1x1xi32>
    %gt3A_289 = arith.constant 7 : i32
    %gt3A_290 = arith.cmpi sgt, %convert_element_type3A, %gt3A_289 : i32
    %shift_right_logical3A_291 = arith.constant 15 : i32
    %shift_right_logical3A_292 = arith.shrui %reduce_min3A_288, %shift_right_logical3A_291 : i32
    %and3A_293 = arith.constant 32767 : i32
    %and3A_294 = arith.andi %reduce_min3A_288, %and3A_293 : i32
    %jit3A_295 = arith.constant 0 : i32
    %select_n3A_296 = arith.select %gt3A_290, %shift_right_logical3A_292, %jit3A_295 : i32
    %swap3A_297 = arith.constant 7 : index
    %swap3A_298 = arith.constant 0 : index
    %swap3A_299 = memref.load %arg2[%swap3A_297, %swap3A_298] : memref<10x2xi32, #tpu.memory_space<smem>>
    memref.store %select_n3A_296, %arg2[%swap3A_297, %swap3A_298] : memref<10x2xi32, #tpu.memory_space<smem>>
    %jit3A_300 = arith.constant 0 : i32
    %select_n3A_301 = arith.select %gt3A_290, %and3A_294, %jit3A_300 : i32
    %swap3A_302 = arith.constant 7 : index
    %swap3A_303 = arith.constant 1 : index
    %swap3A_304 = memref.load %arg2[%swap3A_302, %swap3A_303] : memref<10x2xi32, #tpu.memory_space<smem>>
    memref.store %select_n3A_301, %arg2[%swap3A_302, %swap3A_303] : memref<10x2xi32, #tpu.memory_space<smem>>
    %eq3A_305 = vector.broadcast %reduce_min3A_288 : i32 to vector<32x64xi32>
    %eq3A_306 = arith.cmpi eq, %bitcast_convert_type3A, %eq3A_305 : vector<32x64xi32>
    %eq3A_307 = vector.broadcast %reduce_max3A_278 : f32 to vector<32x64xf32>
    %eq3A_308 = arith.cmpf oeq, %select_n3A_273, %eq3A_307 : vector<32x64xf32>
    %and3A_309 = arith.andi %eq3A_306, %eq3A_308 : vector<32x64xi1>
    %jit3A_310 = arith.constant -1.000000e+00 : f32
    %broadcast_in_dim3A_311 = vector.broadcast %jit3A_310 : f32 to vector<32x64xf32>
    %select_n3A_312 = arith.select %and3A_309, %broadcast_in_dim3A_311, %select_n3A_273 : vector<32x64xi1>, vector<32x64xf32>
    %reduce_max3A_313 = vector.shape_cast %select_n3A_312 : vector<32x64xf32> to vector<1x32x64xf32>
    %reduce_max3A_314 = arith.constant dense<0xFF800000> : vector<1xf32>
    %reduce_max3A_315 = vector.multi_reduction <maximumf>, %reduce_max3A_313, %reduce_max3A_314 [1, 2] : vector<1x32x64xf32> to vector<1xf32>
    %reduce_max3A_316 = vector.shape_cast %reduce_max3A_315 : vector<1xf32> to vector<1x1x1xf32>
    %reduce_max3A_317 = vector.extract %reduce_max3A_316[0, 0, 0] : f32 from vector<1x1x1xf32>
    %eq3A_318 = vector.broadcast %reduce_max3A_317 : f32 to vector<32x64xf32>
    %eq3A_319 = arith.cmpf oeq, %select_n3A_312, %eq3A_318 : vector<32x64xf32>
    %jit3A_320 = arith.constant 2147483647 : i32
    %broadcast_in_dim3A_321 = vector.broadcast %jit3A_320 : i32 to vector<32x64xi32>
    %select_n3A_322 = arith.select %eq3A_319, %bitcast_convert_type3A, %broadcast_in_dim3A_321 : vector<32x64xi1>, vector<32x64xi32>
    %reduce_min3A_323 = vector.shape_cast %select_n3A_322 : vector<32x64xi32> to vector<1x32x64xi32>
    %reduce_min3A_324 = arith.constant dense<2147483647> : vector<1xi32>
    %reduce_min3A_325 = vector.multi_reduction <minsi>, %reduce_min3A_323, %reduce_min3A_324 [1, 2] : vector<1x32x64xi32> to vector<1xi32>
    %reduce_min3A_326 = vector.shape_cast %reduce_min3A_325 : vector<1xi32> to vector<1x1x1xi32>
    %reduce_min3A_327 = vector.extract %reduce_min3A_326[0, 0, 0] : i32 from vector<1x1x1xi32>
    %gt3A_328 = arith.constant 8 : i32
    %gt3A_329 = arith.cmpi sgt, %convert_element_type3A, %gt3A_328 : i32
    %shift_right_logical3A_330 = arith.constant 15 : i32
    %shift_right_logical3A_331 = arith.shrui %reduce_min3A_327, %shift_right_logical3A_330 : i32
    %and3A_332 = arith.constant 32767 : i32
    %and3A_333 = arith.andi %reduce_min3A_327, %and3A_332 : i32
    %jit3A_334 = arith.constant 0 : i32
    %select_n3A_335 = arith.select %gt3A_329, %shift_right_logical3A_331, %jit3A_334 : i32
    %swap3A_336 = arith.constant 8 : index
    %swap3A_337 = arith.constant 0 : index
    %swap3A_338 = memref.load %arg2[%swap3A_336, %swap3A_337] : memref<10x2xi32, #tpu.memory_space<smem>>
    memref.store %select_n3A_335, %arg2[%swap3A_336, %swap3A_337] : memref<10x2xi32, #tpu.memory_space<smem>>
    %jit3A_339 = arith.constant 0 : i32
    %select_n3A_340 = arith.select %gt3A_329, %and3A_333, %jit3A_339 : i32
    %swap3A_341 = arith.constant 8 : index
    %swap3A_342 = arith.constant 1 : index
    %swap3A_343 = memref.load %arg2[%swap3A_341, %swap3A_342] : memref<10x2xi32, #tpu.memory_space<smem>>
    memref.store %select_n3A_340, %arg2[%swap3A_341, %swap3A_342] : memref<10x2xi32, #tpu.memory_space<smem>>
    %eq3A_344 = vector.broadcast %reduce_min3A_327 : i32 to vector<32x64xi32>
    %eq3A_345 = arith.cmpi eq, %bitcast_convert_type3A, %eq3A_344 : vector<32x64xi32>
    %eq3A_346 = vector.broadcast %reduce_max3A_317 : f32 to vector<32x64xf32>
    %eq3A_347 = arith.cmpf oeq, %select_n3A_312, %eq3A_346 : vector<32x64xf32>
    %and3A_348 = arith.andi %eq3A_345, %eq3A_347 : vector<32x64xi1>
    %jit3A_349 = arith.constant -1.000000e+00 : f32
    %broadcast_in_dim3A_350 = vector.broadcast %jit3A_349 : f32 to vector<32x64xf32>
    %select_n3A_351 = arith.select %and3A_348, %broadcast_in_dim3A_350, %select_n3A_312 : vector<32x64xi1>, vector<32x64xf32>
    %reduce_max3A_352 = vector.shape_cast %select_n3A_351 : vector<32x64xf32> to vector<1x32x64xf32>
    %reduce_max3A_353 = arith.constant dense<0xFF800000> : vector<1xf32>
    %reduce_max3A_354 = vector.multi_reduction <maximumf>, %reduce_max3A_352, %reduce_max3A_353 [1, 2] : vector<1x32x64xf32> to vector<1xf32>
    %reduce_max3A_355 = vector.shape_cast %reduce_max3A_354 : vector<1xf32> to vector<1x1x1xf32>
    %reduce_max3A_356 = vector.extract %reduce_max3A_355[0, 0, 0] : f32 from vector<1x1x1xf32>
    %eq3A_357 = vector.broadcast %reduce_max3A_356 : f32 to vector<32x64xf32>
    %eq3A_358 = arith.cmpf oeq, %select_n3A_351, %eq3A_357 : vector<32x64xf32>
    %jit3A_359 = arith.constant 2147483647 : i32
    %broadcast_in_dim3A_360 = vector.broadcast %jit3A_359 : i32 to vector<32x64xi32>
    %select_n3A_361 = arith.select %eq3A_358, %bitcast_convert_type3A, %broadcast_in_dim3A_360 : vector<32x64xi1>, vector<32x64xi32>
    %reduce_min3A_362 = vector.shape_cast %select_n3A_361 : vector<32x64xi32> to vector<1x32x64xi32>
    %reduce_min3A_363 = arith.constant dense<2147483647> : vector<1xi32>
    %reduce_min3A_364 = vector.multi_reduction <minsi>, %reduce_min3A_362, %reduce_min3A_363 [1, 2] : vector<1x32x64xi32> to vector<1xi32>
    %reduce_min3A_365 = vector.shape_cast %reduce_min3A_364 : vector<1xi32> to vector<1x1x1xi32>
    %reduce_min3A_366 = vector.extract %reduce_min3A_365[0, 0, 0] : i32 from vector<1x1x1xi32>
    %gt3A_367 = arith.constant 9 : i32
    %gt3A_368 = arith.cmpi sgt, %convert_element_type3A, %gt3A_367 : i32
    %shift_right_logical3A_369 = arith.constant 15 : i32
    %shift_right_logical3A_370 = arith.shrui %reduce_min3A_366, %shift_right_logical3A_369 : i32
    %and3A_371 = arith.constant 32767 : i32
    %and3A_372 = arith.andi %reduce_min3A_366, %and3A_371 : i32
    %jit3A_373 = arith.constant 0 : i32
    %select_n3A_374 = arith.select %gt3A_368, %shift_right_logical3A_370, %jit3A_373 : i32
    %swap3A_375 = arith.constant 9 : index
    %swap3A_376 = arith.constant 0 : index
    %swap3A_377 = memref.load %arg2[%swap3A_375, %swap3A_376] : memref<10x2xi32, #tpu.memory_space<smem>>
    memref.store %select_n3A_374, %arg2[%swap3A_375, %swap3A_376] : memref<10x2xi32, #tpu.memory_space<smem>>
    %jit3A_378 = arith.constant 0 : i32
    %select_n3A_379 = arith.select %gt3A_368, %and3A_372, %jit3A_378 : i32
    %swap3A_380 = arith.constant 9 : index
    %swap3A_381 = arith.constant 1 : index
    %swap3A_382 = memref.load %arg2[%swap3A_380, %swap3A_381] : memref<10x2xi32, #tpu.memory_space<smem>>
    memref.store %select_n3A_379, %arg2[%swap3A_380, %swap3A_381] : memref<10x2xi32, #tpu.memory_space<smem>>
    return
  }
}

</mosaic_0001>

<sc_bundles>
// kernel: kernel.5.cloned.1.call-start
scs
__scs_entry_jumppad:
0x0: {  	(pc) =	sbr.rel $0x88, $3  }
0x1: {  	(tag) =	ssettag $0x0;
	lr =	simm.s32 $0x1  }
0x2: {  	[smem:$0x3FA0] =	sst lr;
	_ =	strace $0xD0000000  }
0x3: {  	_ = 	snop  }
0x4: {  	_ = 	snop  }
0x5: {  	_ = 	snop  }
0x6: {  	_ = 	snop  }
0x7: {  	_ = 	snop  }
__scs_overlays_trampoline_lowered:
0x8: {  	[smem:$0x3FAF] =	sst s0  }
0x9: {  	[smem:$0x3FB0] =	sst s1  }
0xa: {  	[smem:$0x3FB1] =	sst s2  }
0xb: {  	[smem:$0x3FB2] =	sst s3  }
0xc: {  	[smem:$0x3FB3] =	sst s4  }
0xd: {  	[smem:$0x3FB4] =	sst s5  }
0xe: {  	[smem:$0x3FB5] =	sst s6  }
0xf: {  	[smem:$0x3FB6] =	sst s7  }
0x10: {  	[smem:$0x3FB7] =	sst s8  }
0x11: {  	[smem:$0x3FB8] =	sst s9;
	s0 =	simm.s32 @!p0 $0x0  }
0x12: {  	s1 =	sld [smem:$0x3F9E];
	s0 =	simm.s32 @p0 $0x1  }
0x13: {  	[smem:$0x3FB9] =	sst s0;
	s0 =	simm.s32 @!p1 $0x0  }
0x14: {  	s2 =	sld [smem:$0x3F9D];
	s0 =	simm.s32 @p1 $0x1  }
0x15: {  	[smem:$0x3FBA] =	sst s0;
	s0 =	simm.s32 @!p2 $0x0  }
0x16: {  	s3 =	sld [smem:$0x3FDB];
	s0 =	simm.s32 @p2 $0x1  }
0x17: {  	s4 =	simm.s32 $0x1BF5;
	[smem:$0x3FBC] =	sst s0  }
0x18: {  	s0 =	sld [smem:$0x3F9F];
	_ =	swait.ge [sflag:s4], $0x0  }
0x19: {  	s7 =	sld [smem:$0x3FA0]  }
0x1a: {  	s8 =	sadd.s32 $0xFFFFE003, lr  }
0x1b: {  	s9 =	sadd.s32 $0xFFFFFEF7, lr;
	s5 =	simm.s32 $0xFFFFFFFF;
	p2 =	slt.u32 s8, $0xFFFFF086  }
0x1c: {  	p1 =	slt.u32 s9, $0xF7A;
	s5 =	simm.s32 @!p2 $0x0  }
0x1d: {  	s5 =	simm.s32 @p1 $0x1;
	p0 =	seq.s32 s7, s2  }
0x1e: {  	s7 =	smul.u32 @!p0 $0xF7A, s2;
	p2 =	seq.s32 @!p0 s5, $0x0  }
0x1f: {  	s9 =	smul.u32 $0xF7A, s1;
	s8 =	simm.s32 @!p0 $0x1BF5;
	p2 =	por !p2, p0  }
0x20: {  	[sflag:s8] =	ssyncset.s32 @!p0 $0xFFFFF086;
	s6 =	sadd.s32 @!p0 s3, s7;
	s7 =	simm.s32 @!p0 $0x108  }
0x21: {  	s3 =	sadd.s32 s3, s9;
	s6 =	sadd.s32 @!p0 $0x88, s6;
	s7 =	simm.s32 @p2 $0x1082  }
0x22: {  	[simem:s7], [sflag:s8] =	dma.local @!p0 [hbm:s6], $0xF7A  }
0x23: {  	s9 =	sor.u32 $0xD0000000, s2;
	s6 =	simm.s32 $0x108;
	_ =	swait.ge @!p0 [sflag:s8], $0x0  }
0x24: {  	s3 =	sadd.s32 $0x88, s3;
	s6 =	simm.s32 @!p1 $0x1082;
	[sflag:s4] =	ssyncset.s32 $0xFFFFF086  }
0x25: {  	[simem:s6], [sflag:s4] =	dma.local [hbm:s3], $0xF7A  }
0x26: {  	[smem:$0x3FA0] =	sst s1;
	(tag) =	ssettag s2;
	_ =	strace s9  }
0x27: {  	s1 =	sld [smem:$0x3FB0]  }
0x28: {  	s2 =	sld [smem:$0x3FB1]  }
0x29: {  	s4 =	sld [smem:$0x3FB3]  }
0x2a: {  	p0 =	seq.s32 s5, $0x0;
	s5 =	sld [smem:$0x3FB4]  }
0x2b: {  	s6 =	sld [smem:$0x3FB5]  }
0x2c: {  	s7 =	sld [smem:$0x3FB6]  }
0x2d: {  	s3 =	simm.s32 $0x108;
	s8 =	sld [smem:$0x3FB7]  }
0x2e: {  	s3 =	simm.s32 @!p0 $0x1082;
	s9 =	sld [smem:$0x3FB8]  }
0x2f: {  	lr =	sadd.s32 s0, s3;
	s0 =	sld [smem:$0x3FAF]  }
0x30: {  	s3 =	sld [smem:$0x3FB2]  }
0x31: {  	[smem:$0x3FBB] =	sst s10  }
0x32: {  	s10 =	sld [smem:$0x3FB9];
	_ =	sdelay $0x3  }
0x33: {  	p0 =	seq.s32 s10, $0x1;
	s10 =	sld [smem:$0x3FBB];
	_ =	sdelay $0x3  }
0x34: {  	[smem:$0x3FBB] =	sst s10  }
0x35: {  	s10 =	sld [smem:$0x3FBA];
	_ =	sdelay $0x3  }
0x36: {  	p1 =	seq.s32 s10, $0x1;
	s10 =	sld [smem:$0x3FBB];
	_ =	sdelay $0x3  }
0x37: {  	[smem:$0x3FBB] =	sst s10  }
0x38: {  	s10 =	sld [smem:$0x3FBC]  }
0x39: {  	_ = 	snop;
	(pc) =	sbr.ind lr, $3  }
0x3a: {  	_ = 	snop  }
0x3b: {  	_ = 	snop  }
0x3c: {  	p2 =	seq.s32 s10, $0x1;
	s10 =	sld [smem:$0x3FBB]  }
0x3d: {  	_ =	shalt  }
0x3e: {  	_ =	shalt  }
0x3f: {  	_ =	shalt  }
0x40: {  	_ =	shalt  }
0x41: {  	_ =	shalt  }
0x42: {  	_ =	shalt  }
0x43: {  	_ =	shalt  }
0x44: {  	_ =	shalt  }
0x45: {  	_ =	shalt  }
0x46: {  	_ =	shalt  }
0x47: {  	_ =	shalt  }
0x48: {  	_ =	shalt  }
0x49: {  	_ =	shalt  }
0x4a: {  	_ =	shalt  }
0x4b: {  	_ =	shalt  }
0x4c: {  	_ =	shalt  }
0x4d: {  	_ =	shalt  }
0x4e: {  	_ =	shalt  }
0x4f: {  	_ =	shalt  }
0x50: {  	_ =	shalt  }
0x51: {  	_ =	shalt  }
0x52: {  	_ =	shalt  }
0x53: {  	_ =	shalt  }
0x54: {  	_ =	shalt  }
0x55: {  	_ =	shalt  }
0x56: {  	_ =	shalt  }
0x57: {  	_ =	shalt  }
0x58: {  	_ =	shalt  }
0x59: {  	_ =	shalt  }
0x5a: {  	_ =	shalt  }
0x5b: {  	_ =	shalt  }
0x5c: {  	_ =	shalt  }
0x5d: {  	_ =	shalt  }
0x5e: {  	_ =	shalt  }
0x5f: {  	_ =	shalt  }
0x60: {  	_ =	shalt  }
0x61: {  	_ =	shalt  }
0x62: {  	_ =	shalt  }
0x63: {  	_ =	shalt  }
0x64: {  	_ =	shalt  }
0x65: {  	_ =	shalt  }
0x66: {  	_ =	shalt  }
0x67: {  	_ =	shalt  }
0x68: {  	_ =	shalt  }
0x69: {  	_ =	shalt  }
0x6a: {  	_ =	shalt  }
0x6b: {  	_ =	shalt  }
0x6c: {  	_ =	shalt  }
0x6d: {  	_ =	shalt  }
0x6e: {  	_ =	shalt  }
0x6f: {  	_ =	shalt  }
0x70: {  	_ =	shalt  }
0x71: {  	_ =	shalt  }
0x72: {  	_ =	shalt  }
0x73: {  	_ =	shalt  }
0x74: {  	_ =	shalt  }
0x75: {  	_ =	shalt  }
0x76: {  	_ =	shalt  }
0x77: {  	_ =	shalt  }
0x78: {  	_ =	shalt  }
0x79: {  	_ =	shalt  }
0x7a: {  	_ =	shalt  }
0x7b: {  	_ =	shalt  }
0x7c: {  	_ =	shalt  }
0x7d: {  	_ =	shalt  }
0x7e: {  	_ =	shalt  }
0x7f: {  	_ =	shalt  }
0x80: {  	_ =	shalt  }
0x81: {  	_ =	shalt  }
0x82: {  	_ =	shalt  }
0x83: {  	_ =	shalt  }
0x84: {  	_ =	shalt  }
0x85: {  	_ =	shalt  }
0x86: {  	_ =	shalt  }
0x87: {  	_ =	shalt  }
.Lfunc_end0:
.L_simem_size_0:
called_computation_lowered:
.L_overlay_start_0:
0x88: {  	s2 =	sld [smem:$0x3FD9]  }
0x89: {  	s3 =	sld [smem:$0x3FFE];
	_ =	sdelay $0x1  }
0x8a: {  	s1 =	srdreg.scid  }
0x8b: {  	s0 =	sand.u32 $0x1, s1  }
0x8c: {  	s17 =	sshll.u32 s0, $0xA;
	s2 =	sadd.s32 s3, s2  }
0x8d: {  	s2 =	sadd.s32 s2, s17  }
0x8e: {  	[smem:$0x3FC7] =	sst s2  }
0x8f: {  	_ = 	snop  }
0x90: {  	s2 =	sld [smem:$0x3FC9];
	(tm) =	ssettm $0x1  }
0x91: {  	s18 =	sld [smem:$0x3FFB];
	_ =	sdelay $0x3  }
0x92: {  	_ =	strace s18  }
0x93: {  	s3 =	sld [smem:$0x3FFC];
	_ =	sdelay $0x3  }
0x94: {  	_ =	strace s3  }
0x95: {  	s3 =	sld [smem:$0x3FFD];
	_ =	sdelay $0x3  }
0x96: {  	_ =	strace s3  }
0x97: {  	_ =	strace $0x8FFFFFFF  }
0x98: {  	s19 =	sld [smem:$0x3FDB];
	_ =	sdelay $0x1  }
0x99: {  	s4 =	simm.s32 $_scs_section_size  }
0x9a: {  	s5 =	simm.s32 $_size__tile_overlayer_lowered;
	s6 =	simm.s32 $_tile_overlayer_lowered  }
0x9b: {  	s22 =	simm.s32 $0x1BFF;
	s21 =	sshll.u32 s6, $0x1;
	s3 =	sadd.s32 s4, s19  }
0x9c: {  	s7 =	simm.s32 $0x0;
	s20 =	sshll.u32 s5, $0x1;
	s5 =	sadd.s32 s21, s3  }
0x9d: {  	[timem:s7], [sflag:s22] =	dma.local [hbm:s5], s20  }
0x9e: {  	_ =	swait.ge [sflag:s22], s20  }
0x9f: {  	s4 =	ssub.s32 $0x0, s20;
	[sflag:s22] =	ssyncset.done $0x0  }
0xa0: {  	[sflag:s22] =	ssyncadd.s32 s4;
	_ =	sdelay $0x1  }
0xa1: {  	s23 =	simm.s32 $0x1B8B  }
0xa2: {  	_ =	swait.ge [sflag:s23], $0x1  }
0xa3: {  	[sflag:s23] =	ssyncset.done $0x0  }
0xa4: {  	s25 =	simm.s32 $0x1B8E;
	s24 =	sld [smem:$0x3FFE];
	[sflag:s23] =	ssyncadd.s32 $0xFFFFFFFF  }
0xa5: {  	s26 =	simm.s32 $execute0_lowered;
	[smem:$0x3FD2] =	sst s25  }
0xa6: {  	s5 =	sshll.u32 s26, $0x1;
	_ =	strace $0x80000046;
	[dreg:$0x1] =	wrdreg $0xFFFFFFFF  }
0xa7: {  	s28 =	simm.s32 $_size_execute0_lowered;
	s3 =	sadd.s32 s3, s5;
	[dreg:$0x0] =	wrdreg $0x0  }
0xa8: {  	s5 =	sshll.u32 s28, $0x1;
	[dreg:$0x2] =	wrdreg s3  }
0xa9: {  	[dreg:$0x3] =	wrdreg s5  }
0xaa: {  	[dreg:$0x4] =	wrdreg $0xC0  }
0xab: {  	_ =	task [dreg:s7], $0x5FFFF  }
0xac: {  	[dreg:$0x1] =	wrdreg $0xFFFFFFFF  }
0xad: {  	[dreg:$0x0] =	wrdreg $0x60  }
0xae: {  	[dreg:$0x2] =	wrdreg s2  }
0xaf: {  	[dreg:$0x3] =	wrdreg s24  }
0xb0: {  	[dreg:$0x4] =	wrdreg $0x9  }
0xb1: {  	_ =	task.clear_ibuf [dreg:s7], $0x5FFFF;
	_ =	strace $0x90000046  }
0xb2: {  	s29 =	simm.s32 $0x9;
	_ =	strace $0x80000048  }
0xb3: {  	_ =	swait.ge [sflag:s29], $0x1  }
0xb4: {  	[sflag:s29] =	ssyncadd.s32 $0xFFFFFFFF  }
0xb5: {  	_ =	strace $0x90000048  }
0xb6: {  	_ =	sfence  }
0xb7: {  	s30 =	sld [smem:$0x0];
	_ =	sdelay $0x2  }
0xb8: {  	s31 =	sshll.u32 s1, $0xD;
	s1 =	sshrl.u32 s1, $0x2  }
0xb9: {  	s3 =	sand.u32 $0x4000, s31;
	s1 =	sadd.s32 s1, s30  }
0xba: {  	s0 =	sor.u32 s3, s0;
	s1 =	sshll.u32 s1, $0x11  }
0xbb: {  	s0 =	sor.u32 s1, s0  }
0xbc: {  	s0 =	sadd.s32 $0x8F2B, s0  }
0xbd: {  	[sflag:s0] =	ssyncadd.remote.s32 $0x1  }
0xbe: {  	_ =	sfence.sel $0xFFFF  }
0xbf: {  	[dreg:$0x0] =	wrdreg $0xFFFFFFFF;
	(pc) =	sbr.abs _section_cstart, $3  }
0xc0: {  	[dreg:$0x1] =	wrdreg $0xFFFFFFFF  }
0xc1: {  	_ =	task.clear_ibuf [dreg:s7], $0x2FFFF;
	_ =	strace $0x9FFFFFFF  }
0xc2: {  	(tm) =	ssettm $0x7FFFFFFF  }
0xc3: {  	_ =	shalt  }
tec
execute0_lowered:
.L_overlay_start_1:
0x0: {  	(tag) =	ssettag $0x1  }
0x1: {  	s1 =	srdreg.scid;
	s7 =	stileid.u32  }
0x2: {  	s1 =	sand.u32 $0x1, s1;
	s2 =	sshll.u32 s7, $0x1  }
0x3: {  	s0 =	rddreg [dreg:$0x0];
	v0 =	vlaneseq.u32;
	s4 =	sor.u32 s1, s2;
	s2 =	simm.s32 $0x0  }
0x4: {  	v9 =	vor.u32 $0x10, v0;
	[smem:$0x7FF] =	sst s2  }
0x5: {  	s3 =	rddreg [dreg:$0x1];
	v3 =	vor.u32 $0xB0, v0;
	_ =	strace $0x80000047;
	[tilespmem:$0x1FF10] =	vst v9  }
0x6: {  	v58 =	vor.u32 $0xC0, v0;
	[tilespmem:$0x1FF20] =	vst v3  }
0x7: {  	v5 =	vor.u32 $0xD0, v0;
	p1 =	seq.s32 s1, $0x1;
	p0 =	seq.s32 s4, $0x0;
	[tilespmem:$0x1FF30] =	vst v58  }
0x8: {  	s5 =	simm.s32 $0x1;
	s15 =	simm.s32 $0x8000;
	v6 =	vor.u32 $0xE0, v0;
	p0 =	por !p0, !p1;
	[tilespmem:$0x1FF40] =	vst v5  }
0x9: {  	s16 =	simm.s32 $0x2;
	s18 =	simm.s32 $0x3;
	v7 =	vor.u32 $0xF0, v0;
	[tilespmem:$0x1FF50] =	vst v6;
	p0 =	por !p0, !p0  }
0xa: {  	s19 =	simm.s32 $0x0;
	v2 =	vor.u32 $0x20, v0;
	s6 =	ssub.s32 $0x2, s1;
	[tilespmem:$0x1FF60] =	vst v7;
	s5 =	simm.s32 @!p0 $0x0  }
0xb: {  	v8 =	vor.u32 $0x30, v0;
	s4 =	sshll.u32 s4, $0x4;
	s28 =	sshrl.u32 s6, $0x1;
	[tilespmem:$0x1FF70] =	vst v2;
	s5 =	ssub.s32 s7, s5  }
0xc: {  	v10 =	vor.u32 $0x40, v0;
	s10 =	sadd.s32 s4, s3;
	s3 =	sshll.u32 s1, $0xE;
	[tilespmem:$0x1FF80] =	vst v8;
	s29 =	sshll.u32 s5, $0xF  }
0xd: {  	v11 =	vor.u32 $0x50, v0;
	s6 =	ssub.s32 s6, s28;
	[tilespmem:$0x1FF90] =	vst v10;
	s30 =	sadd.s32 s0, s3;
	s1 =	sand.u32 $0x1FFF8000, s29  }
0xe: {  	v12 =	vor.u32 $0x60, v0;
	s4 =	simm.s32 $0x1;
	[tilespmem:$0x1FFA0] =	vst v11;
	s8 =	sor.u32 $0x2000, s3;
	s7 =	sadd.s32 s1, s30  }
.Ltmp0:
0xf: {  	v13 =	vor.u32 $0x70, v0;
	[tilespmem:$0x1FFB0] =	vst v12;
	[dreg:$0x7] =	wrdreg s7;
	s7 =	sor.u32 $0x1000, s3;
	(pc) =	sbr.rel .LBB2_1-.Ltmp0, $4  }
0x10: {  	v14 =	vor.u32 $0x80, v0;
	[tilespmem:$0x1FFC0] =	vst v13;
	s9 =	sor.u32 $0x3000, s3;
	s13 =	sadd.s32 $0x800, s10;
	s11 =	sadd.s32 s0, s7  }
0x11: {  	v4 =	vor.u32 $0x90, v0;
	[tilespmem:$0x1FFD0] =	vst v14;
	s14 =	smax.u32 s6, $0x1;
	s31 =	sadd.s32 s0, s8;
	s11 =	sadd.s32 s1, s11  }
0x12: {  	v15 =	vor.u32 $0xA0, v0;
	[tilespmem:$0x1FFE0] =	vst v4;
	s0 =	sadd.s32 s0, s9;
	[dreg:$0x8] =	wrdreg s11;
	s11 =	sadd.s32 s1, s31  }
0x13: {  	vm0 =	vmxor vm0, vm0;
	[tilespmem:$0x1FFF0] =	vst v15;
	s5 =	sshll.u32 s5, $0x3;
	s12 =	sadd.s32 s1, s0;
	[dreg:$0x9] =	wrdreg s11  }
.LBB2_33:
0x14: {  	[tilespmem:$0x10030] =	vst v5  }
0x15: {  	[tilespmem:$0x10070] =	vst v10;
	s0 =	simm.s32 $0x10000  }
0x16: {  	[hbm4b:s13+s2] =	stream.linear.scatter [tilespmem:s0], [sflag:$0x3], $0x80, $0x38;
	[tilespmem:$0x10080] =	vst v63  }
0x17: {  	_ =	swait.ge [sflag:s18], $0x80  }
0x18: {  	v9 =	vld [tilespmem:$0x1FF10]  }
0x19: {  	v58 =	vld [tilespmem:$0x1FF30]  }
0x1a: {  	v5 =	vld [tilespmem:$0x1FF40]  }
0x1b: {  	v6 =	vld [tilespmem:$0x1FF50]  }
0x1c: {  	v7 =	vld [tilespmem:$0x1FF60]  }
0x1d: {  	v2 =	vld [tilespmem:$0x1FF70]  }
0x1e: {  	v8 =	vld [tilespmem:$0x1FF80]  }
0x1f: {  	v10 =	vld [tilespmem:$0x1FF90]  }
0x20: {  	s19 =	sadd.s32 $0x1, s19;
	v11 =	vld [tilespmem:$0x1FFA0]  }
0x21: {  	p0 =	sne.s32 s19, s14;
	v12 =	vld [tilespmem:$0x1FFB0]  }
.Ltmp1:
0x22: {  	v13 =	vld [tilespmem:$0x1FFC0];
	(pc) =	sbr.rel @!p0 .LBB2_34-.Ltmp1, $4  }
0x23: {  	v14 =	vld [tilespmem:$0x1FFD0]  }
0x24: {  	v4 =	vld [tilespmem:$0x1FFE0]  }
0x25: {  	[sflag:s18] =	ssyncset.done $0x0;
	v15 =	vld [tilespmem:$0x1FFF0]  }
0x26: {  	v3 =	vld [tilespmem:$0x1FF20];
	[sflag:s18] =	ssyncadd.s32 $0xFFFFFF80  }
.LBB2_1:
0x27: {  	s0 =	rddreg [dreg:$0x7]  }
0x28: {  	[tilespmem:s2], [sflag:$0x1] =	stream.linear.gather [hbm4b:s0+s2], $0x8000, $0x38;
	[tilespmem:$0x10080] =	vst v63  }
0x29: {  	s29 =	rddreg [dreg:$0x8]  }
0x2a: {  	[tilespmem:s15], [sflag:$0x2] =	stream.linear.gather [hbm4b:s29+s2], $0x8000, $0x38;
	[tilespmem:$0x10080] =	vst v63  }
0x2b: {  	s30 =	sand.u32 $0xF00, s2;
	_ =	swait.ge [sflag:s4], $0x8000  }
0x2c: {  	s1 =	sshll.u32 s30, $0x3;
	[sflag:s4] =	ssyncset.done $0x0  }
0x2d: {  	s20 =	sadd.s32 $0x0, s1;
	[sflag:s4] =	ssyncadd.s32 $0xFFFF8000  }
0x2e: {  	s31 =	sadd.s32 $0x0, s5;
	v1 =	vld [tilespmem:s20+$0x20]  }
0x2f: {  	s1 =	sshll.u32 s31, $0xF;
	v16 =	vld [tilespmem:s20+$0x70]  }
0x30: {  	s1 =	sor.u32 s3, s1;
	v33 =	vld [tilespmem:s20+$0x60]  }
0x31: {  	v31 =	vimm.s32 $0x7FFFFFFF;
	s21 =	sor.u32 s30, s1;
	v17 =	vld [tilespmem:s20+$0x50]  }
0x32: {  	v23 =	vor.u32 s21, v2;
	v32 =	vor.u32 s21, v8;
	v22 =	vor.u32 s21, v0;
	v18 =	vld [tilespmem:s20+$0x10]  }
0x33: {  	v38 =	vor.u32 s21, v6;
	v2 =	vimm.f32 $-1.000000000e+00;
	v27 =	vor.u32 s21, v7;
	v19 =	vld [tilespmem:s20+$0x40]  }
0x34: {  	v36 =	vor.u32 s21, v12;
	v20 =	vor.u32 s21, v5;
	v21 =	vor.u32 s21, v13;
	v53 =	vld [tilespmem:s20+$0x0]  }
0x35: {  	v34 =	vor.u32 s21, v14;
	v26 =	vor.u32 s21, v15;
	v28 =	vor.u32 s21, v10  }
0x36: {  	v29 =	vor.u32 s21, v11;
	v51 =	vor.u32 s21, v9;
	vm6 =	vgt.f32 v1, v2  }
0x37: {  	vm2 =	vgt.f32 v16, v2;
	vm3 =	vgt.f32 v17, v2;
	vm1 =	vgt.f32 v33, v2  }
0x38: {  	v41 =	vmin.f32 v17, v2;
	v44 =	vmin.f32 v1, v2;
	vm4 =	vgt.f32 v19, v2  }
0x39: {  	v61 =	vmin.f32 v16, v2;
	vm7 =	vgt.f32 v18, v2;
	vm8 =	vgt.f32 v53, v2  }
0x3a: {  	v24 =	vld [tilespmem:s20+$0x470];
	v37 =	vsel vm6, v1, v2;
	v40 =	vsel vm2, v21, v31;
	v25 =	vsel vm2, v16, v2  }
0x3b: {  	v39 =	vld [tilespmem:s20+$0x450];
	v21 =	vmin.f32 v18, v2;
	v1 =	vsel vm3, v29, v31;
	v29 =	vor.u32 s21, v4  }
0x3c: {  	v30 =	vld [tilespmem:s20+$0x420];
	v45 =	vmax.f32 v2, v41;
	v47 =	vsel vm3, v17, v2;
	v42 =	vsel vm4, v28, v31  }
0x3d: {  	v43 =	vld [tilespmem:s20+$0x440];
	v16 =	vmin.f32 v19, v2;
	v52 =	vmax.f32 v2, v61;
	v41 =	vor.u32 s21, v3  }
0x3e: {  	v56 =	vld [tilespmem:s20+$0x400];
	v46 =	vsel vm4, v19, v2;
	v19 =	vmin.f32 v53, v2;
	v62 =	vsel vm8, v53, v2  }
0x3f: {  	v55 =	vsel vm7, v51, v31;
	v53 =	vsel vm8, v22, v31;
	v57 =	vmax.f32 v2, v44  }
0x40: {  	v35 =	vld [tilespmem:s20+$0x30];
	v44 =	vimm.s32 $0x7FFFFFFF;
	vm2 =	vgt.f32 v24, v25;
	vm5 =	vgt.f32 v39, v47  }
0x41: {  	v28 =	vmin.f32 v30, v37;
	v49 =	vmin.f32 v24, v25;
	v54 =	vmin.f32 v39, v47  }
0x42: {  	v16 =	vmax.f32 v2, v16;
	vm3 =	vgt.f32 v30, v37;
	v50 =	vmax.f32 v2, v21  }
0x43: {  	vm4 =	vgt.f32 v43, v46;
	v19 =	vmax.f32 v2, v19;
	v63 =	vmin.f32 v56, v62  }
0x44: {  	v48 =	vld [tilespmem:s20+$0x410];
	v17 =	vsel vm5, v20, v1;
	v20 =	vmax.f32 v45, v54;
	v21 =	vsel vm5, v39, v47  }
0x45: {  	v1 =	vsel vm7, v18, v2;
	v18 =	vmin.f32 v35, v2;
	v54 =	vmin.f32 v43, v46  }
0x46: {  	vm5 =	vgt.f32 v56, v62;
	v22 =	vsel vm2, v27, v40;
	v27 =	vsel vm6, v23, v31  }
0x47: {  	vm6 =	vgt.f32 v35, v2;
	v40 =	vimm.f32 $-1.000000000e+00;
	v45 =	vimm.f32 $-1.000000000e+00  }
0x48: {  	v9 =	vmovc v4;
	v39 =	vimm.f32 $-1.000000000e+00;
	v47 =	vmax.f32 v2, v18;
	v18 =	vmax.f32 v19, v63  }
0x49: {  	s22 =	simm.s32 $0x100;
	s0 =	simm.s32 $0x1;
	v8 =	vmovc v3;
	v51 =	vld [tilespmem:s20+$0x460];
	v19 =	vsel vm5, v56, v62;
	vm7 =	vgt.f32 v48, v1;
	v56 =	vmin.f32 v48, v1  }
.LBB2_2:
0x4a: {  	v62 =	vor.u32 s21, v58;
	v52 =	vmax.f32 v52, v49;
	v49 =	vsel vm2, v24, v25  }
0x4b: {  	v23 =	vmax.f32 v57, v28;
	v27 =	vsel vm3, v26, v27;
	v16 =	vmax.f32 v16, v54  }
0x4c: {  	v50 =	vmax.f32 v50, v56;
	v55 =	vsel vm7, v29, v55;
	v28 =	vsel vm3, v30, v37;
	v25 =	vld [tilespmem:s20+$0x430]  }
0x4d: {  	s1 =	sshrl.u32 s0, $0x4;
	s6 =	sand.u32 $0xF00, s22;
	s10 =	smov.u32 s0;
	v24 =	vsel vm6, v32, v31;
	v26 =	vsel vm1, v33, v40;
	v1 =	vsel vm7, v48, v1;
	v2 =	vld [tilespmem:$0x1FF70]  }
0x4e: {  	v29 =	vsel vm1, v36, v44;
	v31 =	vmin.f32 v33, v40;
	v53 =	vsel vm5, v34, v53;
	s10 =	sadd.s32 s5, s1;
	s1 =	sshll.u32 s1, $0x7;
	s11 =	sshll.u32 s6, $0x3  }
0x4f: {  	v46 =	vsel vm4, v43, v46;
	v63 =	vsel vm6, v35, v45;
	v42 =	vsel vm4, v62, v42;
	s10 =	sshll.u32 s10, $0xF;
	s20 =	sadd.s32 s1, s11  }
0x50: {  	v31 =	vmax.f32 v39, v31;
	v48 =	vld [tilespmem:s20+$0x70];
	s31 =	sor.u32 s3, s10;
	vm1 =	vgt.f32 v51, v26;
	v59 =	vmin.f32 v51, v26  }
0x51: {  	v33 =	vld [tilespmem:s20+$0x60];
	s21 =	sor.u32 s6, s31;
	v35 =	vmin.f32 v25, v63;
	v39 =	vmax.f32 v31, v59;
	v40 =	vsel vm1, v51, v26  }
0x52: {  	v4 =	vmovc v58;
	v43 =	vld [tilespmem:s20+$0x20];
	vm2 =	vgt.f32 v25, v63;
	v44 =	vsel vm1, v38, v29;
	v58 =	vor.u32 s21, v2  }
0x53: {  	v54 =	vld [tilespmem:s20+$0x50];
	v57 =	vor.u32 s21, v0;
	v38 =	vor.u32 s21, v6;
	v59 =	vor.u32 s21, v7  }
0x54: {  	v56 =	vld [tilespmem:s20+$0x40];
	v36 =	vor.u32 s21, v12;
	v34 =	vor.u32 s21, v14;
	v26 =	vor.u32 s21, v15  }
0x55: {  	v61 =	vor.u32 s21, v10;
	v29 =	vor.u32 s21, v11;
	v47 =	vmax.f32 v47, v35  }
0x56: {  	v3 =	vld [tilespmem:$0x1FF10];
	v31 =	vsel vm2, v41, v24;
	v45 =	vsel vm2, v25, v63;
	v41 =	vor.u32 s21, v5  }
0x57: {  	v60 =	vld [tilespmem:s20+$0x450];
	v25 =	vor.u32 s21, v13;
	vm6 =	vgt.f32 v43, v28;
	vm3 =	vgt.f32 v48, v49  }
0x58: {  	v2 =	vld [tilespmem:$0x1FF80];
	vm4 =	vgt.f32 v54, v21;
	vm1 =	vgt.f32 v33, v40;
	v63 =	vmin.f32 v54, v21  }
0x59: {  	v51 =	vld [tilespmem:s20+$0x10];
	vm5 =	vgt.f32 v56, v46;
	v37 =	vsel vm6, v43, v28;
	v22 =	vsel vm3, v25, v22  }
0x5a: {  	v30 =	vld [tilespmem:s20+$0x420];
	v25 =	vsel vm3, v48, v49;
	v17 =	vsel vm4, v29, v17;
	v29 =	vor.u32 s21, v9  }
0x5b: {  	v20 =	vmax.f32 v20, v63;
	v21 =	vsel vm4, v54, v21;
	v42 =	vsel vm5, v61, v42  }
0x5c: {  	v24 =	vld [tilespmem:s20+$0x470];
	v48 =	vmin.f32 v48, v49;
	v61 =	vor.u32 s21, v3;
	v54 =	vmin.f32 v56, v46  }
0x5d: {  	v46 =	vsel vm5, v56, v46;
	v27 =	vsel vm6, v58, v27;
	v32 =	vor.u32 s21, v2  }
0x5e: {  	v35 =	vld [tilespmem:s20+$0x30];
	v62 =	vmin.f32 v51, v1;
	v2 =	vmin.f32 v43, v28;
	vm4 =	vgt.f32 v60, v21  }
0x5f: {  	v28 =	vmin.f32 v30, v37;
	vm7 =	vgt.f32 v51, v1;
	v3 =	vmin.f32 v60, v21  }
0x60: {  	v63 =	vld [tilespmem:s20+$0x0];
	v16 =	vmax.f32 v16, v54;
	vm3 =	vgt.f32 v30, v37;
	v52 =	vmax.f32 v52, v48  }
0x61: {  	v43 =	vld [tilespmem:s20+$0x440];
	vm2 =	vgt.f32 v24, v25;
	v49 =	vmin.f32 v24, v25;
	v17 =	vsel vm4, v41, v17  }
0x62: {  	v48 =	vld [tilespmem:s20+$0x410];
	v50 =	vmax.f32 v50, v62;
	v41 =	vor.u32 s21, v8;
	v20 =	vmax.f32 v20, v3  }
0x63: {  	v62 =	vld [tilespmem:s20+$0x400];
	v21 =	vsel vm4, v60, v21;
	v1 =	vsel vm7, v51, v1;
	v3 =	vmin.f32 v35, v45  }
0x64: {  	p0 =	sne.s32 s0, $0x7F;
	v55 =	vsel vm7, v61, v55;
	vm6 =	vgt.f32 v35, v45;
	v47 =	vmax.f32 v47, v3  }
.Ltmp2:
0x65: {  	v22 =	vsel vm2, v59, v22;
	vm8 =	vgt.f32 v63, v19;
	v60 =	vmin.f32 v63, v19;
	(pc) =	sbr.rel @p0 .LBB2_2-.Ltmp2, $4  }
0x66: {  	v54 =	vmin.f32 v43, v46;
	vm4 =	vgt.f32 v43, v46;
	v18 =	vmax.f32 v18, v60  }
0x67: {  	v19 =	vsel vm8, v63, v19;
	vm7 =	vgt.f32 v48, v1;
	v53 =	vsel vm8, v57, v53  }
0x68: {  	s23 =	sadd.s32 $0x1, s0;
	v56 =	vmin.f32 v48, v1;
	vm5 =	vgt.f32 v62, v19;
	v3 =	vmin.f32 v62, v19  }
0x69: {  	s22 =	sadd.s32 $0x100, s22;
	s0 =	smov.u32 s23;
	v58 =	vmovc v4;
	v51 =	vld [tilespmem:s20+$0x460];
	v57 =	vmax.f32 v23, v2;
	v18 =	vmax.f32 v18, v3;
	v19 =	vsel vm5, v62, v19  }
0x6a: {  	v2 =	vor.u32 s21, v58  }
0x6b: {  	v23 =	vmax.f32 v52, v49;
	v24 =	vsel vm2, v24, v25;
	v25 =	vmax.f32 v57, v28  }
0x6c: {  	v26 =	vsel vm3, v26, v27;
	v27 =	vmax.f32 v16, v54;
	v28 =	vmax.f32 v50, v56  }
0x6d: {  	v3 =	vld [tilespmem:s20+$0x430];
	v29 =	vsel vm7, v29, v55;
	v30 =	vsel vm3, v30, v37;
	v16 =	vsel vm6, v32, v31  }
0x6e: {  	v60 =	vsel vm1, v33, v40;
	v31 =	vsel vm7, v48, v1;
	v1 =	vsel vm1, v36, v44  }
0x6f: {  	v61 =	vsel vm6, v35, v45;
	v6 =	vimm.f32 $-1.000000000e+00;
	v5 =	vimm.s32 $0x0  }
.Ltmp3:
0x70: {  	v32 =	vsel vm4, v2, v42;
	v2 =	vmin.f32 v33, v40;
	v33 =	vsel vm5, v34, v53;
	(pc) =	sbr.rel .LBB2_4-.Ltmp3, $4  }
0x71: {  	v34 =	vsel vm4, v43, v46;
	v2 =	vmax.f32 v39, v2;
	v62 =	vmin.f32 v51, v60  }
0x72: {  	vm1 =	vgt.f32 v51, v60;
	v63 =	vmin.f32 v3, v61;
	v35 =	vmax.f32 v2, v62  }
0x73: {  	v36 =	vsel vm1, v51, v60;
	vm2 =	vgt.f32 v3, v61;
	v38 =	vsel vm1, v38, v1  }
0x74: {  	s20 =	simm.s32 $0x0;
	v37 =	vmax.f32 v47, v63;
	v39 =	vsel vm2, v41, v16;
	v40 =	vsel vm2, v3, v61  }
.LBB2_8:
0x75: {  	vm1 =	veq.f32 v1, v43  }
0x76: {  	v1 =	vnsel vm1, $0xFFFFFFFF, v16  }
0x77: {  	(xrf0) =	vmin.scan.msk.u32 $0xffff, v1;
	_ =	sdelay $0x5  }
0x78: {  	v1, _, _ =	vpop (xrf0)  }
0x79: {  	(v2sf) =	vpush v1, $0xF;
	_ =	sdelay $0xe  }
0x7a: {  	s0 =	spop (v2sf)  }
0x7b: {  	s1 =	sxor.u32 $0x80000000, s0  }
0x7c: {  	s10 =	sand.u32 $0x7FFF, s0;
	s6 =	sshrl.u32 s1, $0xF  }
0x7d: {  	vm2 =	vmmov vm0;
	v1 =	vmov s20;
	s10 =	ssub.s32 s10, s3;
	s6 =	ssub.s32 s6, s5  }
0x7e: {  	vm1 =	veq.s32 v1, v0;
	v1 =	vmov s10;
	v2 =	vmov s6  }
0x7f: {  	vm3 =	vmmov vm0;
	s30 =	sshrl.u32 s0, $0x4;
	v16 =	vshll.u32 v1, $0x3;
	v3 =	vshll.u32 v2, $0xC  }
0x80: {  	vm4 =	vmmov vm0;
	s0 =	sand.u32 $0xF, s0;
	s31 =	sand.u32 $0x7, s30;
	v16 =	vand.u32 $0xFFFFFC00, v16;
	v3 =	vand.u32 $0xFFFF8000, v3  }
0x81: {  	v6 =	vsel vm1, v43, v6;
	p0 =	seq.s32 s31, $0x0;
	v3 =	vadd.s32 v16, v3;
	v16 =	vmov s0  }
0x82: {  	v5 =	vsel vm1, s1, v5;
	vm2 =	vmneg @p0 vm2;
	vm1 =	veq.s32 v16, v0  }
0x83: {  	v1 =	vand.u32 $0x7F, v1;
	p0 =	seq.s32 s31, $0x1;
	v2 =	vshll.u32 v2, $0x7;
	vm2 =	vmand vm1, vm2  }
0x84: {  	vm3 =	vmneg @p0 vm3;
	v19 =	vsel vm2, v18, v19;
	v33 =	vsel vm2, $0x40000000, v33  }
0x85: {  	p0 =	seq.s32 s31, $0x2;
	v18 =	vsel vm2, $0xBF800000, v18;
	vm2 =	vmand vm1, vm3;
	vm3 =	vmmov vm0  }
0x86: {  	v2 =	vand.u32 $0x380, v2;
	v31 =	vsel vm2, v28, v31;
	vm3 =	vmneg @p0 vm3  }
0x87: {  	v29 =	vsel vm2, $0x40000001, v29;
	p0 =	seq.s32 s31, $0x3;
	v28 =	vsel vm2, $0xBF800000, v28;
	vm2 =	vmand vm1, vm3  }
0x88: {  	v2 =	vor.u32 v2, v3;
	vm4 =	vmneg @p0 vm4;
	v30 =	vsel vm2, v25, v30  }
0x89: {  	p0 =	seq.s32 s31, $0x4;
	v26 =	vsel vm2, $0x40000002, v26;
	vm3 =	vmand vm1, vm4;
	vm4 =	vmmov vm0  }
0x8a: {  	v25 =	vsel vm2, $0xBF800000, v25;
	v40 =	vsel vm3, v37, v40;
	vm4 =	vmneg @p0 vm4  }
0x8b: {  	v39 =	vsel vm3, $0x40000003, v39;
	v37 =	vsel vm3, $0xBF800000, v37;
	p0 =	seq.s32 s31, $0x5;
	vm3 =	vmmov vm0  }
0x8c: {  	vm2 =	vmand vm1, vm4;
	vm3 =	vmneg @p0 vm3;
	vm4 =	vmmov vm0  }
0x8d: {  	p0 =	seq.s32 s31, $0x6;
	v34 =	vsel vm2, v27, v34;
	v32 =	vsel vm2, $0x40000004, v32;
	v27 =	vsel vm2, $0xBF800000, v27  }
0x8e: {  	s20 =	sadd.s32 $0x1, s20;
	vm2 =	vmand vm1, vm3;
	vm4 =	vmneg @p0 vm4;
	p0 =	seq.s32 s31, $0x7;
	vm3 =	vmmov vm0  }
0x8f: {  	v1 =	vor.u32 v1, v2;
	vm3 =	vmneg @p0 vm3;
	p0 =	sne.s32 s20, $0xA  }
.Ltmp4:
0x90: {  	_ = 	snop;
	(pc) =	sbr.rel @!p0 .LBB2_9-.Ltmp4, $4  }
0x91: {  	v2 =	vimm.f32 $-1.000000000e+00;
	v21 =	vsel vm2, v20, v21;
	v17 =	vsel vm2, $0x40000005, v17  }
0x92: {  	v20 =	vsel vm2, $0xBF800000, v20;
	vm2 =	vmand vm1, vm4;
	vm1 =	vmand vm1, vm3  }
0x93: {  	v36 =	vsel vm2, v35, v36;
	v38 =	vsel vm2, $0x40000006, v38;
	v35 =	vsel vm2, $0xBF800000, v35  }
0x94: {  	[tilespmem:v1+s2+$0x0] =	vst.idx.msk $0x1, v2;
	v24 =	vsel vm1, v23, v24;
	v22 =	vsel vm1, $0x40000007, v22;
	v23 =	vsel vm1, $0xBF800000, v23  }
.LBB2_4:
0x95: {  	vm1 =	veq.f32 v31, v19;
	vm2 =	vlt.s32 v29, v33  }
0x96: {  	vm3 =	vgt.f32 v31, v19;
	vm1 =	vmand vm1, vm2  }
0x97: {  	vm1 =	vmor vm3, vm1  }
0x98: {  	v1 =	vsel vm1, v31, v19;
	v2 =	vsel vm1, v29, v33  }
0x99: {  	vm1 =	veq.f32 v30, v1;
	vm2 =	vlt.s32 v26, v2  }
0x9a: {  	vm3 =	vgt.f32 v30, v1;
	vm1 =	vmand vm1, vm2  }
0x9b: {  	vm1 =	vmor vm3, vm1  }
0x9c: {  	v1 =	vsel vm1, v30, v1;
	v2 =	vsel vm1, v26, v2  }
0x9d: {  	vm1 =	veq.f32 v40, v1;
	vm2 =	vlt.s32 v39, v2  }
0x9e: {  	vm3 =	vgt.f32 v40, v1;
	vm1 =	vmand vm1, vm2  }
0x9f: {  	vm1 =	vmor vm3, vm1  }
0xa0: {  	v1 =	vsel vm1, v40, v1;
	v2 =	vsel vm1, v39, v2  }
0xa1: {  	vm1 =	veq.f32 v34, v1;
	vm2 =	vlt.s32 v32, v2  }
0xa2: {  	vm3 =	vgt.f32 v34, v1;
	vm1 =	vmand vm1, vm2  }
0xa3: {  	vm1 =	vmor vm3, vm1  }
0xa4: {  	v1 =	vsel vm1, v34, v1;
	v2 =	vsel vm1, v32, v2  }
0xa5: {  	vm1 =	veq.f32 v21, v1;
	vm2 =	vlt.s32 v17, v2  }
0xa6: {  	vm3 =	vgt.f32 v21, v1;
	vm1 =	vmand vm1, vm2  }
0xa7: {  	vm1 =	vmor vm3, vm1  }
0xa8: {  	v1 =	vsel vm1, v21, v1;
	v2 =	vsel vm1, v17, v2  }
0xa9: {  	vm1 =	veq.f32 v36, v1;
	vm2 =	vlt.s32 v38, v2  }
0xaa: {  	vm3 =	vgt.f32 v36, v1;
	vm1 =	vmand vm1, vm2  }
0xab: {  	vm1 =	vmor vm3, vm1  }
0xac: {  	v1 =	vsel vm1, v36, v1;
	v2 =	vsel vm1, v38, v2  }
0xad: {  	vm1 =	veq.f32 v24, v1;
	vm2 =	vlt.s32 v22, v2  }
0xae: {  	vm3 =	vgt.f32 v24, v1;
	vm1 =	vmand vm1, vm2  }
0xaf: {  	vm1 =	vmor vm3, vm1  }
0xb0: {  	v1 =	vsel vm1, v24, v1  }
0xb1: {  	(xrf0) =	vmax.scan.msk.f32 $0xffff, v1;
	_ =	sdelay $0x5  }
0xb2: {  	v3, _, _ =	vpop (xrf0)  }
0xb3: {  	v43 =	vbroadcast v3, $0xF  }
0xb4: {  	v2 =	vsel vm1, v22, v2  }
0xb5: {  	v16 =	vxor.u32 $0x80000000, v2;
	vm1 =	veq.f32 v1, v43  }
0xb6: {  	v2 =	vnsel vm1, $0x80000000, v16  }
0xb7: {  	(xrf0) =	vmax.scan.msk.u32 $0xffff, v2;
	_ =	sdelay $0x5  }
0xb8: {  	v2, _, _ =	vpop (xrf0)  }
0xb9: {  	(v2sf) =	vpush v2, $0xF;
	_ =	sdelay $0xe  }
0xba: {  	s21 =	spop (v2sf)  }
0xbb: {  	p0 =	slt.u32 s21, $0xC0000000  }
.Ltmp5:
0xbc: {  	_ = 	snop;
	(pc) =	sbr.rel @p0 .LBB2_8-.Ltmp5, $1  }
0xbd: {  	_ =	sdelay $0x3  }
.LBB2_5:
0xbe: {  	s23 =	sshll.u32 s21, $0x4  }
0xbf: {  	s24 =	simm.s32 $0x0;
	s6 =	sadd.s32 $0x0, s5;
	s0 =	sadd.s32 s3, s23  }
0xc0: {  	s22 =	sand.u32 $0x70, s23;
	[dreg:$0x3] =	wrdreg s0;
	s0 =	sand.u32 $0xE00, s24  }
0xc1: {  	s6 =	sshll.u32 s6, $0xF;
	s10 =	sadd.s32 s23, s0;
	s11 =	sor.u32 $0x80, s0  }
0xc2: {  	s17 =	sor.u32 $0x100, s0;
	s24 =	sor.u32 $0x180, s0;
	s10 =	sshll.u32 s10, $0x3  }
0xc3: {  	s25 =	sadd.s32 s23, s11;
	s26 =	sadd.s32 s23, s17;
	s28 =	sadd.s32 s23, s24  }
0xc4: {  	s10 =	sand.u32 $0xFFFFFC00, s10;
	s25 =	sshll.u32 s25, $0x3;
	s26 =	sshll.u32 s26, $0x3  }
0xc5: {  	s28 =	sshll.u32 s28, $0x3;
	s10 =	sor.u32 s10, s22;
	s25 =	sand.u32 $0xFFFFFC00, s25  }
0xc6: {  	s26 =	sand.u32 $0xFFFFFC00, s26;
	s10 =	sadd.s32 $0x0, s10;
	s25 =	sor.u32 s25, s22  }
0xc7: {  	v52 =	vimm.s32 $0x7FFFFFFF;
	v2 =	vld [tilespmem:s10+$0x0];
	s10 =	sadd.s32 $0x0, s25;
	s25 =	sor.u32 s26, s22;
	s26 =	sand.u32 $0xFFFFFC00, s28  }
0xc8: {  	v55 =	vimm.f32 $-1.000000000e+00;
	v58 =	vimm.f32 $-1.000000000e+00;
	v59 =	vimm.f32 $-1.000000000e+00;
	s1 =	rddreg [dreg:$0x3];
	v57 =	vld [tilespmem:s10+$0x0];
	s25 =	sadd.s32 $0x0, s25;
	s26 =	sor.u32 s26, s22  }
0xc9: {  	v48 =	vimm.f32 $-1.000000000e+00;
	v49 =	vimm.f32 $-1.000000000e+00;
	v63 =	vimm.s32 $0x7FFFFFFF;
	s1 =	sadd.s32 s6, s1;
	v61 =	vld [tilespmem:s25+$0x0];
	s10 =	sadd.s32 $0x0, s26  }
0xca: {  	s30 =	simm.s32 $0x200;
	v50 =	vimm.f32 $-1.000000000e+00;
	v41 =	vimm.s32 $0x7FFFFFFF;
	v3 =	vor.u32 s1, v0;
	v47 =	vld [tilespmem:s10+$0x0]  }
0xcb: {  	s31 =	simm.s32 $0x0;
	v60 =	vadd.s32 s0, v3;
	v1 =	vadd.s32 s11, v3;
	v42 =	vadd.s32 s24, v3;
	s24 =	sand.u32 $0xE00, s30  }
0xcc: {  	s1 =	sadd.s32 $0x0, s5;
	v62 =	vadd.s32 s17, v3;
	s17 =	sadd.s32 s23, s24;
	s29 =	sor.u32 $0x100, s24;
	v16 =	vmin.f32 v2, v55;
	vm1 =	vgt.f32 v2, v55  }
0xcd: {  	s28 =	sor.u32 $0x80, s24;
	s0 =	sshll.u32 s17, $0x3;
	s6 =	sadd.s32 s23, s29;
	v3 =	vmin.f32 v57, v55;
	v45 =	vmax.f32 v55, v16;
	v46 =	vsel vm1, v2, v55  }
0xce: {  	s17 =	sadd.s32 s23, s28;
	s11 =	sand.u32 $0xFFFFFC00, s0;
	s25 =	sor.u32 $0x180, s24;
	vm4 =	vgt.f32 v57, v55;
	v16 =	vimm.s32 $0x7FFFFFFF;
	v44 =	vmax.f32 v55, v3  }
0xcf: {  	s0 =	simm.s32 $0x2;
	s26 =	rddreg [dreg:$0x3];
	s10 =	sadd.s32 s23, s25;
	v51 =	vmin.f32 v61, v55;
	vm2 =	vgt.f32 v61, v55;
	vm3 =	vgt.f32 v47, v55  }
.LBB2_6:
0xd0: {  	s17 =	sshll.u32 s17, $0x3;
	s6 =	sshll.u32 s6, $0x3  }
0xd1: {  	s11 =	sor.u32 s11, s22;
	s10 =	sshll.u32 s10, $0x3;
	s17 =	sand.u32 $0xFFFFFC00, s17  }
0xd2: {  	s11 =	sadd.s32 s31, s11;
	s6 =	sand.u32 $0xFFFFFC00, s6;
	s17 =	sor.u32 s17, s22  }
0xd3: {  	v55 =	vsel vm4, v57, v55;
	s10 =	sand.u32 $0xFFFFFC00, s10;
	v2 =	vld [tilespmem:s11+$0x0];
	s6 =	sor.u32 s6, s22;
	s17 =	sadd.s32 s31, s17  }
0xd4: {  	v58 =	vsel vm2, v61, v58;
	v59 =	vsel vm3, v47, v59;
	v52 =	vsel vm4, v1, v52;
	s1 =	sshll.u32 s1, $0xF;
	s10 =	sor.u32 s10, s22;
	s6 =	sadd.s32 s31, s6;
	v57 =	vld [tilespmem:s17+$0x0]  }
0xd5: {  	v48 =	vmax.f32 v48, v51;
	v1 =	vmin.f32 v47, v49;
	v63 =	vsel vm2, v62, v63;
	s1 =	sadd.s32 s1, s26;
	s10 =	sadd.s32 s31, s10;
	v61 =	vld [tilespmem:s6+$0x0]  }
0xd6: {  	p0 =	sne.s32 s0, $0x3F;
	v16 =	vsel vm3, v42, v16;
	v41 =	vsel vm1, v60, v41;
	s30 =	sadd.s32 $0x200, s30;
	s26 =	rddreg [dreg:$0x3];
	v3 =	vor.u32 s1, v0;
	v47 =	vld [tilespmem:s10+$0x0]  }
.Ltmp6:
0xd7: {  	v50 =	vmax.f32 v50, v1;
	s11 =	sshrl.u32 s0, $0x3;
	s0 =	sadd.s32 $0x1, s0;
	v60 =	vadd.s32 s24, v3;
	v1 =	vadd.s32 s28, v3;
	(pc) =	sbr.rel @p0 .LBB2_6-.Ltmp6, $4  }
0xd8: {  	s24 =	sand.u32 $0xE00, s30;
	v62 =	vadd.s32 s29, v3;
	s1 =	sadd.s32 s5, s11;
	s31 =	sshll.u32 s11, $0x7;
	v56 =	vmin.f32 v2, v46;
	vm1 =	vgt.f32 v2, v46  }
0xd9: {  	v42 =	vadd.s32 s25, v3;
	s17 =	sadd.s32 s23, s24;
	s28 =	sor.u32 $0x80, s24;
	s29 =	sor.u32 $0x100, s24;
	v45 =	vmax.f32 v45, v56;
	v46 =	vsel vm1, v2, v46  }
0xda: {  	s25 =	sor.u32 $0x180, s24;
	s10 =	sshll.u32 s17, $0x3;
	s17 =	sadd.s32 s23, s28;
	v3 =	vmin.f32 v57, v55;
	v51 =	vmin.f32 v61, v58;
	vm4 =	vgt.f32 v57, v55  }
0xdb: {  	v49 =	vmovc v59;
	s6 =	sadd.s32 s23, s29;
	s11 =	sand.u32 $0xFFFFFC00, s10;
	s10 =	sadd.s32 s23, s25;
	vm2 =	vgt.f32 v61, v58;
	vm3 =	vgt.f32 v47, v59;
	v44 =	vmax.f32 v44, v3  }
0xdc: {  	s0 =	sshll.u32 s17, $0x3;
	s6 =	sshll.u32 s6, $0x3  }
0xdd: {  	s11 =	sor.u32 s11, s22;
	s10 =	sshll.u32 s10, $0x3;
	s0 =	sand.u32 $0xFFFFFC00, s0  }
0xde: {  	s11 =	sadd.s32 s31, s11;
	s6 =	sand.u32 $0xFFFFFC00, s6;
	s0 =	sor.u32 s0, s22  }
0xdf: {  	s10 =	sand.u32 $0xFFFFFC00, s10;
	v53 =	vld [tilespmem:s11+$0x0];
	s6 =	sor.u32 s6, s22;
	s0 =	sadd.s32 s31, s0  }
0xe0: {  	s22 =	sor.u32 s10, s22;
	s17 =	sadd.s32 s31, s6;
	v54 =	vld [tilespmem:s0+$0x0]  }
0xe1: {  	s1 =	sshll.u32 s1, $0xF;
	s23 =	sadd.s32 s31, s22;
	v56 =	vld [tilespmem:s17+$0x0]  }
0xe2: {  	v55 =	vsel vm4, v57, v55;
	v58 =	vsel vm2, v61, v58;
	v57 =	vsel vm3, v47, v59;
	s1 =	sadd.s32 s1, s26;
	v59 =	vld [tilespmem:s23+$0x0]  }
0xe3: {  	v1 =	vsel vm4, v1, v52;
	v2 =	vsel vm2, v62, v63;
	v3 =	vor.u32 s1, v0  }
0xe4: {  	v16 =	vsel vm3, v42, v16;
	v41 =	vsel vm1, v60, v41;
	v42 =	vadd.s32 s24, v3  }
0xe5: {  	v13 =	vadd.s32 s28, v3;
	v14 =	vadd.s32 s29, v3;
	vm1 =	vgt.f32 v53, v46  }
0xe6: {  	v3 =	vadd.s32 s25, v3;
	v9 =	vsel vm1, v53, v46;
	vm2 =	vgt.f32 v54, v55  }
0xe7: {  	vm3 =	vgt.f32 v56, v58;
	vm15 =	vgt.f32 v59, v57;
	v1 =	vsel vm2, v13, v1  }
0xe8: {  	v10 =	vsel vm2, v54, v55;
	v2 =	vsel vm3, v14, v2;
	v11 =	vsel vm3, v56, v58  }
0xe9: {  	v12 =	vsel vm15, v59, v57;
	v3 =	vsel vm15, v3, v16;
	v16 =	vsel vm1, v42, v41  }
0xea: {  	vm1 =	vgt.f32 v11, v9;
	vm2 =	veq.f32 v11, v9;
	vm3 =	vlt.s32 v2, v16  }
0xeb: {  	vm4 =	vlt.s32 v3, v1;
	vm2 =	vmand vm2, vm3;
	vm3 =	veq.f32 v12, v10  }
0xec: {  	vm1 =	vmor vm1, vm2;
	vm2 =	vgt.f32 v12, v10;
	vm3 =	vmand vm3, vm4  }
0xed: {  	v13 =	vsel vm1, v11, v9;
	vm2 =	vmor vm2, vm3  }
0xee: {  	v2 =	vsel vm1, v2, v16;
	v14 =	vsel vm2, v12, v10;
	v1 =	vsel vm2, v3, v1  }
0xef: {  	vm1 =	veq.f32 v14, v13;
	vm2 =	vlt.s32 v1, v2  }
0xf0: {  	vm3 =	vgt.f32 v14, v13;
	vm1 =	vmand vm1, vm2  }
0xf1: {  	s29 =	sadd.s32 $0x40000000, s21;
	vm1 =	vmor vm3, vm1  }
0xf2: {  	p0 =	seq.s32 s29, $0x0;
	v3 =	vsel vm1, v14, v13  }
0xf3: {  	p1 =	seq.s32 s29, $0x1;
	v1 =	vsel vm1, v1, v2;
	v19 =	vpsel p0, v3, v19  }
0xf4: {  	v33 =	vpsel p0, v1, v33;
	v31 =	vpsel p1, v3, v31;
	v29 =	vpsel p1, v1, v29  }
0xf5: {  	vm1 =	veq.f32 v31, v19;
	vm2 =	vlt.s32 v29, v33  }
0xf6: {  	p2 =	seq.s32 s29, $0x2;
	vm3 =	vgt.f32 v31, v19;
	vm1 =	vmand vm1, vm2  }
0xf7: {  	v30 =	vpsel p2, v3, v30;
	vm1 =	vmor vm3, vm1  }
0xf8: {  	v26 =	vpsel p2, v1, v26;
	v2 =	vsel vm1, v31, v19;
	v16 =	vsel vm1, v29, v33  }
0xf9: {  	vm1 =	veq.f32 v30, v2;
	vm2 =	vlt.s32 v26, v16  }
0xfa: {  	p3 =	seq.s32 s29, $0x3;
	vm1 =	vmand vm1, vm2;
	vm2 =	vgt.f32 v30, v2  }
0xfb: {  	v40 =	vpsel p3, v3, v40;
	vm1 =	vmor vm2, vm1  }
0xfc: {  	v39 =	vpsel p3, v1, v39;
	v2 =	vsel vm1, v30, v2;
	v16 =	vsel vm1, v26, v16  }
0xfd: {  	vm1 =	veq.f32 v40, v2;
	vm2 =	vlt.s32 v39, v16  }
0xfe: {  	p4 =	seq.s32 s29, $0x4;
	vm1 =	vmand vm1, vm2;
	vm2 =	vgt.f32 v40, v2  }
0xff: {  	v34 =	vpsel p4, v3, v34;
	vm1 =	vmor vm2, vm1  }
0x100: {  	v32 =	vpsel p4, v1, v32;
	v2 =	vsel vm1, v40, v2;
	v16 =	vsel vm1, v39, v16  }
0x101: {  	vm1 =	veq.f32 v34, v2;
	vm2 =	vlt.s32 v32, v16  }
0x102: {  	p5 =	seq.s32 s29, $0x5;
	vm1 =	vmand vm1, vm2;
	vm2 =	vgt.f32 v34, v2  }
0x103: {  	v21 =	vpsel p5, v3, v21;
	vm1 =	vmor vm2, vm1  }
0x104: {  	v17 =	vpsel p5, v1, v17;
	v2 =	vsel vm1, v34, v2;
	v16 =	vsel vm1, v32, v16  }
0x105: {  	vm1 =	veq.f32 v21, v2;
	vm2 =	vlt.s32 v17, v16  }
0x106: {  	p6 =	seq.s32 s29, $0x6;
	vm1 =	vmand vm1, vm2;
	vm2 =	vgt.f32 v21, v2  }
0x107: {  	v36 =	vpsel p6, v3, v36;
	vm1 =	vmor vm2, vm1  }
0x108: {  	v38 =	vpsel p6, v1, v38;
	v2 =	vsel vm1, v21, v2;
	v16 =	vsel vm1, v17, v16  }
0x109: {  	s1 =	simm.s32 @!p0 $0x0;
	vm1 =	veq.f32 v36, v2;
	vm2 =	vlt.s32 v38, v16  }
0x10a: {  	s1 =	simm.s32 @p0 $0x1;
	p0 =	seq.s32 s29, $0x7;
	vm1 =	vmand vm1, vm2;
	vm2 =	vgt.f32 v36, v2  }
0x10b: {  	v24 =	vpsel p0, v3, v24;
	vm1 =	vmor vm2, vm1  }
0x10c: {  	v22 =	vpsel p0, v1, v22;
	v1 =	vsel vm1, v36, v2;
	v2 =	vsel vm1, v38, v16  }
0x10d: {  	vm1 =	veq.f32 v24, v1;
	vm2 =	vlt.s32 v22, v2  }
0x10e: {  	vm1 =	vmand vm1, vm2;
	vm2 =	vgt.f32 v24, v1  }
0x10f: {  	vm1 =	vmor vm2, vm1  }
0x110: {  	v1 =	vsel vm1, v24, v1;
	v2 =	vsel vm1, v22, v2  }
0x111: {  	vm1 =	veq.f32 v1, v43;
	v16 =	vxor.u32 $0x80000000, v2  }
0x112: {  	v2 =	vnsel vm1, $0x80000000, v16  }
0x113: {  	(xrf0) =	vmax.scan.msk.u32 $0xffff, v2;
	_ =	sdelay $0x5  }
0x114: {  	v2, _, _ =	vpop (xrf0)  }
0x115: {  	(v2sf) =	vpush v2, $0xF;
	_ =	sdelay $0x5  }
0x116: {  	v53 =	vmin.f32 v53, v46  }
0x117: {  	v45 =	vmax.f32 v45, v53;
	v56 =	vmin.f32 v56, v58  }
0x118: {  	v58 =	vmin.f32 v54, v55;
	v59 =	vmin.f32 v59, v57;
	v3 =	vmin.f32 v47, v49  }
0x119: {  	[smem:$0x7FC] =	sst s1;
	s1 =	simm.s32 @!p1 $0x0;
	v44 =	vmax.f32 v44, v58;
	v3 =	vmax.f32 v50, v3;
	v2 =	vmax.f32 v48, v51  }
0x11a: {  	s1 =	simm.s32 @p1 $0x1;
	s30 =	sld [smem:$0x7FC];
	v61 =	vmin.f32 v9, v11;
	v3 =	vmax.f32 v3, v59;
	v2 =	vmax.f32 v2, v56  }
0x11b: {  	[smem:$0x7FD] =	sst s1;
	v63 =	vmin.f32 v10, v12;
	v3 =	vmax.f32 v44, v3;
	v2 =	vmax.f32 v45, v2  }
0x11c: {  	s31 =	sld [smem:$0x7FD];
	v3 =	vmax.f32 v3, v63;
	v2 =	vmax.f32 v2, v61  }
0x11d: {  	v2 =	vmax.f32 v2, v3;
	v3 =	vmin.f32 v13, v14  }
0x11e: {  	p1 =	seq.s32 s30, $0x1;
	v2 =	vmax.f32 v2, v3  }
0x11f: {  	v18 =	vpsel p1, v2, v18;
	p1 =	seq.s32 s31, $0x1;
	s21 =	spop (v2sf)  }
0x120: {  	v28 =	vpsel p1, v2, v28;
	p1 =	sgt.u32 s21, $0xBFFFFFFF  }
.Ltmp7:
0x121: {  	_ = 	snop;
	(pc) =	sbr.rel @p1 .LBB2_5-.Ltmp7, $4  }
.Ltmp8:
0x122: {  	_ = 	snop;
	(pc) =	sbr.rel @!p1 .LBB2_8-.Ltmp8, $4  }
0x123: {  	_ = 	snop  }
0x124: {  	v25 =	vpsel p2, v2, v25;
	v37 =	vpsel p3, v2, v37;
	v27 =	vpsel p4, v2, v27  }
0x125: {  	v20 =	vpsel p5, v2, v20;
	v35 =	vpsel p6, v2, v35;
	v23 =	vpsel p0, v2, v23  }
0x126: {  	_ = 	snop  }
.LBB2_9:
0x127: {  	[tilespmem:$0x10000] =	vst v6  }
0x128: {  	[tilespmem:$0x10040] =	vst v5;
	s20 =	simm.s32 $0x0;
	s0 =	rddreg [dreg:$0x9]  }
0x129: {  	[tilespmem:s20], [sflag:$0x1] =	stream.linear.gather [hbm4b:s0+s20], $0x8000, $0x38;
	[tilespmem:$0x10080] =	vst v63  }
0x12a: {  	_ =	swait.ge [sflag:s16], $0x8000  }
0x12b: {  	v6 =	vld [tilespmem:$0x1FF70]  }
0x12c: {  	v7 =	vld [tilespmem:$0x1FF80]  }
0x12d: {  	v5 =	vld [tilespmem:$0x1FF50]  }
0x12e: {  	v10 =	vld [tilespmem:$0x1FFB0]  }
0x12f: {  	v11 =	vld [tilespmem:$0x1FFC0]  }
0x130: {  	v12 =	vld [tilespmem:$0x1FFD0]  }
0x131: {  	v8 =	vld [tilespmem:$0x1FF90]  }
0x132: {  	s30 =	sand.u32 $0xF00, s20;
	v9 =	vld [tilespmem:$0x1FFA0]  }
0x133: {  	s1 =	sshll.u32 s30, $0x3;
	[sflag:s16] =	ssyncset.done $0x0;
	v13 =	vld [tilespmem:$0x1FFE0]  }
0x134: {  	s21 =	sadd.s32 $0x0, s1;
	v15 =	vld [tilespmem:$0x1FF20];
	[sflag:s16] =	ssyncadd.s32 $0xFFFF8000  }
0x135: {  	v1 =	vld [tilespmem:s21+$0x8020]  }
0x136: {  	s31 =	sadd.s32 $0x0, s5;
	v2 =	vld [tilespmem:s21+$0x8070]  }
0x137: {  	s1 =	sshll.u32 s31, $0xF;
	v34 =	vld [tilespmem:s21+$0x8060]  }
0x138: {  	s1 =	sor.u32 s7, s1;
	v3 =	vld [tilespmem:s21+$0x8050]  }
0x139: {  	v32 =	vimm.s32 $0x7FFFFFFF;
	s22 =	sor.u32 s30, s1;
	v19 =	vld [tilespmem:s21+$0x8010]  }
0x13a: {  	v51 =	vimm.f32 $-1.000000000e+00;
	v16 =	vld [tilespmem:s21+$0x8040];
	v23 =	vor.u32 s22, v0;
	v24 =	vor.u32 s22, v6  }
0x13b: {  	v48 =	vld [tilespmem:s21+$0x8000];
	v33 =	vor.u32 s22, v7;
	v39 =	vor.u32 s22, v5;
	v37 =	vor.u32 s22, v10  }
0x13c: {  	v5 =	vld [tilespmem:$0x1FF60];
	v17 =	vor.u32 s22, v11;
	v35 =	vor.u32 s22, v12;
	v20 =	vor.u32 s22, v8  }
0x13d: {  	v21 =	vor.u32 s22, v9;
	v30 =	vor.u32 s22, v13;
	v42 =	vor.u32 s22, v15  }
0x13e: {  	vm6 =	vgt.f32 v1, v51;
	vm2 =	vgt.f32 v2, v51;
	vm3 =	vgt.f32 v3, v51  }
0x13f: {  	v25 =	vld [tilespmem:s21+$0x8470];
	vm1 =	vgt.f32 v34, v51;
	v41 =	vmin.f32 v19, v51;
	v45 =	vmin.f32 v1, v51  }
0x140: {  	v22 =	vld [tilespmem:s21+$0x8450];
	vm4 =	vgt.f32 v16, v51;
	vm7 =	vgt.f32 v19, v51;
	vm8 =	vgt.f32 v48, v51  }
0x141: {  	v38 =	vsel vm6, v1, v51;
	v40 =	vsel vm2, v17, v32;
	v28 =	vor.u32 s22, v5;
	v5 =	vld [tilespmem:$0x1FF40]  }
0x142: {  	v31 =	vld [tilespmem:s21+$0x8420];
	v26 =	vsel vm2, v2, v51;
	v17 =	vmin.f32 v3, v51;
	v21 =	vsel vm3, v21, v32  }
0x143: {  	v3 =	vsel vm3, v3, v51;
	v43 =	vsel vm4, v20, v32;
	v2 =	vmin.f32 v2, v51  }
0x144: {  	v36 =	vld [tilespmem:s21+$0x8030];
	v49 =	vmax.f32 v51, v41;
	v47 =	vsel vm4, v16, v51;
	v63 =	vsel vm8, v48, v51  }
0x145: {  	v44 =	vld [tilespmem:s21+$0x8440];
	v53 =	vsel vm8, v23, v32;
	v57 =	vmax.f32 v51, v45;
	v41 =	vimm.f32 $-1.000000000e+00  }
0x146: {  	v45 =	vimm.s32 $0x7FFFFFFF;
	vm2 =	vgt.f32 v25, v26;
	v18 =	vor.u32 s22, v5;
	v5 =	vld [tilespmem:$0x1FFF0]  }
0x147: {  	v46 =	vmax.f32 v51, v17;
	vm5 =	vgt.f32 v22, v3;
	v29 =	vmin.f32 v31, v38  }
0x148: {  	v1 =	vmin.f32 v25, v26;
	v17 =	vmin.f32 v16, v51;
	v50 =	vmin.f32 v22, v3  }
0x149: {  	v62 =	vld [tilespmem:s21+$0x8400];
	vm3 =	vgt.f32 v31, v38;
	v52 =	vmax.f32 v51, v2;
	v2 =	vmin.f32 v36, v51  }
0x14a: {  	v16 =	vld [tilespmem:s21+$0x8410];
	v54 =	vmin.f32 v44, v47;
	vm4 =	vgt.f32 v44, v47;
	v17 =	vmax.f32 v51, v17  }
0x14b: {  	v22 =	vsel vm5, v22, v3;
	v3 =	vmin.f32 v48, v51;
	v27 =	vor.u32 s22, v5;
	v5 =	vld [tilespmem:$0x1FF10]  }
0x14c: {  	v48 =	vmax.f32 v51, v2;
	v3 =	vmax.f32 v51, v3;
	v23 =	vsel vm2, v28, v40  }
0x14d: {  	v28 =	vsel vm6, v24, v32;
	vm6 =	vgt.f32 v36, v51;
	v40 =	vimm.f32 $-1.000000000e+00  }
0x14e: {  	v18 =	vsel vm5, v18, v21;
	v21 =	vmax.f32 v46, v50;
	v50 =	vsel vm7, v19, v51  }
0x14f: {  	v19 =	vmin.f32 v62, v63;
	vm5 =	vgt.f32 v62, v63;
	v46 =	vimm.f32 $-1.000000000e+00  }
0x150: {  	v19 =	vmax.f32 v3, v19;
	v56 =	vmin.f32 v16, v50;
	v20 =	vor.u32 s22, v5  }
0x151: {  	s23 =	simm.s32 $0x100;
	v14 =	vmovc v4;
	s0 =	simm.s32 $0x1;
	v51 =	vld [tilespmem:s21+$0x8460];
	v55 =	vsel vm7, v20, v32;
	v20 =	vsel vm5, v62, v63;
	vm7 =	vgt.f32 v16, v50  }
.LBB2_10:
0x152: {  	v2 =	vor.u32 s22, v14;
	v3 =	vmax.f32 v52, v1;
	v1 =	vsel vm2, v25, v26  }
0x153: {  	v24 =	vmax.f32 v57, v29;
	v28 =	vsel vm3, v27, v28;
	v17 =	vmax.f32 v17, v54  }
0x154: {  	s1 =	sshrl.u32 s0, $0x4;
	s6 =	sand.u32 $0xF00, s23;
	s10 =	smov.u32 s0;
	v49 =	vmax.f32 v49, v56;
	v55 =	vsel vm7, v30, v55;
	v29 =	vsel vm3, v31, v38;
	v26 =	vld [tilespmem:s21+$0x8430]  }
0x155: {  	v25 =	vsel vm6, v33, v32;
	v27 =	vsel vm1, v34, v41;
	v50 =	vsel vm7, v16, v50;
	s10 =	sadd.s32 s5, s1;
	s1 =	sshll.u32 s1, $0x7;
	s11 =	sshll.u32 s6, $0x3  }
0x156: {  	v30 =	vsel vm1, v37, v45;
	v61 =	vmin.f32 v34, v41;
	v53 =	vsel vm5, v35, v53;
	v4 =	vld [tilespmem:$0x1FF50];
	s21 =	sadd.s32 s1, s11  }
0x157: {  	v47 =	vsel vm4, v44, v47;
	v62 =	vsel vm6, v36, v46;
	v2 =	vsel vm4, v2, v43;
	s10 =	sshll.u32 s10, $0xF;
	v16 =	vld [tilespmem:s21+$0x8070]  }
0x158: {  	v32 =	vmax.f32 v40, v61;
	v34 =	vld [tilespmem:s21+$0x8060];
	s31 =	sor.u32 s7, s10;
	vm1 =	vgt.f32 v51, v27;
	v63 =	vmin.f32 v51, v27  }
0x159: {  	v43 =	vld [tilespmem:s21+$0x8020];
	s22 =	sor.u32 s6, s31;
	v36 =	vmin.f32 v26, v62;
	v40 =	vmax.f32 v32, v63;
	v41 =	vsel vm1, v51, v27  }
0x15a: {  	v44 =	vld [tilespmem:s21+$0x8050];
	vm2 =	vgt.f32 v26, v62;
	v45 =	vsel vm1, v39, v30;
	v58 =	vor.u32 s22, v6  }
0x15b: {  	v54 =	vld [tilespmem:s21+$0x8040];
	v33 =	vor.u32 s22, v7;
	v56 =	vor.u32 s22, v0;
	v39 =	vor.u32 s22, v4  }
0x15c: {  	v37 =	vor.u32 s22, v10;
	v35 =	vor.u32 s22, v12;
	v52 =	vor.u32 s22, v8  }
0x15d: {  	v30 =	vor.u32 s22, v9;
	v48 =	vmax.f32 v48, v36;
	v32 =	vsel vm2, v42, v25  }
0x15e: {  	v31 =	vld [tilespmem:s21+$0x8420];
	v46 =	vsel vm2, v26, v62;
	v26 =	vor.u32 s22, v11;
	vm6 =	vgt.f32 v43, v29  }
0x15f: {  	v4 =	vld [tilespmem:$0x1FF60];
	vm3 =	vgt.f32 v16, v1;
	vm4 =	vgt.f32 v44, v22;
	vm1 =	vgt.f32 v34, v41  }
0x160: {  	v51 =	vld [tilespmem:s21+$0x8010];
	v61 =	vmin.f32 v44, v22;
	v62 =	vmin.f32 v43, v29;
	vm5 =	vgt.f32 v54, v47  }
0x161: {  	v59 =	vld [tilespmem:s21+$0x8450];
	v38 =	vsel vm6, v43, v29;
	v23 =	vsel vm3, v26, v23;
	v26 =	vsel vm3, v16, v1  }
0x162: {  	v63 =	vld [tilespmem:s21+$0x8000];
	v18 =	vsel vm4, v30, v18;
	v30 =	vor.u32 s22, v13;
	v21 =	vmax.f32 v21, v61  }
0x163: {  	v25 =	vld [tilespmem:s21+$0x8470];
	v22 =	vsel vm4, v44, v22;
	v43 =	vsel vm5, v52, v2;
	v2 =	vmin.f32 v16, v1  }
0x164: {  	v61 =	vor.u32 s22, v5;
	v16 =	vmin.f32 v54, v47;
	v57 =	vor.u32 s22, v4;
	v4 =	vld [tilespmem:$0x1FF40]  }
0x165: {  	v36 =	vld [tilespmem:s21+$0x8030];
	v47 =	vsel vm5, v54, v47;
	v28 =	vsel vm6, v58, v28;
	v60 =	vmin.f32 v51, v50  }
0x166: {  	v44 =	vld [tilespmem:s21+$0x8440];
	vm4 =	vgt.f32 v59, v22;
	v29 =	vmin.f32 v31, v38;
	vm7 =	vgt.f32 v51, v50  }
0x167: {  	v17 =	vmax.f32 v17, v16;
	vm3 =	vgt.f32 v31, v38;
	v52 =	vmax.f32 v3, v2;
	v16 =	vld [tilespmem:s21+$0x8410]  }
0x168: {  	vm8 =	vgt.f32 v63, v20;
	vm2 =	vgt.f32 v25, v26;
	v1 =	vmin.f32 v25, v26  }
0x169: {  	v49 =	vmax.f32 v49, v60;
	v50 =	vsel vm7, v51, v50;
	v42 =	vor.u32 s22, v4;
	v4 =	vld [tilespmem:$0x1FFF0]  }
0x16a: {  	v3 =	vmin.f32 v36, v46;
	v55 =	vsel vm7, v61, v55;
	v53 =	vsel vm8, v56, v53  }
0x16b: {  	v2 =	vld [tilespmem:s21+$0x8400];
	vm6 =	vgt.f32 v36, v46;
	v48 =	vmax.f32 v48, v3;
	v23 =	vsel vm2, v57, v23  }
0x16c: {  	p0 =	sne.s32 s0, $0x7F;
	v57 =	vmax.f32 v24, v62;
	v54 =	vmin.f32 v44, v47;
	vm7 =	vgt.f32 v16, v50  }
.Ltmp9:
0x16d: {  	v56 =	vmin.f32 v16, v50;
	v18 =	vsel vm4, v42, v18;
	v42 =	vor.u32 s22, v15;
	(pc) =	sbr.rel @p0 .LBB2_10-.Ltmp9, $4  }
0x16e: {  	v27 =	vor.u32 s22, v4;
	v4 =	vmin.f32 v59, v22;
	v22 =	vsel vm4, v59, v22  }
0x16f: {  	v21 =	vmax.f32 v21, v4;
	v4 =	vmin.f32 v63, v20;
	v20 =	vsel vm8, v63, v20  }
0x170: {  	s24 =	sadd.s32 $0x1, s0;
	v4 =	vmax.f32 v19, v4;
	vm5 =	vgt.f32 v2, v20;
	v3 =	vmin.f32 v2, v20  }
0x171: {  	s23 =	sadd.s32 $0x100, s23;
	s0 =	smov.u32 s24;
	v51 =	vld [tilespmem:s21+$0x8460];
	vm4 =	vgt.f32 v44, v47;
	v19 =	vmax.f32 v4, v3;
	v20 =	vsel vm5, v2, v20  }
0x172: {  	v2 =	vor.u32 s22, v14;
	v24 =	vmax.f32 v52, v1;
	v25 =	vsel vm2, v25, v26  }
0x173: {  	v26 =	vmax.f32 v57, v29;
	v27 =	vsel vm3, v27, v28;
	v28 =	vmax.f32 v17, v54  }
0x174: {  	v29 =	vmax.f32 v49, v56;
	v30 =	vsel vm7, v30, v55;
	v31 =	vsel vm3, v31, v38  }
0x175: {  	v1 =	vld [tilespmem:s21+$0x8430];
	v3 =	vsel vm6, v33, v32;
	v4 =	vsel vm1, v34, v41;
	v32 =	vsel vm7, v16, v50  }
0x176: {  	v16 =	vsel vm1, v37, v45;
	v17 =	vsel vm6, v36, v46;
	v6 =	vmovc v7;
	v7 =	vmovc v8;
	v8 =	vmov v9  }
0x177: {  	v9 =	vmovc v10;
	v5 =	vmovc v11;
	v11 =	vmov v12;
	v12 =	vimm.s32 $0x0;
	v10 =	vimm.f32 $-1.000000000e+00  }
.Ltmp10:
0x178: {  	v33 =	vsel vm4, v2, v43;
	v2 =	vmin.f32 v34, v41;
	v34 =	vsel vm5, v35, v53;
	(pc) =	sbr.rel .LBB2_12-.Ltmp10, $4  }
0x179: {  	v35 =	vsel vm4, v44, v47;
	v2 =	vmax.f32 v40, v2;
	v62 =	vmin.f32 v51, v4  }
0x17a: {  	vm1 =	vgt.f32 v51, v4;
	v63 =	vmin.f32 v1, v17;
	v36 =	vmax.f32 v2, v62  }
0x17b: {  	v37 =	vsel vm1, v51, v4;
	vm2 =	vgt.f32 v1, v17;
	v39 =	vsel vm1, v39, v16  }
0x17c: {  	v15 =	vmovc v13;
	v14 =	vld [tilespmem:$0x1FFF0];
	v38 =	vmax.f32 v48, v63;
	v41 =	vsel vm2, v42, v3;
	v42 =	vsel vm2, v1, v17  }
.LBB2_16:
0x17d: {  	vm1 =	veq.f32 v1, v43  }
0x17e: {  	v1 =	vnsel vm1, $0xFFFFFFFF, v16  }
0x17f: {  	(xrf0) =	vmin.scan.msk.u32 $0xffff, v1;
	_ =	sdelay $0x5  }
0x180: {  	v1, _, _ =	vpop (xrf0)  }
0x181: {  	(v2sf) =	vpush v1, $0xF;
	_ =	sdelay $0xe  }
0x182: {  	s0 =	spop (v2sf)  }
0x183: {  	s1 =	sxor.u32 $0x80000000, s0  }
0x184: {  	s10 =	sand.u32 $0x7FFF, s0;
	s6 =	sshrl.u32 s1, $0xF  }
0x185: {  	vm2 =	vmmov vm0;
	v1 =	vmov s20;
	s10 =	ssub.s32 s10, s7;
	s6 =	ssub.s32 s6, s5  }
0x186: {  	vm1 =	veq.s32 v1, v0;
	v1 =	vmov s10;
	v2 =	vmov s6  }
0x187: {  	vm3 =	vmmov vm0;
	s30 =	sshrl.u32 s0, $0x4;
	v4 =	vshll.u32 v1, $0x3;
	v3 =	vshll.u32 v2, $0xC  }
0x188: {  	vm4 =	vmmov vm0;
	s0 =	sand.u32 $0xF, s0;
	s31 =	sand.u32 $0x7, s30;
	v4 =	vand.u32 $0xFFFFFC00, v4;
	v3 =	vand.u32 $0xFFFF8000, v3  }
0x189: {  	v10 =	vsel vm1, v43, v10;
	p0 =	seq.s32 s31, $0x0;
	v3 =	vadd.s32 v4, v3;
	v4 =	vmov s0  }
0x18a: {  	v12 =	vsel vm1, s1, v12;
	vm2 =	vmneg @p0 vm2;
	vm1 =	veq.s32 v4, v0  }
0x18b: {  	v1 =	vand.u32 $0x7F, v1;
	p0 =	seq.s32 s31, $0x1;
	v2 =	vshll.u32 v2, $0x7;
	vm2 =	vmand vm1, vm2  }
0x18c: {  	vm3 =	vmneg @p0 vm3;
	v20 =	vsel vm2, v19, v20;
	v34 =	vsel vm2, $0x40000000, v34  }
0x18d: {  	p0 =	seq.s32 s31, $0x2;
	v19 =	vsel vm2, $0xBF800000, v19;
	vm2 =	vmand vm1, vm3;
	vm3 =	vmmov vm0  }
0x18e: {  	v2 =	vand.u32 $0x380, v2;
	v32 =	vsel vm2, v29, v32;
	vm3 =	vmneg @p0 vm3  }
0x18f: {  	v30 =	vsel vm2, $0x40000001, v30;
	p0 =	seq.s32 s31, $0x3;
	v29 =	vsel vm2, $0xBF800000, v29;
	vm2 =	vmand vm1, vm3  }
0x190: {  	v2 =	vor.u32 v2, v3;
	vm4 =	vmneg @p0 vm4;
	v31 =	vsel vm2, v26, v31  }
0x191: {  	p0 =	seq.s32 s31, $0x4;
	v27 =	vsel vm2, $0x40000002, v27;
	vm3 =	vmand vm1, vm4;
	vm4 =	vmmov vm0  }
0x192: {  	v26 =	vsel vm2, $0xBF800000, v26;
	v42 =	vsel vm3, v38, v42;
	vm4 =	vmneg @p0 vm4  }
0x193: {  	v41 =	vsel vm3, $0x40000003, v41;
	v38 =	vsel vm3, $0xBF800000, v38;
	p0 =	seq.s32 s31, $0x5;
	vm3 =	vmmov vm0  }
0x194: {  	vm2 =	vmand vm1, vm4;
	vm3 =	vmneg @p0 vm3;
	vm4 =	vmmov vm0  }
0x195: {  	p0 =	seq.s32 s31, $0x6;
	v35 =	vsel vm2, v28, v35;
	v33 =	vsel vm2, $0x40000004, v33;
	v28 =	vsel vm2, $0xBF800000, v28  }
0x196: {  	s20 =	sadd.s32 $0x1, s20;
	vm2 =	vmand vm1, vm3;
	vm4 =	vmneg @p0 vm4;
	p0 =	seq.s32 s31, $0x7;
	vm3 =	vmmov vm0  }
0x197: {  	v1 =	vor.u32 v1, v2;
	vm3 =	vmneg @p0 vm3;
	p0 =	sne.s32 s20, $0xA  }
.Ltmp11:
0x198: {  	_ = 	snop;
	(pc) =	sbr.rel @!p0 .LBB2_17-.Ltmp11, $4  }
0x199: {  	v2 =	vimm.f32 $-1.000000000e+00;
	v22 =	vsel vm2, v21, v22;
	v18 =	vsel vm2, $0x40000005, v18  }
0x19a: {  	v21 =	vsel vm2, $0xBF800000, v21;
	vm2 =	vmand vm1, vm4;
	vm1 =	vmand vm1, vm3  }
0x19b: {  	v37 =	vsel vm2, v36, v37;
	v39 =	vsel vm2, $0x40000006, v39;
	v36 =	vsel vm2, $0xBF800000, v36  }
0x19c: {  	[tilespmem:v1+s15+$0x0] =	vst.idx.msk $0x1, v2;
	v25 =	vsel vm1, v24, v25;
	v23 =	vsel vm1, $0x40000007, v23;
	v24 =	vsel vm1, $0xBF800000, v24  }
.LBB2_12:
0x19d: {  	vm1 =	veq.f32 v32, v20;
	vm2 =	vlt.s32 v30, v34  }
0x19e: {  	vm3 =	vgt.f32 v32, v20;
	vm1 =	vmand vm1, vm2  }
0x19f: {  	vm1 =	vmor vm3, vm1  }
0x1a0: {  	v1 =	vsel vm1, v32, v20;
	v2 =	vsel vm1, v30, v34  }
0x1a1: {  	vm1 =	veq.f32 v31, v1;
	vm2 =	vlt.s32 v27, v2  }
0x1a2: {  	vm3 =	vgt.f32 v31, v1;
	vm1 =	vmand vm1, vm2  }
0x1a3: {  	vm1 =	vmor vm3, vm1  }
0x1a4: {  	v1 =	vsel vm1, v31, v1;
	v2 =	vsel vm1, v27, v2  }
0x1a5: {  	vm1 =	veq.f32 v42, v1;
	vm2 =	vlt.s32 v41, v2  }
0x1a6: {  	vm3 =	vgt.f32 v42, v1;
	vm1 =	vmand vm1, vm2  }
0x1a7: {  	vm1 =	vmor vm3, vm1  }
0x1a8: {  	v1 =	vsel vm1, v42, v1;
	v2 =	vsel vm1, v41, v2  }
0x1a9: {  	vm1 =	veq.f32 v35, v1;
	vm2 =	vlt.s32 v33, v2  }
0x1aa: {  	vm3 =	vgt.f32 v35, v1;
	vm1 =	vmand vm1, vm2  }
0x1ab: {  	vm1 =	vmor vm3, vm1  }
0x1ac: {  	v1 =	vsel vm1, v35, v1;
	v2 =	vsel vm1, v33, v2  }
0x1ad: {  	vm1 =	veq.f32 v22, v1;
	vm2 =	vlt.s32 v18, v2  }
0x1ae: {  	vm3 =	vgt.f32 v22, v1;
	vm1 =	vmand vm1, vm2  }
0x1af: {  	vm1 =	vmor vm3, vm1  }
0x1b0: {  	v1 =	vsel vm1, v22, v1;
	v2 =	vsel vm1, v18, v2  }
0x1b1: {  	vm1 =	veq.f32 v37, v1;
	vm2 =	vlt.s32 v39, v2  }
0x1b2: {  	vm3 =	vgt.f32 v37, v1;
	vm1 =	vmand vm1, vm2  }
0x1b3: {  	vm1 =	vmor vm3, vm1  }
0x1b4: {  	v1 =	vsel vm1, v37, v1;
	v2 =	vsel vm1, v39, v2  }
0x1b5: {  	vm1 =	veq.f32 v25, v1;
	vm2 =	vlt.s32 v23, v2  }
0x1b6: {  	vm3 =	vgt.f32 v25, v1;
	vm1 =	vmand vm1, vm2  }
0x1b7: {  	vm1 =	vmor vm3, vm1  }
0x1b8: {  	v1 =	vsel vm1, v25, v1  }
0x1b9: {  	(xrf0) =	vmax.scan.msk.f32 $0xffff, v1;
	_ =	sdelay $0x5  }
0x1ba: {  	v3, _, _ =	vpop (xrf0)  }
0x1bb: {  	v43 =	vbroadcast v3, $0xF  }
0x1bc: {  	v2 =	vsel vm1, v23, v2  }
0x1bd: {  	v16 =	vxor.u32 $0x80000000, v2;
	vm1 =	veq.f32 v1, v43  }
0x1be: {  	v2 =	vnsel vm1, $0x80000000, v16  }
0x1bf: {  	(xrf0) =	vmax.scan.msk.u32 $0xffff, v2;
	_ =	sdelay $0x5  }
0x1c0: {  	v2, _, _ =	vpop (xrf0)  }
0x1c1: {  	(v2sf) =	vpush v2, $0xF;
	_ =	sdelay $0xe  }
0x1c2: {  	s21 =	spop (v2sf)  }
0x1c3: {  	p0 =	slt.u32 s21, $0xC0000000  }
.Ltmp12:
0x1c4: {  	_ = 	snop;
	(pc) =	sbr.rel @p0 .LBB2_16-.Ltmp12, $1  }
0x1c5: {  	_ =	sdelay $0x3  }
.LBB2_13:
0x1c6: {  	s23 =	sshll.u32 s21, $0x4;
	s24 =	simm.s32 $0x0  }
0x1c7: {  	s6 =	sadd.s32 $0x0, s5;
	s0 =	sadd.s32 s7, s23;
	s1 =	sand.u32 $0x70, s23  }
0x1c8: {  	s6 =	sshll.u32 s6, $0xF;
	[dreg:$0x4] =	wrdreg s0;
	s0 =	sand.u32 $0xE00, s24  }
0x1c9: {  	s22 =	sor.u32 $0x8000, s1;
	s10 =	sadd.s32 s23, s0;
	s11 =	sor.u32 $0x80, s0  }
0x1ca: {  	s17 =	sor.u32 $0x100, s0;
	s24 =	sor.u32 $0x180, s0;
	s10 =	sshll.u32 s10, $0x3  }
0x1cb: {  	s25 =	sadd.s32 s23, s11;
	s26 =	sadd.s32 s23, s17;
	s28 =	sadd.s32 s23, s24  }
0x1cc: {  	s10 =	sand.u32 $0xFFFFFC00, s10;
	s25 =	sshll.u32 s25, $0x3;
	s26 =	sshll.u32 s26, $0x3  }
0x1cd: {  	s28 =	sshll.u32 s28, $0x3;
	s10 =	sadd.s32 s10, s22;
	s25 =	sand.u32 $0xFFFFFC00, s25  }
0x1ce: {  	s26 =	sand.u32 $0xFFFFFC00, s26;
	s10 =	sadd.s32 $0x0, s10;
	s25 =	sadd.s32 s25, s22  }
0x1cf: {  	v52 =	vimm.s32 $0x7FFFFFFF;
	v2 =	vld [tilespmem:s10+$0x0];
	s10 =	sadd.s32 $0x0, s25;
	s25 =	sadd.s32 s26, s22;
	s26 =	sand.u32 $0xFFFFFC00, s28  }
0x1d0: {  	v55 =	vimm.f32 $-1.000000000e+00;
	v58 =	vimm.f32 $-1.000000000e+00;
	v59 =	vimm.f32 $-1.000000000e+00;
	s1 =	rddreg [dreg:$0x4];
	v57 =	vld [tilespmem:s10+$0x0];
	s25 =	sadd.s32 $0x0, s25;
	s26 =	sadd.s32 s26, s22  }
0x1d1: {  	v48 =	vimm.f32 $-1.000000000e+00;
	v49 =	vimm.f32 $-1.000000000e+00;
	v63 =	vimm.s32 $0x7FFFFFFF;
	s1 =	sadd.s32 s6, s1;
	v61 =	vld [tilespmem:s25+$0x0];
	s10 =	sadd.s32 $0x0, s26  }
0x1d2: {  	s30 =	simm.s32 $0x200;
	v50 =	vimm.f32 $-1.000000000e+00;
	v16 =	vimm.s32 $0x7FFFFFFF;
	v3 =	vor.u32 s1, v0;
	v47 =	vld [tilespmem:s10+$0x0]  }
0x1d3: {  	s31 =	simm.s32 $0x0;
	v17 =	vimm.s32 $0x7FFFFFFF;
	v60 =	vadd.s32 s0, v3;
	v40 =	vadd.s32 s24, v3;
	s24 =	sand.u32 $0xE00, s30  }
0x1d4: {  	s1 =	sadd.s32 $0x0, s5;
	v1 =	vadd.s32 s11, v3;
	v62 =	vadd.s32 s17, v3;
	s17 =	sadd.s32 s23, s24;
	s29 =	sor.u32 $0x100, s24;
	v4 =	vmin.f32 v2, v55  }
0x1d5: {  	s28 =	sor.u32 $0x80, s24;
	s0 =	sshll.u32 s17, $0x3;
	s17 =	sadd.s32 s23, s29;
	vm1 =	vgt.f32 v2, v55;
	v3 =	vmin.f32 v57, v55;
	v45 =	vmax.f32 v55, v4  }
0x1d6: {  	s6 =	sadd.s32 s23, s28;
	s11 =	sand.u32 $0xFFFFFC00, s0;
	s25 =	sor.u32 $0x180, s24;
	v46 =	vsel vm1, v2, v55;
	vm4 =	vgt.f32 v57, v55;
	v44 =	vmax.f32 v55, v3  }
0x1d7: {  	s0 =	simm.s32 $0x2;
	s26 =	rddreg [dreg:$0x4];
	s10 =	sadd.s32 s23, s25;
	v51 =	vmin.f32 v61, v55;
	vm2 =	vgt.f32 v61, v55;
	vm3 =	vgt.f32 v47, v55  }
.LBB2_14:
0x1d8: {  	s6 =	sshll.u32 s6, $0x3;
	s17 =	sshll.u32 s17, $0x3  }
0x1d9: {  	s11 =	sadd.s32 s11, s22;
	s10 =	sshll.u32 s10, $0x3;
	s6 =	sand.u32 $0xFFFFFC00, s6  }
0x1da: {  	s11 =	sadd.s32 s31, s11;
	s17 =	sand.u32 $0xFFFFFC00, s17;
	s6 =	sadd.s32 s6, s22  }
0x1db: {  	v55 =	vsel vm4, v57, v55;
	s10 =	sand.u32 $0xFFFFFC00, s10;
	v2 =	vld [tilespmem:s11+$0x0];
	s17 =	sadd.s32 s17, s22;
	s6 =	sadd.s32 s31, s6  }
0x1dc: {  	v58 =	vsel vm2, v61, v58;
	v59 =	vsel vm3, v47, v59;
	v52 =	vsel vm4, v1, v52;
	s1 =	sshll.u32 s1, $0xF;
	s10 =	sadd.s32 s10, s22;
	s17 =	sadd.s32 s31, s17;
	v57 =	vld [tilespmem:s6+$0x0]  }
0x1dd: {  	v48 =	vmax.f32 v48, v51;
	v1 =	vmin.f32 v47, v49;
	v63 =	vsel vm2, v62, v63;
	s1 =	sadd.s32 s1, s26;
	s10 =	sadd.s32 s31, s10;
	v61 =	vld [tilespmem:s17+$0x0]  }
0x1de: {  	p0 =	sne.s32 s0, $0x3F;
	v16 =	vsel vm3, v40, v16;
	v17 =	vsel vm1, v60, v17;
	s30 =	sadd.s32 $0x200, s30;
	s26 =	rddreg [dreg:$0x4];
	v3 =	vor.u32 s1, v0;
	v47 =	vld [tilespmem:s10+$0x0]  }
.Ltmp13:
0x1df: {  	v50 =	vmax.f32 v50, v1;
	s11 =	sshrl.u32 s0, $0x3;
	s0 =	sadd.s32 $0x1, s0;
	v60 =	vadd.s32 s24, v3;
	v1 =	vadd.s32 s28, v3;
	(pc) =	sbr.rel @p0 .LBB2_14-.Ltmp13, $4  }
0x1e0: {  	s24 =	sand.u32 $0xE00, s30;
	v62 =	vadd.s32 s29, v3;
	s1 =	sadd.s32 s5, s11;
	s31 =	sshll.u32 s11, $0x7;
	v4 =	vmin.f32 v2, v46;
	vm1 =	vgt.f32 v2, v46  }
0x1e1: {  	v40 =	vadd.s32 s25, v3;
	s17 =	sadd.s32 s23, s24;
	s28 =	sor.u32 $0x80, s24;
	s29 =	sor.u32 $0x100, s24;
	v45 =	vmax.f32 v45, v4;
	v46 =	vsel vm1, v2, v46  }
0x1e2: {  	s25 =	sor.u32 $0x180, s24;
	s10 =	sshll.u32 s17, $0x3;
	s6 =	sadd.s32 s23, s28;
	v3 =	vmin.f32 v57, v55;
	v51 =	vmin.f32 v61, v58;
	vm4 =	vgt.f32 v57, v55  }
0x1e3: {  	v49 =	vmovc v59;
	s17 =	sadd.s32 s23, s29;
	s11 =	sand.u32 $0xFFFFFC00, s10;
	s10 =	sadd.s32 s23, s25;
	vm2 =	vgt.f32 v61, v58;
	vm3 =	vgt.f32 v47, v59;
	v44 =	vmax.f32 v44, v3  }
0x1e4: {  	s0 =	sshll.u32 s6, $0x3;
	s30 =	sshll.u32 s17, $0x3  }
0x1e5: {  	s11 =	sadd.s32 s11, s22;
	s10 =	sshll.u32 s10, $0x3;
	s0 =	sand.u32 $0xFFFFFC00, s0  }
0x1e6: {  	s11 =	sadd.s32 s31, s11;
	s6 =	sand.u32 $0xFFFFFC00, s30;
	s0 =	sadd.s32 s0, s22  }
0x1e7: {  	s10 =	sand.u32 $0xFFFFFC00, s10;
	v53 =	vld [tilespmem:s11+$0x0];
	s6 =	sadd.s32 s6, s22;
	s0 =	sadd.s32 s31, s0  }
0x1e8: {  	s22 =	sadd.s32 s10, s22;
	s17 =	sadd.s32 s31, s6;
	v54 =	vld [tilespmem:s0+$0x0]  }
0x1e9: {  	s1 =	sshll.u32 s1, $0xF;
	s23 =	sadd.s32 s31, s22;
	v56 =	vld [tilespmem:s17+$0x0]  }
0x1ea: {  	v55 =	vsel vm4, v57, v55;
	v58 =	vsel vm2, v61, v58;
	v57 =	vsel vm3, v47, v59;
	s1 =	sadd.s32 s1, s26;
	v59 =	vld [tilespmem:s23+$0x0]  }
0x1eb: {  	v1 =	vsel vm4, v1, v52;
	v2 =	vsel vm2, v62, v63;
	v3 =	vor.u32 s1, v0  }
0x1ec: {  	v4 =	vsel vm3, v40, v16;
	v16 =	vsel vm1, v60, v17;
	v17 =	vadd.s32 s24, v3  }
0x1ed: {  	v40 =	vadd.s32 s28, v3;
	v52 =	vadd.s32 s29, v3;
	vm1 =	vgt.f32 v53, v46  }
0x1ee: {  	v3 =	vadd.s32 s25, v3;
	v60 =	vsel vm1, v53, v46;
	vm2 =	vgt.f32 v54, v55  }
0x1ef: {  	vm3 =	vgt.f32 v56, v58;
	vm15 =	vgt.f32 v59, v57;
	v1 =	vsel vm2, v40, v1  }
0x1f0: {  	v40 =	vsel vm2, v54, v55;
	v2 =	vsel vm3, v52, v2;
	v52 =	vsel vm3, v56, v58  }
0x1f1: {  	v61 =	vsel vm15, v59, v57;
	v3 =	vsel vm15, v3, v4;
	v4 =	vsel vm1, v17, v16  }
0x1f2: {  	vm1 =	vgt.f32 v52, v60;
	vm2 =	veq.f32 v52, v60;
	vm3 =	vlt.s32 v2, v4  }
0x1f3: {  	vm4 =	vlt.s32 v3, v1;
	vm2 =	vmand vm2, vm3;
	vm3 =	veq.f32 v61, v40  }
0x1f4: {  	vm1 =	vmor vm1, vm2;
	vm2 =	vgt.f32 v61, v40;
	vm3 =	vmand vm3, vm4  }
0x1f5: {  	v17 =	vsel vm1, v52, v60;
	vm2 =	vmor vm2, vm3  }
0x1f6: {  	v2 =	vsel vm1, v2, v4;
	v4 =	vsel vm2, v61, v40;
	v1 =	vsel vm2, v3, v1  }
0x1f7: {  	vm1 =	veq.f32 v4, v17;
	vm2 =	vlt.s32 v1, v2  }
0x1f8: {  	vm3 =	vgt.f32 v4, v17;
	vm1 =	vmand vm1, vm2  }
0x1f9: {  	s29 =	sadd.s32 $0x40000000, s21;
	vm1 =	vmor vm3, vm1  }
0x1fa: {  	p0 =	seq.s32 s29, $0x0;
	v3 =	vsel vm1, v4, v17  }
0x1fb: {  	p1 =	seq.s32 s29, $0x1;
	v1 =	vsel vm1, v1, v2;
	v20 =	vpsel p0, v3, v20  }
0x1fc: {  	v34 =	vpsel p0, v1, v34;
	v32 =	vpsel p1, v3, v32;
	v30 =	vpsel p1, v1, v30  }
0x1fd: {  	vm1 =	veq.f32 v32, v20;
	vm2 =	vlt.s32 v30, v34  }
0x1fe: {  	p2 =	seq.s32 s29, $0x2;
	vm3 =	vgt.f32 v32, v20;
	vm1 =	vmand vm1, vm2  }
0x1ff: {  	v31 =	vpsel p2, v3, v31;
	vm1 =	vmor vm3, vm1  }
0x200: {  	v27 =	vpsel p2, v1, v27;
	v2 =	vsel vm1, v32, v20;
	v16 =	vsel vm1, v30, v34  }
0x201: {  	vm1 =	veq.f32 v31, v2;
	vm2 =	vlt.s32 v27, v16  }
0x202: {  	p3 =	seq.s32 s29, $0x3;
	vm1 =	vmand vm1, vm2;
	vm2 =	vgt.f32 v31, v2  }
0x203: {  	v42 =	vpsel p3, v3, v42;
	vm1 =	vmor vm2, vm1  }
0x204: {  	v41 =	vpsel p3, v1, v41;
	v2 =	vsel vm1, v31, v2;
	v16 =	vsel vm1, v27, v16  }
0x205: {  	vm1 =	veq.f32 v42, v2;
	vm2 =	vlt.s32 v41, v16  }
0x206: {  	p4 =	seq.s32 s29, $0x4;
	vm1 =	vmand vm1, vm2;
	vm2 =	vgt.f32 v42, v2  }
0x207: {  	v35 =	vpsel p4, v3, v35;
	vm1 =	vmor vm2, vm1  }
0x208: {  	v33 =	vpsel p4, v1, v33;
	v2 =	vsel vm1, v42, v2;
	v16 =	vsel vm1, v41, v16  }
0x209: {  	vm1 =	veq.f32 v35, v2;
	vm2 =	vlt.s32 v33, v16  }
0x20a: {  	p5 =	seq.s32 s29, $0x5;
	vm1 =	vmand vm1, vm2;
	vm2 =	vgt.f32 v35, v2  }
0x20b: {  	v22 =	vpsel p5, v3, v22;
	vm1 =	vmor vm2, vm1  }
0x20c: {  	v18 =	vpsel p5, v1, v18;
	v2 =	vsel vm1, v35, v2;
	v16 =	vsel vm1, v33, v16  }
0x20d: {  	vm1 =	veq.f32 v22, v2;
	vm2 =	vlt.s32 v18, v16  }
0x20e: {  	p6 =	seq.s32 s29, $0x6;
	vm1 =	vmand vm1, vm2;
	vm2 =	vgt.f32 v22, v2  }
0x20f: {  	v37 =	vpsel p6, v3, v37;
	vm1 =	vmor vm2, vm1  }
0x210: {  	v39 =	vpsel p6, v1, v39;
	v2 =	vsel vm1, v22, v2;
	v16 =	vsel vm1, v18, v16  }
0x211: {  	s1 =	simm.s32 @!p0 $0x0;
	vm1 =	veq.f32 v37, v2;
	vm2 =	vlt.s32 v39, v16  }
0x212: {  	s1 =	simm.s32 @p0 $0x1;
	p0 =	seq.s32 s29, $0x7;
	vm1 =	vmand vm1, vm2;
	vm2 =	vgt.f32 v37, v2  }
0x213: {  	v25 =	vpsel p0, v3, v25;
	vm1 =	vmor vm2, vm1  }
0x214: {  	v23 =	vpsel p0, v1, v23;
	v1 =	vsel vm1, v37, v2;
	v2 =	vsel vm1, v39, v16  }
0x215: {  	vm1 =	veq.f32 v25, v1;
	vm2 =	vlt.s32 v23, v2  }
0x216: {  	vm1 =	vmand vm1, vm2;
	vm2 =	vgt.f32 v25, v1  }
0x217: {  	vm1 =	vmor vm2, vm1  }
0x218: {  	v1 =	vsel vm1, v25, v1;
	v2 =	vsel vm1, v23, v2  }
0x219: {  	vm1 =	veq.f32 v1, v43;
	v16 =	vxor.u32 $0x80000000, v2  }
0x21a: {  	v2 =	vnsel vm1, $0x80000000, v16  }
0x21b: {  	(xrf0) =	vmax.scan.msk.u32 $0xffff, v2;
	_ =	sdelay $0x5  }
0x21c: {  	v2, _, _ =	vpop (xrf0)  }
0x21d: {  	(v2sf) =	vpush v2, $0xF;
	_ =	sdelay $0x5  }
0x21e: {  	v53 =	vmin.f32 v53, v46  }
0x21f: {  	v45 =	vmax.f32 v45, v53;
	v62 =	vmin.f32 v59, v57  }
0x220: {  	v56 =	vmin.f32 v56, v58;
	v58 =	vmin.f32 v54, v55;
	v3 =	vmin.f32 v47, v49  }
0x221: {  	[smem:$0x7FA] =	sst s1;
	s1 =	simm.s32 @!p1 $0x0;
	v44 =	vmax.f32 v44, v58;
	v3 =	vmax.f32 v50, v3;
	v2 =	vmax.f32 v48, v51  }
0x222: {  	s1 =	simm.s32 @p1 $0x1;
	s30 =	sld [smem:$0x7FA];
	v63 =	vmin.f32 v60, v52;
	v3 =	vmax.f32 v3, v62;
	v2 =	vmax.f32 v2, v56  }
0x223: {  	[smem:$0x7FB] =	sst s1;
	v40 =	vmin.f32 v40, v61;
	v3 =	vmax.f32 v44, v3;
	v2 =	vmax.f32 v45, v2  }
0x224: {  	s31 =	sld [smem:$0x7FB];
	v3 =	vmax.f32 v3, v40;
	v2 =	vmax.f32 v2, v63  }
0x225: {  	v2 =	vmax.f32 v2, v3;
	v3 =	vmin.f32 v17, v4  }
0x226: {  	p1 =	seq.s32 s30, $0x1;
	v2 =	vmax.f32 v2, v3  }
0x227: {  	v19 =	vpsel p1, v2, v19;
	p1 =	seq.s32 s31, $0x1;
	s21 =	spop (v2sf)  }
0x228: {  	v29 =	vpsel p1, v2, v29;
	p1 =	sgt.u32 s21, $0xBFFFFFFF  }
.Ltmp14:
0x229: {  	_ = 	snop;
	(pc) =	sbr.rel @p1 .LBB2_13-.Ltmp14, $4  }
.Ltmp15:
0x22a: {  	_ = 	snop;
	(pc) =	sbr.rel @!p1 .LBB2_16-.Ltmp15, $4  }
0x22b: {  	_ = 	snop  }
0x22c: {  	v26 =	vpsel p2, v2, v26;
	v38 =	vpsel p3, v2, v38;
	v28 =	vpsel p4, v2, v28  }
0x22d: {  	v21 =	vpsel p5, v2, v21;
	v36 =	vpsel p6, v2, v36;
	v24 =	vpsel p0, v2, v24  }
0x22e: {  	_ = 	snop  }
.LBB2_17:
0x22f: {  	[tilespmem:$0x10010] =	vst v10  }
0x230: {  	[tilespmem:$0x10050] =	vst v12;
	s20 =	simm.s32 $0x0  }
0x231: {  	[tilespmem:s15], [sflag:$0x2] =	stream.linear.gather [hbm4b:s12+s20], $0x8000, $0x38;
	[tilespmem:$0x10080] =	vst v63  }
0x232: {  	_ =	swait.ge [sflag:s4], $0x8000  }
0x233: {  	v29 =	vld [tilespmem:$0x1FF70]  }
0x234: {  	s0 =	sand.u32 $0xF00, s20;
	v13 =	vld [tilespmem:$0x1FF50]  }
0x235: {  	s1 =	sshll.u32 s0, $0x3;
	[sflag:s4] =	ssyncset.done $0x0;
	v10 =	vld [tilespmem:$0x1FF60]  }
0x236: {  	s21 =	sadd.s32 $0x0, s1;
	v12 =	vld [tilespmem:$0x1FF40];
	[sflag:s4] =	ssyncadd.s32 $0xFFFF8000  }
0x237: {  	s31 =	sadd.s32 $0x0, s5;
	v1 =	vld [tilespmem:s21+$0x20]  }
0x238: {  	s1 =	sshll.u32 s31, $0xF;
	v2 =	vld [tilespmem:s21+$0x70]  }
0x239: {  	s1 =	sor.u32 s8, s1;
	v34 =	vld [tilespmem:s21+$0x60]  }
0x23a: {  	v32 =	vimm.s32 $0x7FFFFFFF;
	s22 =	sor.u32 s0, s1;
	v3 =	vld [tilespmem:s21+$0x50]  }
0x23b: {  	v51 =	vimm.f32 $-1.000000000e+00;
	v19 =	vld [tilespmem:s21+$0x10];
	v33 =	vor.u32 s22, v6;
	v23 =	vor.u32 s22, v0  }
0x23c: {  	v16 =	vld [tilespmem:s21+$0x40];
	v37 =	vor.u32 s22, v9;
	v17 =	vor.u32 s22, v5;
	v35 =	vor.u32 s22, v11  }
0x23d: {  	v46 =	vld [tilespmem:s21+$0x0];
	v27 =	vor.u32 s22, v14;
	v20 =	vor.u32 s22, v7;
	v21 =	vor.u32 s22, v8  }
0x23e: {  	v30 =	vor.u32 s22, v15;
	v4 =	vor.u32 s22, v29;
	v39 =	vor.u32 s22, v13  }
0x23f: {  	v24 =	vor.u32 s22, v10;
	v18 =	vor.u32 s22, v12;
	vm6 =	vgt.f32 v1, v51  }
0x240: {  	v11 =	vmovc v5;
	v5 =	vld [tilespmem:$0x1FF10];
	vm2 =	vgt.f32 v2, v51;
	vm3 =	vgt.f32 v3, v51;
	vm1 =	vgt.f32 v34, v51  }
0x241: {  	v15 =	vld [tilespmem:$0x1FF20];
	v40 =	vmin.f32 v19, v51;
	v41 =	vmin.f32 v1, v51;
	vm4 =	vgt.f32 v16, v51  }
0x242: {  	v25 =	vld [tilespmem:s21+$0x470];
	vm7 =	vgt.f32 v19, v51;
	vm8 =	vgt.f32 v46, v51;
	v38 =	vsel vm6, v1, v51  }
0x243: {  	v22 =	vld [tilespmem:s21+$0x450];
	v28 =	vsel vm2, v17, v32;
	v26 =	vsel vm2, v2, v51;
	v17 =	vmin.f32 v3, v51  }
0x244: {  	v31 =	vld [tilespmem:s21+$0x420];
	v21 =	vsel vm3, v21, v32;
	v3 =	vsel vm3, v3, v51;
	v43 =	vsel vm4, v20, v32  }
0x245: {  	v2 =	vmin.f32 v2, v51;
	v20 =	vor.u32 s22, v5;
	v49 =	vmax.f32 v51, v40  }
0x246: {  	v36 =	vld [tilespmem:s21+$0x30];
	v42 =	vor.u32 s22, v15;
	v47 =	vsel vm4, v16, v51;
	v50 =	vsel vm7, v19, v51  }
0x247: {  	v44 =	vld [tilespmem:s21+$0x440];
	v9 =	vmovc v8;
	v63 =	vsel vm8, v46, v51;
	v53 =	vsel vm8, v23, v32;
	v57 =	vmax.f32 v51, v41  }
0x248: {  	v62 =	vld [tilespmem:s21+$0x400];
	v8 =	vmovc v7;
	v7 =	vmovc v6;
	v41 =	vimm.f32 $-1.000000000e+00;
	v40 =	vimm.f32 $-1.000000000e+00;
	vm2 =	vgt.f32 v25, v26  }
0x249: {  	v6 =	vmovc v29;
	v45 =	vmax.f32 v51, v17;
	vm5 =	vgt.f32 v22, v3;
	v29 =	vmin.f32 v31, v38  }
0x24a: {  	v1 =	vmin.f32 v25, v26;
	v17 =	vmin.f32 v16, v51;
	v48 =	vmin.f32 v22, v3  }
0x24b: {  	vm3 =	vgt.f32 v31, v38;
	v52 =	vmax.f32 v51, v2;
	v2 =	vmin.f32 v36, v51  }
0x24c: {  	v54 =	vmin.f32 v44, v47;
	vm4 =	vgt.f32 v44, v47;
	v55 =	vsel vm7, v20, v32  }
0x24d: {  	v16 =	vld [tilespmem:s21+$0x410];
	v19 =	vmin.f32 v62, v63;
	v17 =	vmax.f32 v51, v17;
	v18 =	vsel vm5, v18, v21  }
0x24e: {  	v14 =	vld [tilespmem:$0x1FF30];
	v21 =	vmax.f32 v45, v48;
	v22 =	vsel vm5, v22, v3;
	v3 =	vmin.f32 v46, v51  }
0x24f: {  	v48 =	vmax.f32 v51, v2;
	vm5 =	vgt.f32 v62, v63;
	v23 =	vsel vm2, v24, v28  }
0x250: {  	v28 =	vsel vm6, v4, v32;
	vm6 =	vgt.f32 v36, v51;
	v45 =	vimm.s32 $0x7FFFFFFF  }
0x251: {  	v46 =	vimm.f32 $-1.000000000e+00;
	v3 =	vmax.f32 v51, v3;
	v20 =	vsel vm5, v62, v63  }
0x252: {  	s23 =	simm.s32 $0x100;
	s0 =	simm.s32 $0x1;
	v51 =	vld [tilespmem:s21+$0x460];
	v19 =	vmax.f32 v3, v19;
	vm7 =	vgt.f32 v16, v50;
	v56 =	vmin.f32 v16, v50  }
.LBB2_18:
0x253: {  	v2 =	vor.u32 s22, v14;
	v3 =	vmax.f32 v52, v1;
	v1 =	vsel vm2, v25, v26  }
0x254: {  	s1 =	sshrl.u32 s0, $0x4;
	s6 =	sand.u32 $0xF00, s23;
	s10 =	smov.u32 s0;
	v24 =	vmax.f32 v57, v29;
	v28 =	vsel vm3, v27, v28;
	v4 =	vmax.f32 v17, v54  }
0x255: {  	v49 =	vmax.f32 v49, v56;
	v55 =	vsel vm7, v30, v55;
	v17 =	vsel vm3, v31, v38;
	v26 =	vld [tilespmem:s21+$0x430];
	s10 =	sadd.s32 s5, s1;
	s1 =	sshll.u32 s1, $0x7;
	s11 =	sshll.u32 s6, $0x3  }
0x256: {  	v25 =	vsel vm6, v33, v32;
	v27 =	vsel vm1, v34, v41;
	v50 =	vsel vm7, v16, v50;
	s21 =	sadd.s32 s1, s11  }
0x257: {  	v29 =	vsel vm1, v37, v45;
	v30 =	vmin.f32 v34, v41;
	v53 =	vsel vm5, v35, v53;
	v31 =	vld [tilespmem:s21+$0x420]  }
0x258: {  	v47 =	vsel vm4, v44, v47;
	v61 =	vsel vm6, v36, v46;
	v2 =	vsel vm4, v2, v43;
	s10 =	sshll.u32 s10, $0xF;
	v16 =	vld [tilespmem:s21+$0x70]  }
0x259: {  	v30 =	vmax.f32 v40, v30;
	v34 =	vld [tilespmem:s21+$0x60];
	s31 =	sor.u32 s8, s10;
	vm1 =	vgt.f32 v51, v27;
	v62 =	vmin.f32 v51, v27  }
0x25a: {  	v43 =	vld [tilespmem:s21+$0x20];
	s22 =	sor.u32 s6, s31;
	v63 =	vmin.f32 v26, v61;
	v40 =	vmax.f32 v30, v62;
	v41 =	vsel vm1, v51, v27  }
0x25b: {  	v44 =	vld [tilespmem:s21+$0x50];
	vm2 =	vgt.f32 v26, v61;
	v45 =	vsel vm1, v39, v29;
	v58 =	vor.u32 s22, v6  }
0x25c: {  	v54 =	vld [tilespmem:s21+$0x40];
	v33 =	vor.u32 s22, v7;
	v56 =	vor.u32 s22, v0;
	v39 =	vor.u32 s22, v13  }
0x25d: {  	v36 =	vld [tilespmem:s21+$0x30];
	v57 =	vor.u32 s22, v10;
	v29 =	vor.u32 s22, v8;
	v30 =	vor.u32 s22, v9  }
0x25e: {  	v59 =	vld [tilespmem:s21+$0x450];
	v48 =	vmax.f32 v48, v63;
	v32 =	vsel vm2, v42, v25;
	v46 =	vsel vm2, v26, v61  }
0x25f: {  	v27 =	vld [tilespmem:$0x1FFD0];
	v42 =	vor.u32 s22, v12;
	vm6 =	vgt.f32 v43, v17;
	vm3 =	vgt.f32 v16, v1  }
0x260: {  	v51 =	vld [tilespmem:s21+$0x10];
	vm4 =	vgt.f32 v44, v22;
	vm1 =	vgt.f32 v34, v41;
	v60 =	vmin.f32 v44, v22  }
0x261: {  	v62 =	vld [tilespmem:s21+$0x0];
	v61 =	vmin.f32 v43, v17;
	vm5 =	vgt.f32 v54, v47;
	v38 =	vsel vm6, v43, v17  }
0x262: {  	v26 =	vld [tilespmem:$0x1FFB0];
	v18 =	vsel vm4, v30, v18;
	v21 =	vmax.f32 v21, v60;
	v22 =	vsel vm4, v44, v22  }
0x263: {  	v43 =	vsel vm5, v29, v2;
	v2 =	vmin.f32 v16, v1;
	v60 =	vor.u32 s22, v5  }
0x264: {  	v28 =	vsel vm6, v58, v28;
	vm6 =	vgt.f32 v36, v46;
	v35 =	vor.u32 s22, v27  }
0x265: {  	v52 =	vmin.f32 v51, v50;
	vm4 =	vgt.f32 v59, v22;
	v29 =	vmin.f32 v31, v38  }
0x266: {  	vm7 =	vgt.f32 v51, v50;
	v63 =	vmin.f32 v59, v22;
	vm8 =	vgt.f32 v62, v20  }
0x267: {  	v25 =	vld [tilespmem:s21+$0x470];
	v37 =	vor.u32 s22, v26;
	v26 =	vor.u32 s22, v11;
	v18 =	vsel vm4, v42, v18  }
0x268: {  	v17 =	vld [tilespmem:$0x1FFE0];
	v49 =	vmax.f32 v49, v52;
	v52 =	vmax.f32 v3, v2;
	v42 =	vor.u32 s22, v15  }
0x269: {  	v44 =	vld [tilespmem:s21+$0x440];
	v21 =	vmax.f32 v21, v63;
	v22 =	vsel vm4, v59, v22;
	v50 =	vsel vm7, v51, v50  }
0x26a: {  	v3 =	vmin.f32 v36, v46;
	v55 =	vsel vm7, v60, v55;
	v53 =	vsel vm8, v56, v53  }
0x26b: {  	v2 =	vld [tilespmem:s21+$0x400];
	v23 =	vsel vm3, v26, v23;
	v26 =	vsel vm3, v16, v1;
	v16 =	vmin.f32 v54, v47  }
0x26c: {  	v27 =	vld [tilespmem:$0x1FFF0];
	vm3 =	vgt.f32 v31, v38;
	v47 =	vsel vm5, v54, v47;
	v48 =	vmax.f32 v48, v3  }
0x26d: {  	p0 =	sne.s32 s0, $0x7F;
	vm2 =	vgt.f32 v25, v26;
	v30 =	vor.u32 s22, v17;
	v17 =	vmax.f32 v4, v16;
	v16 =	vld [tilespmem:s21+$0x410]  }
.Ltmp16:
0x26e: {  	v1 =	vmin.f32 v25, v26;
	v54 =	vmin.f32 v44, v47;
	v4 =	vmin.f32 v62, v20;
	(pc) =	sbr.rel @p0 .LBB2_18-.Ltmp16, $4  }
0x26f: {  	vm4 =	vgt.f32 v44, v47;
	v20 =	vsel vm8, v62, v20;
	v23 =	vsel vm2, v57, v23  }
0x270: {  	v57 =	vmax.f32 v24, v61;
	v4 =	vmax.f32 v19, v4;
	v3 =	vmin.f32 v2, v20  }
0x271: {  	s24 =	sadd.s32 $0x1, s0;
	v27 =	vor.u32 s22, v27;
	vm5 =	vgt.f32 v2, v20;
	v19 =	vmax.f32 v4, v3  }
0x272: {  	s23 =	sadd.s32 $0x100, s23;
	s0 =	smov.u32 s24;
	v51 =	vld [tilespmem:s21+$0x460];
	v20 =	vsel vm5, v2, v20;
	vm7 =	vgt.f32 v16, v50;
	v56 =	vmin.f32 v16, v50  }
0x273: {  	v2 =	vor.u32 s22, v14  }
0x274: {  	v24 =	vmax.f32 v52, v1;
	v25 =	vsel vm2, v25, v26;
	v26 =	vmax.f32 v57, v29  }
0x275: {  	v27 =	vsel vm3, v27, v28;
	v28 =	vmax.f32 v17, v54;
	v29 =	vmax.f32 v49, v56  }
0x276: {  	v30 =	vsel vm7, v30, v55;
	v31 =	vsel vm3, v31, v38;
	v1 =	vld [tilespmem:s21+$0x430];
	v3 =	vsel vm6, v33, v32  }
0x277: {  	v4 =	vsel vm1, v34, v41;
	v32 =	vsel vm7, v16, v50;
	v16 =	vsel vm1, v37, v45  }
0x278: {  	v17 =	vsel vm6, v36, v46;
	v10 =	vimm.f32 $-1.000000000e+00;
	v33 =	vsel vm4, v2, v43  }
.Ltmp17:
0x279: {  	v12 =	vmovc v6;
	v2 =	vmin.f32 v34, v41;
	v34 =	vsel vm5, v35, v53;
	v35 =	vsel vm4, v44, v47;
	(pc) =	sbr.rel .LBB2_20-.Ltmp17, $4  }
0x27a: {  	v8 =	vmovc v9;
	v9 =	vld [tilespmem:$0x1FFB0];
	v2 =	vmax.f32 v40, v2;
	vm1 =	vgt.f32 v51, v4;
	v62 =	vmin.f32 v51, v4  }
0x27b: {  	v6 =	vmovc v11;
	v11 =	vld [tilespmem:$0x1FFD0];
	v63 =	vmin.f32 v1, v17;
	v36 =	vmax.f32 v2, v62;
	v37 =	vsel vm1, v51, v4  }
0x27c: {  	v15 =	vld [tilespmem:$0x1FFE0];
	vm2 =	vgt.f32 v1, v17;
	v39 =	vsel vm1, v39, v16;
	v16 =	vimm.s32 $0x0  }
0x27d: {  	v13 =	vmovc v7;
	v5 =	vld [tilespmem:$0x1FFF0];
	v38 =	vmax.f32 v48, v63;
	v41 =	vsel vm2, v42, v3;
	v42 =	vsel vm2, v1, v17  }
.LBB2_24:
0x27e: {  	vm1 =	veq.f32 v1, v43  }
0x27f: {  	v1 =	vnsel vm1, $0xFFFFFFFF, v16  }
0x280: {  	(xrf0) =	vmin.scan.msk.u32 $0xffff, v1;
	_ =	sdelay $0x5  }
0x281: {  	v1, _, _ =	vpop (xrf0)  }
0x282: {  	(v2sf) =	vpush v1, $0xF;
	_ =	sdelay $0xe  }
0x283: {  	s0 =	spop (v2sf)  }
0x284: {  	s1 =	sxor.u32 $0x80000000, s0  }
0x285: {  	s10 =	sand.u32 $0x7FFF, s0;
	s6 =	sshrl.u32 s1, $0xF  }
0x286: {  	vm2 =	vmmov vm0;
	v1 =	vmov s20;
	s10 =	ssub.s32 s10, s8;
	s6 =	ssub.s32 s6, s5  }
0x287: {  	vm1 =	veq.s32 v1, v0;
	v1 =	vmov s10;
	v2 =	vmov s6  }
0x288: {  	vm3 =	vmmov vm0;
	s30 =	sshrl.u32 s0, $0x4;
	v4 =	vshll.u32 v1, $0x3;
	v3 =	vshll.u32 v2, $0xC  }
0x289: {  	vm4 =	vmmov vm0;
	s0 =	sand.u32 $0xF, s0;
	s31 =	sand.u32 $0x7, s30;
	v4 =	vand.u32 $0xFFFFFC00, v4;
	v3 =	vand.u32 $0xFFFF8000, v3  }
0x28a: {  	v10 =	vsel vm1, v43, v10;
	p0 =	seq.s32 s31, $0x0;
	v3 =	vadd.s32 v4, v3;
	v4 =	vmov s0  }
0x28b: {  	v16 =	vsel vm1, s1, v7;
	vm2 =	vmneg @p0 vm2;
	vm1 =	veq.s32 v4, v0  }
0x28c: {  	v1 =	vand.u32 $0x7F, v1;
	p0 =	seq.s32 s31, $0x1;
	v2 =	vshll.u32 v2, $0x7;
	vm2 =	vmand vm1, vm2  }
0x28d: {  	vm3 =	vmneg @p0 vm3;
	v20 =	vsel vm2, v19, v20;
	v34 =	vsel vm2, $0x40000000, v34  }
0x28e: {  	p0 =	seq.s32 s31, $0x2;
	v19 =	vsel vm2, $0xBF800000, v19;
	vm2 =	vmand vm1, vm3;
	vm3 =	vmmov vm0  }
0x28f: {  	v2 =	vand.u32 $0x380, v2;
	v32 =	vsel vm2, v29, v32;
	vm3 =	vmneg @p0 vm3  }
0x290: {  	v30 =	vsel vm2, $0x40000001, v30;
	p0 =	seq.s32 s31, $0x3;
	v29 =	vsel vm2, $0xBF800000, v29;
	vm2 =	vmand vm1, vm3  }
0x291: {  	v2 =	vor.u32 v2, v3;
	vm4 =	vmneg @p0 vm4;
	v31 =	vsel vm2, v26, v31  }
0x292: {  	p0 =	seq.s32 s31, $0x4;
	v27 =	vsel vm2, $0x40000002, v27;
	vm3 =	vmand vm1, vm4;
	vm4 =	vmmov vm0  }
0x293: {  	v26 =	vsel vm2, $0xBF800000, v26;
	v42 =	vsel vm3, v38, v42;
	vm4 =	vmneg @p0 vm4  }
0x294: {  	v41 =	vsel vm3, $0x40000003, v41;
	v38 =	vsel vm3, $0xBF800000, v38;
	p0 =	seq.s32 s31, $0x5;
	vm3 =	vmmov vm0  }
0x295: {  	vm2 =	vmand vm1, vm4;
	vm3 =	vmneg @p0 vm3;
	vm4 =	vmmov vm0  }
0x296: {  	p0 =	seq.s32 s31, $0x6;
	v35 =	vsel vm2, v28, v35;
	v33 =	vsel vm2, $0x40000004, v33;
	v28 =	vsel vm2, $0xBF800000, v28  }
0x297: {  	s20 =	sadd.s32 $0x1, s20;
	vm2 =	vmand vm1, vm3;
	vm4 =	vmneg @p0 vm4;
	p0 =	seq.s32 s31, $0x7;
	vm3 =	vmmov vm0  }
0x298: {  	v1 =	vor.u32 v1, v2;
	vm3 =	vmneg @p0 vm3;
	p0 =	sne.s32 s20, $0xA  }
.Ltmp18:
0x299: {  	_ = 	snop;
	(pc) =	sbr.rel @!p0 .LBB2_25-.Ltmp18, $4  }
0x29a: {  	v2 =	vimm.f32 $-1.000000000e+00;
	v22 =	vsel vm2, v21, v22;
	v18 =	vsel vm2, $0x40000005, v18  }
0x29b: {  	v21 =	vsel vm2, $0xBF800000, v21;
	vm2 =	vmand vm1, vm4;
	vm1 =	vmand vm1, vm3  }
0x29c: {  	v37 =	vsel vm2, v36, v37;
	v39 =	vsel vm2, $0x40000006, v39;
	v36 =	vsel vm2, $0xBF800000, v36  }
0x29d: {  	[tilespmem:v1+s2+$0x0] =	vst.idx.msk $0x1, v2;
	v25 =	vsel vm1, v24, v25;
	v23 =	vsel vm1, $0x40000007, v23;
	v24 =	vsel vm1, $0xBF800000, v24  }
.LBB2_20:
0x29e: {  	vm1 =	veq.f32 v32, v20;
	vm2 =	vlt.s32 v30, v34  }
0x29f: {  	vm3 =	vgt.f32 v32, v20;
	vm1 =	vmand vm1, vm2  }
0x2a0: {  	vm1 =	vmor vm3, vm1  }
0x2a1: {  	v1 =	vsel vm1, v32, v20;
	v2 =	vsel vm1, v30, v34  }
0x2a2: {  	vm1 =	veq.f32 v31, v1;
	vm2 =	vlt.s32 v27, v2  }
0x2a3: {  	vm3 =	vgt.f32 v31, v1;
	vm1 =	vmand vm1, vm2  }
0x2a4: {  	vm1 =	vmor vm3, vm1  }
0x2a5: {  	v1 =	vsel vm1, v31, v1;
	v2 =	vsel vm1, v27, v2  }
0x2a6: {  	vm1 =	veq.f32 v42, v1;
	vm2 =	vlt.s32 v41, v2  }
0x2a7: {  	vm3 =	vgt.f32 v42, v1;
	vm1 =	vmand vm1, vm2  }
0x2a8: {  	vm1 =	vmor vm3, vm1  }
0x2a9: {  	v1 =	vsel vm1, v42, v1;
	v2 =	vsel vm1, v41, v2  }
0x2aa: {  	vm1 =	veq.f32 v35, v1;
	vm2 =	vlt.s32 v33, v2  }
0x2ab: {  	vm3 =	vgt.f32 v35, v1;
	vm1 =	vmand vm1, vm2  }
0x2ac: {  	vm1 =	vmor vm3, vm1  }
0x2ad: {  	v1 =	vsel vm1, v35, v1;
	v2 =	vsel vm1, v33, v2  }
0x2ae: {  	vm1 =	veq.f32 v22, v1;
	vm2 =	vlt.s32 v18, v2  }
0x2af: {  	vm3 =	vgt.f32 v22, v1;
	vm1 =	vmand vm1, vm2  }
0x2b0: {  	vm1 =	vmor vm3, vm1  }
0x2b1: {  	v1 =	vsel vm1, v22, v1;
	v2 =	vsel vm1, v18, v2  }
0x2b2: {  	vm1 =	veq.f32 v37, v1;
	vm2 =	vlt.s32 v39, v2  }
0x2b3: {  	vm3 =	vgt.f32 v37, v1;
	vm1 =	vmand vm1, vm2  }
0x2b4: {  	vm1 =	vmor vm3, vm1  }
0x2b5: {  	v1 =	vsel vm1, v37, v1;
	v2 =	vsel vm1, v39, v2  }
0x2b6: {  	vm1 =	veq.f32 v25, v1;
	vm2 =	vlt.s32 v23, v2  }
0x2b7: {  	vm3 =	vgt.f32 v25, v1;
	vm1 =	vmand vm1, vm2  }
0x2b8: {  	vm1 =	vmor vm3, vm1  }
0x2b9: {  	v1 =	vsel vm1, v25, v1  }
0x2ba: {  	(xrf0) =	vmax.scan.msk.f32 $0xffff, v1;
	_ =	sdelay $0x5  }
0x2bb: {  	v3, _, _ =	vpop (xrf0)  }
0x2bc: {  	v43 =	vbroadcast v3, $0xF  }
0x2bd: {  	v2 =	vsel vm1, v23, v2  }
0x2be: {  	v7 =	vmov v16;
	v16 =	vxor.u32 $0x80000000, v2;
	vm1 =	veq.f32 v1, v43  }
0x2bf: {  	v2 =	vnsel vm1, $0x80000000, v16  }
0x2c0: {  	(xrf0) =	vmax.scan.msk.u32 $0xffff, v2;
	_ =	sdelay $0x5  }
0x2c1: {  	v2, _, _ =	vpop (xrf0)  }
0x2c2: {  	(v2sf) =	vpush v2, $0xF;
	_ =	sdelay $0xe  }
0x2c3: {  	s21 =	spop (v2sf)  }
0x2c4: {  	p0 =	slt.u32 s21, $0xC0000000  }
.Ltmp19:
0x2c5: {  	_ = 	snop;
	(pc) =	sbr.rel @p0 .LBB2_24-.Ltmp19, $1  }
0x2c6: {  	_ =	sdelay $0x3  }
.LBB2_21:
0x2c7: {  	s23 =	sshll.u32 s21, $0x4  }
0x2c8: {  	s24 =	simm.s32 $0x0;
	s6 =	sadd.s32 $0x0, s5;
	s0 =	sadd.s32 s8, s23  }
0x2c9: {  	s22 =	sand.u32 $0x70, s23;
	[dreg:$0x5] =	wrdreg s0;
	s0 =	sand.u32 $0xE00, s24  }
0x2ca: {  	s6 =	sshll.u32 s6, $0xF;
	s10 =	sadd.s32 s23, s0;
	s11 =	sor.u32 $0x80, s0  }
0x2cb: {  	s17 =	sor.u32 $0x100, s0;
	s24 =	sor.u32 $0x180, s0;
	s10 =	sshll.u32 s10, $0x3  }
0x2cc: {  	s25 =	sadd.s32 s23, s11;
	s26 =	sadd.s32 s23, s17;
	s28 =	sadd.s32 s23, s24  }
0x2cd: {  	s10 =	sand.u32 $0xFFFFFC00, s10;
	s25 =	sshll.u32 s25, $0x3;
	s26 =	sshll.u32 s26, $0x3  }
0x2ce: {  	s28 =	sshll.u32 s28, $0x3;
	s10 =	sor.u32 s10, s22;
	s25 =	sand.u32 $0xFFFFFC00, s25  }
0x2cf: {  	s26 =	sand.u32 $0xFFFFFC00, s26;
	s10 =	sadd.s32 $0x0, s10;
	s25 =	sor.u32 s25, s22  }
0x2d0: {  	v52 =	vimm.s32 $0x7FFFFFFF;
	v2 =	vld [tilespmem:s10+$0x0];
	s10 =	sadd.s32 $0x0, s25;
	s25 =	sor.u32 s26, s22;
	s26 =	sand.u32 $0xFFFFFC00, s28  }
0x2d1: {  	v55 =	vimm.f32 $-1.000000000e+00;
	v58 =	vimm.f32 $-1.000000000e+00;
	v59 =	vimm.f32 $-1.000000000e+00;
	s1 =	rddreg [dreg:$0x5];
	v57 =	vld [tilespmem:s10+$0x0];
	s25 =	sadd.s32 $0x0, s25;
	s26 =	sor.u32 s26, s22  }
0x2d2: {  	v48 =	vimm.f32 $-1.000000000e+00;
	v49 =	vimm.f32 $-1.000000000e+00;
	v63 =	vimm.s32 $0x7FFFFFFF;
	s1 =	sadd.s32 s6, s1;
	v61 =	vld [tilespmem:s25+$0x0];
	s10 =	sadd.s32 $0x0, s26  }
0x2d3: {  	s30 =	simm.s32 $0x200;
	v50 =	vimm.f32 $-1.000000000e+00;
	v16 =	vimm.s32 $0x7FFFFFFF;
	v3 =	vor.u32 s1, v0;
	v47 =	vld [tilespmem:s10+$0x0]  }
0x2d4: {  	s31 =	simm.s32 $0x0;
	v17 =	vimm.s32 $0x7FFFFFFF;
	v60 =	vadd.s32 s0, v3;
	v40 =	vadd.s32 s24, v3;
	s24 =	sand.u32 $0xE00, s30  }
0x2d5: {  	s1 =	sadd.s32 $0x0, s5;
	v1 =	vadd.s32 s11, v3;
	v62 =	vadd.s32 s17, v3;
	s17 =	sadd.s32 s23, s24;
	s29 =	sor.u32 $0x100, s24;
	v4 =	vmin.f32 v2, v55  }
0x2d6: {  	s28 =	sor.u32 $0x80, s24;
	s0 =	sshll.u32 s17, $0x3;
	s17 =	sadd.s32 s23, s29;
	vm1 =	vgt.f32 v2, v55;
	v3 =	vmin.f32 v57, v55;
	v45 =	vmax.f32 v55, v4  }
0x2d7: {  	s6 =	sadd.s32 s23, s28;
	s11 =	sand.u32 $0xFFFFFC00, s0;
	s25 =	sor.u32 $0x180, s24;
	v46 =	vsel vm1, v2, v55;
	vm4 =	vgt.f32 v57, v55;
	v44 =	vmax.f32 v55, v3  }
0x2d8: {  	s0 =	simm.s32 $0x2;
	s26 =	rddreg [dreg:$0x5];
	s10 =	sadd.s32 s23, s25;
	v51 =	vmin.f32 v61, v55;
	vm2 =	vgt.f32 v61, v55;
	vm3 =	vgt.f32 v47, v55  }
.LBB2_22:
0x2d9: {  	s6 =	sshll.u32 s6, $0x3;
	s17 =	sshll.u32 s17, $0x3  }
0x2da: {  	s11 =	sor.u32 s11, s22;
	s10 =	sshll.u32 s10, $0x3;
	s6 =	sand.u32 $0xFFFFFC00, s6  }
0x2db: {  	s11 =	sadd.s32 s31, s11;
	s17 =	sand.u32 $0xFFFFFC00, s17;
	s6 =	sor.u32 s6, s22  }
0x2dc: {  	v55 =	vsel vm4, v57, v55;
	s10 =	sand.u32 $0xFFFFFC00, s10;
	v2 =	vld [tilespmem:s11+$0x0];
	s17 =	sor.u32 s17, s22;
	s6 =	sadd.s32 s31, s6  }
0x2dd: {  	v58 =	vsel vm2, v61, v58;
	v59 =	vsel vm3, v47, v59;
	v52 =	vsel vm4, v1, v52;
	s1 =	sshll.u32 s1, $0xF;
	s10 =	sor.u32 s10, s22;
	s17 =	sadd.s32 s31, s17;
	v57 =	vld [tilespmem:s6+$0x0]  }
0x2de: {  	v48 =	vmax.f32 v48, v51;
	v1 =	vmin.f32 v47, v49;
	v63 =	vsel vm2, v62, v63;
	s1 =	sadd.s32 s1, s26;
	s10 =	sadd.s32 s31, s10;
	v61 =	vld [tilespmem:s17+$0x0]  }
0x2df: {  	p0 =	sne.s32 s0, $0x3F;
	v16 =	vsel vm3, v40, v16;
	v17 =	vsel vm1, v60, v17;
	s30 =	sadd.s32 $0x200, s30;
	s26 =	rddreg [dreg:$0x5];
	v3 =	vor.u32 s1, v0;
	v47 =	vld [tilespmem:s10+$0x0]  }
.Ltmp20:
0x2e0: {  	v50 =	vmax.f32 v50, v1;
	s11 =	sshrl.u32 s0, $0x3;
	s0 =	sadd.s32 $0x1, s0;
	v60 =	vadd.s32 s24, v3;
	v1 =	vadd.s32 s28, v3;
	(pc) =	sbr.rel @p0 .LBB2_22-.Ltmp20, $4  }
0x2e1: {  	s24 =	sand.u32 $0xE00, s30;
	v62 =	vadd.s32 s29, v3;
	s1 =	sadd.s32 s5, s11;
	s31 =	sshll.u32 s11, $0x7;
	v4 =	vmin.f32 v2, v46;
	vm1 =	vgt.f32 v2, v46  }
0x2e2: {  	v40 =	vadd.s32 s25, v3;
	s17 =	sadd.s32 s23, s24;
	s28 =	sor.u32 $0x80, s24;
	s29 =	sor.u32 $0x100, s24;
	v45 =	vmax.f32 v45, v4;
	v46 =	vsel vm1, v2, v46  }
0x2e3: {  	s25 =	sor.u32 $0x180, s24;
	s10 =	sshll.u32 s17, $0x3;
	s6 =	sadd.s32 s23, s28;
	v3 =	vmin.f32 v57, v55;
	v51 =	vmin.f32 v61, v58;
	vm4 =	vgt.f32 v57, v55  }
0x2e4: {  	v49 =	vmovc v59;
	s17 =	sadd.s32 s23, s29;
	s11 =	sand.u32 $0xFFFFFC00, s10;
	s10 =	sadd.s32 s23, s25;
	vm2 =	vgt.f32 v61, v58;
	vm3 =	vgt.f32 v47, v59;
	v44 =	vmax.f32 v44, v3  }
0x2e5: {  	s0 =	sshll.u32 s6, $0x3;
	s30 =	sshll.u32 s17, $0x3  }
0x2e6: {  	s11 =	sor.u32 s11, s22;
	s10 =	sshll.u32 s10, $0x3;
	s0 =	sand.u32 $0xFFFFFC00, s0  }
0x2e7: {  	s11 =	sadd.s32 s31, s11;
	s6 =	sand.u32 $0xFFFFFC00, s30;
	s0 =	sor.u32 s0, s22  }
0x2e8: {  	s10 =	sand.u32 $0xFFFFFC00, s10;
	v53 =	vld [tilespmem:s11+$0x0];
	s6 =	sor.u32 s6, s22;
	s0 =	sadd.s32 s31, s0  }
0x2e9: {  	s22 =	sor.u32 s10, s22;
	s17 =	sadd.s32 s31, s6;
	v54 =	vld [tilespmem:s0+$0x0]  }
0x2ea: {  	s1 =	sshll.u32 s1, $0xF;
	s23 =	sadd.s32 s31, s22;
	v56 =	vld [tilespmem:s17+$0x0]  }
0x2eb: {  	v55 =	vsel vm4, v57, v55;
	v58 =	vsel vm2, v61, v58;
	v57 =	vsel vm3, v47, v59;
	s1 =	sadd.s32 s1, s26;
	v59 =	vld [tilespmem:s23+$0x0]  }
0x2ec: {  	v1 =	vsel vm4, v1, v52;
	v2 =	vsel vm2, v62, v63;
	v3 =	vor.u32 s1, v0  }
0x2ed: {  	v4 =	vsel vm3, v40, v16;
	v16 =	vsel vm1, v60, v17;
	v17 =	vadd.s32 s24, v3  }
0x2ee: {  	v40 =	vadd.s32 s28, v3;
	v52 =	vadd.s32 s29, v3;
	vm1 =	vgt.f32 v53, v46  }
0x2ef: {  	v3 =	vadd.s32 s25, v3;
	v60 =	vsel vm1, v53, v46;
	vm2 =	vgt.f32 v54, v55  }
0x2f0: {  	vm3 =	vgt.f32 v56, v58;
	vm15 =	vgt.f32 v59, v57;
	v1 =	vsel vm2, v40, v1  }
0x2f1: {  	v40 =	vsel vm2, v54, v55;
	v2 =	vsel vm3, v52, v2;
	v52 =	vsel vm3, v56, v58  }
0x2f2: {  	v61 =	vsel vm15, v59, v57;
	v3 =	vsel vm15, v3, v4;
	v4 =	vsel vm1, v17, v16  }
0x2f3: {  	vm1 =	vgt.f32 v52, v60;
	vm2 =	veq.f32 v52, v60;
	vm3 =	vlt.s32 v2, v4  }
0x2f4: {  	vm4 =	vlt.s32 v3, v1;
	vm2 =	vmand vm2, vm3;
	vm3 =	veq.f32 v61, v40  }
0x2f5: {  	vm1 =	vmor vm1, vm2;
	vm2 =	vgt.f32 v61, v40;
	vm3 =	vmand vm3, vm4  }
0x2f6: {  	v17 =	vsel vm1, v52, v60;
	vm2 =	vmor vm2, vm3  }
0x2f7: {  	v2 =	vsel vm1, v2, v4;
	v4 =	vsel vm2, v61, v40;
	v1 =	vsel vm2, v3, v1  }
0x2f8: {  	vm1 =	veq.f32 v4, v17;
	vm2 =	vlt.s32 v1, v2  }
0x2f9: {  	vm3 =	vgt.f32 v4, v17;
	vm1 =	vmand vm1, vm2  }
0x2fa: {  	s29 =	sadd.s32 $0x40000000, s21;
	vm1 =	vmor vm3, vm1  }
0x2fb: {  	p0 =	seq.s32 s29, $0x0;
	v3 =	vsel vm1, v4, v17  }
0x2fc: {  	p1 =	seq.s32 s29, $0x1;
	v1 =	vsel vm1, v1, v2;
	v20 =	vpsel p0, v3, v20  }
0x2fd: {  	v34 =	vpsel p0, v1, v34;
	v32 =	vpsel p1, v3, v32;
	v30 =	vpsel p1, v1, v30  }
0x2fe: {  	vm1 =	veq.f32 v32, v20;
	vm2 =	vlt.s32 v30, v34  }
0x2ff: {  	p2 =	seq.s32 s29, $0x2;
	vm3 =	vgt.f32 v32, v20;
	vm1 =	vmand vm1, vm2  }
0x300: {  	v31 =	vpsel p2, v3, v31;
	vm1 =	vmor vm3, vm1  }
0x301: {  	v27 =	vpsel p2, v1, v27;
	v2 =	vsel vm1, v32, v20;
	v16 =	vsel vm1, v30, v34  }
0x302: {  	vm1 =	veq.f32 v31, v2;
	vm2 =	vlt.s32 v27, v16  }
0x303: {  	p3 =	seq.s32 s29, $0x3;
	vm1 =	vmand vm1, vm2;
	vm2 =	vgt.f32 v31, v2  }
0x304: {  	v42 =	vpsel p3, v3, v42;
	vm1 =	vmor vm2, vm1  }
0x305: {  	v41 =	vpsel p3, v1, v41;
	v2 =	vsel vm1, v31, v2;
	v16 =	vsel vm1, v27, v16  }
0x306: {  	vm1 =	veq.f32 v42, v2;
	vm2 =	vlt.s32 v41, v16  }
0x307: {  	p4 =	seq.s32 s29, $0x4;
	vm1 =	vmand vm1, vm2;
	vm2 =	vgt.f32 v42, v2  }
0x308: {  	v35 =	vpsel p4, v3, v35;
	vm1 =	vmor vm2, vm1  }
0x309: {  	v33 =	vpsel p4, v1, v33;
	v2 =	vsel vm1, v42, v2;
	v16 =	vsel vm1, v41, v16  }
0x30a: {  	vm1 =	veq.f32 v35, v2;
	vm2 =	vlt.s32 v33, v16  }
0x30b: {  	p5 =	seq.s32 s29, $0x5;
	vm1 =	vmand vm1, vm2;
	vm2 =	vgt.f32 v35, v2  }
0x30c: {  	v22 =	vpsel p5, v3, v22;
	vm1 =	vmor vm2, vm1  }
0x30d: {  	v18 =	vpsel p5, v1, v18;
	v2 =	vsel vm1, v35, v2;
	v16 =	vsel vm1, v33, v16  }
0x30e: {  	vm1 =	veq.f32 v22, v2;
	vm2 =	vlt.s32 v18, v16  }
0x30f: {  	p6 =	seq.s32 s29, $0x6;
	vm1 =	vmand vm1, vm2;
	vm2 =	vgt.f32 v22, v2  }
0x310: {  	v37 =	vpsel p6, v3, v37;
	vm1 =	vmor vm2, vm1  }
0x311: {  	v39 =	vpsel p6, v1, v39;
	v2 =	vsel vm1, v22, v2;
	v16 =	vsel vm1, v18, v16  }
0x312: {  	s1 =	simm.s32 @!p0 $0x0;
	vm1 =	veq.f32 v37, v2;
	vm2 =	vlt.s32 v39, v16  }
0x313: {  	s1 =	simm.s32 @p0 $0x1;
	p0 =	seq.s32 s29, $0x7;
	vm1 =	vmand vm1, vm2;
	vm2 =	vgt.f32 v37, v2  }
0x314: {  	v25 =	vpsel p0, v3, v25;
	vm1 =	vmor vm2, vm1  }
0x315: {  	v23 =	vpsel p0, v1, v23;
	v1 =	vsel vm1, v37, v2;
	v2 =	vsel vm1, v39, v16  }
0x316: {  	vm1 =	veq.f32 v25, v1;
	vm2 =	vlt.s32 v23, v2  }
0x317: {  	vm1 =	vmand vm1, vm2;
	vm2 =	vgt.f32 v25, v1  }
0x318: {  	vm1 =	vmor vm2, vm1  }
0x319: {  	v1 =	vsel vm1, v25, v1;
	v2 =	vsel vm1, v23, v2  }
0x31a: {  	vm1 =	veq.f32 v1, v43;
	v16 =	vxor.u32 $0x80000000, v2  }
0x31b: {  	v2 =	vnsel vm1, $0x80000000, v16  }
0x31c: {  	(xrf0) =	vmax.scan.msk.u32 $0xffff, v2;
	_ =	sdelay $0x5  }
0x31d: {  	v2, _, _ =	vpop (xrf0)  }
0x31e: {  	(v2sf) =	vpush v2, $0xF;
	_ =	sdelay $0x5  }
0x31f: {  	v53 =	vmin.f32 v53, v46  }
0x320: {  	v45 =	vmax.f32 v45, v53;
	v62 =	vmin.f32 v59, v57  }
0x321: {  	v56 =	vmin.f32 v56, v58;
	v58 =	vmin.f32 v54, v55;
	v3 =	vmin.f32 v47, v49  }
0x322: {  	[smem:$0x7F8] =	sst s1;
	s1 =	simm.s32 @!p1 $0x0;
	v44 =	vmax.f32 v44, v58;
	v3 =	vmax.f32 v50, v3;
	v2 =	vmax.f32 v48, v51  }
0x323: {  	s1 =	simm.s32 @p1 $0x1;
	s30 =	sld [smem:$0x7F8];
	v63 =	vmin.f32 v60, v52;
	v3 =	vmax.f32 v3, v62;
	v2 =	vmax.f32 v2, v56  }
0x324: {  	[smem:$0x7F9] =	sst s1;
	v40 =	vmin.f32 v40, v61;
	v3 =	vmax.f32 v44, v3;
	v2 =	vmax.f32 v45, v2  }
0x325: {  	s31 =	sld [smem:$0x7F9];
	v3 =	vmax.f32 v3, v40;
	v2 =	vmax.f32 v2, v63  }
0x326: {  	v2 =	vmax.f32 v2, v3;
	v3 =	vmin.f32 v17, v4  }
0x327: {  	p1 =	seq.s32 s30, $0x1;
	v2 =	vmax.f32 v2, v3  }
0x328: {  	v19 =	vpsel p1, v2, v19;
	p1 =	seq.s32 s31, $0x1;
	s21 =	spop (v2sf)  }
0x329: {  	v29 =	vpsel p1, v2, v29;
	p1 =	sgt.u32 s21, $0xBFFFFFFF  }
.Ltmp21:
0x32a: {  	_ = 	snop;
	(pc) =	sbr.rel @p1 .LBB2_21-.Ltmp21, $4  }
.Ltmp22:
0x32b: {  	_ = 	snop;
	(pc) =	sbr.rel @!p1 .LBB2_24-.Ltmp22, $4  }
0x32c: {  	_ = 	snop  }
0x32d: {  	v26 =	vpsel p2, v2, v26;
	v38 =	vpsel p3, v2, v38;
	v28 =	vpsel p4, v2, v28  }
0x32e: {  	v21 =	vpsel p5, v2, v21;
	v36 =	vpsel p6, v2, v36;
	v24 =	vpsel p0, v2, v24  }
0x32f: {  	_ = 	snop  }
.LBB2_25:
0x330: {  	[tilespmem:$0x10020] =	vst v10  }
0x331: {  	[tilespmem:$0x10060] =	vst v16;
	s20 =	simm.s32 $0x0  }
0x332: {  	_ =	swait.ge [sflag:s16], $0x8000;
	s0 =	sand.u32 $0xF00, s20  }
0x333: {  	[sflag:s16] =	ssyncset.done $0x0;
	s1 =	sshll.u32 s0, $0x3;
	v10 =	vld [tilespmem:$0x1FF60]  }
0x334: {  	v7 =	vld [tilespmem:$0x1FF90];
	[sflag:s16] =	ssyncadd.s32 $0xFFFF8000;
	s21 =	sadd.s32 $0x0, s1  }
0x335: {  	v1 =	vld [tilespmem:s21+$0x8020]  }
0x336: {  	s31 =	sadd.s32 $0x0, s5;
	v2 =	vld [tilespmem:s21+$0x8070]  }
0x337: {  	s1 =	sshll.u32 s31, $0xF;
	v34 =	vld [tilespmem:s21+$0x8060]  }
0x338: {  	s1 =	sor.u32 s9, s1;
	v3 =	vld [tilespmem:s21+$0x8050]  }
0x339: {  	v32 =	vimm.s32 $0x7FFFFFFF;
	v19 =	vld [tilespmem:s21+$0x8010];
	s22 =	sor.u32 s0, s1  }
0x33a: {  	v51 =	vimm.f32 $-1.000000000e+00;
	v16 =	vld [tilespmem:s21+$0x8040];
	v4 =	vor.u32 s22, v12;
	v33 =	vor.u32 s22, v13  }
0x33b: {  	v46 =	vld [tilespmem:s21+$0x8000];
	v23 =	vor.u32 s22, v0;
	v37 =	vor.u32 s22, v9;
	v17 =	vor.u32 s22, v6  }
0x33c: {  	v35 =	vor.u32 s22, v11;
	v27 =	vor.u32 s22, v5;
	v21 =	vor.u32 s22, v8  }
0x33d: {  	v25 =	vld [tilespmem:s21+$0x8470];
	v30 =	vor.u32 s22, v15;
	v24 =	vor.u32 s22, v10;
	v20 =	vor.u32 s22, v7  }
0x33e: {  	v22 =	vld [tilespmem:s21+$0x8450];
	vm6 =	vgt.f32 v1, v51;
	vm2 =	vgt.f32 v2, v51;
	vm3 =	vgt.f32 v3, v51  }
0x33f: {  	v31 =	vld [tilespmem:s21+$0x8420];
	vm1 =	vgt.f32 v34, v51;
	v40 =	vmin.f32 v19, v51;
	v41 =	vmin.f32 v1, v51  }
0x340: {  	v42 =	vmovc v13;
	v13 =	vld [tilespmem:$0x1FF50];
	vm4 =	vgt.f32 v16, v51;
	vm7 =	vgt.f32 v19, v51;
	vm8 =	vgt.f32 v46, v51  }
0x341: {  	v29 =	vmovc v12;
	v12 =	vld [tilespmem:$0x1FF40];
	v38 =	vsel vm6, v1, v51;
	v28 =	vsel vm2, v17, v32;
	v26 =	vsel vm2, v2, v51  }
0x342: {  	v36 =	vld [tilespmem:s21+$0x8030];
	v17 =	vmin.f32 v3, v51;
	v21 =	vsel vm3, v21, v32;
	v3 =	vsel vm3, v3, v51  }
0x343: {  	v5 =	vld [tilespmem:$0x1FF10];
	v43 =	vsel vm4, v20, v32;
	v2 =	vmin.f32 v2, v51;
	v49 =	vmax.f32 v51, v40  }
0x344: {  	v44 =	vld [tilespmem:s21+$0x8440];
	v47 =	vsel vm4, v16, v51;
	v50 =	vsel vm7, v19, v51;
	v63 =	vsel vm8, v46, v51  }
0x345: {  	v15 =	vld [tilespmem:$0x1FF20];
	v53 =	vsel vm8, v23, v32;
	v57 =	vmax.f32 v51, v41;
	v41 =	vimm.f32 $-1.000000000e+00  }
0x346: {  	v62 =	vld [tilespmem:s21+$0x8400];
	v40 =	vimm.f32 $-1.000000000e+00;
	v39 =	vor.u32 s22, v13;
	v18 =	vor.u32 s22, v12  }
0x347: {  	vm2 =	vgt.f32 v25, v26;
	v45 =	vmax.f32 v51, v17;
	vm5 =	vgt.f32 v22, v3  }
0x348: {  	v11 =	vmovc v6;
	v6 =	vmovc v29;
	v20 =	vor.u32 s22, v5;
	v29 =	vmin.f32 v31, v38;
	v1 =	vmin.f32 v25, v26  }
0x349: {  	v9 =	vmovc v8;
	v17 =	vmin.f32 v16, v51;
	v48 =	vmin.f32 v22, v3;
	vm3 =	vgt.f32 v31, v38  }
0x34a: {  	v8 =	vmovc v7;
	v7 =	vmovc v42;
	v52 =	vmax.f32 v51, v2;
	v42 =	vor.u32 s22, v15;
	v2 =	vmin.f32 v36, v51  }
0x34b: {  	v54 =	vmin.f32 v44, v47;
	vm4 =	vgt.f32 v44, v47;
	v19 =	vmin.f32 v62, v63  }
0x34c: {  	v16 =	vld [tilespmem:s21+$0x8410];
	v17 =	vmax.f32 v51, v17;
	v18 =	vsel vm5, v18, v21;
	v21 =	vmax.f32 v45, v48  }
0x34d: {  	v22 =	vsel vm5, v22, v3;
	v3 =	vmin.f32 v46, v51;
	v55 =	vsel vm7, v20, v32  }
0x34e: {  	v48 =	vmax.f32 v51, v2;
	vm5 =	vgt.f32 v62, v63;
	v23 =	vsel vm2, v24, v28  }
0x34f: {  	v28 =	vsel vm6, v4, v32;
	vm6 =	vgt.f32 v36, v51;
	v45 =	vimm.s32 $0x7FFFFFFF  }
0x350: {  	v46 =	vimm.f32 $-1.000000000e+00;
	v3 =	vmax.f32 v51, v3;
	v20 =	vsel vm5, v62, v63  }
0x351: {  	s23 =	simm.s32 $0x100;
	s0 =	simm.s32 $0x1;
	v51 =	vld [tilespmem:s21+$0x8460];
	v19 =	vmax.f32 v3, v19;
	vm7 =	vgt.f32 v16, v50;
	v56 =	vmin.f32 v16, v50  }
.LBB2_26:
0x352: {  	v2 =	vor.u32 s22, v14;
	v3 =	vmax.f32 v52, v1;
	v1 =	vsel vm2, v25, v26  }
0x353: {  	s1 =	sshrl.u32 s0, $0x4;
	s6 =	sand.u32 $0xF00, s23;
	s10 =	smov.u32 s0;
	v24 =	vmax.f32 v57, v29;
	v28 =	vsel vm3, v27, v28;
	v4 =	vmax.f32 v17, v54  }
0x354: {  	v49 =	vmax.f32 v49, v56;
	v55 =	vsel vm7, v30, v55;
	v17 =	vsel vm3, v31, v38;
	v26 =	vld [tilespmem:s21+$0x8430];
	s10 =	sadd.s32 s5, s1;
	s1 =	sshll.u32 s1, $0x7;
	s11 =	sshll.u32 s6, $0x3  }
0x355: {  	v25 =	vsel vm6, v33, v32;
	v27 =	vsel vm1, v34, v41;
	v50 =	vsel vm7, v16, v50;
	s21 =	sadd.s32 s1, s11  }
0x356: {  	v29 =	vsel vm1, v37, v45;
	v30 =	vmin.f32 v34, v41;
	v53 =	vsel vm5, v35, v53;
	v31 =	vld [tilespmem:s21+$0x8420]  }
0x357: {  	v47 =	vsel vm4, v44, v47;
	v61 =	vsel vm6, v36, v46;
	v2 =	vsel vm4, v2, v43;
	s10 =	sshll.u32 s10, $0xF;
	v16 =	vld [tilespmem:s21+$0x8070]  }
0x358: {  	v30 =	vmax.f32 v40, v30;
	v34 =	vld [tilespmem:s21+$0x8060];
	s31 =	sor.u32 s9, s10;
	vm1 =	vgt.f32 v51, v27;
	v62 =	vmin.f32 v51, v27  }
0x359: {  	v43 =	vld [tilespmem:s21+$0x8020];
	s22 =	sor.u32 s6, s31;
	v63 =	vmin.f32 v26, v61;
	v40 =	vmax.f32 v30, v62;
	v41 =	vsel vm1, v51, v27  }
0x35a: {  	v44 =	vld [tilespmem:s21+$0x8050];
	vm2 =	vgt.f32 v26, v61;
	v45 =	vsel vm1, v39, v29;
	v58 =	vor.u32 s22, v6  }
0x35b: {  	v54 =	vld [tilespmem:s21+$0x8040];
	v33 =	vor.u32 s22, v7;
	v56 =	vor.u32 s22, v0;
	v39 =	vor.u32 s22, v13  }
0x35c: {  	v36 =	vld [tilespmem:s21+$0x8030];
	v57 =	vor.u32 s22, v10;
	v29 =	vor.u32 s22, v8;
	v30 =	vor.u32 s22, v9  }
0x35d: {  	v59 =	vld [tilespmem:s21+$0x8450];
	v48 =	vmax.f32 v48, v63;
	v32 =	vsel vm2, v42, v25;
	v46 =	vsel vm2, v26, v61  }
0x35e: {  	v27 =	vld [tilespmem:$0x1FFD0];
	v42 =	vor.u32 s22, v12;
	vm6 =	vgt.f32 v43, v17;
	vm3 =	vgt.f32 v16, v1  }
0x35f: {  	v51 =	vld [tilespmem:s21+$0x8010];
	vm4 =	vgt.f32 v44, v22;
	vm1 =	vgt.f32 v34, v41;
	v60 =	vmin.f32 v44, v22  }
0x360: {  	v62 =	vld [tilespmem:s21+$0x8000];
	v61 =	vmin.f32 v43, v17;
	vm5 =	vgt.f32 v54, v47;
	v38 =	vsel vm6, v43, v17  }
0x361: {  	v26 =	vld [tilespmem:$0x1FFB0];
	v18 =	vsel vm4, v30, v18;
	v21 =	vmax.f32 v21, v60;
	v22 =	vsel vm4, v44, v22  }
0x362: {  	v43 =	vsel vm5, v29, v2;
	v2 =	vmin.f32 v16, v1;
	v60 =	vor.u32 s22, v5  }
0x363: {  	v28 =	vsel vm6, v58, v28;
	vm6 =	vgt.f32 v36, v46;
	v35 =	vor.u32 s22, v27  }
0x364: {  	v52 =	vmin.f32 v51, v50;
	vm4 =	vgt.f32 v59, v22;
	v29 =	vmin.f32 v31, v38  }
0x365: {  	vm7 =	vgt.f32 v51, v50;
	v63 =	vmin.f32 v59, v22;
	vm8 =	vgt.f32 v62, v20  }
0x366: {  	v25 =	vld [tilespmem:s21+$0x8470];
	v37 =	vor.u32 s22, v26;
	v26 =	vor.u32 s22, v11;
	v18 =	vsel vm4, v42, v18  }
0x367: {  	v17 =	vld [tilespmem:$0x1FFE0];
	v49 =	vmax.f32 v49, v52;
	v52 =	vmax.f32 v3, v2;
	v42 =	vor.u32 s22, v15  }
0x368: {  	v44 =	vld [tilespmem:s21+$0x8440];
	v21 =	vmax.f32 v21, v63;
	v22 =	vsel vm4, v59, v22;
	v50 =	vsel vm7, v51, v50  }
0x369: {  	v3 =	vmin.f32 v36, v46;
	v55 =	vsel vm7, v60, v55;
	v53 =	vsel vm8, v56, v53  }
0x36a: {  	v2 =	vld [tilespmem:s21+$0x8400];
	v23 =	vsel vm3, v26, v23;
	v26 =	vsel vm3, v16, v1;
	v16 =	vmin.f32 v54, v47  }
0x36b: {  	v27 =	vld [tilespmem:$0x1FFF0];
	vm3 =	vgt.f32 v31, v38;
	v47 =	vsel vm5, v54, v47;
	v48 =	vmax.f32 v48, v3  }
0x36c: {  	p0 =	sne.s32 s0, $0x7F;
	vm2 =	vgt.f32 v25, v26;
	v30 =	vor.u32 s22, v17;
	v17 =	vmax.f32 v4, v16;
	v16 =	vld [tilespmem:s21+$0x8410]  }
.Ltmp23:
0x36d: {  	v1 =	vmin.f32 v25, v26;
	v54 =	vmin.f32 v44, v47;
	v4 =	vmin.f32 v62, v20;
	(pc) =	sbr.rel @p0 .LBB2_26-.Ltmp23, $4  }
0x36e: {  	vm4 =	vgt.f32 v44, v47;
	v20 =	vsel vm8, v62, v20;
	v23 =	vsel vm2, v57, v23  }
0x36f: {  	v57 =	vmax.f32 v24, v61;
	v4 =	vmax.f32 v19, v4;
	v3 =	vmin.f32 v2, v20  }
0x370: {  	s24 =	sadd.s32 $0x1, s0;
	v27 =	vor.u32 s22, v27;
	vm5 =	vgt.f32 v2, v20;
	v19 =	vmax.f32 v4, v3  }
0x371: {  	s23 =	sadd.s32 $0x100, s23;
	s0 =	smov.u32 s24;
	v51 =	vld [tilespmem:s21+$0x8460];
	v20 =	vsel vm5, v2, v20;
	vm7 =	vgt.f32 v16, v50;
	v56 =	vmin.f32 v16, v50  }
0x372: {  	v2 =	vor.u32 s22, v14  }
0x373: {  	v24 =	vmax.f32 v52, v1;
	v25 =	vsel vm2, v25, v26;
	v26 =	vmax.f32 v57, v29  }
0x374: {  	v27 =	vsel vm3, v27, v28;
	v28 =	vmax.f32 v17, v54;
	v29 =	vmax.f32 v49, v56  }
0x375: {  	v30 =	vsel vm7, v30, v55;
	v31 =	vsel vm3, v31, v38;
	v1 =	vld [tilespmem:s21+$0x8430];
	v3 =	vsel vm6, v33, v32  }
0x376: {  	v4 =	vsel vm1, v34, v41;
	v32 =	vsel vm7, v16, v50;
	v16 =	vsel vm1, v37, v45  }
0x377: {  	v17 =	vsel vm6, v36, v46;
	v10 =	vimm.s32 $0x0;
	v5 =	vimm.f32 $-1.000000000e+00  }
.Ltmp24:
0x378: {  	v33 =	vsel vm4, v2, v43;
	v2 =	vmin.f32 v34, v41;
	v34 =	vsel vm5, v35, v53;
	(pc) =	sbr.rel .LBB2_28-.Ltmp24, $4  }
0x379: {  	v35 =	vsel vm4, v44, v47;
	v2 =	vmax.f32 v40, v2;
	v62 =	vmin.f32 v51, v4  }
0x37a: {  	vm1 =	vgt.f32 v51, v4;
	v63 =	vmin.f32 v1, v17;
	v36 =	vmax.f32 v2, v62  }
0x37b: {  	v37 =	vsel vm1, v51, v4;
	vm2 =	vgt.f32 v1, v17;
	v39 =	vsel vm1, v39, v16  }
0x37c: {  	v38 =	vmax.f32 v48, v63;
	v41 =	vsel vm2, v42, v3;
	v42 =	vsel vm2, v1, v17  }
.LBB2_32:
0x37d: {  	vm1 =	veq.f32 v1, v43  }
0x37e: {  	v1 =	vnsel vm1, $0xFFFFFFFF, v16  }
0x37f: {  	(xrf0) =	vmin.scan.msk.u32 $0xffff, v1;
	_ =	sdelay $0x5  }
0x380: {  	v1, _, _ =	vpop (xrf0)  }
0x381: {  	(v2sf) =	vpush v1, $0xF;
	_ =	sdelay $0xe  }
0x382: {  	s0 =	spop (v2sf)  }
0x383: {  	s1 =	sxor.u32 $0x80000000, s0  }
0x384: {  	s10 =	sand.u32 $0x7FFF, s0;
	s6 =	sshrl.u32 s1, $0xF  }
0x385: {  	vm2 =	vmmov vm0;
	v1 =	vmov s20;
	s10 =	ssub.s32 s10, s9;
	s6 =	ssub.s32 s6, s5  }
0x386: {  	vm1 =	veq.s32 v1, v0;
	v1 =	vmov s10;
	v2 =	vmov s6  }
0x387: {  	vm3 =	vmmov vm0;
	s30 =	sshrl.u32 s0, $0x4;
	v4 =	vshll.u32 v1, $0x3;
	v3 =	vshll.u32 v2, $0xC  }
0x388: {  	vm4 =	vmmov vm0;
	s0 =	sand.u32 $0xF, s0;
	s31 =	sand.u32 $0x7, s30;
	v4 =	vand.u32 $0xFFFFFC00, v4;
	v3 =	vand.u32 $0xFFFF8000, v3  }
0x389: {  	v5 =	vsel vm1, v43, v5;
	p0 =	seq.s32 s31, $0x0;
	v3 =	vadd.s32 v4, v3;
	v4 =	vmov s0  }
0x38a: {  	v10 =	vsel vm1, s1, v10;
	vm2 =	vmneg @p0 vm2;
	vm1 =	veq.s32 v4, v0  }
0x38b: {  	v1 =	vand.u32 $0x7F, v1;
	p0 =	seq.s32 s31, $0x1;
	v2 =	vshll.u32 v2, $0x7;
	vm2 =	vmand vm1, vm2  }
0x38c: {  	vm3 =	vmneg @p0 vm3;
	v20 =	vsel vm2, v19, v20;
	v34 =	vsel vm2, $0x40000000, v34  }
0x38d: {  	p0 =	seq.s32 s31, $0x2;
	v19 =	vsel vm2, $0xBF800000, v19;
	vm2 =	vmand vm1, vm3;
	vm3 =	vmmov vm0  }
0x38e: {  	v2 =	vand.u32 $0x380, v2;
	v32 =	vsel vm2, v29, v32;
	vm3 =	vmneg @p0 vm3  }
0x38f: {  	v30 =	vsel vm2, $0x40000001, v30;
	p0 =	seq.s32 s31, $0x3;
	v29 =	vsel vm2, $0xBF800000, v29;
	vm2 =	vmand vm1, vm3  }
0x390: {  	v2 =	vor.u32 v2, v3;
	vm4 =	vmneg @p0 vm4;
	v31 =	vsel vm2, v26, v31  }
0x391: {  	p0 =	seq.s32 s31, $0x4;
	v27 =	vsel vm2, $0x40000002, v27;
	vm3 =	vmand vm1, vm4;
	vm4 =	vmmov vm0  }
0x392: {  	v26 =	vsel vm2, $0xBF800000, v26;
	v42 =	vsel vm3, v38, v42;
	vm4 =	vmneg @p0 vm4  }
0x393: {  	v41 =	vsel vm3, $0x40000003, v41;
	v38 =	vsel vm3, $0xBF800000, v38;
	p0 =	seq.s32 s31, $0x5;
	vm3 =	vmmov vm0  }
0x394: {  	vm2 =	vmand vm1, vm4;
	vm3 =	vmneg @p0 vm3;
	vm4 =	vmmov vm0  }
0x395: {  	p0 =	seq.s32 s31, $0x6;
	v35 =	vsel vm2, v28, v35;
	v33 =	vsel vm2, $0x40000004, v33;
	v28 =	vsel vm2, $0xBF800000, v28  }
0x396: {  	s20 =	sadd.s32 $0x1, s20;
	vm2 =	vmand vm1, vm3;
	vm4 =	vmneg @p0 vm4;
	p0 =	seq.s32 s31, $0x7;
	vm3 =	vmmov vm0  }
0x397: {  	v1 =	vor.u32 v1, v2;
	vm3 =	vmneg @p0 vm3;
	p0 =	sne.s32 s20, $0xA  }
.Ltmp25:
0x398: {  	_ = 	snop;
	(pc) =	sbr.rel @!p0 .LBB2_33-.Ltmp25, $4  }
0x399: {  	v2 =	vimm.f32 $-1.000000000e+00;
	v22 =	vsel vm2, v21, v22;
	v18 =	vsel vm2, $0x40000005, v18  }
0x39a: {  	v21 =	vsel vm2, $0xBF800000, v21;
	vm2 =	vmand vm1, vm4;
	vm1 =	vmand vm1, vm3  }
0x39b: {  	v37 =	vsel vm2, v36, v37;
	v39 =	vsel vm2, $0x40000006, v39;
	v36 =	vsel vm2, $0xBF800000, v36  }
0x39c: {  	[tilespmem:v1+s15+$0x0] =	vst.idx.msk $0x1, v2;
	v25 =	vsel vm1, v24, v25;
	v23 =	vsel vm1, $0x40000007, v23;
	v24 =	vsel vm1, $0xBF800000, v24  }
.LBB2_28:
0x39d: {  	vm1 =	veq.f32 v32, v20;
	vm2 =	vlt.s32 v30, v34  }
0x39e: {  	vm3 =	vgt.f32 v32, v20;
	vm1 =	vmand vm1, vm2  }
0x39f: {  	vm1 =	vmor vm3, vm1  }
0x3a0: {  	v1 =	vsel vm1, v32, v20;
	v2 =	vsel vm1, v30, v34  }
0x3a1: {  	vm1 =	veq.f32 v31, v1;
	vm2 =	vlt.s32 v27, v2  }
0x3a2: {  	vm3 =	vgt.f32 v31, v1;
	vm1 =	vmand vm1, vm2  }
0x3a3: {  	vm1 =	vmor vm3, vm1  }
0x3a4: {  	v1 =	vsel vm1, v31, v1;
	v2 =	vsel vm1, v27, v2  }
0x3a5: {  	vm1 =	veq.f32 v42, v1;
	vm2 =	vlt.s32 v41, v2  }
0x3a6: {  	vm3 =	vgt.f32 v42, v1;
	vm1 =	vmand vm1, vm2  }
0x3a7: {  	vm1 =	vmor vm3, vm1  }
0x3a8: {  	v1 =	vsel vm1, v42, v1;
	v2 =	vsel vm1, v41, v2  }
0x3a9: {  	vm1 =	veq.f32 v35, v1;
	vm2 =	vlt.s32 v33, v2  }
0x3aa: {  	vm3 =	vgt.f32 v35, v1;
	vm1 =	vmand vm1, vm2  }
0x3ab: {  	vm1 =	vmor vm3, vm1  }
0x3ac: {  	v1 =	vsel vm1, v35, v1;
	v2 =	vsel vm1, v33, v2  }
0x3ad: {  	vm1 =	veq.f32 v22, v1;
	vm2 =	vlt.s32 v18, v2  }
0x3ae: {  	vm3 =	vgt.f32 v22, v1;
	vm1 =	vmand vm1, vm2  }
0x3af: {  	vm1 =	vmor vm3, vm1  }
0x3b0: {  	v1 =	vsel vm1, v22, v1;
	v2 =	vsel vm1, v18, v2  }
0x3b1: {  	vm1 =	veq.f32 v37, v1;
	vm2 =	vlt.s32 v39, v2  }
0x3b2: {  	vm3 =	vgt.f32 v37, v1;
	vm1 =	vmand vm1, vm2  }
0x3b3: {  	vm1 =	vmor vm3, vm1  }
0x3b4: {  	v1 =	vsel vm1, v37, v1;
	v2 =	vsel vm1, v39, v2  }
0x3b5: {  	vm1 =	veq.f32 v25, v1;
	vm2 =	vlt.s32 v23, v2  }
0x3b6: {  	vm3 =	vgt.f32 v25, v1;
	vm1 =	vmand vm1, vm2  }
0x3b7: {  	vm1 =	vmor vm3, vm1  }
0x3b8: {  	v1 =	vsel vm1, v25, v1  }
0x3b9: {  	(xrf0) =	vmax.scan.msk.f32 $0xffff, v1;
	_ =	sdelay $0x5  }
0x3ba: {  	v3, _, _ =	vpop (xrf0)  }
0x3bb: {  	v43 =	vbroadcast v3, $0xF  }
0x3bc: {  	v2 =	vsel vm1, v23, v2  }
0x3bd: {  	v16 =	vxor.u32 $0x80000000, v2;
	vm1 =	veq.f32 v1, v43  }
0x3be: {  	v2 =	vnsel vm1, $0x80000000, v16  }
0x3bf: {  	(xrf0) =	vmax.scan.msk.u32 $0xffff, v2;
	_ =	sdelay $0x5  }
0x3c0: {  	v2, _, _ =	vpop (xrf0)  }
0x3c1: {  	(v2sf) =	vpush v2, $0xF;
	_ =	sdelay $0xe  }
0x3c2: {  	s21 =	spop (v2sf)  }
0x3c3: {  	p0 =	slt.u32 s21, $0xC0000000  }
.Ltmp26:
0x3c4: {  	_ = 	snop;
	(pc) =	sbr.rel @p0 .LBB2_32-.Ltmp26, $1  }
0x3c5: {  	_ =	sdelay $0x3  }
.LBB2_29:
0x3c6: {  	s23 =	sshll.u32 s21, $0x4;
	s24 =	simm.s32 $0x0  }
0x3c7: {  	s6 =	sadd.s32 $0x0, s5;
	s0 =	sadd.s32 s9, s23;
	s1 =	sand.u32 $0x70, s23  }
0x3c8: {  	s6 =	sshll.u32 s6, $0xF;
	[dreg:$0x6] =	wrdreg s0;
	s0 =	sand.u32 $0xE00, s24  }
0x3c9: {  	s22 =	sor.u32 $0x8000, s1;
	s10 =	sadd.s32 s23, s0;
	s11 =	sor.u32 $0x80, s0  }
0x3ca: {  	s17 =	sor.u32 $0x100, s0;
	s24 =	sor.u32 $0x180, s0;
	s10 =	sshll.u32 s10, $0x3  }
0x3cb: {  	s25 =	sadd.s32 s23, s11;
	s26 =	sadd.s32 s23, s17;
	s28 =	sadd.s32 s23, s24  }
0x3cc: {  	s10 =	sand.u32 $0xFFFFFC00, s10;
	s25 =	sshll.u32 s25, $0x3;
	s26 =	sshll.u32 s26, $0x3  }
0x3cd: {  	s28 =	sshll.u32 s28, $0x3;
	s10 =	sadd.s32 s10, s22;
	s25 =	sand.u32 $0xFFFFFC00, s25  }
0x3ce: {  	s26 =	sand.u32 $0xFFFFFC00, s26;
	s10 =	sadd.s32 $0x0, s10;
	s25 =	sadd.s32 s25, s22  }
0x3cf: {  	v52 =	vimm.s32 $0x7FFFFFFF;
	v2 =	vld [tilespmem:s10+$0x0];
	s10 =	sadd.s32 $0x0, s25;
	s25 =	sadd.s32 s26, s22;
	s26 =	sand.u32 $0xFFFFFC00, s28  }
0x3d0: {  	v55 =	vimm.f32 $-1.000000000e+00;
	v58 =	vimm.f32 $-1.000000000e+00;
	v59 =	vimm.f32 $-1.000000000e+00;
	s1 =	rddreg [dreg:$0x6];
	v57 =	vld [tilespmem:s10+$0x0];
	s25 =	sadd.s32 $0x0, s25;
	s26 =	sadd.s32 s26, s22  }
0x3d1: {  	v48 =	vimm.f32 $-1.000000000e+00;
	v49 =	vimm.f32 $-1.000000000e+00;
	v63 =	vimm.s32 $0x7FFFFFFF;
	s1 =	sadd.s32 s6, s1;
	v61 =	vld [tilespmem:s25+$0x0];
	s10 =	sadd.s32 $0x0, s26  }
0x3d2: {  	s30 =	simm.s32 $0x200;
	v50 =	vimm.f32 $-1.000000000e+00;
	v16 =	vimm.s32 $0x7FFFFFFF;
	v3 =	vor.u32 s1, v0;
	v47 =	vld [tilespmem:s10+$0x0]  }
0x3d3: {  	s31 =	simm.s32 $0x0;
	v17 =	vimm.s32 $0x7FFFFFFF;
	v60 =	vadd.s32 s0, v3;
	v40 =	vadd.s32 s24, v3;
	s24 =	sand.u32 $0xE00, s30  }
0x3d4: {  	s1 =	sadd.s32 $0x0, s5;
	v1 =	vadd.s32 s11, v3;
	v62 =	vadd.s32 s17, v3;
	s17 =	sadd.s32 s23, s24;
	s29 =	sor.u32 $0x100, s24;
	v4 =	vmin.f32 v2, v55  }
0x3d5: {  	s28 =	sor.u32 $0x80, s24;
	s0 =	sshll.u32 s17, $0x3;
	s17 =	sadd.s32 s23, s29;
	vm1 =	vgt.f32 v2, v55;
	v3 =	vmin.f32 v57, v55;
	v45 =	vmax.f32 v55, v4  }
0x3d6: {  	s6 =	sadd.s32 s23, s28;
	s11 =	sand.u32 $0xFFFFFC00, s0;
	s25 =	sor.u32 $0x180, s24;
	v46 =	vsel vm1, v2, v55;
	vm4 =	vgt.f32 v57, v55;
	v44 =	vmax.f32 v55, v3  }
0x3d7: {  	s0 =	simm.s32 $0x2;
	s26 =	rddreg [dreg:$0x6];
	s10 =	sadd.s32 s23, s25;
	v51 =	vmin.f32 v61, v55;
	vm2 =	vgt.f32 v61, v55;
	vm3 =	vgt.f32 v47, v55  }
.LBB2_30:
0x3d8: {  	s6 =	sshll.u32 s6, $0x3;
	s17 =	sshll.u32 s17, $0x3  }
0x3d9: {  	s11 =	sadd.s32 s11, s22;
	s10 =	sshll.u32 s10, $0x3;
	s6 =	sand.u32 $0xFFFFFC00, s6  }
0x3da: {  	s11 =	sadd.s32 s31, s11;
	s17 =	sand.u32 $0xFFFFFC00, s17;
	s6 =	sadd.s32 s6, s22  }
0x3db: {  	v55 =	vsel vm4, v57, v55;
	s10 =	sand.u32 $0xFFFFFC00, s10;
	v2 =	vld [tilespmem:s11+$0x0];
	s17 =	sadd.s32 s17, s22;
	s6 =	sadd.s32 s31, s6  }
0x3dc: {  	v58 =	vsel vm2, v61, v58;
	v59 =	vsel vm3, v47, v59;
	v52 =	vsel vm4, v1, v52;
	s1 =	sshll.u32 s1, $0xF;
	s10 =	sadd.s32 s10, s22;
	s17 =	sadd.s32 s31, s17;
	v57 =	vld [tilespmem:s6+$0x0]  }
0x3dd: {  	v48 =	vmax.f32 v48, v51;
	v1 =	vmin.f32 v47, v49;
	v63 =	vsel vm2, v62, v63;
	s1 =	sadd.s32 s1, s26;
	s10 =	sadd.s32 s31, s10;
	v61 =	vld [tilespmem:s17+$0x0]  }
0x3de: {  	p0 =	sne.s32 s0, $0x3F;
	v16 =	vsel vm3, v40, v16;
	v17 =	vsel vm1, v60, v17;
	s30 =	sadd.s32 $0x200, s30;
	s26 =	rddreg [dreg:$0x6];
	v3 =	vor.u32 s1, v0;
	v47 =	vld [tilespmem:s10+$0x0]  }
.Ltmp27:
0x3df: {  	v50 =	vmax.f32 v50, v1;
	s11 =	sshrl.u32 s0, $0x3;
	s0 =	sadd.s32 $0x1, s0;
	v60 =	vadd.s32 s24, v3;
	v1 =	vadd.s32 s28, v3;
	(pc) =	sbr.rel @p0 .LBB2_30-.Ltmp27, $4  }
0x3e0: {  	s24 =	sand.u32 $0xE00, s30;
	v62 =	vadd.s32 s29, v3;
	s1 =	sadd.s32 s5, s11;
	s31 =	sshll.u32 s11, $0x7;
	v4 =	vmin.f32 v2, v46;
	vm1 =	vgt.f32 v2, v46  }
0x3e1: {  	v40 =	vadd.s32 s25, v3;
	s17 =	sadd.s32 s23, s24;
	s28 =	sor.u32 $0x80, s24;
	s29 =	sor.u32 $0x100, s24;
	v45 =	vmax.f32 v45, v4;
	v46 =	vsel vm1, v2, v46  }
0x3e2: {  	s25 =	sor.u32 $0x180, s24;
	s10 =	sshll.u32 s17, $0x3;
	s6 =	sadd.s32 s23, s28;
	v3 =	vmin.f32 v57, v55;
	v51 =	vmin.f32 v61, v58;
	vm4 =	vgt.f32 v57, v55  }
0x3e3: {  	v49 =	vmovc v59;
	s17 =	sadd.s32 s23, s29;
	s11 =	sand.u32 $0xFFFFFC00, s10;
	s10 =	sadd.s32 s23, s25;
	vm2 =	vgt.f32 v61, v58;
	vm3 =	vgt.f32 v47, v59;
	v44 =	vmax.f32 v44, v3  }
0x3e4: {  	s0 =	sshll.u32 s6, $0x3;
	s30 =	sshll.u32 s17, $0x3  }
0x3e5: {  	s11 =	sadd.s32 s11, s22;
	s10 =	sshll.u32 s10, $0x3;
	s0 =	sand.u32 $0xFFFFFC00, s0  }
0x3e6: {  	s11 =	sadd.s32 s31, s11;
	s6 =	sand.u32 $0xFFFFFC00, s30;
	s0 =	sadd.s32 s0, s22  }
0x3e7: {  	s10 =	sand.u32 $0xFFFFFC00, s10;
	v53 =	vld [tilespmem:s11+$0x0];
	s6 =	sadd.s32 s6, s22;
	s0 =	sadd.s32 s31, s0  }
0x3e8: {  	s22 =	sadd.s32 s10, s22;
	s17 =	sadd.s32 s31, s6;
	v54 =	vld [tilespmem:s0+$0x0]  }
0x3e9: {  	s1 =	sshll.u32 s1, $0xF;
	s23 =	sadd.s32 s31, s22;
	v56 =	vld [tilespmem:s17+$0x0]  }
0x3ea: {  	v55 =	vsel vm4, v57, v55;
	v58 =	vsel vm2, v61, v58;
	v57 =	vsel vm3, v47, v59;
	s1 =	sadd.s32 s1, s26;
	v59 =	vld [tilespmem:s23+$0x0]  }
0x3eb: {  	v1 =	vsel vm4, v1, v52;
	v2 =	vsel vm2, v62, v63;
	v3 =	vor.u32 s1, v0  }
0x3ec: {  	v4 =	vsel vm3, v40, v16;
	v16 =	vsel vm1, v60, v17;
	v17 =	vadd.s32 s24, v3  }
0x3ed: {  	v13 =	vadd.s32 s28, v3;
	v14 =	vadd.s32 s29, v3;
	vm1 =	vgt.f32 v53, v46  }
0x3ee: {  	v3 =	vadd.s32 s25, v3;
	v60 =	vsel vm1, v53, v46;
	vm2 =	vgt.f32 v54, v55  }
0x3ef: {  	vm3 =	vgt.f32 v56, v58;
	vm15 =	vgt.f32 v59, v57;
	v1 =	vsel vm2, v13, v1  }
0x3f0: {  	v12 =	vsel vm2, v54, v55;
	v2 =	vsel vm3, v14, v2;
	v13 =	vsel vm3, v56, v58  }
0x3f1: {  	v14 =	vsel vm15, v59, v57;
	v3 =	vsel vm15, v3, v4;
	v4 =	vsel vm1, v17, v16  }
0x3f2: {  	vm1 =	vgt.f32 v13, v60;
	vm2 =	veq.f32 v13, v60;
	vm3 =	vlt.s32 v2, v4  }
0x3f3: {  	vm4 =	vlt.s32 v3, v1;
	vm2 =	vmand vm2, vm3;
	vm3 =	veq.f32 v14, v12  }
0x3f4: {  	vm1 =	vmor vm1, vm2;
	vm2 =	vgt.f32 v14, v12;
	vm3 =	vmand vm3, vm4  }
0x3f5: {  	v17 =	vsel vm1, v13, v60;
	vm2 =	vmor vm2, vm3  }
0x3f6: {  	v2 =	vsel vm1, v2, v4;
	v4 =	vsel vm2, v14, v12;
	v1 =	vsel vm2, v3, v1  }
0x3f7: {  	vm1 =	veq.f32 v4, v17;
	vm2 =	vlt.s32 v1, v2  }
0x3f8: {  	vm3 =	vgt.f32 v4, v17;
	vm1 =	vmand vm1, vm2  }
0x3f9: {  	s29 =	sadd.s32 $0x40000000, s21;
	vm1 =	vmor vm3, vm1  }
0x3fa: {  	p0 =	seq.s32 s29, $0x0;
	v3 =	vsel vm1, v4, v17  }
0x3fb: {  	p1 =	seq.s32 s29, $0x1;
	v1 =	vsel vm1, v1, v2;
	v20 =	vpsel p0, v3, v20  }
0x3fc: {  	v34 =	vpsel p0, v1, v34;
	v32 =	vpsel p1, v3, v32;
	v30 =	vpsel p1, v1, v30  }
0x3fd: {  	vm1 =	veq.f32 v32, v20;
	vm2 =	vlt.s32 v30, v34  }
0x3fe: {  	p2 =	seq.s32 s29, $0x2;
	vm3 =	vgt.f32 v32, v20;
	vm1 =	vmand vm1, vm2  }
0x3ff: {  	v31 =	vpsel p2, v3, v31;
	vm1 =	vmor vm3, vm1  }
0x400: {  	v27 =	vpsel p2, v1, v27;
	v2 =	vsel vm1, v32, v20;
	v16 =	vsel vm1, v30, v34  }
0x401: {  	vm1 =	veq.f32 v31, v2;
	vm2 =	vlt.s32 v27, v16  }
0x402: {  	p3 =	seq.s32 s29, $0x3;
	vm1 =	vmand vm1, vm2;
	vm2 =	vgt.f32 v31, v2  }
0x403: {  	v42 =	vpsel p3, v3, v42;
	vm1 =	vmor vm2, vm1  }
0x404: {  	v41 =	vpsel p3, v1, v41;
	v2 =	vsel vm1, v31, v2;
	v16 =	vsel vm1, v27, v16  }
0x405: {  	vm1 =	veq.f32 v42, v2;
	vm2 =	vlt.s32 v41, v16  }
0x406: {  	p4 =	seq.s32 s29, $0x4;
	vm1 =	vmand vm1, vm2;
	vm2 =	vgt.f32 v42, v2  }
0x407: {  	v35 =	vpsel p4, v3, v35;
	vm1 =	vmor vm2, vm1  }
0x408: {  	v33 =	vpsel p4, v1, v33;
	v2 =	vsel vm1, v42, v2;
	v16 =	vsel vm1, v41, v16  }
0x409: {  	vm1 =	veq.f32 v35, v2;
	vm2 =	vlt.s32 v33, v16  }
0x40a: {  	p5 =	seq.s32 s29, $0x5;
	vm1 =	vmand vm1, vm2;
	vm2 =	vgt.f32 v35, v2  }
0x40b: {  	v22 =	vpsel p5, v3, v22;
	vm1 =	vmor vm2, vm1  }
0x40c: {  	v18 =	vpsel p5, v1, v18;
	v2 =	vsel vm1, v35, v2;
	v16 =	vsel vm1, v33, v16  }
0x40d: {  	vm1 =	veq.f32 v22, v2;
	vm2 =	vlt.s32 v18, v16  }
0x40e: {  	p6 =	seq.s32 s29, $0x6;
	vm1 =	vmand vm1, vm2;
	vm2 =	vgt.f32 v22, v2  }
0x40f: {  	v37 =	vpsel p6, v3, v37;
	vm1 =	vmor vm2, vm1  }
0x410: {  	v39 =	vpsel p6, v1, v39;
	v2 =	vsel vm1, v22, v2;
	v16 =	vsel vm1, v18, v16  }
0x411: {  	s1 =	simm.s32 @!p0 $0x0;
	vm1 =	veq.f32 v37, v2;
	vm2 =	vlt.s32 v39, v16  }
0x412: {  	s1 =	simm.s32 @p0 $0x1;
	p0 =	seq.s32 s29, $0x7;
	vm1 =	vmand vm1, vm2;
	vm2 =	vgt.f32 v37, v2  }
0x413: {  	v25 =	vpsel p0, v3, v25;
	vm1 =	vmor vm2, vm1  }
0x414: {  	v23 =	vpsel p0, v1, v23;
	v1 =	vsel vm1, v37, v2;
	v2 =	vsel vm1, v39, v16  }
0x415: {  	vm1 =	veq.f32 v25, v1;
	vm2 =	vlt.s32 v23, v2  }
0x416: {  	vm1 =	vmand vm1, vm2;
	vm2 =	vgt.f32 v25, v1  }
0x417: {  	vm1 =	vmor vm2, vm1  }
0x418: {  	v1 =	vsel vm1, v25, v1;
	v2 =	vsel vm1, v23, v2  }
0x419: {  	vm1 =	veq.f32 v1, v43;
	v16 =	vxor.u32 $0x80000000, v2  }
0x41a: {  	v2 =	vnsel vm1, $0x80000000, v16  }
0x41b: {  	(xrf0) =	vmax.scan.msk.u32 $0xffff, v2;
	_ =	sdelay $0x5  }
0x41c: {  	v2, _, _ =	vpop (xrf0)  }
0x41d: {  	(v2sf) =	vpush v2, $0xF;
	_ =	sdelay $0x5  }
0x41e: {  	v53 =	vmin.f32 v53, v46  }
0x41f: {  	v45 =	vmax.f32 v45, v53;
	v62 =	vmin.f32 v59, v57  }
0x420: {  	v56 =	vmin.f32 v56, v58;
	v58 =	vmin.f32 v54, v55;
	v3 =	vmin.f32 v47, v49  }
0x421: {  	[smem:$0x7F6] =	sst s1;
	s1 =	simm.s32 @!p1 $0x0;
	v44 =	vmax.f32 v44, v58;
	v3 =	vmax.f32 v50, v3;
	v2 =	vmax.f32 v48, v51  }
0x422: {  	s1 =	simm.s32 @p1 $0x1;
	s30 =	sld [smem:$0x7F6];
	v63 =	vmin.f32 v60, v13;
	v3 =	vmax.f32 v3, v62;
	v2 =	vmax.f32 v2, v56  }
0x423: {  	[smem:$0x7F7] =	sst s1;
	v40 =	vmin.f32 v12, v14;
	v3 =	vmax.f32 v44, v3;
	v2 =	vmax.f32 v45, v2  }
0x424: {  	s31 =	sld [smem:$0x7F7];
	v3 =	vmax.f32 v3, v40;
	v2 =	vmax.f32 v2, v63  }
0x425: {  	v2 =	vmax.f32 v2, v3;
	v3 =	vmin.f32 v17, v4  }
0x426: {  	p1 =	seq.s32 s30, $0x1;
	v2 =	vmax.f32 v2, v3  }
0x427: {  	v19 =	vpsel p1, v2, v19;
	p1 =	seq.s32 s31, $0x1;
	s21 =	spop (v2sf)  }
0x428: {  	v29 =	vpsel p1, v2, v29;
	p1 =	sgt.u32 s21, $0xBFFFFFFF  }
.Ltmp28:
0x429: {  	_ = 	snop;
	(pc) =	sbr.rel @p1 .LBB2_29-.Ltmp28, $4  }
.Ltmp29:
0x42a: {  	_ = 	snop;
	(pc) =	sbr.rel @!p1 .LBB2_32-.Ltmp29, $4  }
0x42b: {  	_ = 	snop  }
0x42c: {  	v26 =	vpsel p2, v2, v26;
	v38 =	vpsel p3, v2, v38;
	v28 =	vpsel p4, v2, v28  }
0x42d: {  	v21 =	vpsel p5, v2, v21;
	v36 =	vpsel p6, v2, v36;
	v24 =	vpsel p0, v2, v24  }
0x42e: {  	_ = 	snop  }
.LBB2_34:
0x42f: {  	_ =	sfence.sel $0x180000  }
0x430: {  	[bflag:$0x0] =	sbarrier.arrive $0xFFFF  }
0x431: {  	_ =	strace $0x90000047  }
0x432: {  	s0 =	stileid.u32;
	[bflag:$0x2] =	sbarrier.arrive $0xFFFF  }
0x433: {  	p0 =	sne.s32 s0, $0x0;
	s0 =	rddreg [dreg:$0x2]  }
0x434: {  	s0 =	sadd.s32 @!p0 $0x100000, s0  }
0x435: {  	[sflag:s0] =	ssyncadd.tile.s32 @!p0 $0x1;
	_ =	shalt  }
.Lfunc_end2:
_tile_overlayer_lowered:
.L_overlay_start_2:
0x436: {  	(tag) =	ssettag $0x2  }
0x437: {  	s0 =	rddreg [dreg:$0x0];
	s2 =	stileid.u32  }
0x438: {  	s1 =	rddreg [dreg:$0x1];
	p0 =	sne.s32 s2, $0x0  }
0x439: {  	s3 =	rddreg [dreg:$0x2];
	[bflag:$0x3] =	sbarrier.arrive $0xFFFF;
	s2 =	simm.s32 @!p0 $0x1C03  }
0x43a: {  	[timem:s3], [sflag:s2] =	dma.local @!p0 [hbm:s0], s1  }
0x43b: {  	s0 =	simm.s32 @!p0 $0x3  }
0x43c: {  	_ =	swait.ge @!p0 [sflag:s0], s1  }
0x43d: {  	s1 =	ssub.s32 @!p0 $0x0, s1;
	[sflag:s0] =	ssyncset.done @!p0 $0x0  }
0x43e: {  	[sflag:s0] =	ssyncadd.s32 @!p0 s1  }
0x43f: {  	[bflag:$0x3] =	sbarrier.arrive $0xFFFF  }
0x440: {  	_ =	shalt  }

</sc_bundles>
